<compile_context>
chip_gen: v7x
topology: tpu7x:2x2x1
jax: 0.10.2.dev20260603
libtpu: 0.0.44.dev20260713+nightly
codegen_flags: <defaults>
</compile_context>

<pallas_src>
import functools

import jax
import jax.numpy as jnp
from jax import lax
from jax.experimental import pallas as pl
from jax.experimental.pallas import tpu as pltpu
from jax.experimental.pallas import tpu_sc as plsc

N = 10000
NPAD = 10240
E = 320000
D = 128
DH = D // 2
G = 64
BN_EPS = 1e-5

NC = 2
NS = 16
C = 128
EPT = 20480
EPAD = EPT * NS
NCH = EPT // C
NB = 5
KG = 3
RPT = NPAD // NS


def _sc_agg_body(h_hbm, src_hbm, dst_hbm, out_hbm, *rest):
    gbuf = rest[:NB]
    sbufs = rest[NB:2 * NB]
    dbufs = rest[2 * NB:3 * NB]
    acc = rest[3 * NB]
    h_spm = rest[3 * NB + 1]
    gsem = rest[3 * NB + 2:3 * NB + 2 + NB]
    ssem = rest[3 * NB + 2 + NB:3 * NB + 2 + 2 * NB]
    isem = rest[3 * NB + 2 + 2 * NB:]
    cid = lax.axis_index("c")
    sid = lax.axis_index("s")
    row0 = sid * RPT
    hview = h_hbm.at[cid]
    sview = src_hbm.at[sid]
    dview = dst_hbm.at[sid]

    pltpu.sync_copy(hview.at[pl.ds(row0, RPT)], acc.at[pl.ds(row0, RPT)])
    pltpu.sync_copy(hview.at[pl.ds(row0, RPT)], h_spm.at[pl.ds(row0, RPT)])
    plsc.subcore_barrier()

    def fire_i(j, b):
        pltpu.async_copy(sview.at[j], sbufs[b], isem[b])
        pltpu.async_copy(dview.at[j], dbufs[b], isem[b])

    def wait_i(b):
        pltpu.make_async_copy(sview.at[0], sbufs[b], isem[b]).wait()
        pltpu.make_async_copy(dview.at[0], dbufs[b], isem[b]).wait()

    def fire_g(j, b):
        pltpu.async_copy(h_spm.at[sbufs[b]], gbuf[b], gsem[b])

    def wait_g(b):
        pltpu.make_async_copy(h_spm.at[sbufs[0]], gbuf[b], gsem[b]).wait()

    def fire_s(j, b):
        pltpu.async_copy(gbuf[b], acc.at[dbufs[b]], ssem[b], add=True)

    def wait_s(b):
        pltpu.make_async_copy(gbuf[b], acc.at[dbufs[0]], ssem[b]).wait()

    for t in range(KG):
        fire_i(t, t)
    for t in range(KG - 1):
        wait_i(t)
        fire_g(t, t)

    def body(it, carry):
        j0 = it * NB
        for b in range(NB):
            j = j0 + b
            wait_g(b)
            fire_s(j, b)
            bk = (b + KG) % NB
            bk1 = (b + KG - 1) % NB

            @pl.when(j >= NB - KG)
            def _():
                wait_s(bk)

            @pl.when(j + KG < NCH)
            def _():
                fire_i(j + KG, bk)

            @pl.when(j + KG - 1 < NCH)
            def _():
                wait_i(bk1)
                fire_g(j + KG - 1, bk1)

        return carry

    lax.fori_loop(0, NCH // NB, body, 0)
    for j in range(NCH - (NB - KG), NCH):
        wait_s(j % NB)
    plsc.subcore_barrier()

    pltpu.sync_copy(acc.at[pl.ds(row0, RPT)], out_hbm.at[cid].at[pl.ds(row0, RPT)])


@functools.cache
def _get_sc_agg():
    mesh = plsc.VectorSubcoreMesh(core_axis_name="c", subcore_axis_name="s")
    return pl.kernel(
        _sc_agg_body,
        out_type=jax.ShapeDtypeStruct((NC, NPAD, DH), jnp.float32),
        mesh=mesh,
        scratch_types=[pltpu.VMEM((C, DH), jnp.float32) for _ in range(NB)]
        + [pltpu.VMEM((C,), jnp.int32) for _ in range(NB)]
        + [pltpu.VMEM((C,), jnp.int32) for _ in range(NB)]
        + [
            pltpu.VMEM_SHARED((NPAD, DH), jnp.float32),
            pltpu.VMEM_SHARED((NPAD, DH), jnp.float32),
        ]
        + [pltpu.SemaphoreType.DMA for _ in range(3 * NB)],
        compiler_params=pltpu.CompilerParams(use_tc_tiling_on_sc=False),
    )


def _mlp_core(p, w1, b1, w2, b2, gam, bet):
    z = jnp.concatenate([p[0, 0:N, :], p[1, 0:N, :]], axis=1)
    a1 = jnp.maximum(lax.dot(z, w1[...], preferred_element_type=jnp.float32) + b1[...], 0.0)
    a2 = jnp.maximum(lax.dot(a1, w2[...], preferred_element_type=jnp.float32) + b2[...], 0.0)
    m = jnp.mean(a2, axis=0, keepdims=True)
    c = a2 - m
    v = jnp.mean(c * c, axis=0, keepdims=True)
    return c * lax.rsqrt(v + BN_EPS) * gam[...] + bet[...]


def _mlp_bn_body(p, w1, b1, w2, b2, gam, bet, out):
    hn = _mlp_core(p, w1, b1, w2, b2, gam, bet)
    out[0, 0:N, :] = hn[:, 0:DH]
    out[1, 0:N, :] = hn[:, DH:D]


def _mlp_bn_pool_body(p, w1, b1, w2, b2, gam, bet, bat, hn_out, hg_out):
    hn = _mlp_core(p, w1, b1, w2, b2, gam, bet)
    hn_out[...] = hn
    onehot = (bat[...] == lax.broadcasted_iota(jnp.int32, (1, G), 1)).astype(jnp.float32)
    counts = jnp.sum(onehot, axis=0, keepdims=True)
    recip = 1.0 / jnp.maximum(counts, 1.0)
    hg_out[...] = lax.dot_general(
        onehot * recip, hn, (((0,), (0,)), ((), ())),
        preferred_element_type=jnp.float32,
    )


_mlp_bn = pl.pallas_call(
    _mlp_bn_body,
    out_shape=jax.ShapeDtypeStruct((NC, NPAD, DH), jnp.float32),
)

_mlp_bn_pool = pl.pallas_call(
    _mlp_bn_pool_body,
    out_shape=(
        jax.ShapeDtypeStruct((N, D), jnp.float32),
        jax.ShapeDtypeStruct((G, D), jnp.float32),
    ),
)


def kernel(x, edge_index, edge_weight, batch, params):
    src = jnp.pad(edge_index[0], (0, EPAD - E)).reshape(NS, NCH, C)
    dst = jnp.pad(edge_index[1], (0, EPAD - E), constant_values=N).reshape(NS, NCH, C)
    bat2d = batch.reshape(N, 1)
    xp = jnp.pad(x, ((0, NPAD - N), (0, 0)))
    h2 = jnp.stack([xp[:, 0:DH], xp[:, DH:D]])
    n_layers = len(params)
    h_graph = None
    h_node = None
    sc_agg = _get_sc_agg()
    for i, p in enumerate(params):
        parts = sc_agg(h2, src, dst)
        args = (
            parts,
            p["W1"], p["b1"].reshape(1, D),
            p["W2"], p["b2"].reshape(1, D),
            p["gamma"].reshape(1, D), p["beta"].reshape(1, D),
        )
        if i < n_layers - 1:
            h2 = _mlp_bn(*args)
        else:
            h_node, h_graph = _mlp_bn_pool(*args, bat2d)
    return (h_node, h_graph)

# --- scband reference (transcript-rebuilt; emitter-appended) ---
"""Pipeline reference for scband-gin-74165495267687 (READ-ONLY COPY).

The authoritative reference and input builder live on the scoring server;
editing this copy changes nothing except your own understanding.
"""

import jax, jax.numpy as jnp
import numpy as np

N = 10000
E = 320000
D = 128
H = 128
G = 64
NUM_LAYERS = 3
BN_EPS = 1e-5


def _init_layer(key, d_in, d_hid):
    k1, k2, k3, k4 = jax.random.split(key, 4)
    s1 = 1.0 / np.sqrt(d_in)
    s2 = 1.0 / np.sqrt(d_hid)
    return {
        "W1": jax.random.uniform(k1, (d_in, d_hid), jnp.float32, -s1, s1),
        "b1": jax.random.uniform(k2, (d_hid,), jnp.float32, -s1, s1),
        "W2": jax.random.uniform(k3, (d_hid, d_hid), jnp.float32, -s2, s2),
        "b2": jax.random.uniform(k4, (d_hid,), jnp.float32, -s2, s2),
        "gamma": jnp.ones((d_hid,), jnp.float32),
        "beta": jnp.zeros((d_hid,), jnp.float32),
    }


def setup_inputs(seed: int = 0) -> dict:
    key = jax.random.key(seed)
    ks = jax.random.split(key, 8)
    x = jax.random.normal(ks[0], (N, D), dtype=jnp.float32)
    edge_index = jax.random.randint(ks[1], (2, E), 0, N, dtype=jnp.int32)
    edge_weight = jax.random.normal(ks[2], (E,), dtype=jnp.float32)
    batch = jnp.sort(jax.random.randint(ks[3], (N,), 0, G, dtype=jnp.int32))
    params = []
    d_in = D
    for i in range(NUM_LAYERS):
        params.append(_init_layer(ks[4 + i], d_in, H))
        d_in = H
    return {"x": x, "edge_index": edge_index, "edge_weight": edge_weight, "batch": batch, "params": params}


def _gin_layer(h, src, dst, p):
    # GINConv with eps=0 (train_eps=False): mlp((1+eps)*x + sum_{j->i} x_j)
    agg = jax.ops.segment_sum(h[src], dst, num_segments=N)
    h = h + agg
    h = jnp.maximum(h @ p["W1"] + p["b1"], 0.0)
    h = jnp.maximum(h @ p["W2"] + p["b2"], 0.0)
    mean = jnp.mean(h, axis=0)
    var = jnp.var(h, axis=0)
    h = (h - mean) / jnp.sqrt(var + BN_EPS) * p["gamma"] + p["beta"]
    return h


def reference(x, edge_index, edge_weight, batch, params):
    src = edge_index[0]
    dst = edge_index[1]
    h = x
    for p in params:
        h = _gin_layer(h, src, dst, p)
    h_node = h
    counts = jax.ops.segment_sum(jnp.ones((N,), jnp.float32), batch, num_segments=G)
    sums = jax.ops.segment_sum(h, batch, num_segments=G)
    h_graph = sums / jnp.clip(counts, 1.0)[:, None]
    return (h_node, h_graph)

if __name__ == "__main__":
    import jax
    _d = setup_inputs()
    print(jax.jit(kernel)(*tuple(_d.values())))

</pallas_src>

<mosaic_0001>
#map = affine_map<(d0, d1) -> (0, 0, 0)>
module attributes {stable_mosaic.version = 14 : i64} {
  func.func @_sc_agg_body(%arg0: i32, %arg1: i32, %arg2: memref<2x10240x64xf32, #tpu.memory_space<hbm>>, %arg3: memref<16x160x128xi32, #tpu.memory_space<hbm>>, %arg4: memref<16x160x128xi32, #tpu.memory_space<hbm>>, %arg5: memref<2x10240x64xf32, #tpu.memory_space<hbm>>, %arg6: memref<128x64xf32, #tpu.memory_space<vmem>>, %arg7: memref<128x64xf32, #tpu.memory_space<vmem>>, %arg8: memref<128x64xf32, #tpu.memory_space<vmem>>, %arg9: memref<128x64xf32, #tpu.memory_space<vmem>>, %arg10: memref<128x64xf32, #tpu.memory_space<vmem>>, %arg11: memref<128xi32, #tpu.memory_space<vmem>>, %arg12: memref<128xi32, #tpu.memory_space<vmem>>, %arg13: memref<128xi32, #tpu.memory_space<vmem>>, %arg14: memref<128xi32, #tpu.memory_space<vmem>>, %arg15: memref<128xi32, #tpu.memory_space<vmem>>, %arg16: memref<128xi32, #tpu.memory_space<vmem>>, %arg17: memref<128xi32, #tpu.memory_space<vmem>>, %arg18: memref<128xi32, #tpu.memory_space<vmem>>, %arg19: memref<128xi32, #tpu.memory_space<vmem>>, %arg20: memref<128xi32, #tpu.memory_space<vmem>>, %arg21: memref<10240x64xf32, #tpu.memory_space<vmem_shared>>, %arg22: memref<10240x64xf32, #tpu.memory_space<vmem_shared>>, %arg23: memref<!tpu.dma_semaphore, #tpu.memory_space<semaphore_mem>>, %arg24: memref<!tpu.dma_semaphore, #tpu.memory_space<semaphore_mem>>, %arg25: memref<!tpu.dma_semaphore, #tpu.memory_space<semaphore_mem>>, %arg26: memref<!tpu.dma_semaphore, #tpu.memory_space<semaphore_mem>>, %arg27: memref<!tpu.dma_semaphore, #tpu.memory_space<semaphore_mem>>, %arg28: memref<!tpu.dma_semaphore, #tpu.memory_space<semaphore_mem>>, %arg29: memref<!tpu.dma_semaphore, #tpu.memory_space<semaphore_mem>>, %arg30: memref<!tpu.dma_semaphore, #tpu.memory_space<semaphore_mem>>, %arg31: memref<!tpu.dma_semaphore, #tpu.memory_space<semaphore_mem>>, %arg32: memref<!tpu.dma_semaphore, #tpu.memory_space<semaphore_mem>>, %arg33: memref<!tpu.dma_semaphore, #tpu.memory_space<semaphore_mem>>, %arg34: memref<!tpu.dma_semaphore, #tpu.memory_space<semaphore_mem>>, %arg35: memref<!tpu.dma_semaphore, #tpu.memory_space<semaphore_mem>>, %arg36: memref<!tpu.dma_semaphore, #tpu.memory_space<semaphore_mem>>, %arg37: memref<!tpu.dma_semaphore, #tpu.memory_space<semaphore_mem>>) attributes {dimension_semantics = [#tpu.dimension_semantics<core_parallel>, #tpu.dimension_semantics<subcore_parallel>], iteration_bounds = array<i64: 2, 16>, scalar_prefetch = 0 : i64, scratch_operands = 32 : i64, tpu.core_type = #tpu.core_type<sc_vector_subcore>, window_params = [{transform_indices = #map}, {transform_indices = #map}, {transform_indices = #map}, {transform_indices = #map}]} {
    %mul3A = arith.constant 640 : i32
    %mul3A_0 = arith.muli %arg1, %mul3A : i32
    "tpu.region"() ({
      %run_scoped3A = tpu.sem_alloc : memref<!tpu.dma_semaphore, #tpu.memory_space<semaphore_mem>>
      %dma_start3A_167 = arith.constant 0 : i32
      %dma_start3A_168 = tpu.memref_slice %arg21[%mul3A_0, %dma_start3A_167] : memref<10240x64xf32, #tpu.memory_space<vmem_shared>> -> memref<640x64xf32, #tpu.memory_space<vmem_shared>>
      %dma_start3A_169 = arith.constant 0 : i32
      %dma_start3A_170 = arith.constant 0 : i32
      %dma_start3A_171 = tpu.memref_slice %arg2[%arg0, %dma_start3A_169, %dma_start3A_170] : memref<2x10240x64xf32, #tpu.memory_space<hbm>> -> memref<1x10240x64xf32, #tpu.memory_space<hbm>>
      %dma_start3A_172 = tpu.memref_squeeze %dma_start3A_171 : memref<1x10240x64xf32, #tpu.memory_space<hbm>> -> memref<10240x64xf32, #tpu.memory_space<hbm>>
      %dma_start3A_173 = arith.constant 0 : i32
      %dma_start3A_174 = tpu.memref_slice %dma_start3A_172[%mul3A_0, %dma_start3A_173] : memref<10240x64xf32, #tpu.memory_space<hbm>> -> memref<640x64xf32, #tpu.memory_space<hbm>>
      tpu.enqueue_dma source(%dma_start3A_174 : memref<640x64xf32, #tpu.memory_space<hbm>>) target(%dma_start3A_168 : memref<640x64xf32, #tpu.memory_space<vmem_shared>>) target_semaphore(%run_scoped3A : memref<!tpu.dma_semaphore, #tpu.memory_space<semaphore_mem>>)
      %dma_wait3A_175 = arith.constant 0 : i32
      %dma_wait3A_176 = tpu.memref_slice %arg21[%mul3A_0, %dma_wait3A_175] : memref<10240x64xf32, #tpu.memory_space<vmem_shared>> -> memref<640x64xf32, #tpu.memory_space<vmem_shared>>
      %dma_wait3A_177 = arith.constant 0 : i32
      %dma_wait3A_178 = arith.constant 0 : i32
      %dma_wait3A_179 = tpu.memref_slice %arg2[%arg0, %dma_wait3A_177, %dma_wait3A_178] : memref<2x10240x64xf32, #tpu.memory_space<hbm>> -> memref<1x10240x64xf32, #tpu.memory_space<hbm>>
      %dma_wait3A_180 = tpu.memref_squeeze %dma_wait3A_179 : memref<1x10240x64xf32, #tpu.memory_space<hbm>> -> memref<10240x64xf32, #tpu.memory_space<hbm>>
      %dma_wait3A_181 = arith.constant 0 : i32
      %dma_wait3A_182 = tpu.memref_slice %dma_wait3A_180[%mul3A_0, %dma_wait3A_181] : memref<10240x64xf32, #tpu.memory_space<hbm>> -> memref<640x64xf32, #tpu.memory_space<hbm>>
      tpu.wait_dma2 semaphore(%run_scoped3A : memref<!tpu.dma_semaphore, #tpu.memory_space<semaphore_mem>>) src(%dma_wait3A_182 : memref<640x64xf32, #tpu.memory_space<hbm>>) dst(%dma_wait3A_176 : memref<640x64xf32, #tpu.memory_space<vmem_shared>>)
      tpu.yield
    }) : () -> ()
    "tpu.region"() ({
      %run_scoped3A = tpu.sem_alloc : memref<!tpu.dma_semaphore, #tpu.memory_space<semaphore_mem>>
      %dma_start3A_167 = arith.constant 0 : i32
      %dma_start3A_168 = tpu.memref_slice %arg22[%mul3A_0, %dma_start3A_167] : memref<10240x64xf32, #tpu.memory_space<vmem_shared>> -> memref<640x64xf32, #tpu.memory_space<vmem_shared>>
      %dma_start3A_169 = arith.constant 0 : i32
      %dma_start3A_170 = arith.constant 0 : i32
      %dma_start3A_171 = tpu.memref_slice %arg2[%arg0, %dma_start3A_169, %dma_start3A_170] : memref<2x10240x64xf32, #tpu.memory_space<hbm>> -> memref<1x10240x64xf32, #tpu.memory_space<hbm>>
      %dma_start3A_172 = tpu.memref_squeeze %dma_start3A_171 : memref<1x10240x64xf32, #tpu.memory_space<hbm>> -> memref<10240x64xf32, #tpu.memory_space<hbm>>
      %dma_start3A_173 = arith.constant 0 : i32
      %dma_start3A_174 = tpu.memref_slice %dma_start3A_172[%mul3A_0, %dma_start3A_173] : memref<10240x64xf32, #tpu.memory_space<hbm>> -> memref<640x64xf32, #tpu.memory_space<hbm>>
      tpu.enqueue_dma source(%dma_start3A_174 : memref<640x64xf32, #tpu.memory_space<hbm>>) target(%dma_start3A_168 : memref<640x64xf32, #tpu.memory_space<vmem_shared>>) target_semaphore(%run_scoped3A : memref<!tpu.dma_semaphore, #tpu.memory_space<semaphore_mem>>)
      %dma_wait3A_175 = arith.constant 0 : i32
      %dma_wait3A_176 = tpu.memref_slice %arg22[%mul3A_0, %dma_wait3A_175] : memref<10240x64xf32, #tpu.memory_space<vmem_shared>> -> memref<640x64xf32, #tpu.memory_space<vmem_shared>>
      %dma_wait3A_177 = arith.constant 0 : i32
      %dma_wait3A_178 = arith.constant 0 : i32
      %dma_wait3A_179 = tpu.memref_slice %arg2[%arg0, %dma_wait3A_177, %dma_wait3A_178] : memref<2x10240x64xf32, #tpu.memory_space<hbm>> -> memref<1x10240x64xf32, #tpu.memory_space<hbm>>
      %dma_wait3A_180 = tpu.memref_squeeze %dma_wait3A_179 : memref<1x10240x64xf32, #tpu.memory_space<hbm>> -> memref<10240x64xf32, #tpu.memory_space<hbm>>
      %dma_wait3A_181 = arith.constant 0 : i32
      %dma_wait3A_182 = tpu.memref_slice %dma_wait3A_180[%mul3A_0, %dma_wait3A_181] : memref<10240x64xf32, #tpu.memory_space<hbm>> -> memref<640x64xf32, #tpu.memory_space<hbm>>
      tpu.wait_dma2 semaphore(%run_scoped3A : memref<!tpu.dma_semaphore, #tpu.memory_space<semaphore_mem>>) src(%dma_wait3A_182 : memref<640x64xf32, #tpu.memory_space<hbm>>) dst(%dma_wait3A_176 : memref<640x64xf32, #tpu.memory_space<vmem_shared>>)
      tpu.yield
    }) : () -> ()
    %barrier3A = arith.constant 0 : index
    tpu.barrier barrier_id(%barrier3A)
    %dma_start3A = arith.constant 0 : i32
    %dma_start3A_1 = arith.constant 0 : i32
    %dma_start3A_2 = arith.constant 0 : i32
    %dma_start3A_3 = tpu.memref_slice %arg3[%arg1, %dma_start3A_1, %dma_start3A_2] : memref<16x160x128xi32, #tpu.memory_space<hbm>> -> memref<1x160x128xi32, #tpu.memory_space<hbm>>
    %dma_start3A_4 = tpu.memref_squeeze %dma_start3A_3 : memref<1x160x128xi32, #tpu.memory_space<hbm>> -> memref<160x128xi32, #tpu.memory_space<hbm>>
    %dma_start3A_5 = arith.constant 0 : i32
    %dma_start3A_6 = tpu.memref_slice %dma_start3A_4[%dma_start3A, %dma_start3A_5] : memref<160x128xi32, #tpu.memory_space<hbm>> -> memref<1x128xi32, #tpu.memory_space<hbm>>
    %dma_start3A_7 = tpu.memref_squeeze %dma_start3A_6 : memref<1x128xi32, #tpu.memory_space<hbm>> -> memref<128xi32, #tpu.memory_space<hbm>>
    %dma_start3A_8 = arith.constant 0 : i32
    %dma_start3A_9 = arith.constant 0 : i32
    %dma_start3A_10 = tpu.memref_slice %arg3[%arg1, %dma_start3A_8, %dma_start3A_9] : memref<16x160x128xi32, #tpu.memory_space<hbm>> -> memref<1x160x128xi32, #tpu.memory_space<hbm>>
    %dma_start3A_11 = tpu.memref_squeeze %dma_start3A_10 : memref<1x160x128xi32, #tpu.memory_space<hbm>> -> memref<160x128xi32, #tpu.memory_space<hbm>>
    %dma_start3A_12 = arith.constant 0 : i32
    %dma_start3A_13 = tpu.memref_slice %dma_start3A_11[%dma_start3A, %dma_start3A_12] : memref<160x128xi32, #tpu.memory_space<hbm>> -> memref<1x128xi32, #tpu.memory_space<hbm>>
    %dma_start3A_14 = tpu.memref_squeeze %dma_start3A_13 : memref<1x128xi32, #tpu.memory_space<hbm>> -> memref<128xi32, #tpu.memory_space<hbm>>
    tpu.enqueue_dma source(%dma_start3A_14 : memref<128xi32, #tpu.memory_space<hbm>>) target(%arg11 : memref<128xi32, #tpu.memory_space<vmem>>) target_semaphore(%arg33 : memref<!tpu.dma_semaphore, #tpu.memory_space<semaphore_mem>>)
    %dma_start3A_15 = arith.constant 0 : i32
    %dma_start3A_16 = arith.constant 0 : i32
    %dma_start3A_17 = arith.constant 0 : i32
    %dma_start3A_18 = tpu.memref_slice %arg4[%arg1, %dma_start3A_16, %dma_start3A_17] : memref<16x160x128xi32, #tpu.memory_space<hbm>> -> memref<1x160x128xi32, #tpu.memory_space<hbm>>
    %dma_start3A_19 = tpu.memref_squeeze %dma_start3A_18 : memref<1x160x128xi32, #tpu.memory_space<hbm>> -> memref<160x128xi32, #tpu.memory_space<hbm>>
    %dma_start3A_20 = arith.constant 0 : i32
    %dma_start3A_21 = tpu.memref_slice %dma_start3A_19[%dma_start3A_15, %dma_start3A_20] : memref<160x128xi32, #tpu.memory_space<hbm>> -> memref<1x128xi32, #tpu.memory_space<hbm>>
    %dma_start3A_22 = tpu.memref_squeeze %dma_start3A_21 : memref<1x128xi32, #tpu.memory_space<hbm>> -> memref<128xi32, #tpu.memory_space<hbm>>
    %dma_start3A_23 = arith.constant 0 : i32
    %dma_start3A_24 = arith.constant 0 : i32
    %dma_start3A_25 = tpu.memref_slice %arg4[%arg1, %dma_start3A_23, %dma_start3A_24] : memref<16x160x128xi32, #tpu.memory_space<hbm>> -> memref<1x160x128xi32, #tpu.memory_space<hbm>>
    %dma_start3A_26 = tpu.memref_squeeze %dma_start3A_25 : memref<1x160x128xi32, #tpu.memory_space<hbm>> -> memref<160x128xi32, #tpu.memory_space<hbm>>
    %dma_start3A_27 = arith.constant 0 : i32
    %dma_start3A_28 = tpu.memref_slice %dma_start3A_26[%dma_start3A_15, %dma_start3A_27] : memref<160x128xi32, #tpu.memory_space<hbm>> -> memref<1x128xi32, #tpu.memory_space<hbm>>
    %dma_start3A_29 = tpu.memref_squeeze %dma_start3A_28 : memref<1x128xi32, #tpu.memory_space<hbm>> -> memref<128xi32, #tpu.memory_space<hbm>>
    tpu.enqueue_dma source(%dma_start3A_29 : memref<128xi32, #tpu.memory_space<hbm>>) target(%arg16 : memref<128xi32, #tpu.memory_space<vmem>>) target_semaphore(%arg33 : memref<!tpu.dma_semaphore, #tpu.memory_space<semaphore_mem>>)
    %dma_start3A_30 = arith.constant 1 : i32
    %dma_start3A_31 = arith.constant 0 : i32
    %dma_start3A_32 = arith.constant 0 : i32
    %dma_start3A_33 = tpu.memref_slice %arg3[%arg1, %dma_start3A_31, %dma_start3A_32] : memref<16x160x128xi32, #tpu.memory_space<hbm>> -> memref<1x160x128xi32, #tpu.memory_space<hbm>>
    %dma_start3A_34 = tpu.memref_squeeze %dma_start3A_33 : memref<1x160x128xi32, #tpu.memory_space<hbm>> -> memref<160x128xi32, #tpu.memory_space<hbm>>
    %dma_start3A_35 = arith.constant 0 : i32
    %dma_start3A_36 = tpu.memref_slice %dma_start3A_34[%dma_start3A_30, %dma_start3A_35] : memref<160x128xi32, #tpu.memory_space<hbm>> -> memref<1x128xi32, #tpu.memory_space<hbm>>
    %dma_start3A_37 = tpu.memref_squeeze %dma_start3A_36 : memref<1x128xi32, #tpu.memory_space<hbm>> -> memref<128xi32, #tpu.memory_space<hbm>>
    %dma_start3A_38 = arith.constant 0 : i32
    %dma_start3A_39 = arith.constant 0 : i32
    %dma_start3A_40 = tpu.memref_slice %arg3[%arg1, %dma_start3A_38, %dma_start3A_39] : memref<16x160x128xi32, #tpu.memory_space<hbm>> -> memref<1x160x128xi32, #tpu.memory_space<hbm>>
    %dma_start3A_41 = tpu.memref_squeeze %dma_start3A_40 : memref<1x160x128xi32, #tpu.memory_space<hbm>> -> memref<160x128xi32, #tpu.memory_space<hbm>>
    %dma_start3A_42 = arith.constant 0 : i32
    %dma_start3A_43 = tpu.memref_slice %dma_start3A_41[%dma_start3A_30, %dma_start3A_42] : memref<160x128xi32, #tpu.memory_space<hbm>> -> memref<1x128xi32, #tpu.memory_space<hbm>>
    %dma_start3A_44 = tpu.memref_squeeze %dma_start3A_43 : memref<1x128xi32, #tpu.memory_space<hbm>> -> memref<128xi32, #tpu.memory_space<hbm>>
    tpu.enqueue_dma source(%dma_start3A_44 : memref<128xi32, #tpu.memory_space<hbm>>) target(%arg12 : memref<128xi32, #tpu.memory_space<vmem>>) target_semaphore(%arg34 : memref<!tpu.dma_semaphore, #tpu.memory_space<semaphore_mem>>)
    %dma_start3A_45 = arith.constant 1 : i32
    %dma_start3A_46 = arith.constant 0 : i32
    %dma_start3A_47 = arith.constant 0 : i32
    %dma_start3A_48 = tpu.memref_slice %arg4[%arg1, %dma_start3A_46, %dma_start3A_47] : memref<16x160x128xi32, #tpu.memory_space<hbm>> -> memref<1x160x128xi32, #tpu.memory_space<hbm>>
    %dma_start3A_49 = tpu.memref_squeeze %dma_start3A_48 : memref<1x160x128xi32, #tpu.memory_space<hbm>> -> memref<160x128xi32, #tpu.memory_space<hbm>>
    %dma_start3A_50 = arith.constant 0 : i32
    %dma_start3A_51 = tpu.memref_slice %dma_start3A_49[%dma_start3A_45, %dma_start3A_50] : memref<160x128xi32, #tpu.memory_space<hbm>> -> memref<1x128xi32, #tpu.memory_space<hbm>>
    %dma_start3A_52 = tpu.memref_squeeze %dma_start3A_51 : memref<1x128xi32, #tpu.memory_space<hbm>> -> memref<128xi32, #tpu.memory_space<hbm>>
    %dma_start3A_53 = arith.constant 0 : i32
    %dma_start3A_54 = arith.constant 0 : i32
    %dma_start3A_55 = tpu.memref_slice %arg4[%arg1, %dma_start3A_53, %dma_start3A_54] : memref<16x160x128xi32, #tpu.memory_space<hbm>> -> memref<1x160x128xi32, #tpu.memory_space<hbm>>
    %dma_start3A_56 = tpu.memref_squeeze %dma_start3A_55 : memref<1x160x128xi32, #tpu.memory_space<hbm>> -> memref<160x128xi32, #tpu.memory_space<hbm>>
    %dma_start3A_57 = arith.constant 0 : i32
    %dma_start3A_58 = tpu.memref_slice %dma_start3A_56[%dma_start3A_45, %dma_start3A_57] : memref<160x128xi32, #tpu.memory_space<hbm>> -> memref<1x128xi32, #tpu.memory_space<hbm>>
    %dma_start3A_59 = tpu.memref_squeeze %dma_start3A_58 : memref<1x128xi32, #tpu.memory_space<hbm>> -> memref<128xi32, #tpu.memory_space<hbm>>
    tpu.enqueue_dma source(%dma_start3A_59 : memref<128xi32, #tpu.memory_space<hbm>>) target(%arg17 : memref<128xi32, #tpu.memory_space<vmem>>) target_semaphore(%arg34 : memref<!tpu.dma_semaphore, #tpu.memory_space<semaphore_mem>>)
    %dma_start3A_60 = arith.constant 2 : i32
    %dma_start3A_61 = arith.constant 0 : i32
    %dma_start3A_62 = arith.constant 0 : i32
    %dma_start3A_63 = tpu.memref_slice %arg3[%arg1, %dma_start3A_61, %dma_start3A_62] : memref<16x160x128xi32, #tpu.memory_space<hbm>> -> memref<1x160x128xi32, #tpu.memory_space<hbm>>
    %dma_start3A_64 = tpu.memref_squeeze %dma_start3A_63 : memref<1x160x128xi32, #tpu.memory_space<hbm>> -> memref<160x128xi32, #tpu.memory_space<hbm>>
    %dma_start3A_65 = arith.constant 0 : i32
    %dma_start3A_66 = tpu.memref_slice %dma_start3A_64[%dma_start3A_60, %dma_start3A_65] : memref<160x128xi32, #tpu.memory_space<hbm>> -> memref<1x128xi32, #tpu.memory_space<hbm>>
    %dma_start3A_67 = tpu.memref_squeeze %dma_start3A_66 : memref<1x128xi32, #tpu.memory_space<hbm>> -> memref<128xi32, #tpu.memory_space<hbm>>
    %dma_start3A_68 = arith.constant 0 : i32
    %dma_start3A_69 = arith.constant 0 : i32
    %dma_start3A_70 = tpu.memref_slice %arg3[%arg1, %dma_start3A_68, %dma_start3A_69] : memref<16x160x128xi32, #tpu.memory_space<hbm>> -> memref<1x160x128xi32, #tpu.memory_space<hbm>>
    %dma_start3A_71 = tpu.memref_squeeze %dma_start3A_70 : memref<1x160x128xi32, #tpu.memory_space<hbm>> -> memref<160x128xi32, #tpu.memory_space<hbm>>
    %dma_start3A_72 = arith.constant 0 : i32
    %dma_start3A_73 = tpu.memref_slice %dma_start3A_71[%dma_start3A_60, %dma_start3A_72] : memref<160x128xi32, #tpu.memory_space<hbm>> -> memref<1x128xi32, #tpu.memory_space<hbm>>
    %dma_start3A_74 = tpu.memref_squeeze %dma_start3A_73 : memref<1x128xi32, #tpu.memory_space<hbm>> -> memref<128xi32, #tpu.memory_space<hbm>>
    tpu.enqueue_dma source(%dma_start3A_74 : memref<128xi32, #tpu.memory_space<hbm>>) target(%arg13 : memref<128xi32, #tpu.memory_space<vmem>>) target_semaphore(%arg35 : memref<!tpu.dma_semaphore, #tpu.memory_space<semaphore_mem>>)
    %dma_start3A_75 = arith.constant 2 : i32
    %dma_start3A_76 = arith.constant 0 : i32
    %dma_start3A_77 = arith.constant 0 : i32
    %dma_start3A_78 = tpu.memref_slice %arg4[%arg1, %dma_start3A_76, %dma_start3A_77] : memref<16x160x128xi32, #tpu.memory_space<hbm>> -> memref<1x160x128xi32, #tpu.memory_space<hbm>>
    %dma_start3A_79 = tpu.memref_squeeze %dma_start3A_78 : memref<1x160x128xi32, #tpu.memory_space<hbm>> -> memref<160x128xi32, #tpu.memory_space<hbm>>
    %dma_start3A_80 = arith.constant 0 : i32
    %dma_start3A_81 = tpu.memref_slice %dma_start3A_79[%dma_start3A_75, %dma_start3A_80] : memref<160x128xi32, #tpu.memory_space<hbm>> -> memref<1x128xi32, #tpu.memory_space<hbm>>
    %dma_start3A_82 = tpu.memref_squeeze %dma_start3A_81 : memref<1x128xi32, #tpu.memory_space<hbm>> -> memref<128xi32, #tpu.memory_space<hbm>>
    %dma_start3A_83 = arith.constant 0 : i32
    %dma_start3A_84 = arith.constant 0 : i32
    %dma_start3A_85 = tpu.memref_slice %arg4[%arg1, %dma_start3A_83, %dma_start3A_84] : memref<16x160x128xi32, #tpu.memory_space<hbm>> -> memref<1x160x128xi32, #tpu.memory_space<hbm>>
    %dma_start3A_86 = tpu.memref_squeeze %dma_start3A_85 : memref<1x160x128xi32, #tpu.memory_space<hbm>> -> memref<160x128xi32, #tpu.memory_space<hbm>>
    %dma_start3A_87 = arith.constant 0 : i32
    %dma_start3A_88 = tpu.memref_slice %dma_start3A_86[%dma_start3A_75, %dma_start3A_87] : memref<160x128xi32, #tpu.memory_space<hbm>> -> memref<1x128xi32, #tpu.memory_space<hbm>>
    %dma_start3A_89 = tpu.memref_squeeze %dma_start3A_88 : memref<1x128xi32, #tpu.memory_space<hbm>> -> memref<128xi32, #tpu.memory_space<hbm>>
    tpu.enqueue_dma source(%dma_start3A_89 : memref<128xi32, #tpu.memory_space<hbm>>) target(%arg18 : memref<128xi32, #tpu.memory_space<vmem>>) target_semaphore(%arg35 : memref<!tpu.dma_semaphore, #tpu.memory_space<semaphore_mem>>)
    %dma_wait3A = arith.constant 0 : i32
    %dma_wait3A_90 = arith.constant 0 : i32
    %dma_wait3A_91 = arith.constant 0 : i32
    %dma_wait3A_92 = tpu.memref_slice %arg3[%arg1, %dma_wait3A_90, %dma_wait3A_91] : memref<16x160x128xi32, #tpu.memory_space<hbm>> -> memref<1x160x128xi32, #tpu.memory_space<hbm>>
    %dma_wait3A_93 = tpu.memref_squeeze %dma_wait3A_92 : memref<1x160x128xi32, #tpu.memory_space<hbm>> -> memref<160x128xi32, #tpu.memory_space<hbm>>
    %dma_wait3A_94 = arith.constant 0 : i32
    %dma_wait3A_95 = tpu.memref_slice %dma_wait3A_93[%dma_wait3A, %dma_wait3A_94] : memref<160x128xi32, #tpu.memory_space<hbm>> -> memref<1x128xi32, #tpu.memory_space<hbm>>
    %dma_wait3A_96 = tpu.memref_squeeze %dma_wait3A_95 : memref<1x128xi32, #tpu.memory_space<hbm>> -> memref<128xi32, #tpu.memory_space<hbm>>
    %dma_wait3A_97 = arith.constant 0 : i32
    %dma_wait3A_98 = arith.constant 0 : i32
    %dma_wait3A_99 = tpu.memref_slice %arg3[%arg1, %dma_wait3A_97, %dma_wait3A_98] : memref<16x160x128xi32, #tpu.memory_space<hbm>> -> memref<1x160x128xi32, #tpu.memory_space<hbm>>
    %dma_wait3A_100 = tpu.memref_squeeze %dma_wait3A_99 : memref<1x160x128xi32, #tpu.memory_space<hbm>> -> memref<160x128xi32, #tpu.memory_space<hbm>>
    %dma_wait3A_101 = arith.constant 0 : i32
    %dma_wait3A_102 = tpu.memref_slice %dma_wait3A_100[%dma_wait3A, %dma_wait3A_101] : memref<160x128xi32, #tpu.memory_space<hbm>> -> memref<1x128xi32, #tpu.memory_space<hbm>>
    %dma_wait3A_103 = tpu.memref_squeeze %dma_wait3A_102 : memref<1x128xi32, #tpu.memory_space<hbm>> -> memref<128xi32, #tpu.memory_space<hbm>>
    tpu.wait_dma2 semaphore(%arg33 : memref<!tpu.dma_semaphore, #tpu.memory_space<semaphore_mem>>) src(%dma_wait3A_103 : memref<128xi32, #tpu.memory_space<hbm>>) dst(%arg11 : memref<128xi32, #tpu.memory_space<vmem>>)
    %dma_wait3A_104 = arith.constant 0 : i32
    %dma_wait3A_105 = arith.constant 0 : i32
    %dma_wait3A_106 = arith.constant 0 : i32
    %dma_wait3A_107 = tpu.memref_slice %arg4[%arg1, %dma_wait3A_105, %dma_wait3A_106] : memref<16x160x128xi32, #tpu.memory_space<hbm>> -> memref<1x160x128xi32, #tpu.memory_space<hbm>>
    %dma_wait3A_108 = tpu.memref_squeeze %dma_wait3A_107 : memref<1x160x128xi32, #tpu.memory_space<hbm>> -> memref<160x128xi32, #tpu.memory_space<hbm>>
    %dma_wait3A_109 = arith.constant 0 : i32
    %dma_wait3A_110 = tpu.memref_slice %dma_wait3A_108[%dma_wait3A_104, %dma_wait3A_109] : memref<160x128xi32, #tpu.memory_space<hbm>> -> memref<1x128xi32, #tpu.memory_space<hbm>>
    %dma_wait3A_111 = tpu.memref_squeeze %dma_wait3A_110 : memref<1x128xi32, #tpu.memory_space<hbm>> -> memref<128xi32, #tpu.memory_space<hbm>>
    %dma_wait3A_112 = arith.constant 0 : i32
    %dma_wait3A_113 = arith.constant 0 : i32
    %dma_wait3A_114 = tpu.memref_slice %arg4[%arg1, %dma_wait3A_112, %dma_wait3A_113] : memref<16x160x128xi32, #tpu.memory_space<hbm>> -> memref<1x160x128xi32, #tpu.memory_space<hbm>>
    %dma_wait3A_115 = tpu.memref_squeeze %dma_wait3A_114 : memref<1x160x128xi32, #tpu.memory_space<hbm>> -> memref<160x128xi32, #tpu.memory_space<hbm>>
    %dma_wait3A_116 = arith.constant 0 : i32
    %dma_wait3A_117 = tpu.memref_slice %dma_wait3A_115[%dma_wait3A_104, %dma_wait3A_116] : memref<160x128xi32, #tpu.memory_space<hbm>> -> memref<1x128xi32, #tpu.memory_space<hbm>>
    %dma_wait3A_118 = tpu.memref_squeeze %dma_wait3A_117 : memref<1x128xi32, #tpu.memory_space<hbm>> -> memref<128xi32, #tpu.memory_space<hbm>>
    tpu.wait_dma2 semaphore(%arg33 : memref<!tpu.dma_semaphore, #tpu.memory_space<semaphore_mem>>) src(%dma_wait3A_118 : memref<128xi32, #tpu.memory_space<hbm>>) dst(%arg16 : memref<128xi32, #tpu.memory_space<vmem>>)
    %dma_start3A_119 = arith.constant 0 : i32
    %dma_start3A_120 = arith.constant 0 : i32
    %dma_start3A_121 = tpu.memref_slice %arg22[%dma_start3A_119, %dma_start3A_120] : memref<10240x64xf32, #tpu.memory_space<vmem_shared>> -> memref<10240x64xf32, #tpu.memory_space<vmem_shared>>
    tpu.enqueue_indirect_dma source(%dma_start3A_121 : memref<10240x64xf32, #tpu.memory_space<vmem_shared>>) target(%arg6 : memref<128x64xf32, #tpu.memory_space<vmem>>) offsets(%arg11 : memref<128xi32, #tpu.memory_space<vmem>>) semaphore(%arg23 : memref<!tpu.dma_semaphore, #tpu.memory_space<semaphore_mem>>)
    %dma_wait3A_122 = arith.constant 0 : i32
    %dma_wait3A_123 = arith.constant 0 : i32
    %dma_wait3A_124 = arith.constant 0 : i32
    %dma_wait3A_125 = tpu.memref_slice %arg3[%arg1, %dma_wait3A_123, %dma_wait3A_124] : memref<16x160x128xi32, #tpu.memory_space<hbm>> -> memref<1x160x128xi32, #tpu.memory_space<hbm>>
    %dma_wait3A_126 = tpu.memref_squeeze %dma_wait3A_125 : memref<1x160x128xi32, #tpu.memory_space<hbm>> -> memref<160x128xi32, #tpu.memory_space<hbm>>
    %dma_wait3A_127 = arith.constant 0 : i32
    %dma_wait3A_128 = tpu.memref_slice %dma_wait3A_126[%dma_wait3A_122, %dma_wait3A_127] : memref<160x128xi32, #tpu.memory_space<hbm>> -> memref<1x128xi32, #tpu.memory_space<hbm>>
    %dma_wait3A_129 = tpu.memref_squeeze %dma_wait3A_128 : memref<1x128xi32, #tpu.memory_space<hbm>> -> memref<128xi32, #tpu.memory_space<hbm>>
    %dma_wait3A_130 = arith.constant 0 : i32
    %dma_wait3A_131 = arith.constant 0 : i32
    %dma_wait3A_132 = tpu.memref_slice %arg3[%arg1, %dma_wait3A_130, %dma_wait3A_131] : memref<16x160x128xi32, #tpu.memory_space<hbm>> -> memref<1x160x128xi32, #tpu.memory_space<hbm>>
    %dma_wait3A_133 = tpu.memref_squeeze %dma_wait3A_132 : memref<1x160x128xi32, #tpu.memory_space<hbm>> -> memref<160x128xi32, #tpu.memory_space<hbm>>
    %dma_wait3A_134 = arith.constant 0 : i32
    %dma_wait3A_135 = tpu.memref_slice %dma_wait3A_133[%dma_wait3A_122, %dma_wait3A_134] : memref<160x128xi32, #tpu.memory_space<hbm>> -> memref<1x128xi32, #tpu.memory_space<hbm>>
    %dma_wait3A_136 = tpu.memref_squeeze %dma_wait3A_135 : memref<1x128xi32, #tpu.memory_space<hbm>> -> memref<128xi32, #tpu.memory_space<hbm>>
    tpu.wait_dma2 semaphore(%arg34 : memref<!tpu.dma_semaphore, #tpu.memory_space<semaphore_mem>>) src(%dma_wait3A_136 : memref<128xi32, #tpu.memory_space<hbm>>) dst(%arg12 : memref<128xi32, #tpu.memory_space<vmem>>)
    %dma_wait3A_137 = arith.constant 0 : i32
    %dma_wait3A_138 = arith.constant 0 : i32
    %dma_wait3A_139 = arith.constant 0 : i32
    %dma_wait3A_140 = tpu.memref_slice %arg4[%arg1, %dma_wait3A_138, %dma_wait3A_139] : memref<16x160x128xi32, #tpu.memory_space<hbm>> -> memref<1x160x128xi32, #tpu.memory_space<hbm>>
    %dma_wait3A_141 = tpu.memref_squeeze %dma_wait3A_140 : memref<1x160x128xi32, #tpu.memory_space<hbm>> -> memref<160x128xi32, #tpu.memory_space<hbm>>
    %dma_wait3A_142 = arith.constant 0 : i32
    %dma_wait3A_143 = tpu.memref_slice %dma_wait3A_141[%dma_wait3A_137, %dma_wait3A_142] : memref<160x128xi32, #tpu.memory_space<hbm>> -> memref<1x128xi32, #tpu.memory_space<hbm>>
    %dma_wait3A_144 = tpu.memref_squeeze %dma_wait3A_143 : memref<1x128xi32, #tpu.memory_space<hbm>> -> memref<128xi32, #tpu.memory_space<hbm>>
    %dma_wait3A_145 = arith.constant 0 : i32
    %dma_wait3A_146 = arith.constant 0 : i32
    %dma_wait3A_147 = tpu.memref_slice %arg4[%arg1, %dma_wait3A_145, %dma_wait3A_146] : memref<16x160x128xi32, #tpu.memory_space<hbm>> -> memref<1x160x128xi32, #tpu.memory_space<hbm>>
    %dma_wait3A_148 = tpu.memref_squeeze %dma_wait3A_147 : memref<1x160x128xi32, #tpu.memory_space<hbm>> -> memref<160x128xi32, #tpu.memory_space<hbm>>
    %dma_wait3A_149 = arith.constant 0 : i32
    %dma_wait3A_150 = tpu.memref_slice %dma_wait3A_148[%dma_wait3A_137, %dma_wait3A_149] : memref<160x128xi32, #tpu.memory_space<hbm>> -> memref<1x128xi32, #tpu.memory_space<hbm>>
    %dma_wait3A_151 = tpu.memref_squeeze %dma_wait3A_150 : memref<1x128xi32, #tpu.memory_space<hbm>> -> memref<128xi32, #tpu.memory_space<hbm>>
    tpu.wait_dma2 semaphore(%arg34 : memref<!tpu.dma_semaphore, #tpu.memory_space<semaphore_mem>>) src(%dma_wait3A_151 : memref<128xi32, #tpu.memory_space<hbm>>) dst(%arg17 : memref<128xi32, #tpu.memory_space<vmem>>)
    %dma_start3A_152 = arith.constant 0 : i32
    %dma_start3A_153 = arith.constant 0 : i32
    %dma_start3A_154 = tpu.memref_slice %arg22[%dma_start3A_152, %dma_start3A_153] : memref<10240x64xf32, #tpu.memory_space<vmem_shared>> -> memref<10240x64xf32, #tpu.memory_space<vmem_shared>>
    tpu.enqueue_indirect_dma source(%dma_start3A_154 : memref<10240x64xf32, #tpu.memory_space<vmem_shared>>) target(%arg7 : memref<128x64xf32, #tpu.memory_space<vmem>>) offsets(%arg12 : memref<128xi32, #tpu.memory_space<vmem>>) semaphore(%arg24 : memref<!tpu.dma_semaphore, #tpu.memory_space<semaphore_mem>>)
    %scan3A = arith.constant 0 : i32
    %scan3A_155 = arith.constant 0 : i32
    %scan3A_156 = arith.constant 32 : i32
    %scan3A_157 = arith.addi %scan3A_155, %scan3A_156 : i32
    %scan3A_158 = arith.constant 1 : i32
    scf.for %scan3A_167 = %scan3A_155 to %scan3A_157 step %scan3A_158  : i32 {
      %mul3A_168 = arith.constant 5 : i32
      %mul3A_169 = arith.muli %scan3A_167, %mul3A_168 : i32
      %add3A = arith.constant 0 : i32
      %add3A_170 = arith.addi %mul3A_169, %add3A : i32
      %dma_wait3A_171 = arith.constant 0 : i32
      %dma_wait3A_172 = arith.constant 0 : i32
      %dma_wait3A_173 = tpu.memref_slice %arg22[%dma_wait3A_171, %dma_wait3A_172] : memref<10240x64xf32, #tpu.memory_space<vmem_shared>> -> memref<10240x64xf32, #tpu.memory_space<vmem_shared>>
      tpu.wait_indirect_dma semaphore(%arg23 : memref<!tpu.dma_semaphore, #tpu.memory_space<semaphore_mem>>) src(%dma_wait3A_173 : memref<10240x64xf32, #tpu.memory_space<vmem_shared>>) dst(%arg6 : memref<128x64xf32, #tpu.memory_space<vmem>>)
      %dma_start3A_174 = arith.constant 0 : i32
      %dma_start3A_175 = arith.constant 0 : i32
      %dma_start3A_176 = tpu.memref_slice %arg21[%dma_start3A_174, %dma_start3A_175] : memref<10240x64xf32, #tpu.memory_space<vmem_shared>> -> memref<10240x64xf32, #tpu.memory_space<vmem_shared>>
      tpu.enqueue_indirect_dma source(%arg6 : memref<128x64xf32, #tpu.memory_space<vmem>>) target(%dma_start3A_176 : memref<10240x64xf32, #tpu.memory_space<vmem_shared>>) offsets(%arg16 : memref<128xi32, #tpu.memory_space<vmem>>) semaphore(%arg28 : memref<!tpu.dma_semaphore, #tpu.memory_space<semaphore_mem>>) {add = true}
      %ge3A = arith.constant 2 : i32
      %ge3A_177 = arith.cmpi sge, %add3A_170, %ge3A : i32
      %convert_element_type3A = arith.extui %ge3A_177 : i1 to i32
      %cond3A = arith.constant 0 : i32
      %cond3A_178 = arith.cmpi ne, %convert_element_type3A, %cond3A : i32
      scf.if %cond3A_178 {
        %dma_wait3A_309 = arith.constant 0 : i32
        %dma_wait3A_310 = arith.constant 0 : i32
        %dma_wait3A_311 = tpu.memref_slice %arg21[%dma_wait3A_309, %dma_wait3A_310] : memref<10240x64xf32, #tpu.memory_space<vmem_shared>> -> memref<10240x64xf32, #tpu.memory_space<vmem_shared>>
        tpu.wait_indirect_dma semaphore(%arg31 : memref<!tpu.dma_semaphore, #tpu.memory_space<semaphore_mem>>) src(%arg9 : memref<128x64xf32, #tpu.memory_space<vmem>>) dst(%dma_wait3A_311 : memref<10240x64xf32, #tpu.memory_space<vmem_shared>>)
      } else {
      }
      %add3A_179 = arith.constant 3 : i32
      %add3A_180 = arith.addi %add3A_170, %add3A_179 : i32
      %lt3A = arith.constant 160 : i32
      %lt3A_181 = arith.cmpi slt, %add3A_180, %lt3A : i32
      %convert_element_type3A_182 = arith.extui %lt3A_181 : i1 to i32
      %cond3A_183 = arith.constant 0 : i32
      %cond3A_184 = arith.cmpi ne, %convert_element_type3A_182, %cond3A_183 : i32
      scf.if %cond3A_184 {
        %add3A_309 = arith.constant 3 : i32
        %add3A_310 = arith.addi %add3A_170, %add3A_309 : i32
        %dma_start3A_311 = arith.constant 0 : i32
        %dma_start3A_312 = arith.constant 0 : i32
        %dma_start3A_313 = tpu.memref_slice %arg3[%arg1, %dma_start3A_311, %dma_start3A_312] : memref<16x160x128xi32, #tpu.memory_space<hbm>> -> memref<1x160x128xi32, #tpu.memory_space<hbm>>
        %dma_start3A_314 = tpu.memref_squeeze %dma_start3A_313 : memref<1x160x128xi32, #tpu.memory_space<hbm>> -> memref<160x128xi32, #tpu.memory_space<hbm>>
        %dma_start3A_315 = arith.constant 0 : i32
        %dma_start3A_316 = tpu.memref_slice %dma_start3A_314[%add3A_310, %dma_start3A_315] : memref<160x128xi32, #tpu.memory_space<hbm>> -> memref<1x128xi32, #tpu.memory_space<hbm>>
        %dma_start3A_317 = tpu.memref_squeeze %dma_start3A_316 : memref<1x128xi32, #tpu.memory_space<hbm>> -> memref<128xi32, #tpu.memory_space<hbm>>
        %dma_start3A_318 = arith.constant 0 : i32
        %dma_start3A_319 = arith.constant 0 : i32
        %dma_start3A_320 = tpu.memref_slice %arg3[%arg1, %dma_start3A_318, %dma_start3A_319] : memref<16x160x128xi32, #tpu.memory_space<hbm>> -> memref<1x160x128xi32, #tpu.memory_space<hbm>>
        %dma_start3A_321 = tpu.memref_squeeze %dma_start3A_320 : memref<1x160x128xi32, #tpu.memory_space<hbm>> -> memref<160x128xi32, #tpu.memory_space<hbm>>
        %dma_start3A_322 = arith.constant 0 : i32
        %dma_start3A_323 = tpu.memref_slice %dma_start3A_321[%add3A_310, %dma_start3A_322] : memref<160x128xi32, #tpu.memory_space<hbm>> -> memref<1x128xi32, #tpu.memory_space<hbm>>
        %dma_start3A_324 = tpu.memref_squeeze %dma_start3A_323 : memref<1x128xi32, #tpu.memory_space<hbm>> -> memref<128xi32, #tpu.memory_space<hbm>>
        tpu.enqueue_dma source(%dma_start3A_324 : memref<128xi32, #tpu.memory_space<hbm>>) target(%arg14 : memref<128xi32, #tpu.memory_space<vmem>>) target_semaphore(%arg36 : memref<!tpu.dma_semaphore, #tpu.memory_space<semaphore_mem>>)
        %dma_start3A_325 = arith.constant 0 : i32
        %dma_start3A_326 = arith.constant 0 : i32
        %dma_start3A_327 = tpu.memref_slice %arg4[%arg1, %dma_start3A_325, %dma_start3A_326] : memref<16x160x128xi32, #tpu.memory_space<hbm>> -> memref<1x160x128xi32, #tpu.memory_space<hbm>>
        %dma_start3A_328 = tpu.memref_squeeze %dma_start3A_327 : memref<1x160x128xi32, #tpu.memory_space<hbm>> -> memref<160x128xi32, #tpu.memory_space<hbm>>
        %dma_start3A_329 = arith.constant 0 : i32
        %dma_start3A_330 = tpu.memref_slice %dma_start3A_328[%add3A_310, %dma_start3A_329] : memref<160x128xi32, #tpu.memory_space<hbm>> -> memref<1x128xi32, #tpu.memory_space<hbm>>
        %dma_start3A_331 = tpu.memref_squeeze %dma_start3A_330 : memref<1x128xi32, #tpu.memory_space<hbm>> -> memref<128xi32, #tpu.memory_space<hbm>>
        %dma_start3A_332 = arith.constant 0 : i32
        %dma_start3A_333 = arith.constant 0 : i32
        %dma_start3A_334 = tpu.memref_slice %arg4[%arg1, %dma_start3A_332, %dma_start3A_333] : memref<16x160x128xi32, #tpu.memory_space<hbm>> -> memref<1x160x128xi32, #tpu.memory_space<hbm>>
        %dma_start3A_335 = tpu.memref_squeeze %dma_start3A_334 : memref<1x160x128xi32, #tpu.memory_space<hbm>> -> memref<160x128xi32, #tpu.memory_space<hbm>>
        %dma_start3A_336 = arith.constant 0 : i32
        %dma_start3A_337 = tpu.memref_slice %dma_start3A_335[%add3A_310, %dma_start3A_336] : memref<160x128xi32, #tpu.memory_space<hbm>> -> memref<1x128xi32, #tpu.memory_space<hbm>>
        %dma_start3A_338 = tpu.memref_squeeze %dma_start3A_337 : memref<1x128xi32, #tpu.memory_space<hbm>> -> memref<128xi32, #tpu.memory_space<hbm>>
        tpu.enqueue_dma source(%dma_start3A_338 : memref<128xi32, #tpu.memory_space<hbm>>) target(%arg19 : memref<128xi32, #tpu.memory_space<vmem>>) target_semaphore(%arg36 : memref<!tpu.dma_semaphore, #tpu.memory_space<semaphore_mem>>)
      } else {
      }
      %add3A_185 = arith.constant 3 : i32
      %add3A_186 = arith.addi %add3A_170, %add3A_185 : i32
      %sub3A = arith.constant 1 : i32
      %sub3A_187 = arith.subi %add3A_186, %sub3A : i32
      %lt3A_188 = arith.constant 160 : i32
      %lt3A_189 = arith.cmpi slt, %sub3A_187, %lt3A_188 : i32
      %convert_element_type3A_190 = arith.extui %lt3A_189 : i1 to i32
      %cond3A_191 = arith.constant 0 : i32
      %cond3A_192 = arith.cmpi ne, %convert_element_type3A_190, %cond3A_191 : i32
      scf.if %cond3A_192 {
        %dma_wait3A_309 = arith.constant 0 : i32
        %dma_wait3A_310 = arith.constant 0 : i32
        %dma_wait3A_311 = arith.constant 0 : i32
        %dma_wait3A_312 = tpu.memref_slice %arg3[%arg1, %dma_wait3A_310, %dma_wait3A_311] : memref<16x160x128xi32, #tpu.memory_space<hbm>> -> memref<1x160x128xi32, #tpu.memory_space<hbm>>
        %dma_wait3A_313 = tpu.memref_squeeze %dma_wait3A_312 : memref<1x160x128xi32, #tpu.memory_space<hbm>> -> memref<160x128xi32, #tpu.memory_space<hbm>>
        %dma_wait3A_314 = arith.constant 0 : i32
        %dma_wait3A_315 = tpu.memref_slice %dma_wait3A_313[%dma_wait3A_309, %dma_wait3A_314] : memref<160x128xi32, #tpu.memory_space<hbm>> -> memref<1x128xi32, #tpu.memory_space<hbm>>
        %dma_wait3A_316 = tpu.memref_squeeze %dma_wait3A_315 : memref<1x128xi32, #tpu.memory_space<hbm>> -> memref<128xi32, #tpu.memory_space<hbm>>
        %dma_wait3A_317 = arith.constant 0 : i32
        %dma_wait3A_318 = arith.constant 0 : i32
        %dma_wait3A_319 = tpu.memref_slice %arg3[%arg1, %dma_wait3A_317, %dma_wait3A_318] : memref<16x160x128xi32, #tpu.memory_space<hbm>> -> memref<1x160x128xi32, #tpu.memory_space<hbm>>
        %dma_wait3A_320 = tpu.memref_squeeze %dma_wait3A_319 : memref<1x160x128xi32, #tpu.memory_space<hbm>> -> memref<160x128xi32, #tpu.memory_space<hbm>>
        %dma_wait3A_321 = arith.constant 0 : i32
        %dma_wait3A_322 = tpu.memref_slice %dma_wait3A_320[%dma_wait3A_309, %dma_wait3A_321] : memref<160x128xi32, #tpu.memory_space<hbm>> -> memref<1x128xi32, #tpu.memory_space<hbm>>
        %dma_wait3A_323 = tpu.memref_squeeze %dma_wait3A_322 : memref<1x128xi32, #tpu.memory_space<hbm>> -> memref<128xi32, #tpu.memory_space<hbm>>
        tpu.wait_dma2 semaphore(%arg35 : memref<!tpu.dma_semaphore, #tpu.memory_space<semaphore_mem>>) src(%dma_wait3A_323 : memref<128xi32, #tpu.memory_space<hbm>>) dst(%arg13 : memref<128xi32, #tpu.memory_space<vmem>>)
        %dma_wait3A_324 = arith.constant 0 : i32
        %dma_wait3A_325 = arith.constant 0 : i32
        %dma_wait3A_326 = arith.constant 0 : i32
        %dma_wait3A_327 = tpu.memref_slice %arg4[%arg1, %dma_wait3A_325, %dma_wait3A_326] : memref<16x160x128xi32, #tpu.memory_space<hbm>> -> memref<1x160x128xi32, #tpu.memory_space<hbm>>
        %dma_wait3A_328 = tpu.memref_squeeze %dma_wait3A_327 : memref<1x160x128xi32, #tpu.memory_space<hbm>> -> memref<160x128xi32, #tpu.memory_space<hbm>>
        %dma_wait3A_329 = arith.constant 0 : i32
        %dma_wait3A_330 = tpu.memref_slice %dma_wait3A_328[%dma_wait3A_324, %dma_wait3A_329] : memref<160x128xi32, #tpu.memory_space<hbm>> -> memref<1x128xi32, #tpu.memory_space<hbm>>
        %dma_wait3A_331 = tpu.memref_squeeze %dma_wait3A_330 : memref<1x128xi32, #tpu.memory_space<hbm>> -> memref<128xi32, #tpu.memory_space<hbm>>
        %dma_wait3A_332 = arith.constant 0 : i32
        %dma_wait3A_333 = arith.constant 0 : i32
        %dma_wait3A_334 = tpu.memref_slice %arg4[%arg1, %dma_wait3A_332, %dma_wait3A_333] : memref<16x160x128xi32, #tpu.memory_space<hbm>> -> memref<1x160x128xi32, #tpu.memory_space<hbm>>
        %dma_wait3A_335 = tpu.memref_squeeze %dma_wait3A_334 : memref<1x160x128xi32, #tpu.memory_space<hbm>> -> memref<160x128xi32, #tpu.memory_space<hbm>>
        %dma_wait3A_336 = arith.constant 0 : i32
        %dma_wait3A_337 = tpu.memref_slice %dma_wait3A_335[%dma_wait3A_324, %dma_wait3A_336] : memref<160x128xi32, #tpu.memory_space<hbm>> -> memref<1x128xi32, #tpu.memory_space<hbm>>
        %dma_wait3A_338 = tpu.memref_squeeze %dma_wait3A_337 : memref<1x128xi32, #tpu.memory_space<hbm>> -> memref<128xi32, #tpu.memory_space<hbm>>
        tpu.wait_dma2 semaphore(%arg35 : memref<!tpu.dma_semaphore, #tpu.memory_space<semaphore_mem>>) src(%dma_wait3A_338 : memref<128xi32, #tpu.memory_space<hbm>>) dst(%arg18 : memref<128xi32, #tpu.memory_space<vmem>>)
        %add3A_339 = arith.constant 3 : i32
        %add3A_340 = arith.addi %add3A_170, %add3A_339 : i32
        %sub3A_341 = arith.constant 1 : i32
        %sub3A_342 = arith.subi %add3A_340, %sub3A_341 : i32
        %dma_start3A_343 = arith.constant 0 : i32
        %dma_start3A_344 = arith.constant 0 : i32
        %dma_start3A_345 = tpu.memref_slice %arg22[%dma_start3A_343, %dma_start3A_344] : memref<10240x64xf32, #tpu.memory_space<vmem_shared>> -> memref<10240x64xf32, #tpu.memory_space<vmem_shared>>
        tpu.enqueue_indirect_dma source(%dma_start3A_345 : memref<10240x64xf32, #tpu.memory_space<vmem_shared>>) target(%arg8 : memref<128x64xf32, #tpu.memory_space<vmem>>) offsets(%arg13 : memref<128xi32, #tpu.memory_space<vmem>>) semaphore(%arg25 : memref<!tpu.dma_semaphore, #tpu.memory_space<semaphore_mem>>)
      } else {
      }
      %add3A_193 = arith.constant 1 : i32
      %add3A_194 = arith.addi %mul3A_169, %add3A_193 : i32
      %dma_wait3A_195 = arith.constant 0 : i32
      %dma_wait3A_196 = arith.constant 0 : i32
      %dma_wait3A_197 = tpu.memref_slice %arg22[%dma_wait3A_195, %dma_wait3A_196] : memref<10240x64xf32, #tpu.memory_space<vmem_shared>> -> memref<10240x64xf32, #tpu.memory_space<vmem_shared>>
      tpu.wait_indirect_dma semaphore(%arg24 : memref<!tpu.dma_semaphore, #tpu.memory_space<semaphore_mem>>) src(%dma_wait3A_197 : memref<10240x64xf32, #tpu.memory_space<vmem_shared>>) dst(%arg7 : memref<128x64xf32, #tpu.memory_space<vmem>>)
      %dma_start3A_198 = arith.constant 0 : i32
      %dma_start3A_199 = arith.constant 0 : i32
      %dma_start3A_200 = tpu.memref_slice %arg21[%dma_start3A_198, %dma_start3A_199] : memref<10240x64xf32, #tpu.memory_space<vmem_shared>> -> memref<10240x64xf32, #tpu.memory_space<vmem_shared>>
      tpu.enqueue_indirect_dma source(%arg7 : memref<128x64xf32, #tpu.memory_space<vmem>>) target(%dma_start3A_200 : memref<10240x64xf32, #tpu.memory_space<vmem_shared>>) offsets(%arg17 : memref<128xi32, #tpu.memory_space<vmem>>) semaphore(%arg29 : memref<!tpu.dma_semaphore, #tpu.memory_space<semaphore_mem>>) {add = true}
      %ge3A_201 = arith.constant 2 : i32
      %ge3A_202 = arith.cmpi sge, %add3A_194, %ge3A_201 : i32
      %convert_element_type3A_203 = arith.extui %ge3A_202 : i1 to i32
      %cond3A_204 = arith.constant 0 : i32
      %cond3A_205 = arith.cmpi ne, %convert_element_type3A_203, %cond3A_204 : i32
      scf.if %cond3A_205 {
        %dma_wait3A_309 = arith.constant 0 : i32
        %dma_wait3A_310 = arith.constant 0 : i32
        %dma_wait3A_311 = tpu.memref_slice %arg21[%dma_wait3A_309, %dma_wait3A_310] : memref<10240x64xf32, #tpu.memory_space<vmem_shared>> -> memref<10240x64xf32, #tpu.memory_space<vmem_shared>>
        tpu.wait_indirect_dma semaphore(%arg32 : memref<!tpu.dma_semaphore, #tpu.memory_space<semaphore_mem>>) src(%arg10 : memref<128x64xf32, #tpu.memory_space<vmem>>) dst(%dma_wait3A_311 : memref<10240x64xf32, #tpu.memory_space<vmem_shared>>)
      } else {
      }
      %add3A_206 = arith.constant 3 : i32
      %add3A_207 = arith.addi %add3A_194, %add3A_206 : i32
      %lt3A_208 = arith.constant 160 : i32
      %lt3A_209 = arith.cmpi slt, %add3A_207, %lt3A_208 : i32
      %convert_element_type3A_210 = arith.extui %lt3A_209 : i1 to i32
      %cond3A_211 = arith.constant 0 : i32
      %cond3A_212 = arith.cmpi ne, %convert_element_type3A_210, %cond3A_211 : i32
      scf.if %cond3A_212 {
        %add3A_309 = arith.constant 3 : i32
        %add3A_310 = arith.addi %add3A_194, %add3A_309 : i32
        %dma_start3A_311 = arith.constant 0 : i32
        %dma_start3A_312 = arith.constant 0 : i32
        %dma_start3A_313 = tpu.memref_slice %arg3[%arg1, %dma_start3A_311, %dma_start3A_312] : memref<16x160x128xi32, #tpu.memory_space<hbm>> -> memref<1x160x128xi32, #tpu.memory_space<hbm>>
        %dma_start3A_314 = tpu.memref_squeeze %dma_start3A_313 : memref<1x160x128xi32, #tpu.memory_space<hbm>> -> memref<160x128xi32, #tpu.memory_space<hbm>>
        %dma_start3A_315 = arith.constant 0 : i32
        %dma_start3A_316 = tpu.memref_slice %dma_start3A_314[%add3A_310, %dma_start3A_315] : memref<160x128xi32, #tpu.memory_space<hbm>> -> memref<1x128xi32, #tpu.memory_space<hbm>>
        %dma_start3A_317 = tpu.memref_squeeze %dma_start3A_316 : memref<1x128xi32, #tpu.memory_space<hbm>> -> memref<128xi32, #tpu.memory_space<hbm>>
        %dma_start3A_318 = arith.constant 0 : i32
        %dma_start3A_319 = arith.constant 0 : i32
        %dma_start3A_320 = tpu.memref_slice %arg3[%arg1, %dma_start3A_318, %dma_start3A_319] : memref<16x160x128xi32, #tpu.memory_space<hbm>> -> memref<1x160x128xi32, #tpu.memory_space<hbm>>
        %dma_start3A_321 = tpu.memref_squeeze %dma_start3A_320 : memref<1x160x128xi32, #tpu.memory_space<hbm>> -> memref<160x128xi32, #tpu.memory_space<hbm>>
        %dma_start3A_322 = arith.constant 0 : i32
        %dma_start3A_323 = tpu.memref_slice %dma_start3A_321[%add3A_310, %dma_start3A_322] : memref<160x128xi32, #tpu.memory_space<hbm>> -> memref<1x128xi32, #tpu.memory_space<hbm>>
        %dma_start3A_324 = tpu.memref_squeeze %dma_start3A_323 : memref<1x128xi32, #tpu.memory_space<hbm>> -> memref<128xi32, #tpu.memory_space<hbm>>
        tpu.enqueue_dma source(%dma_start3A_324 : memref<128xi32, #tpu.memory_space<hbm>>) target(%arg15 : memref<128xi32, #tpu.memory_space<vmem>>) target_semaphore(%arg37 : memref<!tpu.dma_semaphore, #tpu.memory_space<semaphore_mem>>)
        %dma_start3A_325 = arith.constant 0 : i32
        %dma_start3A_326 = arith.constant 0 : i32
        %dma_start3A_327 = tpu.memref_slice %arg4[%arg1, %dma_start3A_325, %dma_start3A_326] : memref<16x160x128xi32, #tpu.memory_space<hbm>> -> memref<1x160x128xi32, #tpu.memory_space<hbm>>
        %dma_start3A_328 = tpu.memref_squeeze %dma_start3A_327 : memref<1x160x128xi32, #tpu.memory_space<hbm>> -> memref<160x128xi32, #tpu.memory_space<hbm>>
        %dma_start3A_329 = arith.constant 0 : i32
        %dma_start3A_330 = tpu.memref_slice %dma_start3A_328[%add3A_310, %dma_start3A_329] : memref<160x128xi32, #tpu.memory_space<hbm>> -> memref<1x128xi32, #tpu.memory_space<hbm>>
        %dma_start3A_331 = tpu.memref_squeeze %dma_start3A_330 : memref<1x128xi32, #tpu.memory_space<hbm>> -> memref<128xi32, #tpu.memory_space<hbm>>
        %dma_start3A_332 = arith.constant 0 : i32
        %dma_start3A_333 = arith.constant 0 : i32
        %dma_start3A_334 = tpu.memref_slice %arg4[%arg1, %dma_start3A_332, %dma_start3A_333] : memref<16x160x128xi32, #tpu.memory_space<hbm>> -> memref<1x160x128xi32, #tpu.memory_space<hbm>>
        %dma_start3A_335 = tpu.memref_squeeze %dma_start3A_334 : memref<1x160x128xi32, #tpu.memory_space<hbm>> -> memref<160x128xi32, #tpu.memory_space<hbm>>
        %dma_start3A_336 = arith.constant 0 : i32
        %dma_start3A_337 = tpu.memref_slice %dma_start3A_335[%add3A_310, %dma_start3A_336] : memref<160x128xi32, #tpu.memory_space<hbm>> -> memref<1x128xi32, #tpu.memory_space<hbm>>
        %dma_start3A_338 = tpu.memref_squeeze %dma_start3A_337 : memref<1x128xi32, #tpu.memory_space<hbm>> -> memref<128xi32, #tpu.memory_space<hbm>>
        tpu.enqueue_dma source(%dma_start3A_338 : memref<128xi32, #tpu.memory_space<hbm>>) target(%arg20 : memref<128xi32, #tpu.memory_space<vmem>>) target_semaphore(%arg37 : memref<!tpu.dma_semaphore, #tpu.memory_space<semaphore_mem>>)
      } else {
      }
      %add3A_213 = arith.constant 3 : i32
      %add3A_214 = arith.addi %add3A_194, %add3A_213 : i32
      %sub3A_215 = arith.constant 1 : i32
      %sub3A_216 = arith.subi %add3A_214, %sub3A_215 : i32
      %lt3A_217 = arith.constant 160 : i32
      %lt3A_218 = arith.cmpi slt, %sub3A_216, %lt3A_217 : i32
      %convert_element_type3A_219 = arith.extui %lt3A_218 : i1 to i32
      %cond3A_220 = arith.constant 0 : i32
      %cond3A_221 = arith.cmpi ne, %convert_element_type3A_219, %cond3A_220 : i32
      scf.if %cond3A_221 {
        %dma_wait3A_309 = arith.constant 0 : i32
        %dma_wait3A_310 = arith.constant 0 : i32
        %dma_wait3A_311 = arith.constant 0 : i32
        %dma_wait3A_312 = tpu.memref_slice %arg3[%arg1, %dma_wait3A_310, %dma_wait3A_311] : memref<16x160x128xi32, #tpu.memory_space<hbm>> -> memref<1x160x128xi32, #tpu.memory_space<hbm>>
        %dma_wait3A_313 = tpu.memref_squeeze %dma_wait3A_312 : memref<1x160x128xi32, #tpu.memory_space<hbm>> -> memref<160x128xi32, #tpu.memory_space<hbm>>
        %dma_wait3A_314 = arith.constant 0 : i32
        %dma_wait3A_315 = tpu.memref_slice %dma_wait3A_313[%dma_wait3A_309, %dma_wait3A_314] : memref<160x128xi32, #tpu.memory_space<hbm>> -> memref<1x128xi32, #tpu.memory_space<hbm>>
        %dma_wait3A_316 = tpu.memref_squeeze %dma_wait3A_315 : memref<1x128xi32, #tpu.memory_space<hbm>> -> memref<128xi32, #tpu.memory_space<hbm>>
        %dma_wait3A_317 = arith.constant 0 : i32
        %dma_wait3A_318 = arith.constant 0 : i32
        %dma_wait3A_319 = tpu.memref_slice %arg3[%arg1, %dma_wait3A_317, %dma_wait3A_318] : memref<16x160x128xi32, #tpu.memory_space<hbm>> -> memref<1x160x128xi32, #tpu.memory_space<hbm>>
        %dma_wait3A_320 = tpu.memref_squeeze %dma_wait3A_319 : memref<1x160x128xi32, #tpu.memory_space<hbm>> -> memref<160x128xi32, #tpu.memory_space<hbm>>
        %dma_wait3A_321 = arith.constant 0 : i32
        %dma_wait3A_322 = tpu.memref_slice %dma_wait3A_320[%dma_wait3A_309, %dma_wait3A_321] : memref<160x128xi32, #tpu.memory_space<hbm>> -> memref<1x128xi32, #tpu.memory_space<hbm>>
        %dma_wait3A_323 = tpu.memref_squeeze %dma_wait3A_322 : memref<1x128xi32, #tpu.memory_space<hbm>> -> memref<128xi32, #tpu.memory_space<hbm>>
        tpu.wait_dma2 semaphore(%arg36 : memref<!tpu.dma_semaphore, #tpu.memory_space<semaphore_mem>>) src(%dma_wait3A_323 : memref<128xi32, #tpu.memory_space<hbm>>) dst(%arg14 : memref<128xi32, #tpu.memory_space<vmem>>)
        %dma_wait3A_324 = arith.constant 0 : i32
        %dma_wait3A_325 = arith.constant 0 : i32
        %dma_wait3A_326 = arith.constant 0 : i32
        %dma_wait3A_327 = tpu.memref_slice %arg4[%arg1, %dma_wait3A_325, %dma_wait3A_326] : memref<16x160x128xi32, #tpu.memory_space<hbm>> -> memref<1x160x128xi32, #tpu.memory_space<hbm>>
        %dma_wait3A_328 = tpu.memref_squeeze %dma_wait3A_327 : memref<1x160x128xi32, #tpu.memory_space<hbm>> -> memref<160x128xi32, #tpu.memory_space<hbm>>
        %dma_wait3A_329 = arith.constant 0 : i32
        %dma_wait3A_330 = tpu.memref_slice %dma_wait3A_328[%dma_wait3A_324, %dma_wait3A_329] : memref<160x128xi32, #tpu.memory_space<hbm>> -> memref<1x128xi32, #tpu.memory_space<hbm>>
        %dma_wait3A_331 = tpu.memref_squeeze %dma_wait3A_330 : memref<1x128xi32, #tpu.memory_space<hbm>> -> memref<128xi32, #tpu.memory_space<hbm>>
        %dma_wait3A_332 = arith.constant 0 : i32
        %dma_wait3A_333 = arith.constant 0 : i32
        %dma_wait3A_334 = tpu.memref_slice %arg4[%arg1, %dma_wait3A_332, %dma_wait3A_333] : memref<16x160x128xi32, #tpu.memory_space<hbm>> -> memref<1x160x128xi32, #tpu.memory_space<hbm>>
        %dma_wait3A_335 = tpu.memref_squeeze %dma_wait3A_334 : memref<1x160x128xi32, #tpu.memory_space<hbm>> -> memref<160x128xi32, #tpu.memory_space<hbm>>
        %dma_wait3A_336 = arith.constant 0 : i32
        %dma_wait3A_337 = tpu.memref_slice %dma_wait3A_335[%dma_wait3A_324, %dma_wait3A_336] : memref<160x128xi32, #tpu.memory_space<hbm>> -> memref<1x128xi32, #tpu.memory_space<hbm>>
        %dma_wait3A_338 = tpu.memref_squeeze %dma_wait3A_337 : memref<1x128xi32, #tpu.memory_space<hbm>> -> memref<128xi32, #tpu.memory_space<hbm>>
        tpu.wait_dma2 semaphore(%arg36 : memref<!tpu.dma_semaphore, #tpu.memory_space<semaphore_mem>>) src(%dma_wait3A_338 : memref<128xi32, #tpu.memory_space<hbm>>) dst(%arg19 : memref<128xi32, #tpu.memory_space<vmem>>)
        %add3A_339 = arith.constant 3 : i32
        %add3A_340 = arith.addi %add3A_194, %add3A_339 : i32
        %sub3A_341 = arith.constant 1 : i32
        %sub3A_342 = arith.subi %add3A_340, %sub3A_341 : i32
        %dma_start3A_343 = arith.constant 0 : i32
        %dma_start3A_344 = arith.constant 0 : i32
        %dma_start3A_345 = tpu.memref_slice %arg22[%dma_start3A_343, %dma_start3A_344] : memref<10240x64xf32, #tpu.memory_space<vmem_shared>> -> memref<10240x64xf32, #tpu.memory_space<vmem_shared>>
        tpu.enqueue_indirect_dma source(%dma_start3A_345 : memref<10240x64xf32, #tpu.memory_space<vmem_shared>>) target(%arg9 : memref<128x64xf32, #tpu.memory_space<vmem>>) offsets(%arg14 : memref<128xi32, #tpu.memory_space<vmem>>) semaphore(%arg26 : memref<!tpu.dma_semaphore, #tpu.memory_space<semaphore_mem>>)
      } else {
      }
      %add3A_222 = arith.constant 2 : i32
      %add3A_223 = arith.addi %mul3A_169, %add3A_222 : i32
      %dma_wait3A_224 = arith.constant 0 : i32
      %dma_wait3A_225 = arith.constant 0 : i32
      %dma_wait3A_226 = tpu.memref_slice %arg22[%dma_wait3A_224, %dma_wait3A_225] : memref<10240x64xf32, #tpu.memory_space<vmem_shared>> -> memref<10240x64xf32, #tpu.memory_space<vmem_shared>>
      tpu.wait_indirect_dma semaphore(%arg25 : memref<!tpu.dma_semaphore, #tpu.memory_space<semaphore_mem>>) src(%dma_wait3A_226 : memref<10240x64xf32, #tpu.memory_space<vmem_shared>>) dst(%arg8 : memref<128x64xf32, #tpu.memory_space<vmem>>)
      %dma_start3A_227 = arith.constant 0 : i32
      %dma_start3A_228 = arith.constant 0 : i32
      %dma_start3A_229 = tpu.memref_slice %arg21[%dma_start3A_227, %dma_start3A_228] : memref<10240x64xf32, #tpu.memory_space<vmem_shared>> -> memref<10240x64xf32, #tpu.memory_space<vmem_shared>>
      tpu.enqueue_indirect_dma source(%arg8 : memref<128x64xf32, #tpu.memory_space<vmem>>) target(%dma_start3A_229 : memref<10240x64xf32, #tpu.memory_space<vmem_shared>>) offsets(%arg18 : memref<128xi32, #tpu.memory_space<vmem>>) semaphore(%arg30 : memref<!tpu.dma_semaphore, #tpu.memory_space<semaphore_mem>>) {add = true}
      %ge3A_230 = arith.constant 2 : i32
      %ge3A_231 = arith.cmpi sge, %add3A_223, %ge3A_230 : i32
      %convert_element_type3A_232 = arith.extui %ge3A_231 : i1 to i32
      %cond3A_233 = arith.constant 0 : i32
      %cond3A_234 = arith.cmpi ne, %convert_element_type3A_232, %cond3A_233 : i32
      scf.if %cond3A_234 {
        %dma_wait3A_309 = arith.constant 0 : i32
        %dma_wait3A_310 = arith.constant 0 : i32
        %dma_wait3A_311 = tpu.memref_slice %arg21[%dma_wait3A_309, %dma_wait3A_310] : memref<10240x64xf32, #tpu.memory_space<vmem_shared>> -> memref<10240x64xf32, #tpu.memory_space<vmem_shared>>
        tpu.wait_indirect_dma semaphore(%arg28 : memref<!tpu.dma_semaphore, #tpu.memory_space<semaphore_mem>>) src(%arg6 : memref<128x64xf32, #tpu.memory_space<vmem>>) dst(%dma_wait3A_311 : memref<10240x64xf32, #tpu.memory_space<vmem_shared>>)
      } else {
      }
      %add3A_235 = arith.constant 3 : i32
      %add3A_236 = arith.addi %add3A_223, %add3A_235 : i32
      %lt3A_237 = arith.constant 160 : i32
      %lt3A_238 = arith.cmpi slt, %add3A_236, %lt3A_237 : i32
      %convert_element_type3A_239 = arith.extui %lt3A_238 : i1 to i32
      %cond3A_240 = arith.constant 0 : i32
      %cond3A_241 = arith.cmpi ne, %convert_element_type3A_239, %cond3A_240 : i32
      scf.if %cond3A_241 {
        %add3A_309 = arith.constant 3 : i32
        %add3A_310 = arith.addi %add3A_223, %add3A_309 : i32
        %dma_start3A_311 = arith.constant 0 : i32
        %dma_start3A_312 = arith.constant 0 : i32
        %dma_start3A_313 = tpu.memref_slice %arg3[%arg1, %dma_start3A_311, %dma_start3A_312] : memref<16x160x128xi32, #tpu.memory_space<hbm>> -> memref<1x160x128xi32, #tpu.memory_space<hbm>>
        %dma_start3A_314 = tpu.memref_squeeze %dma_start3A_313 : memref<1x160x128xi32, #tpu.memory_space<hbm>> -> memref<160x128xi32, #tpu.memory_space<hbm>>
        %dma_start3A_315 = arith.constant 0 : i32
        %dma_start3A_316 = tpu.memref_slice %dma_start3A_314[%add3A_310, %dma_start3A_315] : memref<160x128xi32, #tpu.memory_space<hbm>> -> memref<1x128xi32, #tpu.memory_space<hbm>>
        %dma_start3A_317 = tpu.memref_squeeze %dma_start3A_316 : memref<1x128xi32, #tpu.memory_space<hbm>> -> memref<128xi32, #tpu.memory_space<hbm>>
        %dma_start3A_318 = arith.constant 0 : i32
        %dma_start3A_319 = arith.constant 0 : i32
        %dma_start3A_320 = tpu.memref_slice %arg3[%arg1, %dma_start3A_318, %dma_start3A_319] : memref<16x160x128xi32, #tpu.memory_space<hbm>> -> memref<1x160x128xi32, #tpu.memory_space<hbm>>
        %dma_start3A_321 = tpu.memref_squeeze %dma_start3A_320 : memref<1x160x128xi32, #tpu.memory_space<hbm>> -> memref<160x128xi32, #tpu.memory_space<hbm>>
        %dma_start3A_322 = arith.constant 0 : i32
        %dma_start3A_323 = tpu.memref_slice %dma_start3A_321[%add3A_310, %dma_start3A_322] : memref<160x128xi32, #tpu.memory_space<hbm>> -> memref<1x128xi32, #tpu.memory_space<hbm>>
        %dma_start3A_324 = tpu.memref_squeeze %dma_start3A_323 : memref<1x128xi32, #tpu.memory_space<hbm>> -> memref<128xi32, #tpu.memory_space<hbm>>
        tpu.enqueue_dma source(%dma_start3A_324 : memref<128xi32, #tpu.memory_space<hbm>>) target(%arg11 : memref<128xi32, #tpu.memory_space<vmem>>) target_semaphore(%arg33 : memref<!tpu.dma_semaphore, #tpu.memory_space<semaphore_mem>>)
        %dma_start3A_325 = arith.constant 0 : i32
        %dma_start3A_326 = arith.constant 0 : i32
        %dma_start3A_327 = tpu.memref_slice %arg4[%arg1, %dma_start3A_325, %dma_start3A_326] : memref<16x160x128xi32, #tpu.memory_space<hbm>> -> memref<1x160x128xi32, #tpu.memory_space<hbm>>
        %dma_start3A_328 = tpu.memref_squeeze %dma_start3A_327 : memref<1x160x128xi32, #tpu.memory_space<hbm>> -> memref<160x128xi32, #tpu.memory_space<hbm>>
        %dma_start3A_329 = arith.constant 0 : i32
        %dma_start3A_330 = tpu.memref_slice %dma_start3A_328[%add3A_310, %dma_start3A_329] : memref<160x128xi32, #tpu.memory_space<hbm>> -> memref<1x128xi32, #tpu.memory_space<hbm>>
        %dma_start3A_331 = tpu.memref_squeeze %dma_start3A_330 : memref<1x128xi32, #tpu.memory_space<hbm>> -> memref<128xi32, #tpu.memory_space<hbm>>
        %dma_start3A_332 = arith.constant 0 : i32
        %dma_start3A_333 = arith.constant 0 : i32
        %dma_start3A_334 = tpu.memref_slice %arg4[%arg1, %dma_start3A_332, %dma_start3A_333] : memref<16x160x128xi32, #tpu.memory_space<hbm>> -> memref<1x160x128xi32, #tpu.memory_space<hbm>>
        %dma_start3A_335 = tpu.memref_squeeze %dma_start3A_334 : memref<1x160x128xi32, #tpu.memory_space<hbm>> -> memref<160x128xi32, #tpu.memory_space<hbm>>
        %dma_start3A_336 = arith.constant 0 : i32
        %dma_start3A_337 = tpu.memref_slice %dma_start3A_335[%add3A_310, %dma_start3A_336] : memref<160x128xi32, #tpu.memory_space<hbm>> -> memref<1x128xi32, #tpu.memory_space<hbm>>
        %dma_start3A_338 = tpu.memref_squeeze %dma_start3A_337 : memref<1x128xi32, #tpu.memory_space<hbm>> -> memref<128xi32, #tpu.memory_space<hbm>>
        tpu.enqueue_dma source(%dma_start3A_338 : memref<128xi32, #tpu.memory_space<hbm>>) target(%arg16 : memref<128xi32, #tpu.memory_space<vmem>>) target_semaphore(%arg33 : memref<!tpu.dma_semaphore, #tpu.memory_space<semaphore_mem>>)
      } else {
      }
      %add3A_242 = arith.constant 3 : i32
      %add3A_243 = arith.addi %add3A_223, %add3A_242 : i32
      %sub3A_244 = arith.constant 1 : i32
      %sub3A_245 = arith.subi %add3A_243, %sub3A_244 : i32
      %lt3A_246 = arith.constant 160 : i32
      %lt3A_247 = arith.cmpi slt, %sub3A_245, %lt3A_246 : i32
      %convert_element_type3A_248 = arith.extui %lt3A_247 : i1 to i32
      %cond3A_249 = arith.constant 0 : i32
      %cond3A_250 = arith.cmpi ne, %convert_element_type3A_248, %cond3A_249 : i32
      scf.if %cond3A_250 {
        %dma_wait3A_309 = arith.constant 0 : i32
        %dma_wait3A_310 = arith.constant 0 : i32
        %dma_wait3A_311 = arith.constant 0 : i32
        %dma_wait3A_312 = tpu.memref_slice %arg3[%arg1, %dma_wait3A_310, %dma_wait3A_311] : memref<16x160x128xi32, #tpu.memory_space<hbm>> -> memref<1x160x128xi32, #tpu.memory_space<hbm>>
        %dma_wait3A_313 = tpu.memref_squeeze %dma_wait3A_312 : memref<1x160x128xi32, #tpu.memory_space<hbm>> -> memref<160x128xi32, #tpu.memory_space<hbm>>
        %dma_wait3A_314 = arith.constant 0 : i32
        %dma_wait3A_315 = tpu.memref_slice %dma_wait3A_313[%dma_wait3A_309, %dma_wait3A_314] : memref<160x128xi32, #tpu.memory_space<hbm>> -> memref<1x128xi32, #tpu.memory_space<hbm>>
        %dma_wait3A_316 = tpu.memref_squeeze %dma_wait3A_315 : memref<1x128xi32, #tpu.memory_space<hbm>> -> memref<128xi32, #tpu.memory_space<hbm>>
        %dma_wait3A_317 = arith.constant 0 : i32
        %dma_wait3A_318 = arith.constant 0 : i32
        %dma_wait3A_319 = tpu.memref_slice %arg3[%arg1, %dma_wait3A_317, %dma_wait3A_318] : memref<16x160x128xi32, #tpu.memory_space<hbm>> -> memref<1x160x128xi32, #tpu.memory_space<hbm>>
        %dma_wait3A_320 = tpu.memref_squeeze %dma_wait3A_319 : memref<1x160x128xi32, #tpu.memory_space<hbm>> -> memref<160x128xi32, #tpu.memory_space<hbm>>
        %dma_wait3A_321 = arith.constant 0 : i32
        %dma_wait3A_322 = tpu.memref_slice %dma_wait3A_320[%dma_wait3A_309, %dma_wait3A_321] : memref<160x128xi32, #tpu.memory_space<hbm>> -> memref<1x128xi32, #tpu.memory_space<hbm>>
        %dma_wait3A_323 = tpu.memref_squeeze %dma_wait3A_322 : memref<1x128xi32, #tpu.memory_space<hbm>> -> memref<128xi32, #tpu.memory_space<hbm>>
        tpu.wait_dma2 semaphore(%arg37 : memref<!tpu.dma_semaphore, #tpu.memory_space<semaphore_mem>>) src(%dma_wait3A_323 : memref<128xi32, #tpu.memory_space<hbm>>) dst(%arg15 : memref<128xi32, #tpu.memory_space<vmem>>)
        %dma_wait3A_324 = arith.constant 0 : i32
        %dma_wait3A_325 = arith.constant 0 : i32
        %dma_wait3A_326 = arith.constant 0 : i32
        %dma_wait3A_327 = tpu.memref_slice %arg4[%arg1, %dma_wait3A_325, %dma_wait3A_326] : memref<16x160x128xi32, #tpu.memory_space<hbm>> -> memref<1x160x128xi32, #tpu.memory_space<hbm>>
        %dma_wait3A_328 = tpu.memref_squeeze %dma_wait3A_327 : memref<1x160x128xi32, #tpu.memory_space<hbm>> -> memref<160x128xi32, #tpu.memory_space<hbm>>
        %dma_wait3A_329 = arith.constant 0 : i32
        %dma_wait3A_330 = tpu.memref_slice %dma_wait3A_328[%dma_wait3A_324, %dma_wait3A_329] : memref<160x128xi32, #tpu.memory_space<hbm>> -> memref<1x128xi32, #tpu.memory_space<hbm>>
        %dma_wait3A_331 = tpu.memref_squeeze %dma_wait3A_330 : memref<1x128xi32, #tpu.memory_space<hbm>> -> memref<128xi32, #tpu.memory_space<hbm>>
        %dma_wait3A_332 = arith.constant 0 : i32
        %dma_wait3A_333 = arith.constant 0 : i32
        %dma_wait3A_334 = tpu.memref_slice %arg4[%arg1, %dma_wait3A_332, %dma_wait3A_333] : memref<16x160x128xi32, #tpu.memory_space<hbm>> -> memref<1x160x128xi32, #tpu.memory_space<hbm>>
        %dma_wait3A_335 = tpu.memref_squeeze %dma_wait3A_334 : memref<1x160x128xi32, #tpu.memory_space<hbm>> -> memref<160x128xi32, #tpu.memory_space<hbm>>
        %dma_wait3A_336 = arith.constant 0 : i32
        %dma_wait3A_337 = tpu.memref_slice %dma_wait3A_335[%dma_wait3A_324, %dma_wait3A_336] : memref<160x128xi32, #tpu.memory_space<hbm>> -> memref<1x128xi32, #tpu.memory_space<hbm>>
        %dma_wait3A_338 = tpu.memref_squeeze %dma_wait3A_337 : memref<1x128xi32, #tpu.memory_space<hbm>> -> memref<128xi32, #tpu.memory_space<hbm>>
        tpu.wait_dma2 semaphore(%arg37 : memref<!tpu.dma_semaphore, #tpu.memory_space<semaphore_mem>>) src(%dma_wait3A_338 : memref<128xi32, #tpu.memory_space<hbm>>) dst(%arg20 : memref<128xi32, #tpu.memory_space<vmem>>)
        %add3A_339 = arith.constant 3 : i32
        %add3A_340 = arith.addi %add3A_223, %add3A_339 : i32
        %sub3A_341 = arith.constant 1 : i32
        %sub3A_342 = arith.subi %add3A_340, %sub3A_341 : i32
        %dma_start3A_343 = arith.constant 0 : i32
        %dma_start3A_344 = arith.constant 0 : i32
        %dma_start3A_345 = tpu.memref_slice %arg22[%dma_start3A_343, %dma_start3A_344] : memref<10240x64xf32, #tpu.memory_space<vmem_shared>> -> memref<10240x64xf32, #tpu.memory_space<vmem_shared>>
        tpu.enqueue_indirect_dma source(%dma_start3A_345 : memref<10240x64xf32, #tpu.memory_space<vmem_shared>>) target(%arg10 : memref<128x64xf32, #tpu.memory_space<vmem>>) offsets(%arg15 : memref<128xi32, #tpu.memory_space<vmem>>) semaphore(%arg27 : memref<!tpu.dma_semaphore, #tpu.memory_space<semaphore_mem>>)
      } else {
      }
      %add3A_251 = arith.constant 3 : i32
      %add3A_252 = arith.addi %mul3A_169, %add3A_251 : i32
      %dma_wait3A_253 = arith.constant 0 : i32
      %dma_wait3A_254 = arith.constant 0 : i32
      %dma_wait3A_255 = tpu.memref_slice %arg22[%dma_wait3A_253, %dma_wait3A_254] : memref<10240x64xf32, #tpu.memory_space<vmem_shared>> -> memref<10240x64xf32, #tpu.memory_space<vmem_shared>>
      tpu.wait_indirect_dma semaphore(%arg26 : memref<!tpu.dma_semaphore, #tpu.memory_space<semaphore_mem>>) src(%dma_wait3A_255 : memref<10240x64xf32, #tpu.memory_space<vmem_shared>>) dst(%arg9 : memref<128x64xf32, #tpu.memory_space<vmem>>)
      %dma_start3A_256 = arith.constant 0 : i32
      %dma_start3A_257 = arith.constant 0 : i32
      %dma_start3A_258 = tpu.memref_slice %arg21[%dma_start3A_256, %dma_start3A_257] : memref<10240x64xf32, #tpu.memory_space<vmem_shared>> -> memref<10240x64xf32, #tpu.memory_space<vmem_shared>>
      tpu.enqueue_indirect_dma source(%arg9 : memref<128x64xf32, #tpu.memory_space<vmem>>) target(%dma_start3A_258 : memref<10240x64xf32, #tpu.memory_space<vmem_shared>>) offsets(%arg19 : memref<128xi32, #tpu.memory_space<vmem>>) semaphore(%arg31 : memref<!tpu.dma_semaphore, #tpu.memory_space<semaphore_mem>>) {add = true}
      %ge3A_259 = arith.constant 2 : i32
      %ge3A_260 = arith.cmpi sge, %add3A_252, %ge3A_259 : i32
      %convert_element_type3A_261 = arith.extui %ge3A_260 : i1 to i32
      %cond3A_262 = arith.constant 0 : i32
      %cond3A_263 = arith.cmpi ne, %convert_element_type3A_261, %cond3A_262 : i32
      scf.if %cond3A_263 {
        %dma_wait3A_309 = arith.constant 0 : i32
        %dma_wait3A_310 = arith.constant 0 : i32
        %dma_wait3A_311 = tpu.memref_slice %arg21[%dma_wait3A_309, %dma_wait3A_310] : memref<10240x64xf32, #tpu.memory_space<vmem_shared>> -> memref<10240x64xf32, #tpu.memory_space<vmem_shared>>
        tpu.wait_indirect_dma semaphore(%arg29 : memref<!tpu.dma_semaphore, #tpu.memory_space<semaphore_mem>>) src(%arg7 : memref<128x64xf32, #tpu.memory_space<vmem>>) dst(%dma_wait3A_311 : memref<10240x64xf32, #tpu.memory_space<vmem_shared>>)
      } else {
      }
      %add3A_264 = arith.constant 3 : i32
      %add3A_265 = arith.addi %add3A_252, %add3A_264 : i32
      %lt3A_266 = arith.constant 160 : i32
      %lt3A_267 = arith.cmpi slt, %add3A_265, %lt3A_266 : i32
      %convert_element_type3A_268 = arith.extui %lt3A_267 : i1 to i32
      %cond3A_269 = arith.constant 0 : i32
      %cond3A_270 = arith.cmpi ne, %convert_element_type3A_268, %cond3A_269 : i32
      scf.if %cond3A_270 {
        %add3A_309 = arith.constant 3 : i32
        %add3A_310 = arith.addi %add3A_252, %add3A_309 : i32
        %dma_start3A_311 = arith.constant 0 : i32
        %dma_start3A_312 = arith.constant 0 : i32
        %dma_start3A_313 = tpu.memref_slice %arg3[%arg1, %dma_start3A_311, %dma_start3A_312] : memref<16x160x128xi32, #tpu.memory_space<hbm>> -> memref<1x160x128xi32, #tpu.memory_space<hbm>>
        %dma_start3A_314 = tpu.memref_squeeze %dma_start3A_313 : memref<1x160x128xi32, #tpu.memory_space<hbm>> -> memref<160x128xi32, #tpu.memory_space<hbm>>
        %dma_start3A_315 = arith.constant 0 : i32
        %dma_start3A_316 = tpu.memref_slice %dma_start3A_314[%add3A_310, %dma_start3A_315] : memref<160x128xi32, #tpu.memory_space<hbm>> -> memref<1x128xi32, #tpu.memory_space<hbm>>
        %dma_start3A_317 = tpu.memref_squeeze %dma_start3A_316 : memref<1x128xi32, #tpu.memory_space<hbm>> -> memref<128xi32, #tpu.memory_space<hbm>>
        %dma_start3A_318 = arith.constant 0 : i32
        %dma_start3A_319 = arith.constant 0 : i32
        %dma_start3A_320 = tpu.memref_slice %arg3[%arg1, %dma_start3A_318, %dma_start3A_319] : memref<16x160x128xi32, #tpu.memory_space<hbm>> -> memref<1x160x128xi32, #tpu.memory_space<hbm>>
        %dma_start3A_321 = tpu.memref_squeeze %dma_start3A_320 : memref<1x160x128xi32, #tpu.memory_space<hbm>> -> memref<160x128xi32, #tpu.memory_space<hbm>>
        %dma_start3A_322 = arith.constant 0 : i32
        %dma_start3A_323 = tpu.memref_slice %dma_start3A_321[%add3A_310, %dma_start3A_322] : memref<160x128xi32, #tpu.memory_space<hbm>> -> memref<1x128xi32, #tpu.memory_space<hbm>>
        %dma_start3A_324 = tpu.memref_squeeze %dma_start3A_323 : memref<1x128xi32, #tpu.memory_space<hbm>> -> memref<128xi32, #tpu.memory_space<hbm>>
        tpu.enqueue_dma source(%dma_start3A_324 : memref<128xi32, #tpu.memory_space<hbm>>) target(%arg12 : memref<128xi32, #tpu.memory_space<vmem>>) target_semaphore(%arg34 : memref<!tpu.dma_semaphore, #tpu.memory_space<semaphore_mem>>)
        %dma_start3A_325 = arith.constant 0 : i32
        %dma_start3A_326 = arith.constant 0 : i32
        %dma_start3A_327 = tpu.memref_slice %arg4[%arg1, %dma_start3A_325, %dma_start3A_326] : memref<16x160x128xi32, #tpu.memory_space<hbm>> -> memref<1x160x128xi32, #tpu.memory_space<hbm>>
        %dma_start3A_328 = tpu.memref_squeeze %dma_start3A_327 : memref<1x160x128xi32, #tpu.memory_space<hbm>> -> memref<160x128xi32, #tpu.memory_space<hbm>>
        %dma_start3A_329 = arith.constant 0 : i32
        %dma_start3A_330 = tpu.memref_slice %dma_start3A_328[%add3A_310, %dma_start3A_329] : memref<160x128xi32, #tpu.memory_space<hbm>> -> memref<1x128xi32, #tpu.memory_space<hbm>>
        %dma_start3A_331 = tpu.memref_squeeze %dma_start3A_330 : memref<1x128xi32, #tpu.memory_space<hbm>> -> memref<128xi32, #tpu.memory_space<hbm>>
        %dma_start3A_332 = arith.constant 0 : i32
        %dma_start3A_333 = arith.constant 0 : i32
        %dma_start3A_334 = tpu.memref_slice %arg4[%arg1, %dma_start3A_332, %dma_start3A_333] : memref<16x160x128xi32, #tpu.memory_space<hbm>> -> memref<1x160x128xi32, #tpu.memory_space<hbm>>
        %dma_start3A_335 = tpu.memref_squeeze %dma_start3A_334 : memref<1x160x128xi32, #tpu.memory_space<hbm>> -> memref<160x128xi32, #tpu.memory_space<hbm>>
        %dma_start3A_336 = arith.constant 0 : i32
        %dma_start3A_337 = tpu.memref_slice %dma_start3A_335[%add3A_310, %dma_start3A_336] : memref<160x128xi32, #tpu.memory_space<hbm>> -> memref<1x128xi32, #tpu.memory_space<hbm>>
        %dma_start3A_338 = tpu.memref_squeeze %dma_start3A_337 : memref<1x128xi32, #tpu.memory_space<hbm>> -> memref<128xi32, #tpu.memory_space<hbm>>
        tpu.enqueue_dma source(%dma_start3A_338 : memref<128xi32, #tpu.memory_space<hbm>>) target(%arg17 : memref<128xi32, #tpu.memory_space<vmem>>) target_semaphore(%arg34 : memref<!tpu.dma_semaphore, #tpu.memory_space<semaphore_mem>>)
      } else {
      }
      %add3A_271 = arith.constant 3 : i32
      %add3A_272 = arith.addi %add3A_252, %add3A_271 : i32
      %sub3A_273 = arith.constant 1 : i32
      %sub3A_274 = arith.subi %add3A_272, %sub3A_273 : i32
      %lt3A_275 = arith.constant 160 : i32
      %lt3A_276 = arith.cmpi slt, %sub3A_274, %lt3A_275 : i32
      %convert_element_type3A_277 = arith.extui %lt3A_276 : i1 to i32
      %cond3A_278 = arith.constant 0 : i32
      %cond3A_279 = arith.cmpi ne, %convert_element_type3A_277, %cond3A_278 : i32
      scf.if %cond3A_279 {
        %dma_wait3A_309 = arith.constant 0 : i32
        %dma_wait3A_310 = arith.constant 0 : i32
        %dma_wait3A_311 = arith.constant 0 : i32
        %dma_wait3A_312 = tpu.memref_slice %arg3[%arg1, %dma_wait3A_310, %dma_wait3A_311] : memref<16x160x128xi32, #tpu.memory_space<hbm>> -> memref<1x160x128xi32, #tpu.memory_space<hbm>>
        %dma_wait3A_313 = tpu.memref_squeeze %dma_wait3A_312 : memref<1x160x128xi32, #tpu.memory_space<hbm>> -> memref<160x128xi32, #tpu.memory_space<hbm>>
        %dma_wait3A_314 = arith.constant 0 : i32
        %dma_wait3A_315 = tpu.memref_slice %dma_wait3A_313[%dma_wait3A_309, %dma_wait3A_314] : memref<160x128xi32, #tpu.memory_space<hbm>> -> memref<1x128xi32, #tpu.memory_space<hbm>>
        %dma_wait3A_316 = tpu.memref_squeeze %dma_wait3A_315 : memref<1x128xi32, #tpu.memory_space<hbm>> -> memref<128xi32, #tpu.memory_space<hbm>>
        %dma_wait3A_317 = arith.constant 0 : i32
        %dma_wait3A_318 = arith.constant 0 : i32
        %dma_wait3A_319 = tpu.memref_slice %arg3[%arg1, %dma_wait3A_317, %dma_wait3A_318] : memref<16x160x128xi32, #tpu.memory_space<hbm>> -> memref<1x160x128xi32, #tpu.memory_space<hbm>>
        %dma_wait3A_320 = tpu.memref_squeeze %dma_wait3A_319 : memref<1x160x128xi32, #tpu.memory_space<hbm>> -> memref<160x128xi32, #tpu.memory_space<hbm>>
        %dma_wait3A_321 = arith.constant 0 : i32
        %dma_wait3A_322 = tpu.memref_slice %dma_wait3A_320[%dma_wait3A_309, %dma_wait3A_321] : memref<160x128xi32, #tpu.memory_space<hbm>> -> memref<1x128xi32, #tpu.memory_space<hbm>>
        %dma_wait3A_323 = tpu.memref_squeeze %dma_wait3A_322 : memref<1x128xi32, #tpu.memory_space<hbm>> -> memref<128xi32, #tpu.memory_space<hbm>>
        tpu.wait_dma2 semaphore(%arg33 : memref<!tpu.dma_semaphore, #tpu.memory_space<semaphore_mem>>) src(%dma_wait3A_323 : memref<128xi32, #tpu.memory_space<hbm>>) dst(%arg11 : memref<128xi32, #tpu.memory_space<vmem>>)
        %dma_wait3A_324 = arith.constant 0 : i32
        %dma_wait3A_325 = arith.constant 0 : i32
        %dma_wait3A_326 = arith.constant 0 : i32
        %dma_wait3A_327 = tpu.memref_slice %arg4[%arg1, %dma_wait3A_325, %dma_wait3A_326] : memref<16x160x128xi32, #tpu.memory_space<hbm>> -> memref<1x160x128xi32, #tpu.memory_space<hbm>>
        %dma_wait3A_328 = tpu.memref_squeeze %dma_wait3A_327 : memref<1x160x128xi32, #tpu.memory_space<hbm>> -> memref<160x128xi32, #tpu.memory_space<hbm>>
        %dma_wait3A_329 = arith.constant 0 : i32
        %dma_wait3A_330 = tpu.memref_slice %dma_wait3A_328[%dma_wait3A_324, %dma_wait3A_329] : memref<160x128xi32, #tpu.memory_space<hbm>> -> memref<1x128xi32, #tpu.memory_space<hbm>>
        %dma_wait3A_331 = tpu.memref_squeeze %dma_wait3A_330 : memref<1x128xi32, #tpu.memory_space<hbm>> -> memref<128xi32, #tpu.memory_space<hbm>>
        %dma_wait3A_332 = arith.constant 0 : i32
        %dma_wait3A_333 = arith.constant 0 : i32
        %dma_wait3A_334 = tpu.memref_slice %arg4[%arg1, %dma_wait3A_332, %dma_wait3A_333] : memref<16x160x128xi32, #tpu.memory_space<hbm>> -> memref<1x160x128xi32, #tpu.memory_space<hbm>>
        %dma_wait3A_335 = tpu.memref_squeeze %dma_wait3A_334 : memref<1x160x128xi32, #tpu.memory_space<hbm>> -> memref<160x128xi32, #tpu.memory_space<hbm>>
        %dma_wait3A_336 = arith.constant 0 : i32
        %dma_wait3A_337 = tpu.memref_slice %dma_wait3A_335[%dma_wait3A_324, %dma_wait3A_336] : memref<160x128xi32, #tpu.memory_space<hbm>> -> memref<1x128xi32, #tpu.memory_space<hbm>>
        %dma_wait3A_338 = tpu.memref_squeeze %dma_wait3A_337 : memref<1x128xi32, #tpu.memory_space<hbm>> -> memref<128xi32, #tpu.memory_space<hbm>>
        tpu.wait_dma2 semaphore(%arg33 : memref<!tpu.dma_semaphore, #tpu.memory_space<semaphore_mem>>) src(%dma_wait3A_338 : memref<128xi32, #tpu.memory_space<hbm>>) dst(%arg16 : memref<128xi32, #tpu.memory_space<vmem>>)
        %add3A_339 = arith.constant 3 : i32
        %add3A_340 = arith.addi %add3A_252, %add3A_339 : i32
        %sub3A_341 = arith.constant 1 : i32
        %sub3A_342 = arith.subi %add3A_340, %sub3A_341 : i32
        %dma_start3A_343 = arith.constant 0 : i32
        %dma_start3A_344 = arith.constant 0 : i32
        %dma_start3A_345 = tpu.memref_slice %arg22[%dma_start3A_343, %dma_start3A_344] : memref<10240x64xf32, #tpu.memory_space<vmem_shared>> -> memref<10240x64xf32, #tpu.memory_space<vmem_shared>>
        tpu.enqueue_indirect_dma source(%dma_start3A_345 : memref<10240x64xf32, #tpu.memory_space<vmem_shared>>) target(%arg6 : memref<128x64xf32, #tpu.memory_space<vmem>>) offsets(%arg11 : memref<128xi32, #tpu.memory_space<vmem>>) semaphore(%arg23 : memref<!tpu.dma_semaphore, #tpu.memory_space<semaphore_mem>>)
      } else {
      }
      %add3A_280 = arith.constant 4 : i32
      %add3A_281 = arith.addi %mul3A_169, %add3A_280 : i32
      %dma_wait3A_282 = arith.constant 0 : i32
      %dma_wait3A_283 = arith.constant 0 : i32
      %dma_wait3A_284 = tpu.memref_slice %arg22[%dma_wait3A_282, %dma_wait3A_283] : memref<10240x64xf32, #tpu.memory_space<vmem_shared>> -> memref<10240x64xf32, #tpu.memory_space<vmem_shared>>
      tpu.wait_indirect_dma semaphore(%arg27 : memref<!tpu.dma_semaphore, #tpu.memory_space<semaphore_mem>>) src(%dma_wait3A_284 : memref<10240x64xf32, #tpu.memory_space<vmem_shared>>) dst(%arg10 : memref<128x64xf32, #tpu.memory_space<vmem>>)
      %dma_start3A_285 = arith.constant 0 : i32
      %dma_start3A_286 = arith.constant 0 : i32
      %dma_start3A_287 = tpu.memref_slice %arg21[%dma_start3A_285, %dma_start3A_286] : memref<10240x64xf32, #tpu.memory_space<vmem_shared>> -> memref<10240x64xf32, #tpu.memory_space<vmem_shared>>
      tpu.enqueue_indirect_dma source(%arg10 : memref<128x64xf32, #tpu.memory_space<vmem>>) target(%dma_start3A_287 : memref<10240x64xf32, #tpu.memory_space<vmem_shared>>) offsets(%arg20 : memref<128xi32, #tpu.memory_space<vmem>>) semaphore(%arg32 : memref<!tpu.dma_semaphore, #tpu.memory_space<semaphore_mem>>) {add = true}
      %ge3A_288 = arith.constant 2 : i32
      %ge3A_289 = arith.cmpi sge, %add3A_281, %ge3A_288 : i32
      %convert_element_type3A_290 = arith.extui %ge3A_289 : i1 to i32
      %cond3A_291 = arith.constant 0 : i32
      %cond3A_292 = arith.cmpi ne, %convert_element_type3A_290, %cond3A_291 : i32
      scf.if %cond3A_292 {
        %dma_wait3A_309 = arith.constant 0 : i32
        %dma_wait3A_310 = arith.constant 0 : i32
        %dma_wait3A_311 = tpu.memref_slice %arg21[%dma_wait3A_309, %dma_wait3A_310] : memref<10240x64xf32, #tpu.memory_space<vmem_shared>> -> memref<10240x64xf32, #tpu.memory_space<vmem_shared>>
        tpu.wait_indirect_dma semaphore(%arg30 : memref<!tpu.dma_semaphore, #tpu.memory_space<semaphore_mem>>) src(%arg8 : memref<128x64xf32, #tpu.memory_space<vmem>>) dst(%dma_wait3A_311 : memref<10240x64xf32, #tpu.memory_space<vmem_shared>>)
      } else {
      }
      %add3A_293 = arith.constant 3 : i32
      %add3A_294 = arith.addi %add3A_281, %add3A_293 : i32
      %lt3A_295 = arith.constant 160 : i32
      %lt3A_296 = arith.cmpi slt, %add3A_294, %lt3A_295 : i32
      %convert_element_type3A_297 = arith.extui %lt3A_296 : i1 to i32
      %cond3A_298 = arith.constant 0 : i32
      %cond3A_299 = arith.cmpi ne, %convert_element_type3A_297, %cond3A_298 : i32
      scf.if %cond3A_299 {
        %add3A_309 = arith.constant 3 : i32
        %add3A_310 = arith.addi %add3A_281, %add3A_309 : i32
        %dma_start3A_311 = arith.constant 0 : i32
        %dma_start3A_312 = arith.constant 0 : i32
        %dma_start3A_313 = tpu.memref_slice %arg3[%arg1, %dma_start3A_311, %dma_start3A_312] : memref<16x160x128xi32, #tpu.memory_space<hbm>> -> memref<1x160x128xi32, #tpu.memory_space<hbm>>
        %dma_start3A_314 = tpu.memref_squeeze %dma_start3A_313 : memref<1x160x128xi32, #tpu.memory_space<hbm>> -> memref<160x128xi32, #tpu.memory_space<hbm>>
        %dma_start3A_315 = arith.constant 0 : i32
        %dma_start3A_316 = tpu.memref_slice %dma_start3A_314[%add3A_310, %dma_start3A_315] : memref<160x128xi32, #tpu.memory_space<hbm>> -> memref<1x128xi32, #tpu.memory_space<hbm>>
        %dma_start3A_317 = tpu.memref_squeeze %dma_start3A_316 : memref<1x128xi32, #tpu.memory_space<hbm>> -> memref<128xi32, #tpu.memory_space<hbm>>
        %dma_start3A_318 = arith.constant 0 : i32
        %dma_start3A_319 = arith.constant 0 : i32
        %dma_start3A_320 = tpu.memref_slice %arg3[%arg1, %dma_start3A_318, %dma_start3A_319] : memref<16x160x128xi32, #tpu.memory_space<hbm>> -> memref<1x160x128xi32, #tpu.memory_space<hbm>>
        %dma_start3A_321 = tpu.memref_squeeze %dma_start3A_320 : memref<1x160x128xi32, #tpu.memory_space<hbm>> -> memref<160x128xi32, #tpu.memory_space<hbm>>
        %dma_start3A_322 = arith.constant 0 : i32
        %dma_start3A_323 = tpu.memref_slice %dma_start3A_321[%add3A_310, %dma_start3A_322] : memref<160x128xi32, #tpu.memory_space<hbm>> -> memref<1x128xi32, #tpu.memory_space<hbm>>
        %dma_start3A_324 = tpu.memref_squeeze %dma_start3A_323 : memref<1x128xi32, #tpu.memory_space<hbm>> -> memref<128xi32, #tpu.memory_space<hbm>>
        tpu.enqueue_dma source(%dma_start3A_324 : memref<128xi32, #tpu.memory_space<hbm>>) target(%arg13 : memref<128xi32, #tpu.memory_space<vmem>>) target_semaphore(%arg35 : memref<!tpu.dma_semaphore, #tpu.memory_space<semaphore_mem>>)
        %dma_start3A_325 = arith.constant 0 : i32
        %dma_start3A_326 = arith.constant 0 : i32
        %dma_start3A_327 = tpu.memref_slice %arg4[%arg1, %dma_start3A_325, %dma_start3A_326] : memref<16x160x128xi32, #tpu.memory_space<hbm>> -> memref<1x160x128xi32, #tpu.memory_space<hbm>>
        %dma_start3A_328 = tpu.memref_squeeze %dma_start3A_327 : memref<1x160x128xi32, #tpu.memory_space<hbm>> -> memref<160x128xi32, #tpu.memory_space<hbm>>
        %dma_start3A_329 = arith.constant 0 : i32
        %dma_start3A_330 = tpu.memref_slice %dma_start3A_328[%add3A_310, %dma_start3A_329] : memref<160x128xi32, #tpu.memory_space<hbm>> -> memref<1x128xi32, #tpu.memory_space<hbm>>
        %dma_start3A_331 = tpu.memref_squeeze %dma_start3A_330 : memref<1x128xi32, #tpu.memory_space<hbm>> -> memref<128xi32, #tpu.memory_space<hbm>>
        %dma_start3A_332 = arith.constant 0 : i32
        %dma_start3A_333 = arith.constant 0 : i32
        %dma_start3A_334 = tpu.memref_slice %arg4[%arg1, %dma_start3A_332, %dma_start3A_333] : memref<16x160x128xi32, #tpu.memory_space<hbm>> -> memref<1x160x128xi32, #tpu.memory_space<hbm>>
        %dma_start3A_335 = tpu.memref_squeeze %dma_start3A_334 : memref<1x160x128xi32, #tpu.memory_space<hbm>> -> memref<160x128xi32, #tpu.memory_space<hbm>>
        %dma_start3A_336 = arith.constant 0 : i32
        %dma_start3A_337 = tpu.memref_slice %dma_start3A_335[%add3A_310, %dma_start3A_336] : memref<160x128xi32, #tpu.memory_space<hbm>> -> memref<1x128xi32, #tpu.memory_space<hbm>>
        %dma_start3A_338 = tpu.memref_squeeze %dma_start3A_337 : memref<1x128xi32, #tpu.memory_space<hbm>> -> memref<128xi32, #tpu.memory_space<hbm>>
        tpu.enqueue_dma source(%dma_start3A_338 : memref<128xi32, #tpu.memory_space<hbm>>) target(%arg18 : memref<128xi32, #tpu.memory_space<vmem>>) target_semaphore(%arg35 : memref<!tpu.dma_semaphore, #tpu.memory_space<semaphore_mem>>)
      } else {
      }
      %add3A_300 = arith.constant 3 : i32
      %add3A_301 = arith.addi %add3A_281, %add3A_300 : i32
      %sub3A_302 = arith.constant 1 : i32
      %sub3A_303 = arith.subi %add3A_301, %sub3A_302 : i32
      %lt3A_304 = arith.constant 160 : i32
      %lt3A_305 = arith.cmpi slt, %sub3A_303, %lt3A_304 : i32
      %convert_element_type3A_306 = arith.extui %lt3A_305 : i1 to i32
      %cond3A_307 = arith.constant 0 : i32
      %cond3A_308 = arith.cmpi ne, %convert_element_type3A_306, %cond3A_307 : i32
      scf.if %cond3A_308 {
        %dma_wait3A_309 = arith.constant 0 : i32
        %dma_wait3A_310 = arith.constant 0 : i32
        %dma_wait3A_311 = arith.constant 0 : i32
        %dma_wait3A_312 = tpu.memref_slice %arg3[%arg1, %dma_wait3A_310, %dma_wait3A_311] : memref<16x160x128xi32, #tpu.memory_space<hbm>> -> memref<1x160x128xi32, #tpu.memory_space<hbm>>
        %dma_wait3A_313 = tpu.memref_squeeze %dma_wait3A_312 : memref<1x160x128xi32, #tpu.memory_space<hbm>> -> memref<160x128xi32, #tpu.memory_space<hbm>>
        %dma_wait3A_314 = arith.constant 0 : i32
        %dma_wait3A_315 = tpu.memref_slice %dma_wait3A_313[%dma_wait3A_309, %dma_wait3A_314] : memref<160x128xi32, #tpu.memory_space<hbm>> -> memref<1x128xi32, #tpu.memory_space<hbm>>
        %dma_wait3A_316 = tpu.memref_squeeze %dma_wait3A_315 : memref<1x128xi32, #tpu.memory_space<hbm>> -> memref<128xi32, #tpu.memory_space<hbm>>
        %dma_wait3A_317 = arith.constant 0 : i32
        %dma_wait3A_318 = arith.constant 0 : i32
        %dma_wait3A_319 = tpu.memref_slice %arg3[%arg1, %dma_wait3A_317, %dma_wait3A_318] : memref<16x160x128xi32, #tpu.memory_space<hbm>> -> memref<1x160x128xi32, #tpu.memory_space<hbm>>
        %dma_wait3A_320 = tpu.memref_squeeze %dma_wait3A_319 : memref<1x160x128xi32, #tpu.memory_space<hbm>> -> memref<160x128xi32, #tpu.memory_space<hbm>>
        %dma_wait3A_321 = arith.constant 0 : i32
        %dma_wait3A_322 = tpu.memref_slice %dma_wait3A_320[%dma_wait3A_309, %dma_wait3A_321] : memref<160x128xi32, #tpu.memory_space<hbm>> -> memref<1x128xi32, #tpu.memory_space<hbm>>
        %dma_wait3A_323 = tpu.memref_squeeze %dma_wait3A_322 : memref<1x128xi32, #tpu.memory_space<hbm>> -> memref<128xi32, #tpu.memory_space<hbm>>
        tpu.wait_dma2 semaphore(%arg34 : memref<!tpu.dma_semaphore, #tpu.memory_space<semaphore_mem>>) src(%dma_wait3A_323 : memref<128xi32, #tpu.memory_space<hbm>>) dst(%arg12 : memref<128xi32, #tpu.memory_space<vmem>>)
        %dma_wait3A_324 = arith.constant 0 : i32
        %dma_wait3A_325 = arith.constant 0 : i32
        %dma_wait3A_326 = arith.constant 0 : i32
        %dma_wait3A_327 = tpu.memref_slice %arg4[%arg1, %dma_wait3A_325, %dma_wait3A_326] : memref<16x160x128xi32, #tpu.memory_space<hbm>> -> memref<1x160x128xi32, #tpu.memory_space<hbm>>
        %dma_wait3A_328 = tpu.memref_squeeze %dma_wait3A_327 : memref<1x160x128xi32, #tpu.memory_space<hbm>> -> memref<160x128xi32, #tpu.memory_space<hbm>>
        %dma_wait3A_329 = arith.constant 0 : i32
        %dma_wait3A_330 = tpu.memref_slice %dma_wait3A_328[%dma_wait3A_324, %dma_wait3A_329] : memref<160x128xi32, #tpu.memory_space<hbm>> -> memref<1x128xi32, #tpu.memory_space<hbm>>
        %dma_wait3A_331 = tpu.memref_squeeze %dma_wait3A_330 : memref<1x128xi32, #tpu.memory_space<hbm>> -> memref<128xi32, #tpu.memory_space<hbm>>
        %dma_wait3A_332 = arith.constant 0 : i32
        %dma_wait3A_333 = arith.constant 0 : i32
        %dma_wait3A_334 = tpu.memref_slice %arg4[%arg1, %dma_wait3A_332, %dma_wait3A_333] : memref<16x160x128xi32, #tpu.memory_space<hbm>> -> memref<1x160x128xi32, #tpu.memory_space<hbm>>
        %dma_wait3A_335 = tpu.memref_squeeze %dma_wait3A_334 : memref<1x160x128xi32, #tpu.memory_space<hbm>> -> memref<160x128xi32, #tpu.memory_space<hbm>>
        %dma_wait3A_336 = arith.constant 0 : i32
        %dma_wait3A_337 = tpu.memref_slice %dma_wait3A_335[%dma_wait3A_324, %dma_wait3A_336] : memref<160x128xi32, #tpu.memory_space<hbm>> -> memref<1x128xi32, #tpu.memory_space<hbm>>
        %dma_wait3A_338 = tpu.memref_squeeze %dma_wait3A_337 : memref<1x128xi32, #tpu.memory_space<hbm>> -> memref<128xi32, #tpu.memory_space<hbm>>
        tpu.wait_dma2 semaphore(%arg34 : memref<!tpu.dma_semaphore, #tpu.memory_space<semaphore_mem>>) src(%dma_wait3A_338 : memref<128xi32, #tpu.memory_space<hbm>>) dst(%arg17 : memref<128xi32, #tpu.memory_space<vmem>>)
        %add3A_339 = arith.constant 3 : i32
        %add3A_340 = arith.addi %add3A_281, %add3A_339 : i32
        %sub3A_341 = arith.constant 1 : i32
        %sub3A_342 = arith.subi %add3A_340, %sub3A_341 : i32
        %dma_start3A_343 = arith.constant 0 : i32
        %dma_start3A_344 = arith.constant 0 : i32
        %dma_start3A_345 = tpu.memref_slice %arg22[%dma_start3A_343, %dma_start3A_344] : memref<10240x64xf32, #tpu.memory_space<vmem_shared>> -> memref<10240x64xf32, #tpu.memory_space<vmem_shared>>
        tpu.enqueue_indirect_dma source(%dma_start3A_345 : memref<10240x64xf32, #tpu.memory_space<vmem_shared>>) target(%arg7 : memref<128x64xf32, #tpu.memory_space<vmem>>) offsets(%arg12 : memref<128xi32, #tpu.memory_space<vmem>>) semaphore(%arg24 : memref<!tpu.dma_semaphore, #tpu.memory_space<semaphore_mem>>)
      } else {
      }
    }
    %scan3A_159 = arith.constant 32 : i32
    %dma_wait3A_160 = arith.constant 0 : i32
    %dma_wait3A_161 = arith.constant 0 : i32
    %dma_wait3A_162 = tpu.memref_slice %arg21[%dma_wait3A_160, %dma_wait3A_161] : memref<10240x64xf32, #tpu.memory_space<vmem_shared>> -> memref<10240x64xf32, #tpu.memory_space<vmem_shared>>
    tpu.wait_indirect_dma semaphore(%arg31 : memref<!tpu.dma_semaphore, #tpu.memory_space<semaphore_mem>>) src(%arg9 : memref<128x64xf32, #tpu.memory_space<vmem>>) dst(%dma_wait3A_162 : memref<10240x64xf32, #tpu.memory_space<vmem_shared>>)
    %dma_wait3A_163 = arith.constant 0 : i32
    %dma_wait3A_164 = arith.constant 0 : i32
    %dma_wait3A_165 = tpu.memref_slice %arg21[%dma_wait3A_163, %dma_wait3A_164] : memref<10240x64xf32, #tpu.memory_space<vmem_shared>> -> memref<10240x64xf32, #tpu.memory_space<vmem_shared>>
    tpu.wait_indirect_dma semaphore(%arg32 : memref<!tpu.dma_semaphore, #tpu.memory_space<semaphore_mem>>) src(%arg10 : memref<128x64xf32, #tpu.memory_space<vmem>>) dst(%dma_wait3A_165 : memref<10240x64xf32, #tpu.memory_space<vmem_shared>>)
    %barrier3A_166 = arith.constant 0 : index
    tpu.barrier barrier_id(%barrier3A_166)
    "tpu.region"() ({
      %run_scoped3A = tpu.sem_alloc : memref<!tpu.dma_semaphore, #tpu.memory_space<semaphore_mem>>
      %dma_start3A_167 = arith.constant 0 : i32
      %dma_start3A_168 = arith.constant 0 : i32
      %dma_start3A_169 = tpu.memref_slice %arg5[%arg0, %dma_start3A_167, %dma_start3A_168] : memref<2x10240x64xf32, #tpu.memory_space<hbm>> -> memref<1x10240x64xf32, #tpu.memory_space<hbm>>
      %dma_start3A_170 = tpu.memref_squeeze %dma_start3A_169 : memref<1x10240x64xf32, #tpu.memory_space<hbm>> -> memref<10240x64xf32, #tpu.memory_space<hbm>>
      %dma_start3A_171 = arith.constant 0 : i32
      %dma_start3A_172 = tpu.memref_slice %dma_start3A_170[%mul3A_0, %dma_start3A_171] : memref<10240x64xf32, #tpu.memory_space<hbm>> -> memref<640x64xf32, #tpu.memory_space<hbm>>
      %dma_start3A_173 = arith.constant 0 : i32
      %dma_start3A_174 = tpu.memref_slice %arg21[%mul3A_0, %dma_start3A_173] : memref<10240x64xf32, #tpu.memory_space<vmem_shared>> -> memref<640x64xf32, #tpu.memory_space<vmem_shared>>
      tpu.enqueue_dma source(%dma_start3A_174 : memref<640x64xf32, #tpu.memory_space<vmem_shared>>) target(%dma_start3A_172 : memref<640x64xf32, #tpu.memory_space<hbm>>) target_semaphore(%run_scoped3A : memref<!tpu.dma_semaphore, #tpu.memory_space<semaphore_mem>>)
      %dma_wait3A_175 = arith.constant 0 : i32
      %dma_wait3A_176 = arith.constant 0 : i32
      %dma_wait3A_177 = tpu.memref_slice %arg5[%arg0, %dma_wait3A_175, %dma_wait3A_176] : memref<2x10240x64xf32, #tpu.memory_space<hbm>> -> memref<1x10240x64xf32, #tpu.memory_space<hbm>>
      %dma_wait3A_178 = tpu.memref_squeeze %dma_wait3A_177 : memref<1x10240x64xf32, #tpu.memory_space<hbm>> -> memref<10240x64xf32, #tpu.memory_space<hbm>>
      %dma_wait3A_179 = arith.constant 0 : i32
      %dma_wait3A_180 = tpu.memref_slice %dma_wait3A_178[%mul3A_0, %dma_wait3A_179] : memref<10240x64xf32, #tpu.memory_space<hbm>> -> memref<640x64xf32, #tpu.memory_space<hbm>>
      %dma_wait3A_181 = arith.constant 0 : i32
      %dma_wait3A_182 = tpu.memref_slice %arg21[%mul3A_0, %dma_wait3A_181] : memref<10240x64xf32, #tpu.memory_space<vmem_shared>> -> memref<640x64xf32, #tpu.memory_space<vmem_shared>>
      tpu.wait_dma2 semaphore(%run_scoped3A : memref<!tpu.dma_semaphore, #tpu.memory_space<semaphore_mem>>) src(%dma_wait3A_182 : memref<640x64xf32, #tpu.memory_space<vmem_shared>>) dst(%dma_wait3A_180 : memref<640x64xf32, #tpu.memory_space<hbm>>)
      tpu.yield
    }) : () -> ()
    return
  }
}

#map = affine_map<(d0, d1) -> (0, 0, 0)>
module attributes {stable_mosaic.version = 14 : i64} {
  func.func @_sc_agg_body(%arg0: i32, %arg1: i32, %arg2: memref<2x10240x64xf32, #tpu.memory_space<hbm>>, %arg3: memref<16x160x128xi32, #tpu.memory_space<hbm>>, %arg4: memref<16x160x128xi32, #tpu.memory_space<hbm>>, %arg5: memref<2x10240x64xf32, #tpu.memory_space<hbm>>, %arg6: memref<128x64xf32, #tpu.memory_space<vmem>>, %arg7: memref<128x64xf32, #tpu.memory_space<vmem>>, %arg8: memref<128x64xf32, #tpu.memory_space<vmem>>, %arg9: memref<128x64xf32, #tpu.memory_space<vmem>>, %arg10: memref<128x64xf32, #tpu.memory_space<vmem>>, %arg11: memref<128xi32, #tpu.memory_space<vmem>>, %arg12: memref<128xi32, #tpu.memory_space<vmem>>, %arg13: memref<128xi32, #tpu.memory_space<vmem>>, %arg14: memref<128xi32, #tpu.memory_space<vmem>>, %arg15: memref<128xi32, #tpu.memory_space<vmem>>, %arg16: memref<128xi32, #tpu.memory_space<vmem>>, %arg17: memref<128xi32, #tpu.memory_space<vmem>>, %arg18: memref<128xi32, #tpu.memory_space<vmem>>, %arg19: memref<128xi32, #tpu.memory_space<vmem>>, %arg20: memref<128xi32, #tpu.memory_space<vmem>>, %arg21: memref<10240x64xf32, #tpu.memory_space<vmem_shared>>, %arg22: memref<10240x64xf32, #tpu.memory_space<vmem_shared>>, %arg23: memref<!tpu.dma_semaphore, #tpu.memory_space<semaphore_mem>>, %arg24: memref<!tpu.dma_semaphore, #tpu.memory_space<semaphore_mem>>, %arg25: memref<!tpu.dma_semaphore, #tpu.memory_space<semaphore_mem>>, %arg26: memref<!tpu.dma_semaphore, #tpu.memory_space<semaphore_mem>>, %arg27: memref<!tpu.dma_semaphore, #tpu.memory_space<semaphore_mem>>, %arg28: memref<!tpu.dma_semaphore, #tpu.memory_space<semaphore_mem>>, %arg29: memref<!tpu.dma_semaphore, #tpu.memory_space<semaphore_mem>>, %arg30: memref<!tpu.dma_semaphore, #tpu.memory_space<semaphore_mem>>, %arg31: memref<!tpu.dma_semaphore, #tpu.memory_space<semaphore_mem>>, %arg32: memref<!tpu.dma_semaphore, #tpu.memory_space<semaphore_mem>>, %arg33: memref<!tpu.dma_semaphore, #tpu.memory_space<semaphore_mem>>, %arg34: memref<!tpu.dma_semaphore, #tpu.memory_space<semaphore_mem>>, %arg35: memref<!tpu.dma_semaphore, #tpu.memory_space<semaphore_mem>>, %arg36: memref<!tpu.dma_semaphore, #tpu.memory_space<semaphore_mem>>, %arg37: memref<!tpu.dma_semaphore, #tpu.memory_space<semaphore_mem>>) attributes {dimension_semantics = [#tpu.dimension_semantics<core_parallel>, #tpu.dimension_semantics<subcore_parallel>], iteration_bounds = array<i64: 2, 16>, scalar_prefetch = 0 : i64, scratch_operands = 32 : i64, tpu.core_type = #tpu.core_type<sc_vector_subcore>, window_params = [{transform_indices = #map}, {transform_indices = #map}, {transform_indices = #map}, {transform_indices = #map}]} {
    %mul3A = arith.constant 640 : i32
    %mul3A_0 = arith.muli %arg1, %mul3A : i32
    "tpu.region"() ({
      %run_scoped3A = tpu.sem_alloc : memref<!tpu.dma_semaphore, #tpu.memory_space<semaphore_mem>>
      %dma_start3A_167 = arith.constant 0 : i32
      %dma_start3A_168 = tpu.memref_slice %arg21[%mul3A_0, %dma_start3A_167] : memref<10240x64xf32, #tpu.memory_space<vmem_shared>> -> memref<640x64xf32, #tpu.memory_space<vmem_shared>>
      %dma_start3A_169 = arith.constant 0 : i32
      %dma_start3A_170 = arith.constant 0 : i32
      %dma_start3A_171 = tpu.memref_slice %arg2[%arg0, %dma_start3A_169, %dma_start3A_170] : memref<2x10240x64xf32, #tpu.memory_space<hbm>> -> memref<1x10240x64xf32, #tpu.memory_space<hbm>>
      %dma_start3A_172 = tpu.memref_squeeze %dma_start3A_171 : memref<1x10240x64xf32, #tpu.memory_space<hbm>> -> memref<10240x64xf32, #tpu.memory_space<hbm>>
      %dma_start3A_173 = arith.constant 0 : i32
      %dma_start3A_174 = tpu.memref_slice %dma_start3A_172[%mul3A_0, %dma_start3A_173] : memref<10240x64xf32, #tpu.memory_space<hbm>> -> memref<640x64xf32, #tpu.memory_space<hbm>>
      tpu.enqueue_dma source(%dma_start3A_174 : memref<640x64xf32, #tpu.memory_space<hbm>>) target(%dma_start3A_168 : memref<640x64xf32, #tpu.memory_space<vmem_shared>>) target_semaphore(%run_scoped3A : memref<!tpu.dma_semaphore, #tpu.memory_space<semaphore_mem>>)
      %dma_wait3A_175 = arith.constant 0 : i32
      %dma_wait3A_176 = tpu.memref_slice %arg21[%mul3A_0, %dma_wait3A_175] : memref<10240x64xf32, #tpu.memory_space<vmem_shared>> -> memref<640x64xf32, #tpu.memory_space<vmem_shared>>
      %dma_wait3A_177 = arith.constant 0 : i32
      %dma_wait3A_178 = arith.constant 0 : i32
      %dma_wait3A_179 = tpu.memref_slice %arg2[%arg0, %dma_wait3A_177, %dma_wait3A_178] : memref<2x10240x64xf32, #tpu.memory_space<hbm>> -> memref<1x10240x64xf32, #tpu.memory_space<hbm>>
      %dma_wait3A_180 = tpu.memref_squeeze %dma_wait3A_179 : memref<1x10240x64xf32, #tpu.memory_space<hbm>> -> memref<10240x64xf32, #tpu.memory_space<hbm>>
      %dma_wait3A_181 = arith.constant 0 : i32
      %dma_wait3A_182 = tpu.memref_slice %dma_wait3A_180[%mul3A_0, %dma_wait3A_181] : memref<10240x64xf32, #tpu.memory_space<hbm>> -> memref<640x64xf32, #tpu.memory_space<hbm>>
      tpu.wait_dma2 semaphore(%run_scoped3A : memref<!tpu.dma_semaphore, #tpu.memory_space<semaphore_mem>>) src(%dma_wait3A_182 : memref<640x64xf32, #tpu.memory_space<hbm>>) dst(%dma_wait3A_176 : memref<640x64xf32, #tpu.memory_space<vmem_shared>>)
      tpu.yield
    }) : () -> ()
    "tpu.region"() ({
      %run_scoped3A = tpu.sem_alloc : memref<!tpu.dma_semaphore, #tpu.memory_space<semaphore_mem>>
      %dma_start3A_167 = arith.constant 0 : i32
      %dma_start3A_168 = tpu.memref_slice %arg22[%mul3A_0, %dma_start3A_167] : memref<10240x64xf32, #tpu.memory_space<vmem_shared>> -> memref<640x64xf32, #tpu.memory_space<vmem_shared>>
      %dma_start3A_169 = arith.constant 0 : i32
      %dma_start3A_170 = arith.constant 0 : i32
      %dma_start3A_171 = tpu.memref_slice %arg2[%arg0, %dma_start3A_169, %dma_start3A_170] : memref<2x10240x64xf32, #tpu.memory_space<hbm>> -> memref<1x10240x64xf32, #tpu.memory_space<hbm>>
      %dma_start3A_172 = tpu.memref_squeeze %dma_start3A_171 : memref<1x10240x64xf32, #tpu.memory_space<hbm>> -> memref<10240x64xf32, #tpu.memory_space<hbm>>
      %dma_start3A_173 = arith.constant 0 : i32
      %dma_start3A_174 = tpu.memref_slice %dma_start3A_172[%mul3A_0, %dma_start3A_173] : memref<10240x64xf32, #tpu.memory_space<hbm>> -> memref<640x64xf32, #tpu.memory_space<hbm>>
      tpu.enqueue_dma source(%dma_start3A_174 : memref<640x64xf32, #tpu.memory_space<hbm>>) target(%dma_start3A_168 : memref<640x64xf32, #tpu.memory_space<vmem_shared>>) target_semaphore(%run_scoped3A : memref<!tpu.dma_semaphore, #tpu.memory_space<semaphore_mem>>)
      %dma_wait3A_175 = arith.constant 0 : i32
      %dma_wait3A_176 = tpu.memref_slice %arg22[%mul3A_0, %dma_wait3A_175] : memref<10240x64xf32, #tpu.memory_space<vmem_shared>> -> memref<640x64xf32, #tpu.memory_space<vmem_shared>>
      %dma_wait3A_177 = arith.constant 0 : i32
      %dma_wait3A_178 = arith.constant 0 : i32
      %dma_wait3A_179 = tpu.memref_slice %arg2[%arg0, %dma_wait3A_177, %dma_wait3A_178] : memref<2x10240x64xf32, #tpu.memory_space<hbm>> -> memref<1x10240x64xf32, #tpu.memory_space<hbm>>
      %dma_wait3A_180 = tpu.memref_squeeze %dma_wait3A_179 : memref<1x10240x64xf32, #tpu.memory_space<hbm>> -> memref<10240x64xf32, #tpu.memory_space<hbm>>
      %dma_wait3A_181 = arith.constant 0 : i32
      %dma_wait3A_182 = tpu.memref_slice %dma_wait3A_180[%mul3A_0, %dma_wait3A_181] : memref<10240x64xf32, #tpu.memory_space<hbm>> -> memref<640x64xf32, #tpu.memory_space<hbm>>
      tpu.wait_dma2 semaphore(%run_scoped3A : memref<!tpu.dma_semaphore, #tpu.memory_space<semaphore_mem>>) src(%dma_wait3A_182 : memref<640x64xf32, #tpu.memory_space<hbm>>) dst(%dma_wait3A_176 : memref<640x64xf32, #tpu.memory_space<vmem_shared>>)
      tpu.yield
    }) : () -> ()
    %barrier3A = arith.constant 0 : index
    tpu.barrier barrier_id(%barrier3A)
    %dma_start3A = arith.constant 0 : i32
    %dma_start3A_1 = arith.constant 0 : i32
    %dma_start3A_2 = arith.constant 0 : i32
    %dma_start3A_3 = tpu.memref_slice %arg3[%arg1, %dma_start3A_1, %dma_start3A_2] : memref<16x160x128xi32, #tpu.memory_space<hbm>> -> memref<1x160x128xi32, #tpu.memory_space<hbm>>
    %dma_start3A_4 = tpu.memref_squeeze %dma_start3A_3 : memref<1x160x128xi32, #tpu.memory_space<hbm>> -> memref<160x128xi32, #tpu.memory_space<hbm>>
    %dma_start3A_5 = arith.constant 0 : i32
    %dma_start3A_6 = tpu.memref_slice %dma_start3A_4[%dma_start3A, %dma_start3A_5] : memref<160x128xi32, #tpu.memory_space<hbm>> -> memref<1x128xi32, #tpu.memory_space<hbm>>
    %dma_start3A_7 = tpu.memref_squeeze %dma_start3A_6 : memref<1x128xi32, #tpu.memory_space<hbm>> -> memref<128xi32, #tpu.memory_space<hbm>>
    %dma_start3A_8 = arith.constant 0 : i32
    %dma_start3A_9 = arith.constant 0 : i32
    %dma_start3A_10 = tpu.memref_slice %arg3[%arg1, %dma_start3A_8, %dma_start3A_9] : memref<16x160x128xi32, #tpu.memory_space<hbm>> -> memref<1x160x128xi32, #tpu.memory_space<hbm>>
    %dma_start3A_11 = tpu.memref_squeeze %dma_start3A_10 : memref<1x160x128xi32, #tpu.memory_space<hbm>> -> memref<160x128xi32, #tpu.memory_space<hbm>>
    %dma_start3A_12 = arith.constant 0 : i32
    %dma_start3A_13 = tpu.memref_slice %dma_start3A_11[%dma_start3A, %dma_start3A_12] : memref<160x128xi32, #tpu.memory_space<hbm>> -> memref<1x128xi32, #tpu.memory_space<hbm>>
    %dma_start3A_14 = tpu.memref_squeeze %dma_start3A_13 : memref<1x128xi32, #tpu.memory_space<hbm>> -> memref<128xi32, #tpu.memory_space<hbm>>
    tpu.enqueue_dma source(%dma_start3A_14 : memref<128xi32, #tpu.memory_space<hbm>>) target(%arg11 : memref<128xi32, #tpu.memory_space<vmem>>) target_semaphore(%arg33 : memref<!tpu.dma_semaphore, #tpu.memory_space<semaphore_mem>>)
    %dma_start3A_15 = arith.constant 0 : i32
    %dma_start3A_16 = arith.constant 0 : i32
    %dma_start3A_17 = arith.constant 0 : i32
    %dma_start3A_18 = tpu.memref_slice %arg4[%arg1, %dma_start3A_16, %dma_start3A_17] : memref<16x160x128xi32, #tpu.memory_space<hbm>> -> memref<1x160x128xi32, #tpu.memory_space<hbm>>
    %dma_start3A_19 = tpu.memref_squeeze %dma_start3A_18 : memref<1x160x128xi32, #tpu.memory_space<hbm>> -> memref<160x128xi32, #tpu.memory_space<hbm>>
    %dma_start3A_20 = arith.constant 0 : i32
    %dma_start3A_21 = tpu.memref_slice %dma_start3A_19[%dma_start3A_15, %dma_start3A_20] : memref<160x128xi32, #tpu.memory_space<hbm>> -> memref<1x128xi32, #tpu.memory_space<hbm>>
    %dma_start3A_22 = tpu.memref_squeeze %dma_start3A_21 : memref<1x128xi32, #tpu.memory_space<hbm>> -> memref<128xi32, #tpu.memory_space<hbm>>
    %dma_start3A_23 = arith.constant 0 : i32
    %dma_start3A_24 = arith.constant 0 : i32
    %dma_start3A_25 = tpu.memref_slice %arg4[%arg1, %dma_start3A_23, %dma_start3A_24] : memref<16x160x128xi32, #tpu.memory_space<hbm>> -> memref<1x160x128xi32, #tpu.memory_space<hbm>>
    %dma_start3A_26 = tpu.memref_squeeze %dma_start3A_25 : memref<1x160x128xi32, #tpu.memory_space<hbm>> -> memref<160x128xi32, #tpu.memory_space<hbm>>
    %dma_start3A_27 = arith.constant 0 : i32
    %dma_start3A_28 = tpu.memref_slice %dma_start3A_26[%dma_start3A_15, %dma_start3A_27] : memref<160x128xi32, #tpu.memory_space<hbm>> -> memref<1x128xi32, #tpu.memory_space<hbm>>
    %dma_start3A_29 = tpu.memref_squeeze %dma_start3A_28 : memref<1x128xi32, #tpu.memory_space<hbm>> -> memref<128xi32, #tpu.memory_space<hbm>>
    tpu.enqueue_dma source(%dma_start3A_29 : memref<128xi32, #tpu.memory_space<hbm>>) target(%arg16 : memref<128xi32, #tpu.memory_space<vmem>>) target_semaphore(%arg33 : memref<!tpu.dma_semaphore, #tpu.memory_space<semaphore_mem>>)
    %dma_start3A_30 = arith.constant 1 : i32
    %dma_start3A_31 = arith.constant 0 : i32
    %dma_start3A_32 = arith.constant 0 : i32
    %dma_start3A_33 = tpu.memref_slice %arg3[%arg1, %dma_start3A_31, %dma_start3A_32] : memref<16x160x128xi32, #tpu.memory_space<hbm>> -> memref<1x160x128xi32, #tpu.memory_space<hbm>>
    %dma_start3A_34 = tpu.memref_squeeze %dma_start3A_33 : memref<1x160x128xi32, #tpu.memory_space<hbm>> -> memref<160x128xi32, #tpu.memory_space<hbm>>
    %dma_start3A_35 = arith.constant 0 : i32
    %dma_start3A_36 = tpu.memref_slice %dma_start3A_34[%dma_start3A_30, %dma_start3A_35] : memref<160x128xi32, #tpu.memory_space<hbm>> -> memref<1x128xi32, #tpu.memory_space<hbm>>
    %dma_start3A_37 = tpu.memref_squeeze %dma_start3A_36 : memref<1x128xi32, #tpu.memory_space<hbm>> -> memref<128xi32, #tpu.memory_space<hbm>>
    %dma_start3A_38 = arith.constant 0 : i32
    %dma_start3A_39 = arith.constant 0 : i32
    %dma_start3A_40 = tpu.memref_slice %arg3[%arg1, %dma_start3A_38, %dma_start3A_39] : memref<16x160x128xi32, #tpu.memory_space<hbm>> -> memref<1x160x128xi32, #tpu.memory_space<hbm>>
    %dma_start3A_41 = tpu.memref_squeeze %dma_start3A_40 : memref<1x160x128xi32, #tpu.memory_space<hbm>> -> memref<160x128xi32, #tpu.memory_space<hbm>>
    %dma_start3A_42 = arith.constant 0 : i32
    %dma_start3A_43 = tpu.memref_slice %dma_start3A_41[%dma_start3A_30, %dma_start3A_42] : memref<160x128xi32, #tpu.memory_space<hbm>> -> memref<1x128xi32, #tpu.memory_space<hbm>>
    %dma_start3A_44 = tpu.memref_squeeze %dma_start3A_43 : memref<1x128xi32, #tpu.memory_space<hbm>> -> memref<128xi32, #tpu.memory_space<hbm>>
    tpu.enqueue_dma source(%dma_start3A_44 : memref<128xi32, #tpu.memory_space<hbm>>) target(%arg12 : memref<128xi32, #tpu.memory_space<vmem>>) target_semaphore(%arg34 : memref<!tpu.dma_semaphore, #tpu.memory_space<semaphore_mem>>)
    %dma_start3A_45 = arith.constant 1 : i32
    %dma_start3A_46 = arith.constant 0 : i32
    %dma_start3A_47 = arith.constant 0 : i32
    %dma_start3A_48 = tpu.memref_slice %arg4[%arg1, %dma_start3A_46, %dma_start3A_47] : memref<16x160x128xi32, #tpu.memory_space<hbm>> -> memref<1x160x128xi32, #tpu.memory_space<hbm>>
    %dma_start3A_49 = tpu.memref_squeeze %dma_start3A_48 : memref<1x160x128xi32, #tpu.memory_space<hbm>> -> memref<160x128xi32, #tpu.memory_space<hbm>>
    %dma_start3A_50 = arith.constant 0 : i32
    %dma_start3A_51 = tpu.memref_slice %dma_start3A_49[%dma_start3A_45, %dma_start3A_50] : memref<160x128xi32, #tpu.memory_space<hbm>> -> memref<1x128xi32, #tpu.memory_space<hbm>>
    %dma_start3A_52 = tpu.memref_squeeze %dma_start3A_51 : memref<1x128xi32, #tpu.memory_space<hbm>> -> memref<128xi32, #tpu.memory_space<hbm>>
    %dma_start3A_53 = arith.constant 0 : i32
    %dma_start3A_54 = arith.constant 0 : i32
    %dma_start3A_55 = tpu.memref_slice %arg4[%arg1, %dma_start3A_53, %dma_start3A_54] : memref<16x160x128xi32, #tpu.memory_space<hbm>> -> memref<1x160x128xi32, #tpu.memory_space<hbm>>
    %dma_start3A_56 = tpu.memref_squeeze %dma_start3A_55 : memref<1x160x128xi32, #tpu.memory_space<hbm>> -> memref<160x128xi32, #tpu.memory_space<hbm>>
    %dma_start3A_57 = arith.constant 0 : i32
    %dma_start3A_58 = tpu.memref_slice %dma_start3A_56[%dma_start3A_45, %dma_start3A_57] : memref<160x128xi32, #tpu.memory_space<hbm>> -> memref<1x128xi32, #tpu.memory_space<hbm>>
    %dma_start3A_59 = tpu.memref_squeeze %dma_start3A_58 : memref<1x128xi32, #tpu.memory_space<hbm>> -> memref<128xi32, #tpu.memory_space<hbm>>
    tpu.enqueue_dma source(%dma_start3A_59 : memref<128xi32, #tpu.memory_space<hbm>>) target(%arg17 : memref<128xi32, #tpu.memory_space<vmem>>) target_semaphore(%arg34 : memref<!tpu.dma_semaphore, #tpu.memory_space<semaphore_mem>>)
    %dma_start3A_60 = arith.constant 2 : i32
    %dma_start3A_61 = arith.constant 0 : i32
    %dma_start3A_62 = arith.constant 0 : i32
    %dma_start3A_63 = tpu.memref_slice %arg3[%arg1, %dma_start3A_61, %dma_start3A_62] : memref<16x160x128xi32, #tpu.memory_space<hbm>> -> memref<1x160x128xi32, #tpu.memory_space<hbm>>
    %dma_start3A_64 = tpu.memref_squeeze %dma_start3A_63 : memref<1x160x128xi32, #tpu.memory_space<hbm>> -> memref<160x128xi32, #tpu.memory_space<hbm>>
    %dma_start3A_65 = arith.constant 0 : i32
    %dma_start3A_66 = tpu.memref_slice %dma_start3A_64[%dma_start3A_60, %dma_start3A_65] : memref<160x128xi32, #tpu.memory_space<hbm>> -> memref<1x128xi32, #tpu.memory_space<hbm>>
    %dma_start3A_67 = tpu.memref_squeeze %dma_start3A_66 : memref<1x128xi32, #tpu.memory_space<hbm>> -> memref<128xi32, #tpu.memory_space<hbm>>
    %dma_start3A_68 = arith.constant 0 : i32
    %dma_start3A_69 = arith.constant 0 : i32
    %dma_start3A_70 = tpu.memref_slice %arg3[%arg1, %dma_start3A_68, %dma_start3A_69] : memref<16x160x128xi32, #tpu.memory_space<hbm>> -> memref<1x160x128xi32, #tpu.memory_space<hbm>>
    %dma_start3A_71 = tpu.memref_squeeze %dma_start3A_70 : memref<1x160x128xi32, #tpu.memory_space<hbm>> -> memref<160x128xi32, #tpu.memory_space<hbm>>
    %dma_start3A_72 = arith.constant 0 : i32
    %dma_start3A_73 = tpu.memref_slice %dma_start3A_71[%dma_start3A_60, %dma_start3A_72] : memref<160x128xi32, #tpu.memory_space<hbm>> -> memref<1x128xi32, #tpu.memory_space<hbm>>
    %dma_start3A_74 = tpu.memref_squeeze %dma_start3A_73 : memref<1x128xi32, #tpu.memory_space<hbm>> -> memref<128xi32, #tpu.memory_space<hbm>>
    tpu.enqueue_dma source(%dma_start3A_74 : memref<128xi32, #tpu.memory_space<hbm>>) target(%arg13 : memref<128xi32, #tpu.memory_space<vmem>>) target_semaphore(%arg35 : memref<!tpu.dma_semaphore, #tpu.memory_space<semaphore_mem>>)
    %dma_start3A_75 = arith.constant 2 : i32
    %dma_start3A_76 = arith.constant 0 : i32
    %dma_start3A_77 = arith.constant 0 : i32
    %dma_start3A_78 = tpu.memref_slice %arg4[%arg1, %dma_start3A_76, %dma_start3A_77] : memref<16x160x128xi32, #tpu.memory_space<hbm>> -> memref<1x160x128xi32, #tpu.memory_space<hbm>>
    %dma_start3A_79 = tpu.memref_squeeze %dma_start3A_78 : memref<1x160x128xi32, #tpu.memory_space<hbm>> -> memref<160x128xi32, #tpu.memory_space<hbm>>
    %dma_start3A_80 = arith.constant 0 : i32
    %dma_start3A_81 = tpu.memref_slice %dma_start3A_79[%dma_start3A_75, %dma_start3A_80] : memref<160x128xi32, #tpu.memory_space<hbm>> -> memref<1x128xi32, #tpu.memory_space<hbm>>
    %dma_start3A_82 = tpu.memref_squeeze %dma_start3A_81 : memref<1x128xi32, #tpu.memory_space<hbm>> -> memref<128xi32, #tpu.memory_space<hbm>>
    %dma_start3A_83 = arith.constant 0 : i32
    %dma_start3A_84 = arith.constant 0 : i32
    %dma_start3A_85 = tpu.memref_slice %arg4[%arg1, %dma_start3A_83, %dma_start3A_84] : memref<16x160x128xi32, #tpu.memory_space<hbm>> -> memref<1x160x128xi32, #tpu.memory_space<hbm>>
    %dma_start3A_86 = tpu.memref_squeeze %dma_start3A_85 : memref<1x160x128xi32, #tpu.memory_space<hbm>> -> memref<160x128xi32, #tpu.memory_space<hbm>>
    %dma_start3A_87 = arith.constant 0 : i32
    %dma_start3A_88 = tpu.memref_slice %dma_start3A_86[%dma_start3A_75, %dma_start3A_87] : memref<160x128xi32, #tpu.memory_space<hbm>> -> memref<1x128xi32, #tpu.memory_space<hbm>>
    %dma_start3A_89 = tpu.memref_squeeze %dma_start3A_88 : memref<1x128xi32, #tpu.memory_space<hbm>> -> memref<128xi32, #tpu.memory_space<hbm>>
    tpu.enqueue_dma source(%dma_start3A_89 : memref<128xi32, #tpu.memory_space<hbm>>) target(%arg18 : memref<128xi32, #tpu.memory_space<vmem>>) target_semaphore(%arg35 : memref<!tpu.dma_semaphore, #tpu.memory_space<semaphore_mem>>)
    %dma_wait3A = arith.constant 0 : i32
    %dma_wait3A_90 = arith.constant 0 : i32
    %dma_wait3A_91 = arith.constant 0 : i32
    %dma_wait3A_92 = tpu.memref_slice %arg3[%arg1, %dma_wait3A_90, %dma_wait3A_91] : memref<16x160x128xi32, #tpu.memory_space<hbm>> -> memref<1x160x128xi32, #tpu.memory_space<hbm>>
    %dma_wait3A_93 = tpu.memref_squeeze %dma_wait3A_92 : memref<1x160x128xi32, #tpu.memory_space<hbm>> -> memref<160x128xi32, #tpu.memory_space<hbm>>
    %dma_wait3A_94 = arith.constant 0 : i32
    %dma_wait3A_95 = tpu.memref_slice %dma_wait3A_93[%dma_wait3A, %dma_wait3A_94] : memref<160x128xi32, #tpu.memory_space<hbm>> -> memref<1x128xi32, #tpu.memory_space<hbm>>
    %dma_wait3A_96 = tpu.memref_squeeze %dma_wait3A_95 : memref<1x128xi32, #tpu.memory_space<hbm>> -> memref<128xi32, #tpu.memory_space<hbm>>
    %dma_wait3A_97 = arith.constant 0 : i32
    %dma_wait3A_98 = arith.constant 0 : i32
    %dma_wait3A_99 = tpu.memref_slice %arg3[%arg1, %dma_wait3A_97, %dma_wait3A_98] : memref<16x160x128xi32, #tpu.memory_space<hbm>> -> memref<1x160x128xi32, #tpu.memory_space<hbm>>
    %dma_wait3A_100 = tpu.memref_squeeze %dma_wait3A_99 : memref<1x160x128xi32, #tpu.memory_space<hbm>> -> memref<160x128xi32, #tpu.memory_space<hbm>>
    %dma_wait3A_101 = arith.constant 0 : i32
    %dma_wait3A_102 = tpu.memref_slice %dma_wait3A_100[%dma_wait3A, %dma_wait3A_101] : memref<160x128xi32, #tpu.memory_space<hbm>> -> memref<1x128xi32, #tpu.memory_space<hbm>>
    %dma_wait3A_103 = tpu.memref_squeeze %dma_wait3A_102 : memref<1x128xi32, #tpu.memory_space<hbm>> -> memref<128xi32, #tpu.memory_space<hbm>>
    tpu.wait_dma2 semaphore(%arg33 : memref<!tpu.dma_semaphore, #tpu.memory_space<semaphore_mem>>) src(%dma_wait3A_103 : memref<128xi32, #tpu.memory_space<hbm>>) dst(%arg11 : memref<128xi32, #tpu.memory_space<vmem>>)
    %dma_wait3A_104 = arith.constant 0 : i32
    %dma_wait3A_105 = arith.constant 0 : i32
    %dma_wait3A_106 = arith.constant 0 : i32
    %dma_wait3A_107 = tpu.memref_slice %arg4[%arg1, %dma_wait3A_105, %dma_wait3A_106] : memref<16x160x128xi32, #tpu.memory_space<hbm>> -> memref<1x160x128xi32, #tpu.memory_space<hbm>>
    %dma_wait3A_108 = tpu.memref_squeeze %dma_wait3A_107 : memref<1x160x128xi32, #tpu.memory_space<hbm>> -> memref<160x128xi32, #tpu.memory_space<hbm>>
    %dma_wait3A_109 = arith.constant 0 : i32
    %dma_wait3A_110 = tpu.memref_slice %dma_wait3A_108[%dma_wait3A_104, %dma_wait3A_109] : memref<160x128xi32, #tpu.memory_space<hbm>> -> memref<1x128xi32, #tpu.memory_space<hbm>>
    %dma_wait3A_111 = tpu.memref_squeeze %dma_wait3A_110 : memref<1x128xi32, #tpu.memory_space<hbm>> -> memref<128xi32, #tpu.memory_space<hbm>>
    %dma_wait3A_112 = arith.constant 0 : i32
    %dma_wait3A_113 = arith.constant 0 : i32
    %dma_wait3A_114 = tpu.memref_slice %arg4[%arg1, %dma_wait3A_112, %dma_wait3A_113] : memref<16x160x128xi32, #tpu.memory_space<hbm>> -> memref<1x160x128xi32, #tpu.memory_space<hbm>>
    %dma_wait3A_115 = tpu.memref_squeeze %dma_wait3A_114 : memref<1x160x128xi32, #tpu.memory_space<hbm>> -> memref<160x128xi32, #tpu.memory_space<hbm>>
    %dma_wait3A_116 = arith.constant 0 : i32
    %dma_wait3A_117 = tpu.memref_slice %dma_wait3A_115[%dma_wait3A_104, %dma_wait3A_116] : memref<160x128xi32, #tpu.memory_space<hbm>> -> memref<1x128xi32, #tpu.memory_space<hbm>>
    %dma_wait3A_118 = tpu.memref_squeeze %dma_wait3A_117 : memref<1x128xi32, #tpu.memory_space<hbm>> -> memref<128xi32, #tpu.memory_space<hbm>>
    tpu.wait_dma2 semaphore(%arg33 : memref<!tpu.dma_semaphore, #tpu.memory_space<semaphore_mem>>) src(%dma_wait3A_118 : memref<128xi32, #tpu.memory_space<hbm>>) dst(%arg16 : memref<128xi32, #tpu.memory_space<vmem>>)
    %dma_start3A_119 = arith.constant 0 : i32
    %dma_start3A_120 = arith.constant 0 : i32
    %dma_start3A_121 = tpu.memref_slice %arg22[%dma_start3A_119, %dma_start3A_120] : memref<10240x64xf32, #tpu.memory_space<vmem_shared>> -> memref<10240x64xf32, #tpu.memory_space<vmem_shared>>
    tpu.enqueue_indirect_dma source(%dma_start3A_121 : memref<10240x64xf32, #tpu.memory_space<vmem_shared>>) target(%arg6 : memref<128x64xf32, #tpu.memory_space<vmem>>) offsets(%arg11 : memref<128xi32, #tpu.memory_space<vmem>>) semaphore(%arg23 : memref<!tpu.dma_semaphore, #tpu.memory_space<semaphore_mem>>)
    %dma_wait3A_122 = arith.constant 0 : i32
    %dma_wait3A_123 = arith.constant 0 : i32
    %dma_wait3A_124 = arith.constant 0 : i32
    %dma_wait3A_125 = tpu.memref_slice %arg3[%arg1, %dma_wait3A_123, %dma_wait3A_124] : memref<16x160x128xi32, #tpu.memory_space<hbm>> -> memref<1x160x128xi32, #tpu.memory_space<hbm>>
    %dma_wait3A_126 = tpu.memref_squeeze %dma_wait3A_125 : memref<1x160x128xi32, #tpu.memory_space<hbm>> -> memref<160x128xi32, #tpu.memory_space<hbm>>
    %dma_wait3A_127 = arith.constant 0 : i32
    %dma_wait3A_128 = tpu.memref_slice %dma_wait3A_126[%dma_wait3A_122, %dma_wait3A_127] : memref<160x128xi32, #tpu.memory_space<hbm>> -> memref<1x128xi32, #tpu.memory_space<hbm>>
    %dma_wait3A_129 = tpu.memref_squeeze %dma_wait3A_128 : memref<1x128xi32, #tpu.memory_space<hbm>> -> memref<128xi32, #tpu.memory_space<hbm>>
    %dma_wait3A_130 = arith.constant 0 : i32
    %dma_wait3A_131 = arith.constant 0 : i32
    %dma_wait3A_132 = tpu.memref_slice %arg3[%arg1, %dma_wait3A_130, %dma_wait3A_131] : memref<16x160x128xi32, #tpu.memory_space<hbm>> -> memref<1x160x128xi32, #tpu.memory_space<hbm>>
    %dma_wait3A_133 = tpu.memref_squeeze %dma_wait3A_132 : memref<1x160x128xi32, #tpu.memory_space<hbm>> -> memref<160x128xi32, #tpu.memory_space<hbm>>
    %dma_wait3A_134 = arith.constant 0 : i32
    %dma_wait3A_135 = tpu.memref_slice %dma_wait3A_133[%dma_wait3A_122, %dma_wait3A_134] : memref<160x128xi32, #tpu.memory_space<hbm>> -> memref<1x128xi32, #tpu.memory_space<hbm>>
    %dma_wait3A_136 = tpu.memref_squeeze %dma_wait3A_135 : memref<1x128xi32, #tpu.memory_space<hbm>> -> memref<128xi32, #tpu.memory_space<hbm>>
    tpu.wait_dma2 semaphore(%arg34 : memref<!tpu.dma_semaphore, #tpu.memory_space<semaphore_mem>>) src(%dma_wait3A_136 : memref<128xi32, #tpu.memory_space<hbm>>) dst(%arg12 : memref<128xi32, #tpu.memory_space<vmem>>)
    %dma_wait3A_137 = arith.constant 0 : i32
    %dma_wait3A_138 = arith.constant 0 : i32
    %dma_wait3A_139 = arith.constant 0 : i32
    %dma_wait3A_140 = tpu.memref_slice %arg4[%arg1, %dma_wait3A_138, %dma_wait3A_139] : memref<16x160x128xi32, #tpu.memory_space<hbm>> -> memref<1x160x128xi32, #tpu.memory_space<hbm>>
    %dma_wait3A_141 = tpu.memref_squeeze %dma_wait3A_140 : memref<1x160x128xi32, #tpu.memory_space<hbm>> -> memref<160x128xi32, #tpu.memory_space<hbm>>
    %dma_wait3A_142 = arith.constant 0 : i32
    %dma_wait3A_143 = tpu.memref_slice %dma_wait3A_141[%dma_wait3A_137, %dma_wait3A_142] : memref<160x128xi32, #tpu.memory_space<hbm>> -> memref<1x128xi32, #tpu.memory_space<hbm>>
    %dma_wait3A_144 = tpu.memref_squeeze %dma_wait3A_143 : memref<1x128xi32, #tpu.memory_space<hbm>> -> memref<128xi32, #tpu.memory_space<hbm>>
    %dma_wait3A_145 = arith.constant 0 : i32
    %dma_wait3A_146 = arith.constant 0 : i32
    %dma_wait3A_147 = tpu.memref_slice %arg4[%arg1, %dma_wait3A_145, %dma_wait3A_146] : memref<16x160x128xi32, #tpu.memory_space<hbm>> -> memref<1x160x128xi32, #tpu.memory_space<hbm>>
    %dma_wait3A_148 = tpu.memref_squeeze %dma_wait3A_147 : memref<1x160x128xi32, #tpu.memory_space<hbm>> -> memref<160x128xi32, #tpu.memory_space<hbm>>
    %dma_wait3A_149 = arith.constant 0 : i32
    %dma_wait3A_150 = tpu.memref_slice %dma_wait3A_148[%dma_wait3A_137, %dma_wait3A_149] : memref<160x128xi32, #tpu.memory_space<hbm>> -> memref<1x128xi32, #tpu.memory_space<hbm>>
    %dma_wait3A_151 = tpu.memref_squeeze %dma_wait3A_150 : memref<1x128xi32, #tpu.memory_space<hbm>> -> memref<128xi32, #tpu.memory_space<hbm>>
    tpu.wait_dma2 semaphore(%arg34 : memref<!tpu.dma_semaphore, #tpu.memory_space<semaphore_mem>>) src(%dma_wait3A_151 : memref<128xi32, #tpu.memory_space<hbm>>) dst(%arg17 : memref<128xi32, #tpu.memory_space<vmem>>)
    %dma_start3A_152 = arith.constant 0 : i32
    %dma_start3A_153 = arith.constant 0 : i32
    %dma_start3A_154 = tpu.memref_slice %arg22[%dma_start3A_152, %dma_start3A_153] : memref<10240x64xf32, #tpu.memory_space<vmem_shared>> -> memref<10240x64xf32, #tpu.memory_space<vmem_shared>>
    tpu.enqueue_indirect_dma source(%dma_start3A_154 : memref<10240x64xf32, #tpu.memory_space<vmem_shared>>) target(%arg7 : memref<128x64xf32, #tpu.memory_space<vmem>>) offsets(%arg12 : memref<128xi32, #tpu.memory_space<vmem>>) semaphore(%arg24 : memref<!tpu.dma_semaphore, #tpu.memory_space<semaphore_mem>>)
    %scan3A = arith.constant 0 : i32
    %scan3A_155 = arith.constant 0 : i32
    %scan3A_156 = arith.constant 32 : i32
    %scan3A_157 = arith.addi %scan3A_155, %scan3A_156 : i32
    %scan3A_158 = arith.constant 1 : i32
    scf.for %scan3A_167 = %scan3A_155 to %scan3A_157 step %scan3A_158  : i32 {
      %mul3A_168 = arith.constant 5 : i32
      %mul3A_169 = arith.muli %scan3A_167, %mul3A_168 : i32
      %add3A = arith.constant 0 : i32
      %add3A_170 = arith.addi %mul3A_169, %add3A : i32
      %dma_wait3A_171 = arith.constant 0 : i32
      %dma_wait3A_172 = arith.constant 0 : i32
      %dma_wait3A_173 = tpu.memref_slice %arg22[%dma_wait3A_171, %dma_wait3A_172] : memref<10240x64xf32, #tpu.memory_space<vmem_shared>> -> memref<10240x64xf32, #tpu.memory_space<vmem_shared>>
      tpu.wait_indirect_dma semaphore(%arg23 : memref<!tpu.dma_semaphore, #tpu.memory_space<semaphore_mem>>) src(%dma_wait3A_173 : memref<10240x64xf32, #tpu.memory_space<vmem_shared>>) dst(%arg6 : memref<128x64xf32, #tpu.memory_space<vmem>>)
      %dma_start3A_174 = arith.constant 0 : i32
      %dma_start3A_175 = arith.constant 0 : i32
      %dma_start3A_176 = tpu.memref_slice %arg21[%dma_start3A_174, %dma_start3A_175] : memref<10240x64xf32, #tpu.memory_space<vmem_shared>> -> memref<10240x64xf32, #tpu.memory_space<vmem_shared>>
      tpu.enqueue_indirect_dma source(%arg6 : memref<128x64xf32, #tpu.memory_space<vmem>>) target(%dma_start3A_176 : memref<10240x64xf32, #tpu.memory_space<vmem_shared>>) offsets(%arg16 : memref<128xi32, #tpu.memory_space<vmem>>) semaphore(%arg28 : memref<!tpu.dma_semaphore, #tpu.memory_space<semaphore_mem>>) {add = true}
      %ge3A = arith.constant 2 : i32
      %ge3A_177 = arith.cmpi sge, %add3A_170, %ge3A : i32
      %convert_element_type3A = arith.extui %ge3A_177 : i1 to i32
      %cond3A = arith.constant 0 : i32
      %cond3A_178 = arith.cmpi ne, %convert_element_type3A, %cond3A : i32
      scf.if %cond3A_178 {
        %dma_wait3A_309 = arith.constant 0 : i32
        %dma_wait3A_310 = arith.constant 0 : i32
        %dma_wait3A_311 = tpu.memref_slice %arg21[%dma_wait3A_309, %dma_wait3A_310] : memref<10240x64xf32, #tpu.memory_space<vmem_shared>> -> memref<10240x64xf32, #tpu.memory_space<vmem_shared>>
        tpu.wait_indirect_dma semaphore(%arg31 : memref<!tpu.dma_semaphore, #tpu.memory_space<semaphore_mem>>) src(%arg9 : memref<128x64xf32, #tpu.memory_space<vmem>>) dst(%dma_wait3A_311 : memref<10240x64xf32, #tpu.memory_space<vmem_shared>>)
      } else {
      }
      %add3A_179 = arith.constant 3 : i32
      %add3A_180 = arith.addi %add3A_170, %add3A_179 : i32
      %lt3A = arith.constant 160 : i32
      %lt3A_181 = arith.cmpi slt, %add3A_180, %lt3A : i32
      %convert_element_type3A_182 = arith.extui %lt3A_181 : i1 to i32
      %cond3A_183 = arith.constant 0 : i32
      %cond3A_184 = arith.cmpi ne, %convert_element_type3A_182, %cond3A_183 : i32
      scf.if %cond3A_184 {
        %add3A_309 = arith.constant 3 : i32
        %add3A_310 = arith.addi %add3A_170, %add3A_309 : i32
        %dma_start3A_311 = arith.constant 0 : i32
        %dma_start3A_312 = arith.constant 0 : i32
        %dma_start3A_313 = tpu.memref_slice %arg3[%arg1, %dma_start3A_311, %dma_start3A_312] : memref<16x160x128xi32, #tpu.memory_space<hbm>> -> memref<1x160x128xi32, #tpu.memory_space<hbm>>
        %dma_start3A_314 = tpu.memref_squeeze %dma_start3A_313 : memref<1x160x128xi32, #tpu.memory_space<hbm>> -> memref<160x128xi32, #tpu.memory_space<hbm>>
        %dma_start3A_315 = arith.constant 0 : i32
        %dma_start3A_316 = tpu.memref_slice %dma_start3A_314[%add3A_310, %dma_start3A_315] : memref<160x128xi32, #tpu.memory_space<hbm>> -> memref<1x128xi32, #tpu.memory_space<hbm>>
        %dma_start3A_317 = tpu.memref_squeeze %dma_start3A_316 : memref<1x128xi32, #tpu.memory_space<hbm>> -> memref<128xi32, #tpu.memory_space<hbm>>
        %dma_start3A_318 = arith.constant 0 : i32
        %dma_start3A_319 = arith.constant 0 : i32
        %dma_start3A_320 = tpu.memref_slice %arg3[%arg1, %dma_start3A_318, %dma_start3A_319] : memref<16x160x128xi32, #tpu.memory_space<hbm>> -> memref<1x160x128xi32, #tpu.memory_space<hbm>>
        %dma_start3A_321 = tpu.memref_squeeze %dma_start3A_320 : memref<1x160x128xi32, #tpu.memory_space<hbm>> -> memref<160x128xi32, #tpu.memory_space<hbm>>
        %dma_start3A_322 = arith.constant 0 : i32
        %dma_start3A_323 = tpu.memref_slice %dma_start3A_321[%add3A_310, %dma_start3A_322] : memref<160x128xi32, #tpu.memory_space<hbm>> -> memref<1x128xi32, #tpu.memory_space<hbm>>
        %dma_start3A_324 = tpu.memref_squeeze %dma_start3A_323 : memref<1x128xi32, #tpu.memory_space<hbm>> -> memref<128xi32, #tpu.memory_space<hbm>>
        tpu.enqueue_dma source(%dma_start3A_324 : memref<128xi32, #tpu.memory_space<hbm>>) target(%arg14 : memref<128xi32, #tpu.memory_space<vmem>>) target_semaphore(%arg36 : memref<!tpu.dma_semaphore, #tpu.memory_space<semaphore_mem>>)
        %dma_start3A_325 = arith.constant 0 : i32
        %dma_start3A_326 = arith.constant 0 : i32
        %dma_start3A_327 = tpu.memref_slice %arg4[%arg1, %dma_start3A_325, %dma_start3A_326] : memref<16x160x128xi32, #tpu.memory_space<hbm>> -> memref<1x160x128xi32, #tpu.memory_space<hbm>>
        %dma_start3A_328 = tpu.memref_squeeze %dma_start3A_327 : memref<1x160x128xi32, #tpu.memory_space<hbm>> -> memref<160x128xi32, #tpu.memory_space<hbm>>
        %dma_start3A_329 = arith.constant 0 : i32
        %dma_start3A_330 = tpu.memref_slice %dma_start3A_328[%add3A_310, %dma_start3A_329] : memref<160x128xi32, #tpu.memory_space<hbm>> -> memref<1x128xi32, #tpu.memory_space<hbm>>
        %dma_start3A_331 = tpu.memref_squeeze %dma_start3A_330 : memref<1x128xi32, #tpu.memory_space<hbm>> -> memref<128xi32, #tpu.memory_space<hbm>>
        %dma_start3A_332 = arith.constant 0 : i32
        %dma_start3A_333 = arith.constant 0 : i32
        %dma_start3A_334 = tpu.memref_slice %arg4[%arg1, %dma_start3A_332, %dma_start3A_333] : memref<16x160x128xi32, #tpu.memory_space<hbm>> -> memref<1x160x128xi32, #tpu.memory_space<hbm>>
        %dma_start3A_335 = tpu.memref_squeeze %dma_start3A_334 : memref<1x160x128xi32, #tpu.memory_space<hbm>> -> memref<160x128xi32, #tpu.memory_space<hbm>>
        %dma_start3A_336 = arith.constant 0 : i32
        %dma_start3A_337 = tpu.memref_slice %dma_start3A_335[%add3A_310, %dma_start3A_336] : memref<160x128xi32, #tpu.memory_space<hbm>> -> memref<1x128xi32, #tpu.memory_space<hbm>>
        %dma_start3A_338 = tpu.memref_squeeze %dma_start3A_337 : memref<1x128xi32, #tpu.memory_space<hbm>> -> memref<128xi32, #tpu.memory_space<hbm>>
        tpu.enqueue_dma source(%dma_start3A_338 : memref<128xi32, #tpu.memory_space<hbm>>) target(%arg19 : memref<128xi32, #tpu.memory_space<vmem>>) target_semaphore(%arg36 : memref<!tpu.dma_semaphore, #tpu.memory_space<semaphore_mem>>)
      } else {
      }
      %add3A_185 = arith.constant 3 : i32
      %add3A_186 = arith.addi %add3A_170, %add3A_185 : i32
      %sub3A = arith.constant 1 : i32
      %sub3A_187 = arith.subi %add3A_186, %sub3A : i32
      %lt3A_188 = arith.constant 160 : i32
      %lt3A_189 = arith.cmpi slt, %sub3A_187, %lt3A_188 : i32
      %convert_element_type3A_190 = arith.extui %lt3A_189 : i1 to i32
      %cond3A_191 = arith.constant 0 : i32
      %cond3A_192 = arith.cmpi ne, %convert_element_type3A_190, %cond3A_191 : i32
      scf.if %cond3A_192 {
        %dma_wait3A_309 = arith.constant 0 : i32
        %dma_wait3A_310 = arith.constant 0 : i32
        %dma_wait3A_311 = arith.constant 0 : i32
        %dma_wait3A_312 = tpu.memref_slice %arg3[%arg1, %dma_wait3A_310, %dma_wait3A_311] : memref<16x160x128xi32, #tpu.memory_space<hbm>> -> memref<1x160x128xi32, #tpu.memory_space<hbm>>
        %dma_wait3A_313 = tpu.memref_squeeze %dma_wait3A_312 : memref<1x160x128xi32, #tpu.memory_space<hbm>> -> memref<160x128xi32, #tpu.memory_space<hbm>>
        %dma_wait3A_314 = arith.constant 0 : i32
        %dma_wait3A_315 = tpu.memref_slice %dma_wait3A_313[%dma_wait3A_309, %dma_wait3A_314] : memref<160x128xi32, #tpu.memory_space<hbm>> -> memref<1x128xi32, #tpu.memory_space<hbm>>
        %dma_wait3A_316 = tpu.memref_squeeze %dma_wait3A_315 : memref<1x128xi32, #tpu.memory_space<hbm>> -> memref<128xi32, #tpu.memory_space<hbm>>
        %dma_wait3A_317 = arith.constant 0 : i32
        %dma_wait3A_318 = arith.constant 0 : i32
        %dma_wait3A_319 = tpu.memref_slice %arg3[%arg1, %dma_wait3A_317, %dma_wait3A_318] : memref<16x160x128xi32, #tpu.memory_space<hbm>> -> memref<1x160x128xi32, #tpu.memory_space<hbm>>
        %dma_wait3A_320 = tpu.memref_squeeze %dma_wait3A_319 : memref<1x160x128xi32, #tpu.memory_space<hbm>> -> memref<160x128xi32, #tpu.memory_space<hbm>>
        %dma_wait3A_321 = arith.constant 0 : i32
        %dma_wait3A_322 = tpu.memref_slice %dma_wait3A_320[%dma_wait3A_309, %dma_wait3A_321] : memref<160x128xi32, #tpu.memory_space<hbm>> -> memref<1x128xi32, #tpu.memory_space<hbm>>
        %dma_wait3A_323 = tpu.memref_squeeze %dma_wait3A_322 : memref<1x128xi32, #tpu.memory_space<hbm>> -> memref<128xi32, #tpu.memory_space<hbm>>
        tpu.wait_dma2 semaphore(%arg35 : memref<!tpu.dma_semaphore, #tpu.memory_space<semaphore_mem>>) src(%dma_wait3A_323 : memref<128xi32, #tpu.memory_space<hbm>>) dst(%arg13 : memref<128xi32, #tpu.memory_space<vmem>>)
        %dma_wait3A_324 = arith.constant 0 : i32
        %dma_wait3A_325 = arith.constant 0 : i32
        %dma_wait3A_326 = arith.constant 0 : i32
        %dma_wait3A_327 = tpu.memref_slice %arg4[%arg1, %dma_wait3A_325, %dma_wait3A_326] : memref<16x160x128xi32, #tpu.memory_space<hbm>> -> memref<1x160x128xi32, #tpu.memory_space<hbm>>
        %dma_wait3A_328 = tpu.memref_squeeze %dma_wait3A_327 : memref<1x160x128xi32, #tpu.memory_space<hbm>> -> memref<160x128xi32, #tpu.memory_space<hbm>>
        %dma_wait3A_329 = arith.constant 0 : i32
        %dma_wait3A_330 = tpu.memref_slice %dma_wait3A_328[%dma_wait3A_324, %dma_wait3A_329] : memref<160x128xi32, #tpu.memory_space<hbm>> -> memref<1x128xi32, #tpu.memory_space<hbm>>
        %dma_wait3A_331 = tpu.memref_squeeze %dma_wait3A_330 : memref<1x128xi32, #tpu.memory_space<hbm>> -> memref<128xi32, #tpu.memory_space<hbm>>
        %dma_wait3A_332 = arith.constant 0 : i32
        %dma_wait3A_333 = arith.constant 0 : i32
        %dma_wait3A_334 = tpu.memref_slice %arg4[%arg1, %dma_wait3A_332, %dma_wait3A_333] : memref<16x160x128xi32, #tpu.memory_space<hbm>> -> memref<1x160x128xi32, #tpu.memory_space<hbm>>
        %dma_wait3A_335 = tpu.memref_squeeze %dma_wait3A_334 : memref<1x160x128xi32, #tpu.memory_space<hbm>> -> memref<160x128xi32, #tpu.memory_space<hbm>>
        %dma_wait3A_336 = arith.constant 0 : i32
        %dma_wait3A_337 = tpu.memref_slice %dma_wait3A_335[%dma_wait3A_324, %dma_wait3A_336] : memref<160x128xi32, #tpu.memory_space<hbm>> -> memref<1x128xi32, #tpu.memory_space<hbm>>
        %dma_wait3A_338 = tpu.memref_squeeze %dma_wait3A_337 : memref<1x128xi32, #tpu.memory_space<hbm>> -> memref<128xi32, #tpu.memory_space<hbm>>
        tpu.wait_dma2 semaphore(%arg35 : memref<!tpu.dma_semaphore, #tpu.memory_space<semaphore_mem>>) src(%dma_wait3A_338 : memref<128xi32, #tpu.memory_space<hbm>>) dst(%arg18 : memref<128xi32, #tpu.memory_space<vmem>>)
        %add3A_339 = arith.constant 3 : i32
        %add3A_340 = arith.addi %add3A_170, %add3A_339 : i32
        %sub3A_341 = arith.constant 1 : i32
        %sub3A_342 = arith.subi %add3A_340, %sub3A_341 : i32
        %dma_start3A_343 = arith.constant 0 : i32
        %dma_start3A_344 = arith.constant 0 : i32
        %dma_start3A_345 = tpu.memref_slice %arg22[%dma_start3A_343, %dma_start3A_344] : memref<10240x64xf32, #tpu.memory_space<vmem_shared>> -> memref<10240x64xf32, #tpu.memory_space<vmem_shared>>
        tpu.enqueue_indirect_dma source(%dma_start3A_345 : memref<10240x64xf32, #tpu.memory_space<vmem_shared>>) target(%arg8 : memref<128x64xf32, #tpu.memory_space<vmem>>) offsets(%arg13 : memref<128xi32, #tpu.memory_space<vmem>>) semaphore(%arg25 : memref<!tpu.dma_semaphore, #tpu.memory_space<semaphore_mem>>)
      } else {
      }
      %add3A_193 = arith.constant 1 : i32
      %add3A_194 = arith.addi %mul3A_169, %add3A_193 : i32
      %dma_wait3A_195 = arith.constant 0 : i32
      %dma_wait3A_196 = arith.constant 0 : i32
      %dma_wait3A_197 = tpu.memref_slice %arg22[%dma_wait3A_195, %dma_wait3A_196] : memref<10240x64xf32, #tpu.memory_space<vmem_shared>> -> memref<10240x64xf32, #tpu.memory_space<vmem_shared>>
      tpu.wait_indirect_dma semaphore(%arg24 : memref<!tpu.dma_semaphore, #tpu.memory_space<semaphore_mem>>) src(%dma_wait3A_197 : memref<10240x64xf32, #tpu.memory_space<vmem_shared>>) dst(%arg7 : memref<128x64xf32, #tpu.memory_space<vmem>>)
      %dma_start3A_198 = arith.constant 0 : i32
      %dma_start3A_199 = arith.constant 0 : i32
      %dma_start3A_200 = tpu.memref_slice %arg21[%dma_start3A_198, %dma_start3A_199] : memref<10240x64xf32, #tpu.memory_space<vmem_shared>> -> memref<10240x64xf32, #tpu.memory_space<vmem_shared>>
      tpu.enqueue_indirect_dma source(%arg7 : memref<128x64xf32, #tpu.memory_space<vmem>>) target(%dma_start3A_200 : memref<10240x64xf32, #tpu.memory_space<vmem_shared>>) offsets(%arg17 : memref<128xi32, #tpu.memory_space<vmem>>) semaphore(%arg29 : memref<!tpu.dma_semaphore, #tpu.memory_space<semaphore_mem>>) {add = true}
      %ge3A_201 = arith.constant 2 : i32
      %ge3A_202 = arith.cmpi sge, %add3A_194, %ge3A_201 : i32
      %convert_element_type3A_203 = arith.extui %ge3A_202 : i1 to i32
      %cond3A_204 = arith.constant 0 : i32
      %cond3A_205 = arith.cmpi ne, %convert_element_type3A_203, %cond3A_204 : i32
      scf.if %cond3A_205 {
        %dma_wait3A_309 = arith.constant 0 : i32
        %dma_wait3A_310 = arith.constant 0 : i32
        %dma_wait3A_311 = tpu.memref_slice %arg21[%dma_wait3A_309, %dma_wait3A_310] : memref<10240x64xf32, #tpu.memory_space<vmem_shared>> -> memref<10240x64xf32, #tpu.memory_space<vmem_shared>>
        tpu.wait_indirect_dma semaphore(%arg32 : memref<!tpu.dma_semaphore, #tpu.memory_space<semaphore_mem>>) src(%arg10 : memref<128x64xf32, #tpu.memory_space<vmem>>) dst(%dma_wait3A_311 : memref<10240x64xf32, #tpu.memory_space<vmem_shared>>)
      } else {
      }
      %add3A_206 = arith.constant 3 : i32
      %add3A_207 = arith.addi %add3A_194, %add3A_206 : i32
      %lt3A_208 = arith.constant 160 : i32
      %lt3A_209 = arith.cmpi slt, %add3A_207, %lt3A_208 : i32
      %convert_element_type3A_210 = arith.extui %lt3A_209 : i1 to i32
      %cond3A_211 = arith.constant 0 : i32
      %cond3A_212 = arith.cmpi ne, %convert_element_type3A_210, %cond3A_211 : i32
      scf.if %cond3A_212 {
        %add3A_309 = arith.constant 3 : i32
        %add3A_310 = arith.addi %add3A_194, %add3A_309 : i32
        %dma_start3A_311 = arith.constant 0 : i32
        %dma_start3A_312 = arith.constant 0 : i32
        %dma_start3A_313 = tpu.memref_slice %arg3[%arg1, %dma_start3A_311, %dma_start3A_312] : memref<16x160x128xi32, #tpu.memory_space<hbm>> -> memref<1x160x128xi32, #tpu.memory_space<hbm>>
        %dma_start3A_314 = tpu.memref_squeeze %dma_start3A_313 : memref<1x160x128xi32, #tpu.memory_space<hbm>> -> memref<160x128xi32, #tpu.memory_space<hbm>>
        %dma_start3A_315 = arith.constant 0 : i32
        %dma_start3A_316 = tpu.memref_slice %dma_start3A_314[%add3A_310, %dma_start3A_315] : memref<160x128xi32, #tpu.memory_space<hbm>> -> memref<1x128xi32, #tpu.memory_space<hbm>>
        %dma_start3A_317 = tpu.memref_squeeze %dma_start3A_316 : memref<1x128xi32, #tpu.memory_space<hbm>> -> memref<128xi32, #tpu.memory_space<hbm>>
        %dma_start3A_318 = arith.constant 0 : i32
        %dma_start3A_319 = arith.constant 0 : i32
        %dma_start3A_320 = tpu.memref_slice %arg3[%arg1, %dma_start3A_318, %dma_start3A_319] : memref<16x160x128xi32, #tpu.memory_space<hbm>> -> memref<1x160x128xi32, #tpu.memory_space<hbm>>
        %dma_start3A_321 = tpu.memref_squeeze %dma_start3A_320 : memref<1x160x128xi32, #tpu.memory_space<hbm>> -> memref<160x128xi32, #tpu.memory_space<hbm>>
        %dma_start3A_322 = arith.constant 0 : i32
        %dma_start3A_323 = tpu.memref_slice %dma_start3A_321[%add3A_310, %dma_start3A_322] : memref<160x128xi32, #tpu.memory_space<hbm>> -> memref<1x128xi32, #tpu.memory_space<hbm>>
        %dma_start3A_324 = tpu.memref_squeeze %dma_start3A_323 : memref<1x128xi32, #tpu.memory_space<hbm>> -> memref<128xi32, #tpu.memory_space<hbm>>
        tpu.enqueue_dma source(%dma_start3A_324 : memref<128xi32, #tpu.memory_space<hbm>>) target(%arg15 : memref<128xi32, #tpu.memory_space<vmem>>) target_semaphore(%arg37 : memref<!tpu.dma_semaphore, #tpu.memory_space<semaphore_mem>>)
        %dma_start3A_325 = arith.constant 0 : i32
        %dma_start3A_326 = arith.constant 0 : i32
        %dma_start3A_327 = tpu.memref_slice %arg4[%arg1, %dma_start3A_325, %dma_start3A_326] : memref<16x160x128xi32, #tpu.memory_space<hbm>> -> memref<1x160x128xi32, #tpu.memory_space<hbm>>
        %dma_start3A_328 = tpu.memref_squeeze %dma_start3A_327 : memref<1x160x128xi32, #tpu.memory_space<hbm>> -> memref<160x128xi32, #tpu.memory_space<hbm>>
        %dma_start3A_329 = arith.constant 0 : i32
        %dma_start3A_330 = tpu.memref_slice %dma_start3A_328[%add3A_310, %dma_start3A_329] : memref<160x128xi32, #tpu.memory_space<hbm>> -> memref<1x128xi32, #tpu.memory_space<hbm>>
        %dma_start3A_331 = tpu.memref_squeeze %dma_start3A_330 : memref<1x128xi32, #tpu.memory_space<hbm>> -> memref<128xi32, #tpu.memory_space<hbm>>
        %dma_start3A_332 = arith.constant 0 : i32
        %dma_start3A_333 = arith.constant 0 : i32
        %dma_start3A_334 = tpu.memref_slice %arg4[%arg1, %dma_start3A_332, %dma_start3A_333] : memref<16x160x128xi32, #tpu.memory_space<hbm>> -> memref<1x160x128xi32, #tpu.memory_space<hbm>>
        %dma_start3A_335 = tpu.memref_squeeze %dma_start3A_334 : memref<1x160x128xi32, #tpu.memory_space<hbm>> -> memref<160x128xi32, #tpu.memory_space<hbm>>
        %dma_start3A_336 = arith.constant 0 : i32
        %dma_start3A_337 = tpu.memref_slice %dma_start3A_335[%add3A_310, %dma_start3A_336] : memref<160x128xi32, #tpu.memory_space<hbm>> -> memref<1x128xi32, #tpu.memory_space<hbm>>
        %dma_start3A_338 = tpu.memref_squeeze %dma_start3A_337 : memref<1x128xi32, #tpu.memory_space<hbm>> -> memref<128xi32, #tpu.memory_space<hbm>>
        tpu.enqueue_dma source(%dma_start3A_338 : memref<128xi32, #tpu.memory_space<hbm>>) target(%arg20 : memref<128xi32, #tpu.memory_space<vmem>>) target_semaphore(%arg37 : memref<!tpu.dma_semaphore, #tpu.memory_space<semaphore_mem>>)
      } else {
      }
      %add3A_213 = arith.constant 3 : i32
      %add3A_214 = arith.addi %add3A_194, %add3A_213 : i32
      %sub3A_215 = arith.constant 1 : i32
      %sub3A_216 = arith.subi %add3A_214, %sub3A_215 : i32
      %lt3A_217 = arith.constant 160 : i32
      %lt3A_218 = arith.cmpi slt, %sub3A_216, %lt3A_217 : i32
      %convert_element_type3A_219 = arith.extui %lt3A_218 : i1 to i32
      %cond3A_220 = arith.constant 0 : i32
      %cond3A_221 = arith.cmpi ne, %convert_element_type3A_219, %cond3A_220 : i32
      scf.if %cond3A_221 {
        %dma_wait3A_309 = arith.constant 0 : i32
        %dma_wait3A_310 = arith.constant 0 : i32
        %dma_wait3A_311 = arith.constant 0 : i32
        %dma_wait3A_312 = tpu.memref_slice %arg3[%arg1, %dma_wait3A_310, %dma_wait3A_311] : memref<16x160x128xi32, #tpu.memory_space<hbm>> -> memref<1x160x128xi32, #tpu.memory_space<hbm>>
        %dma_wait3A_313 = tpu.memref_squeeze %dma_wait3A_312 : memref<1x160x128xi32, #tpu.memory_space<hbm>> -> memref<160x128xi32, #tpu.memory_space<hbm>>
        %dma_wait3A_314 = arith.constant 0 : i32
        %dma_wait3A_315 = tpu.memref_slice %dma_wait3A_313[%dma_wait3A_309, %dma_wait3A_314] : memref<160x128xi32, #tpu.memory_space<hbm>> -> memref<1x128xi32, #tpu.memory_space<hbm>>
        %dma_wait3A_316 = tpu.memref_squeeze %dma_wait3A_315 : memref<1x128xi32, #tpu.memory_space<hbm>> -> memref<128xi32, #tpu.memory_space<hbm>>
        %dma_wait3A_317 = arith.constant 0 : i32
        %dma_wait3A_318 = arith.constant 0 : i32
        %dma_wait3A_319 = tpu.memref_slice %arg3[%arg1, %dma_wait3A_317, %dma_wait3A_318] : memref<16x160x128xi32, #tpu.memory_space<hbm>> -> memref<1x160x128xi32, #tpu.memory_space<hbm>>
        %dma_wait3A_320 = tpu.memref_squeeze %dma_wait3A_319 : memref<1x160x128xi32, #tpu.memory_space<hbm>> -> memref<160x128xi32, #tpu.memory_space<hbm>>
        %dma_wait3A_321 = arith.constant 0 : i32
        %dma_wait3A_322 = tpu.memref_slice %dma_wait3A_320[%dma_wait3A_309, %dma_wait3A_321] : memref<160x128xi32, #tpu.memory_space<hbm>> -> memref<1x128xi32, #tpu.memory_space<hbm>>
        %dma_wait3A_323 = tpu.memref_squeeze %dma_wait3A_322 : memref<1x128xi32, #tpu.memory_space<hbm>> -> memref<128xi32, #tpu.memory_space<hbm>>
        tpu.wait_dma2 semaphore(%arg36 : memref<!tpu.dma_semaphore, #tpu.memory_space<semaphore_mem>>) src(%dma_wait3A_323 : memref<128xi32, #tpu.memory_space<hbm>>) dst(%arg14 : memref<128xi32, #tpu.memory_space<vmem>>)
        %dma_wait3A_324 = arith.constant 0 : i32
        %dma_wait3A_325 = arith.constant 0 : i32
        %dma_wait3A_326 = arith.constant 0 : i32
        %dma_wait3A_327 = tpu.memref_slice %arg4[%arg1, %dma_wait3A_325, %dma_wait3A_326] : memref<16x160x128xi32, #tpu.memory_space<hbm>> -> memref<1x160x128xi32, #tpu.memory_space<hbm>>
        %dma_wait3A_328 = tpu.memref_squeeze %dma_wait3A_327 : memref<1x160x128xi32, #tpu.memory_space<hbm>> -> memref<160x128xi32, #tpu.memory_space<hbm>>
        %dma_wait3A_329 = arith.constant 0 : i32
        %dma_wait3A_330 = tpu.memref_slice %dma_wait3A_328[%dma_wait3A_324, %dma_wait3A_329] : memref<160x128xi32, #tpu.memory_space<hbm>> -> memref<1x128xi32, #tpu.memory_space<hbm>>
        %dma_wait3A_331 = tpu.memref_squeeze %dma_wait3A_330 : memref<1x128xi32, #tpu.memory_space<hbm>> -> memref<128xi32, #tpu.memory_space<hbm>>
        %dma_wait3A_332 = arith.constant 0 : i32
        %dma_wait3A_333 = arith.constant 0 : i32
        %dma_wait3A_334 = tpu.memref_slice %arg4[%arg1, %dma_wait3A_332, %dma_wait3A_333] : memref<16x160x128xi32, #tpu.memory_space<hbm>> -> memref<1x160x128xi32, #tpu.memory_space<hbm>>
        %dma_wait3A_335 = tpu.memref_squeeze %dma_wait3A_334 : memref<1x160x128xi32, #tpu.memory_space<hbm>> -> memref<160x128xi32, #tpu.memory_space<hbm>>
        %dma_wait3A_336 = arith.constant 0 : i32
        %dma_wait3A_337 = tpu.memref_slice %dma_wait3A_335[%dma_wait3A_324, %dma_wait3A_336] : memref<160x128xi32, #tpu.memory_space<hbm>> -> memref<1x128xi32, #tpu.memory_space<hbm>>
        %dma_wait3A_338 = tpu.memref_squeeze %dma_wait3A_337 : memref<1x128xi32, #tpu.memory_space<hbm>> -> memref<128xi32, #tpu.memory_space<hbm>>
        tpu.wait_dma2 semaphore(%arg36 : memref<!tpu.dma_semaphore, #tpu.memory_space<semaphore_mem>>) src(%dma_wait3A_338 : memref<128xi32, #tpu.memory_space<hbm>>) dst(%arg19 : memref<128xi32, #tpu.memory_space<vmem>>)
        %add3A_339 = arith.constant 3 : i32
        %add3A_340 = arith.addi %add3A_194, %add3A_339 : i32
        %sub3A_341 = arith.constant 1 : i32
        %sub3A_342 = arith.subi %add3A_340, %sub3A_341 : i32
        %dma_start3A_343 = arith.constant 0 : i32
        %dma_start3A_344 = arith.constant 0 : i32
        %dma_start3A_345 = tpu.memref_slice %arg22[%dma_start3A_343, %dma_start3A_344] : memref<10240x64xf32, #tpu.memory_space<vmem_shared>> -> memref<10240x64xf32, #tpu.memory_space<vmem_shared>>
        tpu.enqueue_indirect_dma source(%dma_start3A_345 : memref<10240x64xf32, #tpu.memory_space<vmem_shared>>) target(%arg9 : memref<128x64xf32, #tpu.memory_space<vmem>>) offsets(%arg14 : memref<128xi32, #tpu.memory_space<vmem>>) semaphore(%arg26 : memref<!tpu.dma_semaphore, #tpu.memory_space<semaphore_mem>>)
      } else {
      }
      %add3A_222 = arith.constant 2 : i32
      %add3A_223 = arith.addi %mul3A_169, %add3A_222 : i32
      %dma_wait3A_224 = arith.constant 0 : i32
      %dma_wait3A_225 = arith.constant 0 : i32
      %dma_wait3A_226 = tpu.memref_slice %arg22[%dma_wait3A_224, %dma_wait3A_225] : memref<10240x64xf32, #tpu.memory_space<vmem_shared>> -> memref<10240x64xf32, #tpu.memory_space<vmem_shared>>
      tpu.wait_indirect_dma semaphore(%arg25 : memref<!tpu.dma_semaphore, #tpu.memory_space<semaphore_mem>>) src(%dma_wait3A_226 : memref<10240x64xf32, #tpu.memory_space<vmem_shared>>) dst(%arg8 : memref<128x64xf32, #tpu.memory_space<vmem>>)
      %dma_start3A_227 = arith.constant 0 : i32
      %dma_start3A_228 = arith.constant 0 : i32
      %dma_start3A_229 = tpu.memref_slice %arg21[%dma_start3A_227, %dma_start3A_228] : memref<10240x64xf32, #tpu.memory_space<vmem_shared>> -> memref<10240x64xf32, #tpu.memory_space<vmem_shared>>
      tpu.enqueue_indirect_dma source(%arg8 : memref<128x64xf32, #tpu.memory_space<vmem>>) target(%dma_start3A_229 : memref<10240x64xf32, #tpu.memory_space<vmem_shared>>) offsets(%arg18 : memref<128xi32, #tpu.memory_space<vmem>>) semaphore(%arg30 : memref<!tpu.dma_semaphore, #tpu.memory_space<semaphore_mem>>) {add = true}
      %ge3A_230 = arith.constant 2 : i32
      %ge3A_231 = arith.cmpi sge, %add3A_223, %ge3A_230 : i32
      %convert_element_type3A_232 = arith.extui %ge3A_231 : i1 to i32
      %cond3A_233 = arith.constant 0 : i32
      %cond3A_234 = arith.cmpi ne, %convert_element_type3A_232, %cond3A_233 : i32
      scf.if %cond3A_234 {
        %dma_wait3A_309 = arith.constant 0 : i32
        %dma_wait3A_310 = arith.constant 0 : i32
        %dma_wait3A_311 = tpu.memref_slice %arg21[%dma_wait3A_309, %dma_wait3A_310] : memref<10240x64xf32, #tpu.memory_space<vmem_shared>> -> memref<10240x64xf32, #tpu.memory_space<vmem_shared>>
        tpu.wait_indirect_dma semaphore(%arg28 : memref<!tpu.dma_semaphore, #tpu.memory_space<semaphore_mem>>) src(%arg6 : memref<128x64xf32, #tpu.memory_space<vmem>>) dst(%dma_wait3A_311 : memref<10240x64xf32, #tpu.memory_space<vmem_shared>>)
      } else {
      }
      %add3A_235 = arith.constant 3 : i32
      %add3A_236 = arith.addi %add3A_223, %add3A_235 : i32
      %lt3A_237 = arith.constant 160 : i32
      %lt3A_238 = arith.cmpi slt, %add3A_236, %lt3A_237 : i32
      %convert_element_type3A_239 = arith.extui %lt3A_238 : i1 to i32
      %cond3A_240 = arith.constant 0 : i32
      %cond3A_241 = arith.cmpi ne, %convert_element_type3A_239, %cond3A_240 : i32
      scf.if %cond3A_241 {
        %add3A_309 = arith.constant 3 : i32
        %add3A_310 = arith.addi %add3A_223, %add3A_309 : i32
        %dma_start3A_311 = arith.constant 0 : i32
        %dma_start3A_312 = arith.constant 0 : i32
        %dma_start3A_313 = tpu.memref_slice %arg3[%arg1, %dma_start3A_311, %dma_start3A_312] : memref<16x160x128xi32, #tpu.memory_space<hbm>> -> memref<1x160x128xi32, #tpu.memory_space<hbm>>
        %dma_start3A_314 = tpu.memref_squeeze %dma_start3A_313 : memref<1x160x128xi32, #tpu.memory_space<hbm>> -> memref<160x128xi32, #tpu.memory_space<hbm>>
        %dma_start3A_315 = arith.constant 0 : i32
        %dma_start3A_316 = tpu.memref_slice %dma_start3A_314[%add3A_310, %dma_start3A_315] : memref<160x128xi32, #tpu.memory_space<hbm>> -> memref<1x128xi32, #tpu.memory_space<hbm>>
        %dma_start3A_317 = tpu.memref_squeeze %dma_start3A_316 : memref<1x128xi32, #tpu.memory_space<hbm>> -> memref<128xi32, #tpu.memory_space<hbm>>
        %dma_start3A_318 = arith.constant 0 : i32
        %dma_start3A_319 = arith.constant 0 : i32
        %dma_start3A_320 = tpu.memref_slice %arg3[%arg1, %dma_start3A_318, %dma_start3A_319] : memref<16x160x128xi32, #tpu.memory_space<hbm>> -> memref<1x160x128xi32, #tpu.memory_space<hbm>>
        %dma_start3A_321 = tpu.memref_squeeze %dma_start3A_320 : memref<1x160x128xi32, #tpu.memory_space<hbm>> -> memref<160x128xi32, #tpu.memory_space<hbm>>
        %dma_start3A_322 = arith.constant 0 : i32
        %dma_start3A_323 = tpu.memref_slice %dma_start3A_321[%add3A_310, %dma_start3A_322] : memref<160x128xi32, #tpu.memory_space<hbm>> -> memref<1x128xi32, #tpu.memory_space<hbm>>
        %dma_start3A_324 = tpu.memref_squeeze %dma_start3A_323 : memref<1x128xi32, #tpu.memory_space<hbm>> -> memref<128xi32, #tpu.memory_space<hbm>>
        tpu.enqueue_dma source(%dma_start3A_324 : memref<128xi32, #tpu.memory_space<hbm>>) target(%arg11 : memref<128xi32, #tpu.memory_space<vmem>>) target_semaphore(%arg33 : memref<!tpu.dma_semaphore, #tpu.memory_space<semaphore_mem>>)
        %dma_start3A_325 = arith.constant 0 : i32
        %dma_start3A_326 = arith.constant 0 : i32
        %dma_start3A_327 = tpu.memref_slice %arg4[%arg1, %dma_start3A_325, %dma_start3A_326] : memref<16x160x128xi32, #tpu.memory_space<hbm>> -> memref<1x160x128xi32, #tpu.memory_space<hbm>>
        %dma_start3A_328 = tpu.memref_squeeze %dma_start3A_327 : memref<1x160x128xi32, #tpu.memory_space<hbm>> -> memref<160x128xi32, #tpu.memory_space<hbm>>
        %dma_start3A_329 = arith.constant 0 : i32
        %dma_start3A_330 = tpu.memref_slice %dma_start3A_328[%add3A_310, %dma_start3A_329] : memref<160x128xi32, #tpu.memory_space<hbm>> -> memref<1x128xi32, #tpu.memory_space<hbm>>
        %dma_start3A_331 = tpu.memref_squeeze %dma_start3A_330 : memref<1x128xi32, #tpu.memory_space<hbm>> -> memref<128xi32, #tpu.memory_space<hbm>>
        %dma_start3A_332 = arith.constant 0 : i32
        %dma_start3A_333 = arith.constant 0 : i32
        %dma_start3A_334 = tpu.memref_slice %arg4[%arg1, %dma_start3A_332, %dma_start3A_333] : memref<16x160x128xi32, #tpu.memory_space<hbm>> -> memref<1x160x128xi32, #tpu.memory_space<hbm>>
        %dma_start3A_335 = tpu.memref_squeeze %dma_start3A_334 : memref<1x160x128xi32, #tpu.memory_space<hbm>> -> memref<160x128xi32, #tpu.memory_space<hbm>>
        %dma_start3A_336 = arith.constant 0 : i32
        %dma_start3A_337 = tpu.memref_slice %dma_start3A_335[%add3A_310, %dma_start3A_336] : memref<160x128xi32, #tpu.memory_space<hbm>> -> memref<1x128xi32, #tpu.memory_space<hbm>>
        %dma_start3A_338 = tpu.memref_squeeze %dma_start3A_337 : memref<1x128xi32, #tpu.memory_space<hbm>> -> memref<128xi32, #tpu.memory_space<hbm>>
        tpu.enqueue_dma source(%dma_start3A_338 : memref<128xi32, #tpu.memory_space<hbm>>) target(%arg16 : memref<128xi32, #tpu.memory_space<vmem>>) target_semaphore(%arg33 : memref<!tpu.dma_semaphore, #tpu.memory_space<semaphore_mem>>)
      } else {
      }
      %add3A_242 = arith.constant 3 : i32
      %add3A_243 = arith.addi %add3A_223, %add3A_242 : i32
      %sub3A_244 = arith.constant 1 : i32
      %sub3A_245 = arith.subi %add3A_243, %sub3A_244 : i32
      %lt3A_246 = arith.constant 160 : i32
      %lt3A_247 = arith.cmpi slt, %sub3A_245, %lt3A_246 : i32
      %convert_element_type3A_248 = arith.extui %lt3A_247 : i1 to i32
      %cond3A_249 = arith.constant 0 : i32
      %cond3A_250 = arith.cmpi ne, %convert_element_type3A_248, %cond3A_249 : i32
      scf.if %cond3A_250 {
        %dma_wait3A_309 = arith.constant 0 : i32
        %dma_wait3A_310 = arith.constant 0 : i32
        %dma_wait3A_311 = arith.constant 0 : i32
        %dma_wait3A_312 = tpu.memref_slice %arg3[%arg1, %dma_wait3A_310, %dma_wait3A_311] : memref<16x160x128xi32, #tpu.memory_space<hbm>> -> memref<1x160x128xi32, #tpu.memory_space<hbm>>
        %dma_wait3A_313 = tpu.memref_squeeze %dma_wait3A_312 : memref<1x160x128xi32, #tpu.memory_space<hbm>> -> memref<160x128xi32, #tpu.memory_space<hbm>>
        %dma_wait3A_314 = arith.constant 0 : i32
        %dma_wait3A_315 = tpu.memref_slice %dma_wait3A_313[%dma_wait3A_309, %dma_wait3A_314] : memref<160x128xi32, #tpu.memory_space<hbm>> -> memref<1x128xi32, #tpu.memory_space<hbm>>
        %dma_wait3A_316 = tpu.memref_squeeze %dma_wait3A_315 : memref<1x128xi32, #tpu.memory_space<hbm>> -> memref<128xi32, #tpu.memory_space<hbm>>
        %dma_wait3A_317 = arith.constant 0 : i32
        %dma_wait3A_318 = arith.constant 0 : i32
        %dma_wait3A_319 = tpu.memref_slice %arg3[%arg1, %dma_wait3A_317, %dma_wait3A_318] : memref<16x160x128xi32, #tpu.memory_space<hbm>> -> memref<1x160x128xi32, #tpu.memory_space<hbm>>
        %dma_wait3A_320 = tpu.memref_squeeze %dma_wait3A_319 : memref<1x160x128xi32, #tpu.memory_space<hbm>> -> memref<160x128xi32, #tpu.memory_space<hbm>>
        %dma_wait3A_321 = arith.constant 0 : i32
        %dma_wait3A_322 = tpu.memref_slice %dma_wait3A_320[%dma_wait3A_309, %dma_wait3A_321] : memref<160x128xi32, #tpu.memory_space<hbm>> -> memref<1x128xi32, #tpu.memory_space<hbm>>
        %dma_wait3A_323 = tpu.memref_squeeze %dma_wait3A_322 : memref<1x128xi32, #tpu.memory_space<hbm>> -> memref<128xi32, #tpu.memory_space<hbm>>
        tpu.wait_dma2 semaphore(%arg37 : memref<!tpu.dma_semaphore, #tpu.memory_space<semaphore_mem>>) src(%dma_wait3A_323 : memref<128xi32, #tpu.memory_space<hbm>>) dst(%arg15 : memref<128xi32, #tpu.memory_space<vmem>>)
        %dma_wait3A_324 = arith.constant 0 : i32
        %dma_wait3A_325 = arith.constant 0 : i32
        %dma_wait3A_326 = arith.constant 0 : i32
        %dma_wait3A_327 = tpu.memref_slice %arg4[%arg1, %dma_wait3A_325, %dma_wait3A_326] : memref<16x160x128xi32, #tpu.memory_space<hbm>> -> memref<1x160x128xi32, #tpu.memory_space<hbm>>
        %dma_wait3A_328 = tpu.memref_squeeze %dma_wait3A_327 : memref<1x160x128xi32, #tpu.memory_space<hbm>> -> memref<160x128xi32, #tpu.memory_space<hbm>>
        %dma_wait3A_329 = arith.constant 0 : i32
        %dma_wait3A_330 = tpu.memref_slice %dma_wait3A_328[%dma_wait3A_324, %dma_wait3A_329] : memref<160x128xi32, #tpu.memory_space<hbm>> -> memref<1x128xi32, #tpu.memory_space<hbm>>
        %dma_wait3A_331 = tpu.memref_squeeze %dma_wait3A_330 : memref<1x128xi32, #tpu.memory_space<hbm>> -> memref<128xi32, #tpu.memory_space<hbm>>
        %dma_wait3A_332 = arith.constant 0 : i32
        %dma_wait3A_333 = arith.constant 0 : i32
        %dma_wait3A_334 = tpu.memref_slice %arg4[%arg1, %dma_wait3A_332, %dma_wait3A_333] : memref<16x160x128xi32, #tpu.memory_space<hbm>> -> memref<1x160x128xi32, #tpu.memory_space<hbm>>
        %dma_wait3A_335 = tpu.memref_squeeze %dma_wait3A_334 : memref<1x160x128xi32, #tpu.memory_space<hbm>> -> memref<160x128xi32, #tpu.memory_space<hbm>>
        %dma_wait3A_336 = arith.constant 0 : i32
        %dma_wait3A_337 = tpu.memref_slice %dma_wait3A_335[%dma_wait3A_324, %dma_wait3A_336] : memref<160x128xi32, #tpu.memory_space<hbm>> -> memref<1x128xi32, #tpu.memory_space<hbm>>
        %dma_wait3A_338 = tpu.memref_squeeze %dma_wait3A_337 : memref<1x128xi32, #tpu.memory_space<hbm>> -> memref<128xi32, #tpu.memory_space<hbm>>
        tpu.wait_dma2 semaphore(%arg37 : memref<!tpu.dma_semaphore, #tpu.memory_space<semaphore_mem>>) src(%dma_wait3A_338 : memref<128xi32, #tpu.memory_space<hbm>>) dst(%arg20 : memref<128xi32, #tpu.memory_space<vmem>>)
        %add3A_339 = arith.constant 3 : i32
        %add3A_340 = arith.addi %add3A_223, %add3A_339 : i32
        %sub3A_341 = arith.constant 1 : i32
        %sub3A_342 = arith.subi %add3A_340, %sub3A_341 : i32
        %dma_start3A_343 = arith.constant 0 : i32
        %dma_start3A_344 = arith.constant 0 : i32
        %dma_start3A_345 = tpu.memref_slice %arg22[%dma_start3A_343, %dma_start3A_344] : memref<10240x64xf32, #tpu.memory_space<vmem_shared>> -> memref<10240x64xf32, #tpu.memory_space<vmem_shared>>
        tpu.enqueue_indirect_dma source(%dma_start3A_345 : memref<10240x64xf32, #tpu.memory_space<vmem_shared>>) target(%arg10 : memref<128x64xf32, #tpu.memory_space<vmem>>) offsets(%arg15 : memref<128xi32, #tpu.memory_space<vmem>>) semaphore(%arg27 : memref<!tpu.dma_semaphore, #tpu.memory_space<semaphore_mem>>)
      } else {
      }
      %add3A_251 = arith.constant 3 : i32
      %add3A_252 = arith.addi %mul3A_169, %add3A_251 : i32
      %dma_wait3A_253 = arith.constant 0 : i32
      %dma_wait3A_254 = arith.constant 0 : i32
      %dma_wait3A_255 = tpu.memref_slice %arg22[%dma_wait3A_253, %dma_wait3A_254] : memref<10240x64xf32, #tpu.memory_space<vmem_shared>> -> memref<10240x64xf32, #tpu.memory_space<vmem_shared>>
      tpu.wait_indirect_dma semaphore(%arg26 : memref<!tpu.dma_semaphore, #tpu.memory_space<semaphore_mem>>) src(%dma_wait3A_255 : memref<10240x64xf32, #tpu.memory_space<vmem_shared>>) dst(%arg9 : memref<128x64xf32, #tpu.memory_space<vmem>>)
      %dma_start3A_256 = arith.constant 0 : i32
      %dma_start3A_257 = arith.constant 0 : i32
      %dma_start3A_258 = tpu.memref_slice %arg21[%dma_start3A_256, %dma_start3A_257] : memref<10240x64xf32, #tpu.memory_space<vmem_shared>> -> memref<10240x64xf32, #tpu.memory_space<vmem_shared>>
      tpu.enqueue_indirect_dma source(%arg9 : memref<128x64xf32, #tpu.memory_space<vmem>>) target(%dma_start3A_258 : memref<10240x64xf32, #tpu.memory_space<vmem_shared>>) offsets(%arg19 : memref<128xi32, #tpu.memory_space<vmem>>) semaphore(%arg31 : memref<!tpu.dma_semaphore, #tpu.memory_space<semaphore_mem>>) {add = true}
      %ge3A_259 = arith.constant 2 : i32
      %ge3A_260 = arith.cmpi sge, %add3A_252, %ge3A_259 : i32
      %convert_element_type3A_261 = arith.extui %ge3A_260 : i1 to i32
      %cond3A_262 = arith.constant 0 : i32
      %cond3A_263 = arith.cmpi ne, %convert_element_type3A_261, %cond3A_262 : i32
      scf.if %cond3A_263 {
        %dma_wait3A_309 = arith.constant 0 : i32
        %dma_wait3A_310 = arith.constant 0 : i32
        %dma_wait3A_311 = tpu.memref_slice %arg21[%dma_wait3A_309, %dma_wait3A_310] : memref<10240x64xf32, #tpu.memory_space<vmem_shared>> -> memref<10240x64xf32, #tpu.memory_space<vmem_shared>>
        tpu.wait_indirect_dma semaphore(%arg29 : memref<!tpu.dma_semaphore, #tpu.memory_space<semaphore_mem>>) src(%arg7 : memref<128x64xf32, #tpu.memory_space<vmem>>) dst(%dma_wait3A_311 : memref<10240x64xf32, #tpu.memory_space<vmem_shared>>)
      } else {
      }
      %add3A_264 = arith.constant 3 : i32
      %add3A_265 = arith.addi %add3A_252, %add3A_264 : i32
      %lt3A_266 = arith.constant 160 : i32
      %lt3A_267 = arith.cmpi slt, %add3A_265, %lt3A_266 : i32
      %convert_element_type3A_268 = arith.extui %lt3A_267 : i1 to i32
      %cond3A_269 = arith.constant 0 : i32
      %cond3A_270 = arith.cmpi ne, %convert_element_type3A_268, %cond3A_269 : i32
      scf.if %cond3A_270 {
        %add3A_309 = arith.constant 3 : i32
        %add3A_310 = arith.addi %add3A_252, %add3A_309 : i32
        %dma_start3A_311 = arith.constant 0 : i32
        %dma_start3A_312 = arith.constant 0 : i32
        %dma_start3A_313 = tpu.memref_slice %arg3[%arg1, %dma_start3A_311, %dma_start3A_312] : memref<16x160x128xi32, #tpu.memory_space<hbm>> -> memref<1x160x128xi32, #tpu.memory_space<hbm>>
        %dma_start3A_314 = tpu.memref_squeeze %dma_start3A_313 : memref<1x160x128xi32, #tpu.memory_space<hbm>> -> memref<160x128xi32, #tpu.memory_space<hbm>>
        %dma_start3A_315 = arith.constant 0 : i32
        %dma_start3A_316 = tpu.memref_slice %dma_start3A_314[%add3A_310, %dma_start3A_315] : memref<160x128xi32, #tpu.memory_space<hbm>> -> memref<1x128xi32, #tpu.memory_space<hbm>>
        %dma_start3A_317 = tpu.memref_squeeze %dma_start3A_316 : memref<1x128xi32, #tpu.memory_space<hbm>> -> memref<128xi32, #tpu.memory_space<hbm>>
        %dma_start3A_318 = arith.constant 0 : i32
        %dma_start3A_319 = arith.constant 0 : i32
        %dma_start3A_320 = tpu.memref_slice %arg3[%arg1, %dma_start3A_318, %dma_start3A_319] : memref<16x160x128xi32, #tpu.memory_space<hbm>> -> memref<1x160x128xi32, #tpu.memory_space<hbm>>
        %dma_start3A_321 = tpu.memref_squeeze %dma_start3A_320 : memref<1x160x128xi32, #tpu.memory_space<hbm>> -> memref<160x128xi32, #tpu.memory_space<hbm>>
        %dma_start3A_322 = arith.constant 0 : i32
        %dma_start3A_323 = tpu.memref_slice %dma_start3A_321[%add3A_310, %dma_start3A_322] : memref<160x128xi32, #tpu.memory_space<hbm>> -> memref<1x128xi32, #tpu.memory_space<hbm>>
        %dma_start3A_324 = tpu.memref_squeeze %dma_start3A_323 : memref<1x128xi32, #tpu.memory_space<hbm>> -> memref<128xi32, #tpu.memory_space<hbm>>
        tpu.enqueue_dma source(%dma_start3A_324 : memref<128xi32, #tpu.memory_space<hbm>>) target(%arg12 : memref<128xi32, #tpu.memory_space<vmem>>) target_semaphore(%arg34 : memref<!tpu.dma_semaphore, #tpu.memory_space<semaphore_mem>>)
        %dma_start3A_325 = arith.constant 0 : i32
        %dma_start3A_326 = arith.constant 0 : i32
        %dma_start3A_327 = tpu.memref_slice %arg4[%arg1, %dma_start3A_325, %dma_start3A_326] : memref<16x160x128xi32, #tpu.memory_space<hbm>> -> memref<1x160x128xi32, #tpu.memory_space<hbm>>
        %dma_start3A_328 = tpu.memref_squeeze %dma_start3A_327 : memref<1x160x128xi32, #tpu.memory_space<hbm>> -> memref<160x128xi32, #tpu.memory_space<hbm>>
        %dma_start3A_329 = arith.constant 0 : i32
        %dma_start3A_330 = tpu.memref_slice %dma_start3A_328[%add3A_310, %dma_start3A_329] : memref<160x128xi32, #tpu.memory_space<hbm>> -> memref<1x128xi32, #tpu.memory_space<hbm>>
        %dma_start3A_331 = tpu.memref_squeeze %dma_start3A_330 : memref<1x128xi32, #tpu.memory_space<hbm>> -> memref<128xi32, #tpu.memory_space<hbm>>
        %dma_start3A_332 = arith.constant 0 : i32
        %dma_start3A_333 = arith.constant 0 : i32
        %dma_start3A_334 = tpu.memref_slice %arg4[%arg1, %dma_start3A_332, %dma_start3A_333] : memref<16x160x128xi32, #tpu.memory_space<hbm>> -> memref<1x160x128xi32, #tpu.memory_space<hbm>>
        %dma_start3A_335 = tpu.memref_squeeze %dma_start3A_334 : memref<1x160x128xi32, #tpu.memory_space<hbm>> -> memref<160x128xi32, #tpu.memory_space<hbm>>
        %dma_start3A_336 = arith.constant 0 : i32
        %dma_start3A_337 = tpu.memref_slice %dma_start3A_335[%add3A_310, %dma_start3A_336] : memref<160x128xi32, #tpu.memory_space<hbm>> -> memref<1x128xi32, #tpu.memory_space<hbm>>
        %dma_start3A_338 = tpu.memref_squeeze %dma_start3A_337 : memref<1x128xi32, #tpu.memory_space<hbm>> -> memref<128xi32, #tpu.memory_space<hbm>>
        tpu.enqueue_dma source(%dma_start3A_338 : memref<128xi32, #tpu.memory_space<hbm>>) target(%arg17 : memref<128xi32, #tpu.memory_space<vmem>>) target_semaphore(%arg34 : memref<!tpu.dma_semaphore, #tpu.memory_space<semaphore_mem>>)
      } else {
      }
      %add3A_271 = arith.constant 3 : i32
      %add3A_272 = arith.addi %add3A_252, %add3A_271 : i32
      %sub3A_273 = arith.constant 1 : i32
      %sub3A_274 = arith.subi %add3A_272, %sub3A_273 : i32
      %lt3A_275 = arith.constant 160 : i32
      %lt3A_276 = arith.cmpi slt, %sub3A_274, %lt3A_275 : i32
      %convert_element_type3A_277 = arith.extui %lt3A_276 : i1 to i32
      %cond3A_278 = arith.constant 0 : i32
      %cond3A_279 = arith.cmpi ne, %convert_element_type3A_277, %cond3A_278 : i32
      scf.if %cond3A_279 {
        %dma_wait3A_309 = arith.constant 0 : i32
        %dma_wait3A_310 = arith.constant 0 : i32
        %dma_wait3A_311 = arith.constant 0 : i32
        %dma_wait3A_312 = tpu.memref_slice %arg3[%arg1, %dma_wait3A_310, %dma_wait3A_311] : memref<16x160x128xi32, #tpu.memory_space<hbm>> -> memref<1x160x128xi32, #tpu.memory_space<hbm>>
        %dma_wait3A_313 = tpu.memref_squeeze %dma_wait3A_312 : memref<1x160x128xi32, #tpu.memory_space<hbm>> -> memref<160x128xi32, #tpu.memory_space<hbm>>
        %dma_wait3A_314 = arith.constant 0 : i32
        %dma_wait3A_315 = tpu.memref_slice %dma_wait3A_313[%dma_wait3A_309, %dma_wait3A_314] : memref<160x128xi32, #tpu.memory_space<hbm>> -> memref<1x128xi32, #tpu.memory_space<hbm>>
        %dma_wait3A_316 = tpu.memref_squeeze %dma_wait3A_315 : memref<1x128xi32, #tpu.memory_space<hbm>> -> memref<128xi32, #tpu.memory_space<hbm>>
        %dma_wait3A_317 = arith.constant 0 : i32
        %dma_wait3A_318 = arith.constant 0 : i32
        %dma_wait3A_319 = tpu.memref_slice %arg3[%arg1, %dma_wait3A_317, %dma_wait3A_318] : memref<16x160x128xi32, #tpu.memory_space<hbm>> -> memref<1x160x128xi32, #tpu.memory_space<hbm>>
        %dma_wait3A_320 = tpu.memref_squeeze %dma_wait3A_319 : memref<1x160x128xi32, #tpu.memory_space<hbm>> -> memref<160x128xi32, #tpu.memory_space<hbm>>
        %dma_wait3A_321 = arith.constant 0 : i32
        %dma_wait3A_322 = tpu.memref_slice %dma_wait3A_320[%dma_wait3A_309, %dma_wait3A_321] : memref<160x128xi32, #tpu.memory_space<hbm>> -> memref<1x128xi32, #tpu.memory_space<hbm>>
        %dma_wait3A_323 = tpu.memref_squeeze %dma_wait3A_322 : memref<1x128xi32, #tpu.memory_space<hbm>> -> memref<128xi32, #tpu.memory_space<hbm>>
        tpu.wait_dma2 semaphore(%arg33 : memref<!tpu.dma_semaphore, #tpu.memory_space<semaphore_mem>>) src(%dma_wait3A_323 : memref<128xi32, #tpu.memory_space<hbm>>) dst(%arg11 : memref<128xi32, #tpu.memory_space<vmem>>)
        %dma_wait3A_324 = arith.constant 0 : i32
        %dma_wait3A_325 = arith.constant 0 : i32
        %dma_wait3A_326 = arith.constant 0 : i32
        %dma_wait3A_327 = tpu.memref_slice %arg4[%arg1, %dma_wait3A_325, %dma_wait3A_326] : memref<16x160x128xi32, #tpu.memory_space<hbm>> -> memref<1x160x128xi32, #tpu.memory_space<hbm>>
        %dma_wait3A_328 = tpu.memref_squeeze %dma_wait3A_327 : memref<1x160x128xi32, #tpu.memory_space<hbm>> -> memref<160x128xi32, #tpu.memory_space<hbm>>
        %dma_wait3A_329 = arith.constant 0 : i32
        %dma_wait3A_330 = tpu.memref_slice %dma_wait3A_328[%dma_wait3A_324, %dma_wait3A_329] : memref<160x128xi32, #tpu.memory_space<hbm>> -> memref<1x128xi32, #tpu.memory_space<hbm>>
        %dma_wait3A_331 = tpu.memref_squeeze %dma_wait3A_330 : memref<1x128xi32, #tpu.memory_space<hbm>> -> memref<128xi32, #tpu.memory_space<hbm>>
        %dma_wait3A_332 = arith.constant 0 : i32
        %dma_wait3A_333 = arith.constant 0 : i32
        %dma_wait3A_334 = tpu.memref_slice %arg4[%arg1, %dma_wait3A_332, %dma_wait3A_333] : memref<16x160x128xi32, #tpu.memory_space<hbm>> -> memref<1x160x128xi32, #tpu.memory_space<hbm>>
        %dma_wait3A_335 = tpu.memref_squeeze %dma_wait3A_334 : memref<1x160x128xi32, #tpu.memory_space<hbm>> -> memref<160x128xi32, #tpu.memory_space<hbm>>
        %dma_wait3A_336 = arith.constant 0 : i32
        %dma_wait3A_337 = tpu.memref_slice %dma_wait3A_335[%dma_wait3A_324, %dma_wait3A_336] : memref<160x128xi32, #tpu.memory_space<hbm>> -> memref<1x128xi32, #tpu.memory_space<hbm>>
        %dma_wait3A_338 = tpu.memref_squeeze %dma_wait3A_337 : memref<1x128xi32, #tpu.memory_space<hbm>> -> memref<128xi32, #tpu.memory_space<hbm>>
        tpu.wait_dma2 semaphore(%arg33 : memref<!tpu.dma_semaphore, #tpu.memory_space<semaphore_mem>>) src(%dma_wait3A_338 : memref<128xi32, #tpu.memory_space<hbm>>) dst(%arg16 : memref<128xi32, #tpu.memory_space<vmem>>)
        %add3A_339 = arith.constant 3 : i32
        %add3A_340 = arith.addi %add3A_252, %add3A_339 : i32
        %sub3A_341 = arith.constant 1 : i32
        %sub3A_342 = arith.subi %add3A_340, %sub3A_341 : i32
        %dma_start3A_343 = arith.constant 0 : i32
        %dma_start3A_344 = arith.constant 0 : i32
        %dma_start3A_345 = tpu.memref_slice %arg22[%dma_start3A_343, %dma_start3A_344] : memref<10240x64xf32, #tpu.memory_space<vmem_shared>> -> memref<10240x64xf32, #tpu.memory_space<vmem_shared>>
        tpu.enqueue_indirect_dma source(%dma_start3A_345 : memref<10240x64xf32, #tpu.memory_space<vmem_shared>>) target(%arg6 : memref<128x64xf32, #tpu.memory_space<vmem>>) offsets(%arg11 : memref<128xi32, #tpu.memory_space<vmem>>) semaphore(%arg23 : memref<!tpu.dma_semaphore, #tpu.memory_space<semaphore_mem>>)
      } else {
      }
      %add3A_280 = arith.constant 4 : i32
      %add3A_281 = arith.addi %mul3A_169, %add3A_280 : i32
      %dma_wait3A_282 = arith.constant 0 : i32
      %dma_wait3A_283 = arith.constant 0 : i32
      %dma_wait3A_284 = tpu.memref_slice %arg22[%dma_wait3A_282, %dma_wait3A_283] : memref<10240x64xf32, #tpu.memory_space<vmem_shared>> -> memref<10240x64xf32, #tpu.memory_space<vmem_shared>>
      tpu.wait_indirect_dma semaphore(%arg27 : memref<!tpu.dma_semaphore, #tpu.memory_space<semaphore_mem>>) src(%dma_wait3A_284 : memref<10240x64xf32, #tpu.memory_space<vmem_shared>>) dst(%arg10 : memref<128x64xf32, #tpu.memory_space<vmem>>)
      %dma_start3A_285 = arith.constant 0 : i32
      %dma_start3A_286 = arith.constant 0 : i32
      %dma_start3A_287 = tpu.memref_slice %arg21[%dma_start3A_285, %dma_start3A_286] : memref<10240x64xf32, #tpu.memory_space<vmem_shared>> -> memref<10240x64xf32, #tpu.memory_space<vmem_shared>>
      tpu.enqueue_indirect_dma source(%arg10 : memref<128x64xf32, #tpu.memory_space<vmem>>) target(%dma_start3A_287 : memref<10240x64xf32, #tpu.memory_space<vmem_shared>>) offsets(%arg20 : memref<128xi32, #tpu.memory_space<vmem>>) semaphore(%arg32 : memref<!tpu.dma_semaphore, #tpu.memory_space<semaphore_mem>>) {add = true}
      %ge3A_288 = arith.constant 2 : i32
      %ge3A_289 = arith.cmpi sge, %add3A_281, %ge3A_288 : i32
      %convert_element_type3A_290 = arith.extui %ge3A_289 : i1 to i32
      %cond3A_291 = arith.constant 0 : i32
      %cond3A_292 = arith.cmpi ne, %convert_element_type3A_290, %cond3A_291 : i32
      scf.if %cond3A_292 {
        %dma_wait3A_309 = arith.constant 0 : i32
        %dma_wait3A_310 = arith.constant 0 : i32
        %dma_wait3A_311 = tpu.memref_slice %arg21[%dma_wait3A_309, %dma_wait3A_310] : memref<10240x64xf32, #tpu.memory_space<vmem_shared>> -> memref<10240x64xf32, #tpu.memory_space<vmem_shared>>
        tpu.wait_indirect_dma semaphore(%arg30 : memref<!tpu.dma_semaphore, #tpu.memory_space<semaphore_mem>>) src(%arg8 : memref<128x64xf32, #tpu.memory_space<vmem>>) dst(%dma_wait3A_311 : memref<10240x64xf32, #tpu.memory_space<vmem_shared>>)
      } else {
      }
      %add3A_293 = arith.constant 3 : i32
      %add3A_294 = arith.addi %add3A_281, %add3A_293 : i32
      %lt3A_295 = arith.constant 160 : i32
      %lt3A_296 = arith.cmpi slt, %add3A_294, %lt3A_295 : i32
      %convert_element_type3A_297 = arith.extui %lt3A_296 : i1 to i32
      %cond3A_298 = arith.constant 0 : i32
      %cond3A_299 = arith.cmpi ne, %convert_element_type3A_297, %cond3A_298 : i32
      scf.if %cond3A_299 {
        %add3A_309 = arith.constant 3 : i32
        %add3A_310 = arith.addi %add3A_281, %add3A_309 : i32
        %dma_start3A_311 = arith.constant 0 : i32
        %dma_start3A_312 = arith.constant 0 : i32
        %dma_start3A_313 = tpu.memref_slice %arg3[%arg1, %dma_start3A_311, %dma_start3A_312] : memref<16x160x128xi32, #tpu.memory_space<hbm>> -> memref<1x160x128xi32, #tpu.memory_space<hbm>>
        %dma_start3A_314 = tpu.memref_squeeze %dma_start3A_313 : memref<1x160x128xi32, #tpu.memory_space<hbm>> -> memref<160x128xi32, #tpu.memory_space<hbm>>
        %dma_start3A_315 = arith.constant 0 : i32
        %dma_start3A_316 = tpu.memref_slice %dma_start3A_314[%add3A_310, %dma_start3A_315] : memref<160x128xi32, #tpu.memory_space<hbm>> -> memref<1x128xi32, #tpu.memory_space<hbm>>
        %dma_start3A_317 = tpu.memref_squeeze %dma_start3A_316 : memref<1x128xi32, #tpu.memory_space<hbm>> -> memref<128xi32, #tpu.memory_space<hbm>>
        %dma_start3A_318 = arith.constant 0 : i32
        %dma_start3A_319 = arith.constant 0 : i32
        %dma_start3A_320 = tpu.memref_slice %arg3[%arg1, %dma_start3A_318, %dma_start3A_319] : memref<16x160x128xi32, #tpu.memory_space<hbm>> -> memref<1x160x128xi32, #tpu.memory_space<hbm>>
        %dma_start3A_321 = tpu.memref_squeeze %dma_start3A_320 : memref<1x160x128xi32, #tpu.memory_space<hbm>> -> memref<160x128xi32, #tpu.memory_space<hbm>>
        %dma_start3A_322 = arith.constant 0 : i32
        %dma_start3A_323 = tpu.memref_slice %dma_start3A_321[%add3A_310, %dma_start3A_322] : memref<160x128xi32, #tpu.memory_space<hbm>> -> memref<1x128xi32, #tpu.memory_space<hbm>>
        %dma_start3A_324 = tpu.memref_squeeze %dma_start3A_323 : memref<1x128xi32, #tpu.memory_space<hbm>> -> memref<128xi32, #tpu.memory_space<hbm>>
        tpu.enqueue_dma source(%dma_start3A_324 : memref<128xi32, #tpu.memory_space<hbm>>) target(%arg13 : memref<128xi32, #tpu.memory_space<vmem>>) target_semaphore(%arg35 : memref<!tpu.dma_semaphore, #tpu.memory_space<semaphore_mem>>)
        %dma_start3A_325 = arith.constant 0 : i32
        %dma_start3A_326 = arith.constant 0 : i32
        %dma_start3A_327 = tpu.memref_slice %arg4[%arg1, %dma_start3A_325, %dma_start3A_326] : memref<16x160x128xi32, #tpu.memory_space<hbm>> -> memref<1x160x128xi32, #tpu.memory_space<hbm>>
        %dma_start3A_328 = tpu.memref_squeeze %dma_start3A_327 : memref<1x160x128xi32, #tpu.memory_space<hbm>> -> memref<160x128xi32, #tpu.memory_space<hbm>>
        %dma_start3A_329 = arith.constant 0 : i32
        %dma_start3A_330 = tpu.memref_slice %dma_start3A_328[%add3A_310, %dma_start3A_329] : memref<160x128xi32, #tpu.memory_space<hbm>> -> memref<1x128xi32, #tpu.memory_space<hbm>>
        %dma_start3A_331 = tpu.memref_squeeze %dma_start3A_330 : memref<1x128xi32, #tpu.memory_space<hbm>> -> memref<128xi32, #tpu.memory_space<hbm>>
        %dma_start3A_332 = arith.constant 0 : i32
        %dma_start3A_333 = arith.constant 0 : i32
        %dma_start3A_334 = tpu.memref_slice %arg4[%arg1, %dma_start3A_332, %dma_start3A_333] : memref<16x160x128xi32, #tpu.memory_space<hbm>> -> memref<1x160x128xi32, #tpu.memory_space<hbm>>
        %dma_start3A_335 = tpu.memref_squeeze %dma_start3A_334 : memref<1x160x128xi32, #tpu.memory_space<hbm>> -> memref<160x128xi32, #tpu.memory_space<hbm>>
        %dma_start3A_336 = arith.constant 0 : i32
        %dma_start3A_337 = tpu.memref_slice %dma_start3A_335[%add3A_310, %dma_start3A_336] : memref<160x128xi32, #tpu.memory_space<hbm>> -> memref<1x128xi32, #tpu.memory_space<hbm>>
        %dma_start3A_338 = tpu.memref_squeeze %dma_start3A_337 : memref<1x128xi32, #tpu.memory_space<hbm>> -> memref<128xi32, #tpu.memory_space<hbm>>
        tpu.enqueue_dma source(%dma_start3A_338 : memref<128xi32, #tpu.memory_space<hbm>>) target(%arg18 : memref<128xi32, #tpu.memory_space<vmem>>) target_semaphore(%arg35 : memref<!tpu.dma_semaphore, #tpu.memory_space<semaphore_mem>>)
      } else {
      }
      %add3A_300 = arith.constant 3 : i32
      %add3A_301 = arith.addi %add3A_281, %add3A_300 : i32
      %sub3A_302 = arith.constant 1 : i32
      %sub3A_303 = arith.subi %add3A_301, %sub3A_302 : i32
      %lt3A_304 = arith.constant 160 : i32
      %lt3A_305 = arith.cmpi slt, %sub3A_303, %lt3A_304 : i32
      %convert_element_type3A_306 = arith.extui %lt3A_305 : i1 to i32
      %cond3A_307 = arith.constant 0 : i32
      %cond3A_308 = arith.cmpi ne, %convert_element_type3A_306, %cond3A_307 : i32
      scf.if %cond3A_308 {
        %dma_wait3A_309 = arith.constant 0 : i32
        %dma_wait3A_310 = arith.constant 0 : i32
        %dma_wait3A_311 = arith.constant 0 : i32
        %dma_wait3A_312 = tpu.memref_slice %arg3[%arg1, %dma_wait3A_310, %dma_wait3A_311] : memref<16x160x128xi32, #tpu.memory_space<hbm>> -> memref<1x160x128xi32, #tpu.memory_space<hbm>>
        %dma_wait3A_313 = tpu.memref_squeeze %dma_wait3A_312 : memref<1x160x128xi32, #tpu.memory_space<hbm>> -> memref<160x128xi32, #tpu.memory_space<hbm>>
        %dma_wait3A_314 = arith.constant 0 : i32
        %dma_wait3A_315 = tpu.memref_slice %dma_wait3A_313[%dma_wait3A_309, %dma_wait3A_314] : memref<160x128xi32, #tpu.memory_space<hbm>> -> memref<1x128xi32, #tpu.memory_space<hbm>>
        %dma_wait3A_316 = tpu.memref_squeeze %dma_wait3A_315 : memref<1x128xi32, #tpu.memory_space<hbm>> -> memref<128xi32, #tpu.memory_space<hbm>>
        %dma_wait3A_317 = arith.constant 0 : i32
        %dma_wait3A_318 = arith.constant 0 : i32
        %dma_wait3A_319 = tpu.memref_slice %arg3[%arg1, %dma_wait3A_317, %dma_wait3A_318] : memref<16x160x128xi32, #tpu.memory_space<hbm>> -> memref<1x160x128xi32, #tpu.memory_space<hbm>>
        %dma_wait3A_320 = tpu.memref_squeeze %dma_wait3A_319 : memref<1x160x128xi32, #tpu.memory_space<hbm>> -> memref<160x128xi32, #tpu.memory_space<hbm>>
        %dma_wait3A_321 = arith.constant 0 : i32
        %dma_wait3A_322 = tpu.memref_slice %dma_wait3A_320[%dma_wait3A_309, %dma_wait3A_321] : memref<160x128xi32, #tpu.memory_space<hbm>> -> memref<1x128xi32, #tpu.memory_space<hbm>>
        %dma_wait3A_323 = tpu.memref_squeeze %dma_wait3A_322 : memref<1x128xi32, #tpu.memory_space<hbm>> -> memref<128xi32, #tpu.memory_space<hbm>>
        tpu.wait_dma2 semaphore(%arg34 : memref<!tpu.dma_semaphore, #tpu.memory_space<semaphore_mem>>) src(%dma_wait3A_323 : memref<128xi32, #tpu.memory_space<hbm>>) dst(%arg12 : memref<128xi32, #tpu.memory_space<vmem>>)
        %dma_wait3A_324 = arith.constant 0 : i32
        %dma_wait3A_325 = arith.constant 0 : i32
        %dma_wait3A_326 = arith.constant 0 : i32
        %dma_wait3A_327 = tpu.memref_slice %arg4[%arg1, %dma_wait3A_325, %dma_wait3A_326] : memref<16x160x128xi32, #tpu.memory_space<hbm>> -> memref<1x160x128xi32, #tpu.memory_space<hbm>>
        %dma_wait3A_328 = tpu.memref_squeeze %dma_wait3A_327 : memref<1x160x128xi32, #tpu.memory_space<hbm>> -> memref<160x128xi32, #tpu.memory_space<hbm>>
        %dma_wait3A_329 = arith.constant 0 : i32
        %dma_wait3A_330 = tpu.memref_slice %dma_wait3A_328[%dma_wait3A_324, %dma_wait3A_329] : memref<160x128xi32, #tpu.memory_space<hbm>> -> memref<1x128xi32, #tpu.memory_space<hbm>>
        %dma_wait3A_331 = tpu.memref_squeeze %dma_wait3A_330 : memref<1x128xi32, #tpu.memory_space<hbm>> -> memref<128xi32, #tpu.memory_space<hbm>>
        %dma_wait3A_332 = arith.constant 0 : i32
        %dma_wait3A_333 = arith.constant 0 : i32
        %dma_wait3A_334 = tpu.memref_slice %arg4[%arg1, %dma_wait3A_332, %dma_wait3A_333] : memref<16x160x128xi32, #tpu.memory_space<hbm>> -> memref<1x160x128xi32, #tpu.memory_space<hbm>>
        %dma_wait3A_335 = tpu.memref_squeeze %dma_wait3A_334 : memref<1x160x128xi32, #tpu.memory_space<hbm>> -> memref<160x128xi32, #tpu.memory_space<hbm>>
        %dma_wait3A_336 = arith.constant 0 : i32
        %dma_wait3A_337 = tpu.memref_slice %dma_wait3A_335[%dma_wait3A_324, %dma_wait3A_336] : memref<160x128xi32, #tpu.memory_space<hbm>> -> memref<1x128xi32, #tpu.memory_space<hbm>>
        %dma_wait3A_338 = tpu.memref_squeeze %dma_wait3A_337 : memref<1x128xi32, #tpu.memory_space<hbm>> -> memref<128xi32, #tpu.memory_space<hbm>>
        tpu.wait_dma2 semaphore(%arg34 : memref<!tpu.dma_semaphore, #tpu.memory_space<semaphore_mem>>) src(%dma_wait3A_338 : memref<128xi32, #tpu.memory_space<hbm>>) dst(%arg17 : memref<128xi32, #tpu.memory_space<vmem>>)
        %add3A_339 = arith.constant 3 : i32
        %add3A_340 = arith.addi %add3A_281, %add3A_339 : i32
        %sub3A_341 = arith.constant 1 : i32
        %sub3A_342 = arith.subi %add3A_340, %sub3A_341 : i32
        %dma_start3A_343 = arith.constant 0 : i32
        %dma_start3A_344 = arith.constant 0 : i32
        %dma_start3A_345 = tpu.memref_slice %arg22[%dma_start3A_343, %dma_start3A_344] : memref<10240x64xf32, #tpu.memory_space<vmem_shared>> -> memref<10240x64xf32, #tpu.memory_space<vmem_shared>>
        tpu.enqueue_indirect_dma source(%dma_start3A_345 : memref<10240x64xf32, #tpu.memory_space<vmem_shared>>) target(%arg7 : memref<128x64xf32, #tpu.memory_space<vmem>>) offsets(%arg12 : memref<128xi32, #tpu.memory_space<vmem>>) semaphore(%arg24 : memref<!tpu.dma_semaphore, #tpu.memory_space<semaphore_mem>>)
      } else {
      }
    }
    %scan3A_159 = arith.constant 32 : i32
    %dma_wait3A_160 = arith.constant 0 : i32
    %dma_wait3A_161 = arith.constant 0 : i32
    %dma_wait3A_162 = tpu.memref_slice %arg21[%dma_wait3A_160, %dma_wait3A_161] : memref<10240x64xf32, #tpu.memory_space<vmem_shared>> -> memref<10240x64xf32, #tpu.memory_space<vmem_shared>>
    tpu.wait_indirect_dma semaphore(%arg31 : memref<!tpu.dma_semaphore, #tpu.memory_space<semaphore_mem>>) src(%arg9 : memref<128x64xf32, #tpu.memory_space<vmem>>) dst(%dma_wait3A_162 : memref<10240x64xf32, #tpu.memory_space<vmem_shared>>)
    %dma_wait3A_163 = arith.constant 0 : i32
    %dma_wait3A_164 = arith.constant 0 : i32
    %dma_wait3A_165 = tpu.memref_slice %arg21[%dma_wait3A_163, %dma_wait3A_164] : memref<10240x64xf32, #tpu.memory_space<vmem_shared>> -> memref<10240x64xf32, #tpu.memory_space<vmem_shared>>
    tpu.wait_indirect_dma semaphore(%arg32 : memref<!tpu.dma_semaphore, #tpu.memory_space<semaphore_mem>>) src(%arg10 : memref<128x64xf32, #tpu.memory_space<vmem>>) dst(%dma_wait3A_165 : memref<10240x64xf32, #tpu.memory_space<vmem_shared>>)
    %barrier3A_166 = arith.constant 0 : index
    tpu.barrier barrier_id(%barrier3A_166)
    "tpu.region"() ({
      %run_scoped3A = tpu.sem_alloc : memref<!tpu.dma_semaphore, #tpu.memory_space<semaphore_mem>>
      %dma_start3A_167 = arith.constant 0 : i32
      %dma_start3A_168 = arith.constant 0 : i32
      %dma_start3A_169 = tpu.memref_slice %arg5[%arg0, %dma_start3A_167, %dma_start3A_168] : memref<2x10240x64xf32, #tpu.memory_space<hbm>> -> memref<1x10240x64xf32, #tpu.memory_space<hbm>>
      %dma_start3A_170 = tpu.memref_squeeze %dma_start3A_169 : memref<1x10240x64xf32, #tpu.memory_space<hbm>> -> memref<10240x64xf32, #tpu.memory_space<hbm>>
      %dma_start3A_171 = arith.constant 0 : i32
      %dma_start3A_172 = tpu.memref_slice %dma_start3A_170[%mul3A_0, %dma_start3A_171] : memref<10240x64xf32, #tpu.memory_space<hbm>> -> memref<640x64xf32, #tpu.memory_space<hbm>>
      %dma_start3A_173 = arith.constant 0 : i32
      %dma_start3A_174 = tpu.memref_slice %arg21[%mul3A_0, %dma_start3A_173] : memref<10240x64xf32, #tpu.memory_space<vmem_shared>> -> memref<640x64xf32, #tpu.memory_space<vmem_shared>>
      tpu.enqueue_dma source(%dma_start3A_174 : memref<640x64xf32, #tpu.memory_space<vmem_shared>>) target(%dma_start3A_172 : memref<640x64xf32, #tpu.memory_space<hbm>>) target_semaphore(%run_scoped3A : memref<!tpu.dma_semaphore, #tpu.memory_space<semaphore_mem>>)
      %dma_wait3A_175 = arith.constant 0 : i32
      %dma_wait3A_176 = arith.constant 0 : i32
      %dma_wait3A_177 = tpu.memref_slice %arg5[%arg0, %dma_wait3A_175, %dma_wait3A_176] : memref<2x10240x64xf32, #tpu.memory_space<hbm>> -> memref<1x10240x64xf32, #tpu.memory_space<hbm>>
      %dma_wait3A_178 = tpu.memref_squeeze %dma_wait3A_177 : memref<1x10240x64xf32, #tpu.memory_space<hbm>> -> memref<10240x64xf32, #tpu.memory_space<hbm>>
      %dma_wait3A_179 = arith.constant 0 : i32
      %dma_wait3A_180 = tpu.memref_slice %dma_wait3A_178[%mul3A_0, %dma_wait3A_179] : memref<10240x64xf32, #tpu.memory_space<hbm>> -> memref<640x64xf32, #tpu.memory_space<hbm>>
      %dma_wait3A_181 = arith.constant 0 : i32
      %dma_wait3A_182 = tpu.memref_slice %arg21[%mul3A_0, %dma_wait3A_181] : memref<10240x64xf32, #tpu.memory_space<vmem_shared>> -> memref<640x64xf32, #tpu.memory_space<vmem_shared>>
      tpu.wait_dma2 semaphore(%run_scoped3A : memref<!tpu.dma_semaphore, #tpu.memory_space<semaphore_mem>>) src(%dma_wait3A_182 : memref<640x64xf32, #tpu.memory_space<vmem_shared>>) dst(%dma_wait3A_180 : memref<640x64xf32, #tpu.memory_space<hbm>>)
      tpu.yield
    }) : () -> ()
    return
  }
}

#map = affine_map<(d0, d1) -> (0, 0, 0)>
module attributes {stable_mosaic.version = 14 : i64} {
  func.func @_sc_agg_body(%arg0: i32, %arg1: i32, %arg2: memref<2x10240x64xf32, #tpu.memory_space<hbm>>, %arg3: memref<16x160x128xi32, #tpu.memory_space<hbm>>, %arg4: memref<16x160x128xi32, #tpu.memory_space<hbm>>, %arg5: memref<2x10240x64xf32, #tpu.memory_space<hbm>>, %arg6: memref<128x64xf32, #tpu.memory_space<vmem>>, %arg7: memref<128x64xf32, #tpu.memory_space<vmem>>, %arg8: memref<128x64xf32, #tpu.memory_space<vmem>>, %arg9: memref<128x64xf32, #tpu.memory_space<vmem>>, %arg10: memref<128x64xf32, #tpu.memory_space<vmem>>, %arg11: memref<128xi32, #tpu.memory_space<vmem>>, %arg12: memref<128xi32, #tpu.memory_space<vmem>>, %arg13: memref<128xi32, #tpu.memory_space<vmem>>, %arg14: memref<128xi32, #tpu.memory_space<vmem>>, %arg15: memref<128xi32, #tpu.memory_space<vmem>>, %arg16: memref<128xi32, #tpu.memory_space<vmem>>, %arg17: memref<128xi32, #tpu.memory_space<vmem>>, %arg18: memref<128xi32, #tpu.memory_space<vmem>>, %arg19: memref<128xi32, #tpu.memory_space<vmem>>, %arg20: memref<128xi32, #tpu.memory_space<vmem>>, %arg21: memref<10240x64xf32, #tpu.memory_space<vmem_shared>>, %arg22: memref<10240x64xf32, #tpu.memory_space<vmem_shared>>, %arg23: memref<!tpu.dma_semaphore, #tpu.memory_space<semaphore_mem>>, %arg24: memref<!tpu.dma_semaphore, #tpu.memory_space<semaphore_mem>>, %arg25: memref<!tpu.dma_semaphore, #tpu.memory_space<semaphore_mem>>, %arg26: memref<!tpu.dma_semaphore, #tpu.memory_space<semaphore_mem>>, %arg27: memref<!tpu.dma_semaphore, #tpu.memory_space<semaphore_mem>>, %arg28: memref<!tpu.dma_semaphore, #tpu.memory_space<semaphore_mem>>, %arg29: memref<!tpu.dma_semaphore, #tpu.memory_space<semaphore_mem>>, %arg30: memref<!tpu.dma_semaphore, #tpu.memory_space<semaphore_mem>>, %arg31: memref<!tpu.dma_semaphore, #tpu.memory_space<semaphore_mem>>, %arg32: memref<!tpu.dma_semaphore, #tpu.memory_space<semaphore_mem>>, %arg33: memref<!tpu.dma_semaphore, #tpu.memory_space<semaphore_mem>>, %arg34: memref<!tpu.dma_semaphore, #tpu.memory_space<semaphore_mem>>, %arg35: memref<!tpu.dma_semaphore, #tpu.memory_space<semaphore_mem>>, %arg36: memref<!tpu.dma_semaphore, #tpu.memory_space<semaphore_mem>>, %arg37: memref<!tpu.dma_semaphore, #tpu.memory_space<semaphore_mem>>) attributes {dimension_semantics = [#tpu.dimension_semantics<core_parallel>, #tpu.dimension_semantics<subcore_parallel>], iteration_bounds = array<i64: 2, 16>, scalar_prefetch = 0 : i64, scratch_operands = 32 : i64, tpu.core_type = #tpu.core_type<sc_vector_subcore>, window_params = [{transform_indices = #map}, {transform_indices = #map}, {transform_indices = #map}, {transform_indices = #map}]} {
    %mul3A = arith.constant 640 : i32
    %mul3A_0 = arith.muli %arg1, %mul3A : i32
    "tpu.region"() ({
      %run_scoped3A = tpu.sem_alloc : memref<!tpu.dma_semaphore, #tpu.memory_space<semaphore_mem>>
      %dma_start3A_167 = arith.constant 0 : i32
      %dma_start3A_168 = tpu.memref_slice %arg21[%mul3A_0, %dma_start3A_167] : memref<10240x64xf32, #tpu.memory_space<vmem_shared>> -> memref<640x64xf32, #tpu.memory_space<vmem_shared>>
      %dma_start3A_169 = arith.constant 0 : i32
      %dma_start3A_170 = arith.constant 0 : i32
      %dma_start3A_171 = tpu.memref_slice %arg2[%arg0, %dma_start3A_169, %dma_start3A_170] : memref<2x10240x64xf32, #tpu.memory_space<hbm>> -> memref<1x10240x64xf32, #tpu.memory_space<hbm>>
      %dma_start3A_172 = tpu.memref_squeeze %dma_start3A_171 : memref<1x10240x64xf32, #tpu.memory_space<hbm>> -> memref<10240x64xf32, #tpu.memory_space<hbm>>
      %dma_start3A_173 = arith.constant 0 : i32
      %dma_start3A_174 = tpu.memref_slice %dma_start3A_172[%mul3A_0, %dma_start3A_173] : memref<10240x64xf32, #tpu.memory_space<hbm>> -> memref<640x64xf32, #tpu.memory_space<hbm>>
      tpu.enqueue_dma source(%dma_start3A_174 : memref<640x64xf32, #tpu.memory_space<hbm>>) target(%dma_start3A_168 : memref<640x64xf32, #tpu.memory_space<vmem_shared>>) target_semaphore(%run_scoped3A : memref<!tpu.dma_semaphore, #tpu.memory_space<semaphore_mem>>)
      %dma_wait3A_175 = arith.constant 0 : i32
      %dma_wait3A_176 = tpu.memref_slice %arg21[%mul3A_0, %dma_wait3A_175] : memref<10240x64xf32, #tpu.memory_space<vmem_shared>> -> memref<640x64xf32, #tpu.memory_space<vmem_shared>>
      %dma_wait3A_177 = arith.constant 0 : i32
      %dma_wait3A_178 = arith.constant 0 : i32
      %dma_wait3A_179 = tpu.memref_slice %arg2[%arg0, %dma_wait3A_177, %dma_wait3A_178] : memref<2x10240x64xf32, #tpu.memory_space<hbm>> -> memref<1x10240x64xf32, #tpu.memory_space<hbm>>
      %dma_wait3A_180 = tpu.memref_squeeze %dma_wait3A_179 : memref<1x10240x64xf32, #tpu.memory_space<hbm>> -> memref<10240x64xf32, #tpu.memory_space<hbm>>
      %dma_wait3A_181 = arith.constant 0 : i32
      %dma_wait3A_182 = tpu.memref_slice %dma_wait3A_180[%mul3A_0, %dma_wait3A_181] : memref<10240x64xf32, #tpu.memory_space<hbm>> -> memref<640x64xf32, #tpu.memory_space<hbm>>
      tpu.wait_dma2 semaphore(%run_scoped3A : memref<!tpu.dma_semaphore, #tpu.memory_space<semaphore_mem>>) src(%dma_wait3A_182 : memref<640x64xf32, #tpu.memory_space<hbm>>) dst(%dma_wait3A_176 : memref<640x64xf32, #tpu.memory_space<vmem_shared>>)
      tpu.yield
    }) : () -> ()
    "tpu.region"() ({
      %run_scoped3A = tpu.sem_alloc : memref<!tpu.dma_semaphore, #tpu.memory_space<semaphore_mem>>
      %dma_start3A_167 = arith.constant 0 : i32
      %dma_start3A_168 = tpu.memref_slice %arg22[%mul3A_0, %dma_start3A_167] : memref<10240x64xf32, #tpu.memory_space<vmem_shared>> -> memref<640x64xf32, #tpu.memory_space<vmem_shared>>
      %dma_start3A_169 = arith.constant 0 : i32
      %dma_start3A_170 = arith.constant 0 : i32
      %dma_start3A_171 = tpu.memref_slice %arg2[%arg0, %dma_start3A_169, %dma_start3A_170] : memref<2x10240x64xf32, #tpu.memory_space<hbm>> -> memref<1x10240x64xf32, #tpu.memory_space<hbm>>
      %dma_start3A_172 = tpu.memref_squeeze %dma_start3A_171 : memref<1x10240x64xf32, #tpu.memory_space<hbm>> -> memref<10240x64xf32, #tpu.memory_space<hbm>>
      %dma_start3A_173 = arith.constant 0 : i32
      %dma_start3A_174 = tpu.memref_slice %dma_start3A_172[%mul3A_0, %dma_start3A_173] : memref<10240x64xf32, #tpu.memory_space<hbm>> -> memref<640x64xf32, #tpu.memory_space<hbm>>
      tpu.enqueue_dma source(%dma_start3A_174 : memref<640x64xf32, #tpu.memory_space<hbm>>) target(%dma_start3A_168 : memref<640x64xf32, #tpu.memory_space<vmem_shared>>) target_semaphore(%run_scoped3A : memref<!tpu.dma_semaphore, #tpu.memory_space<semaphore_mem>>)
      %dma_wait3A_175 = arith.constant 0 : i32
      %dma_wait3A_176 = tpu.memref_slice %arg22[%mul3A_0, %dma_wait3A_175] : memref<10240x64xf32, #tpu.memory_space<vmem_shared>> -> memref<640x64xf32, #tpu.memory_space<vmem_shared>>
      %dma_wait3A_177 = arith.constant 0 : i32
      %dma_wait3A_178 = arith.constant 0 : i32
      %dma_wait3A_179 = tpu.memref_slice %arg2[%arg0, %dma_wait3A_177, %dma_wait3A_178] : memref<2x10240x64xf32, #tpu.memory_space<hbm>> -> memref<1x10240x64xf32, #tpu.memory_space<hbm>>
      %dma_wait3A_180 = tpu.memref_squeeze %dma_wait3A_179 : memref<1x10240x64xf32, #tpu.memory_space<hbm>> -> memref<10240x64xf32, #tpu.memory_space<hbm>>
      %dma_wait3A_181 = arith.constant 0 : i32
      %dma_wait3A_182 = tpu.memref_slice %dma_wait3A_180[%mul3A_0, %dma_wait3A_181] : memref<10240x64xf32, #tpu.memory_space<hbm>> -> memref<640x64xf32, #tpu.memory_space<hbm>>
      tpu.wait_dma2 semaphore(%run_scoped3A : memref<!tpu.dma_semaphore, #tpu.memory_space<semaphore_mem>>) src(%dma_wait3A_182 : memref<640x64xf32, #tpu.memory_space<hbm>>) dst(%dma_wait3A_176 : memref<640x64xf32, #tpu.memory_space<vmem_shared>>)
      tpu.yield
    }) : () -> ()
    %barrier3A = arith.constant 0 : index
    tpu.barrier barrier_id(%barrier3A)
    %dma_start3A = arith.constant 0 : i32
    %dma_start3A_1 = arith.constant 0 : i32
    %dma_start3A_2 = arith.constant 0 : i32
    %dma_start3A_3 = tpu.memref_slice %arg3[%arg1, %dma_start3A_1, %dma_start3A_2] : memref<16x160x128xi32, #tpu.memory_space<hbm>> -> memref<1x160x128xi32, #tpu.memory_space<hbm>>
    %dma_start3A_4 = tpu.memref_squeeze %dma_start3A_3 : memref<1x160x128xi32, #tpu.memory_space<hbm>> -> memref<160x128xi32, #tpu.memory_space<hbm>>
    %dma_start3A_5 = arith.constant 0 : i32
    %dma_start3A_6 = tpu.memref_slice %dma_start3A_4[%dma_start3A, %dma_start3A_5] : memref<160x128xi32, #tpu.memory_space<hbm>> -> memref<1x128xi32, #tpu.memory_space<hbm>>
    %dma_start3A_7 = tpu.memref_squeeze %dma_start3A_6 : memref<1x128xi32, #tpu.memory_space<hbm>> -> memref<128xi32, #tpu.memory_space<hbm>>
    %dma_start3A_8 = arith.constant 0 : i32
    %dma_start3A_9 = arith.constant 0 : i32
    %dma_start3A_10 = tpu.memref_slice %arg3[%arg1, %dma_start3A_8, %dma_start3A_9] : memref<16x160x128xi32, #tpu.memory_space<hbm>> -> memref<1x160x128xi32, #tpu.memory_space<hbm>>
    %dma_start3A_11 = tpu.memref_squeeze %dma_start3A_10 : memref<1x160x128xi32, #tpu.memory_space<hbm>> -> memref<160x128xi32, #tpu.memory_space<hbm>>
    %dma_start3A_12 = arith.constant 0 : i32
    %dma_start3A_13 = tpu.memref_slice %dma_start3A_11[%dma_start3A, %dma_start3A_12] : memref<160x128xi32, #tpu.memory_space<hbm>> -> memref<1x128xi32, #tpu.memory_space<hbm>>
    %dma_start3A_14 = tpu.memref_squeeze %dma_start3A_13 : memref<1x128xi32, #tpu.memory_space<hbm>> -> memref<128xi32, #tpu.memory_space<hbm>>
    tpu.enqueue_dma source(%dma_start3A_14 : memref<128xi32, #tpu.memory_space<hbm>>) target(%arg11 : memref<128xi32, #tpu.memory_space<vmem>>) target_semaphore(%arg33 : memref<!tpu.dma_semaphore, #tpu.memory_space<semaphore_mem>>)
    %dma_start3A_15 = arith.constant 0 : i32
    %dma_start3A_16 = arith.constant 0 : i32
    %dma_start3A_17 = arith.constant 0 : i32
    %dma_start3A_18 = tpu.memref_slice %arg4[%arg1, %dma_start3A_16, %dma_start3A_17] : memref<16x160x128xi32, #tpu.memory_space<hbm>> -> memref<1x160x128xi32, #tpu.memory_space<hbm>>
    %dma_start3A_19 = tpu.memref_squeeze %dma_start3A_18 : memref<1x160x128xi32, #tpu.memory_space<hbm>> -> memref<160x128xi32, #tpu.memory_space<hbm>>
    %dma_start3A_20 = arith.constant 0 : i32
    %dma_start3A_21 = tpu.memref_slice %dma_start3A_19[%dma_start3A_15, %dma_start3A_20] : memref<160x128xi32, #tpu.memory_space<hbm>> -> memref<1x128xi32, #tpu.memory_space<hbm>>
    %dma_start3A_22 = tpu.memref_squeeze %dma_start3A_21 : memref<1x128xi32, #tpu.memory_space<hbm>> -> memref<128xi32, #tpu.memory_space<hbm>>
    %dma_start3A_23 = arith.constant 0 : i32
    %dma_start3A_24 = arith.constant 0 : i32
    %dma_start3A_25 = tpu.memref_slice %arg4[%arg1, %dma_start3A_23, %dma_start3A_24] : memref<16x160x128xi32, #tpu.memory_space<hbm>> -> memref<1x160x128xi32, #tpu.memory_space<hbm>>
    %dma_start3A_26 = tpu.memref_squeeze %dma_start3A_25 : memref<1x160x128xi32, #tpu.memory_space<hbm>> -> memref<160x128xi32, #tpu.memory_space<hbm>>
    %dma_start3A_27 = arith.constant 0 : i32
    %dma_start3A_28 = tpu.memref_slice %dma_start3A_26[%dma_start3A_15, %dma_start3A_27] : memref<160x128xi32, #tpu.memory_space<hbm>> -> memref<1x128xi32, #tpu.memory_space<hbm>>
    %dma_start3A_29 = tpu.memref_squeeze %dma_start3A_28 : memref<1x128xi32, #tpu.memory_space<hbm>> -> memref<128xi32, #tpu.memory_space<hbm>>
    tpu.enqueue_dma source(%dma_start3A_29 : memref<128xi32, #tpu.memory_space<hbm>>) target(%arg16 : memref<128xi32, #tpu.memory_space<vmem>>) target_semaphore(%arg33 : memref<!tpu.dma_semaphore, #tpu.memory_space<semaphore_mem>>)
    %dma_start3A_30 = arith.constant 1 : i32
    %dma_start3A_31 = arith.constant 0 : i32
    %dma_start3A_32 = arith.constant 0 : i32
    %dma_start3A_33 = tpu.memref_slice %arg3[%arg1, %dma_start3A_31, %dma_start3A_32] : memref<16x160x128xi32, #tpu.memory_space<hbm>> -> memref<1x160x128xi32, #tpu.memory_space<hbm>>
    %dma_start3A_34 = tpu.memref_squeeze %dma_start3A_33 : memref<1x160x128xi32, #tpu.memory_space<hbm>> -> memref<160x128xi32, #tpu.memory_space<hbm>>
    %dma_start3A_35 = arith.constant 0 : i32
    %dma_start3A_36 = tpu.memref_slice %dma_start3A_34[%dma_start3A_30, %dma_start3A_35] : memref<160x128xi32, #tpu.memory_space<hbm>> -> memref<1x128xi32, #tpu.memory_space<hbm>>
    %dma_start3A_37 = tpu.memref_squeeze %dma_start3A_36 : memref<1x128xi32, #tpu.memory_space<hbm>> -> memref<128xi32, #tpu.memory_space<hbm>>
    %dma_start3A_38 = arith.constant 0 : i32
    %dma_start3A_39 = arith.constant 0 : i32
    %dma_start3A_40 = tpu.memref_slice %arg3[%arg1, %dma_start3A_38, %dma_start3A_39] : memref<16x160x128xi32, #tpu.memory_space<hbm>> -> memref<1x160x128xi32, #tpu.memory_space<hbm>>
    %dma_start3A_41 = tpu.memref_squeeze %dma_start3A_40 : memref<1x160x128xi32, #tpu.memory_space<hbm>> -> memref<160x128xi32, #tpu.memory_space<hbm>>
    %dma_start3A_42 = arith.constant 0 : i32
    %dma_start3A_43 = tpu.memref_slice %dma_start3A_41[%dma_start3A_30, %dma_start3A_42] : memref<160x128xi32, #tpu.memory_space<hbm>> -> memref<1x128xi32, #tpu.memory_space<hbm>>
    %dma_start3A_44 = tpu.memref_squeeze %dma_start3A_43 : memref<1x128xi32, #tpu.memory_space<hbm>> -> memref<128xi32, #tpu.memory_space<hbm>>
    tpu.enqueue_dma source(%dma_start3A_44 : memref<128xi32, #tpu.memory_space<hbm>>) target(%arg12 : memref<128xi32, #tpu.memory_space<vmem>>) target_semaphore(%arg34 : memref<!tpu.dma_semaphore, #tpu.memory_space<semaphore_mem>>)
    %dma_start3A_45 = arith.constant 1 : i32
    %dma_start3A_46 = arith.constant 0 : i32
    %dma_start3A_47 = arith.constant 0 : i32
    %dma_start3A_48 = tpu.memref_slice %arg4[%arg1, %dma_start3A_46, %dma_start3A_47] : memref<16x160x128xi32, #tpu.memory_space<hbm>> -> memref<1x160x128xi32, #tpu.memory_space<hbm>>
    %dma_start3A_49 = tpu.memref_squeeze %dma_start3A_48 : memref<1x160x128xi32, #tpu.memory_space<hbm>> -> memref<160x128xi32, #tpu.memory_space<hbm>>
    %dma_start3A_50 = arith.constant 0 : i32
    %dma_start3A_51 = tpu.memref_slice %dma_start3A_49[%dma_start3A_45, %dma_start3A_50] : memref<160x128xi32, #tpu.memory_space<hbm>> -> memref<1x128xi32, #tpu.memory_space<hbm>>
    %dma_start3A_52 = tpu.memref_squeeze %dma_start3A_51 : memref<1x128xi32, #tpu.memory_space<hbm>> -> memref<128xi32, #tpu.memory_space<hbm>>
    %dma_start3A_53 = arith.constant 0 : i32
    %dma_start3A_54 = arith.constant 0 : i32
    %dma_start3A_55 = tpu.memref_slice %arg4[%arg1, %dma_start3A_53, %dma_start3A_54] : memref<16x160x128xi32, #tpu.memory_space<hbm>> -> memref<1x160x128xi32, #tpu.memory_space<hbm>>
    %dma_start3A_56 = tpu.memref_squeeze %dma_start3A_55 : memref<1x160x128xi32, #tpu.memory_space<hbm>> -> memref<160x128xi32, #tpu.memory_space<hbm>>
    %dma_start3A_57 = arith.constant 0 : i32
    %dma_start3A_58 = tpu.memref_slice %dma_start3A_56[%dma_start3A_45, %dma_start3A_57] : memref<160x128xi32, #tpu.memory_space<hbm>> -> memref<1x128xi32, #tpu.memory_space<hbm>>
    %dma_start3A_59 = tpu.memref_squeeze %dma_start3A_58 : memref<1x128xi32, #tpu.memory_space<hbm>> -> memref<128xi32, #tpu.memory_space<hbm>>
    tpu.enqueue_dma source(%dma_start3A_59 : memref<128xi32, #tpu.memory_space<hbm>>) target(%arg17 : memref<128xi32, #tpu.memory_space<vmem>>) target_semaphore(%arg34 : memref<!tpu.dma_semaphore, #tpu.memory_space<semaphore_mem>>)
    %dma_start3A_60 = arith.constant 2 : i32
    %dma_start3A_61 = arith.constant 0 : i32
    %dma_start3A_62 = arith.constant 0 : i32
    %dma_start3A_63 = tpu.memref_slice %arg3[%arg1, %dma_start3A_61, %dma_start3A_62] : memref<16x160x128xi32, #tpu.memory_space<hbm>> -> memref<1x160x128xi32, #tpu.memory_space<hbm>>
    %dma_start3A_64 = tpu.memref_squeeze %dma_start3A_63 : memref<1x160x128xi32, #tpu.memory_space<hbm>> -> memref<160x128xi32, #tpu.memory_space<hbm>>
    %dma_start3A_65 = arith.constant 0 : i32
    %dma_start3A_66 = tpu.memref_slice %dma_start3A_64[%dma_start3A_60, %dma_start3A_65] : memref<160x128xi32, #tpu.memory_space<hbm>> -> memref<1x128xi32, #tpu.memory_space<hbm>>
    %dma_start3A_67 = tpu.memref_squeeze %dma_start3A_66 : memref<1x128xi32, #tpu.memory_space<hbm>> -> memref<128xi32, #tpu.memory_space<hbm>>
    %dma_start3A_68 = arith.constant 0 : i32
    %dma_start3A_69 = arith.constant 0 : i32
    %dma_start3A_70 = tpu.memref_slice %arg3[%arg1, %dma_start3A_68, %dma_start3A_69] : memref<16x160x128xi32, #tpu.memory_space<hbm>> -> memref<1x160x128xi32, #tpu.memory_space<hbm>>
    %dma_start3A_71 = tpu.memref_squeeze %dma_start3A_70 : memref<1x160x128xi32, #tpu.memory_space<hbm>> -> memref<160x128xi32, #tpu.memory_space<hbm>>
    %dma_start3A_72 = arith.constant 0 : i32
    %dma_start3A_73 = tpu.memref_slice %dma_start3A_71[%dma_start3A_60, %dma_start3A_72] : memref<160x128xi32, #tpu.memory_space<hbm>> -> memref<1x128xi32, #tpu.memory_space<hbm>>
    %dma_start3A_74 = tpu.memref_squeeze %dma_start3A_73 : memref<1x128xi32, #tpu.memory_space<hbm>> -> memref<128xi32, #tpu.memory_space<hbm>>
    tpu.enqueue_dma source(%dma_start3A_74 : memref<128xi32, #tpu.memory_space<hbm>>) target(%arg13 : memref<128xi32, #tpu.memory_space<vmem>>) target_semaphore(%arg35 : memref<!tpu.dma_semaphore, #tpu.memory_space<semaphore_mem>>)
    %dma_start3A_75 = arith.constant 2 : i32
    %dma_start3A_76 = arith.constant 0 : i32
    %dma_start3A_77 = arith.constant 0 : i32
    %dma_start3A_78 = tpu.memref_slice %arg4[%arg1, %dma_start3A_76, %dma_start3A_77] : memref<16x160x128xi32, #tpu.memory_space<hbm>> -> memref<1x160x128xi32, #tpu.memory_space<hbm>>
    %dma_start3A_79 = tpu.memref_squeeze %dma_start3A_78 : memref<1x160x128xi32, #tpu.memory_space<hbm>> -> memref<160x128xi32, #tpu.memory_space<hbm>>
    %dma_start3A_80 = arith.constant 0 : i32
    %dma_start3A_81 = tpu.memref_slice %dma_start3A_79[%dma_start3A_75, %dma_start3A_80] : memref<160x128xi32, #tpu.memory_space<hbm>> -> memref<1x128xi32, #tpu.memory_space<hbm>>
    %dma_start3A_82 = tpu.memref_squeeze %dma_start3A_81 : memref<1x128xi32, #tpu.memory_space<hbm>> -> memref<128xi32, #tpu.memory_space<hbm>>
    %dma_start3A_83 = arith.constant 0 : i32
    %dma_start3A_84 = arith.constant 0 : i32
    %dma_start3A_85 = tpu.memref_slice %arg4[%arg1, %dma_start3A_83, %dma_start3A_84] : memref<16x160x128xi32, #tpu.memory_space<hbm>> -> memref<1x160x128xi32, #tpu.memory_space<hbm>>
    %dma_start3A_86 = tpu.memref_squeeze %dma_start3A_85 : memref<1x160x128xi32, #tpu.memory_space<hbm>> -> memref<160x128xi32, #tpu.memory_space<hbm>>
    %dma_start3A_87 = arith.constant 0 : i32
    %dma_start3A_88 = tpu.memref_slice %dma_start3A_86[%dma_start3A_75, %dma_start3A_87] : memref<160x128xi32, #tpu.memory_space<hbm>> -> memref<1x128xi32, #tpu.memory_space<hbm>>
    %dma_start3A_89 = tpu.memref_squeeze %dma_start3A_88 : memref<1x128xi32, #tpu.memory_space<hbm>> -> memref<128xi32, #tpu.memory_space<hbm>>
    tpu.enqueue_dma source(%dma_start3A_89 : memref<128xi32, #tpu.memory_space<hbm>>) target(%arg18 : memref<128xi32, #tpu.memory_space<vmem>>) target_semaphore(%arg35 : memref<!tpu.dma_semaphore, #tpu.memory_space<semaphore_mem>>)
    %dma_wait3A = arith.constant 0 : i32
    %dma_wait3A_90 = arith.constant 0 : i32
    %dma_wait3A_91 = arith.constant 0 : i32
    %dma_wait3A_92 = tpu.memref_slice %arg3[%arg1, %dma_wait3A_90, %dma_wait3A_91] : memref<16x160x128xi32, #tpu.memory_space<hbm>> -> memref<1x160x128xi32, #tpu.memory_space<hbm>>
    %dma_wait3A_93 = tpu.memref_squeeze %dma_wait3A_92 : memref<1x160x128xi32, #tpu.memory_space<hbm>> -> memref<160x128xi32, #tpu.memory_space<hbm>>
    %dma_wait3A_94 = arith.constant 0 : i32
    %dma_wait3A_95 = tpu.memref_slice %dma_wait3A_93[%dma_wait3A, %dma_wait3A_94] : memref<160x128xi32, #tpu.memory_space<hbm>> -> memref<1x128xi32, #tpu.memory_space<hbm>>
    %dma_wait3A_96 = tpu.memref_squeeze %dma_wait3A_95 : memref<1x128xi32, #tpu.memory_space<hbm>> -> memref<128xi32, #tpu.memory_space<hbm>>
    %dma_wait3A_97 = arith.constant 0 : i32
    %dma_wait3A_98 = arith.constant 0 : i32
    %dma_wait3A_99 = tpu.memref_slice %arg3[%arg1, %dma_wait3A_97, %dma_wait3A_98] : memref<16x160x128xi32, #tpu.memory_space<hbm>> -> memref<1x160x128xi32, #tpu.memory_space<hbm>>
    %dma_wait3A_100 = tpu.memref_squeeze %dma_wait3A_99 : memref<1x160x128xi32, #tpu.memory_space<hbm>> -> memref<160x128xi32, #tpu.memory_space<hbm>>
    %dma_wait3A_101 = arith.constant 0 : i32
    %dma_wait3A_102 = tpu.memref_slice %dma_wait3A_100[%dma_wait3A, %dma_wait3A_101] : memref<160x128xi32, #tpu.memory_space<hbm>> -> memref<1x128xi32, #tpu.memory_space<hbm>>
    %dma_wait3A_103 = tpu.memref_squeeze %dma_wait3A_102 : memref<1x128xi32, #tpu.memory_space<hbm>> -> memref<128xi32, #tpu.memory_space<hbm>>
    tpu.wait_dma2 semaphore(%arg33 : memref<!tpu.dma_semaphore, #tpu.memory_space<semaphore_mem>>) src(%dma_wait3A_103 : memref<128xi32, #tpu.memory_space<hbm>>) dst(%arg11 : memref<128xi32, #tpu.memory_space<vmem>>)
    %dma_wait3A_104 = arith.constant 0 : i32
    %dma_wait3A_105 = arith.constant 0 : i32
    %dma_wait3A_106 = arith.constant 0 : i32
    %dma_wait3A_107 = tpu.memref_slice %arg4[%arg1, %dma_wait3A_105, %dma_wait3A_106] : memref<16x160x128xi32, #tpu.memory_space<hbm>> -> memref<1x160x128xi32, #tpu.memory_space<hbm>>
    %dma_wait3A_108 = tpu.memref_squeeze %dma_wait3A_107 : memref<1x160x128xi32, #tpu.memory_space<hbm>> -> memref<160x128xi32, #tpu.memory_space<hbm>>
    %dma_wait3A_109 = arith.constant 0 : i32
    %dma_wait3A_110 = tpu.memref_slice %dma_wait3A_108[%dma_wait3A_104, %dma_wait3A_109] : memref<160x128xi32, #tpu.memory_space<hbm>> -> memref<1x128xi32, #tpu.memory_space<hbm>>
    %dma_wait3A_111 = tpu.memref_squeeze %dma_wait3A_110 : memref<1x128xi32, #tpu.memory_space<hbm>> -> memref<128xi32, #tpu.memory_space<hbm>>
    %dma_wait3A_112 = arith.constant 0 : i32
    %dma_wait3A_113 = arith.constant 0 : i32
    %dma_wait3A_114 = tpu.memref_slice %arg4[%arg1, %dma_wait3A_112, %dma_wait3A_113] : memref<16x160x128xi32, #tpu.memory_space<hbm>> -> memref<1x160x128xi32, #tpu.memory_space<hbm>>
    %dma_wait3A_115 = tpu.memref_squeeze %dma_wait3A_114 : memref<1x160x128xi32, #tpu.memory_space<hbm>> -> memref<160x128xi32, #tpu.memory_space<hbm>>
    %dma_wait3A_116 = arith.constant 0 : i32
    %dma_wait3A_117 = tpu.memref_slice %dma_wait3A_115[%dma_wait3A_104, %dma_wait3A_116] : memref<160x128xi32, #tpu.memory_space<hbm>> -> memref<1x128xi32, #tpu.memory_space<hbm>>
    %dma_wait3A_118 = tpu.memref_squeeze %dma_wait3A_117 : memref<1x128xi32, #tpu.memory_space<hbm>> -> memref<128xi32, #tpu.memory_space<hbm>>
    tpu.wait_dma2 semaphore(%arg33 : memref<!tpu.dma_semaphore, #tpu.memory_space<semaphore_mem>>) src(%dma_wait3A_118 : memref<128xi32, #tpu.memory_space<hbm>>) dst(%arg16 : memref<128xi32, #tpu.memory_space<vmem>>)
    %dma_start3A_119 = arith.constant 0 : i32
    %dma_start3A_120 = arith.constant 0 : i32
    %dma_start3A_121 = tpu.memref_slice %arg22[%dma_start3A_119, %dma_start3A_120] : memref<10240x64xf32, #tpu.memory_space<vmem_shared>> -> memref<10240x64xf32, #tpu.memory_space<vmem_shared>>
    tpu.enqueue_indirect_dma source(%dma_start3A_121 : memref<10240x64xf32, #tpu.memory_space<vmem_shared>>) target(%arg6 : memref<128x64xf32, #tpu.memory_space<vmem>>) offsets(%arg11 : memref<128xi32, #tpu.memory_space<vmem>>) semaphore(%arg23 : memref<!tpu.dma_semaphore, #tpu.memory_space<semaphore_mem>>)
    %dma_wait3A_122 = arith.constant 0 : i32
    %dma_wait3A_123 = arith.constant 0 : i32
    %dma_wait3A_124 = arith.constant 0 : i32
    %dma_wait3A_125 = tpu.memref_slice %arg3[%arg1, %dma_wait3A_123, %dma_wait3A_124] : memref<16x160x128xi32, #tpu.memory_space<hbm>> -> memref<1x160x128xi32, #tpu.memory_space<hbm>>
    %dma_wait3A_126 = tpu.memref_squeeze %dma_wait3A_125 : memref<1x160x128xi32, #tpu.memory_space<hbm>> -> memref<160x128xi32, #tpu.memory_space<hbm>>
    %dma_wait3A_127 = arith.constant 0 : i32
    %dma_wait3A_128 = tpu.memref_slice %dma_wait3A_126[%dma_wait3A_122, %dma_wait3A_127] : memref<160x128xi32, #tpu.memory_space<hbm>> -> memref<1x128xi32, #tpu.memory_space<hbm>>
    %dma_wait3A_129 = tpu.memref_squeeze %dma_wait3A_128 : memref<1x128xi32, #tpu.memory_space<hbm>> -> memref<128xi32, #tpu.memory_space<hbm>>
    %dma_wait3A_130 = arith.constant 0 : i32
    %dma_wait3A_131 = arith.constant 0 : i32
    %dma_wait3A_132 = tpu.memref_slice %arg3[%arg1, %dma_wait3A_130, %dma_wait3A_131] : memref<16x160x128xi32, #tpu.memory_space<hbm>> -> memref<1x160x128xi32, #tpu.memory_space<hbm>>
    %dma_wait3A_133 = tpu.memref_squeeze %dma_wait3A_132 : memref<1x160x128xi32, #tpu.memory_space<hbm>> -> memref<160x128xi32, #tpu.memory_space<hbm>>
    %dma_wait3A_134 = arith.constant 0 : i32
    %dma_wait3A_135 = tpu.memref_slice %dma_wait3A_133[%dma_wait3A_122, %dma_wait3A_134] : memref<160x128xi32, #tpu.memory_space<hbm>> -> memref<1x128xi32, #tpu.memory_space<hbm>>
    %dma_wait3A_136 = tpu.memref_squeeze %dma_wait3A_135 : memref<1x128xi32, #tpu.memory_space<hbm>> -> memref<128xi32, #tpu.memory_space<hbm>>
    tpu.wait_dma2 semaphore(%arg34 : memref<!tpu.dma_semaphore, #tpu.memory_space<semaphore_mem>>) src(%dma_wait3A_136 : memref<128xi32, #tpu.memory_space<hbm>>) dst(%arg12 : memref<128xi32, #tpu.memory_space<vmem>>)
    %dma_wait3A_137 = arith.constant 0 : i32
    %dma_wait3A_138 = arith.constant 0 : i32
    %dma_wait3A_139 = arith.constant 0 : i32
    %dma_wait3A_140 = tpu.memref_slice %arg4[%arg1, %dma_wait3A_138, %dma_wait3A_139] : memref<16x160x128xi32, #tpu.memory_space<hbm>> -> memref<1x160x128xi32, #tpu.memory_space<hbm>>
    %dma_wait3A_141 = tpu.memref_squeeze %dma_wait3A_140 : memref<1x160x128xi32, #tpu.memory_space<hbm>> -> memref<160x128xi32, #tpu.memory_space<hbm>>
    %dma_wait3A_142 = arith.constant 0 : i32
    %dma_wait3A_143 = tpu.memref_slice %dma_wait3A_141[%dma_wait3A_137, %dma_wait3A_142] : memref<160x128xi32, #tpu.memory_space<hbm>> -> memref<1x128xi32, #tpu.memory_space<hbm>>
    %dma_wait3A_144 = tpu.memref_squeeze %dma_wait3A_143 : memref<1x128xi32, #tpu.memory_space<hbm>> -> memref<128xi32, #tpu.memory_space<hbm>>
    %dma_wait3A_145 = arith.constant 0 : i32
    %dma_wait3A_146 = arith.constant 0 : i32
    %dma_wait3A_147 = tpu.memref_slice %arg4[%arg1, %dma_wait3A_145, %dma_wait3A_146] : memref<16x160x128xi32, #tpu.memory_space<hbm>> -> memref<1x160x128xi32, #tpu.memory_space<hbm>>
    %dma_wait3A_148 = tpu.memref_squeeze %dma_wait3A_147 : memref<1x160x128xi32, #tpu.memory_space<hbm>> -> memref<160x128xi32, #tpu.memory_space<hbm>>
    %dma_wait3A_149 = arith.constant 0 : i32
    %dma_wait3A_150 = tpu.memref_slice %dma_wait3A_148[%dma_wait3A_137, %dma_wait3A_149] : memref<160x128xi32, #tpu.memory_space<hbm>> -> memref<1x128xi32, #tpu.memory_space<hbm>>
    %dma_wait3A_151 = tpu.memref_squeeze %dma_wait3A_150 : memref<1x128xi32, #tpu.memory_space<hbm>> -> memref<128xi32, #tpu.memory_space<hbm>>
    tpu.wait_dma2 semaphore(%arg34 : memref<!tpu.dma_semaphore, #tpu.memory_space<semaphore_mem>>) src(%dma_wait3A_151 : memref<128xi32, #tpu.memory_space<hbm>>) dst(%arg17 : memref<128xi32, #tpu.memory_space<vmem>>)
    %dma_start3A_152 = arith.constant 0 : i32
    %dma_start3A_153 = arith.constant 0 : i32
    %dma_start3A_154 = tpu.memref_slice %arg22[%dma_start3A_152, %dma_start3A_153] : memref<10240x64xf32, #tpu.memory_space<vmem_shared>> -> memref<10240x64xf32, #tpu.memory_space<vmem_shared>>
    tpu.enqueue_indirect_dma source(%dma_start3A_154 : memref<10240x64xf32, #tpu.memory_space<vmem_shared>>) target(%arg7 : memref<128x64xf32, #tpu.memory_space<vmem>>) offsets(%arg12 : memref<128xi32, #tpu.memory_space<vmem>>) semaphore(%arg24 : memref<!tpu.dma_semaphore, #tpu.memory_space<semaphore_mem>>)
    %scan3A = arith.constant 0 : i32
    %scan3A_155 = arith.constant 0 : i32
    %scan3A_156 = arith.constant 32 : i32
    %scan3A_157 = arith.addi %scan3A_155, %scan3A_156 : i32
    %scan3A_158 = arith.constant 1 : i32
    scf.for %scan3A_167 = %scan3A_155 to %scan3A_157 step %scan3A_158  : i32 {
      %mul3A_168 = arith.constant 5 : i32
      %mul3A_169 = arith.muli %scan3A_167, %mul3A_168 : i32
      %add3A = arith.constant 0 : i32
      %add3A_170 = arith.addi %mul3A_169, %add3A : i32
      %dma_wait3A_171 = arith.constant 0 : i32
      %dma_wait3A_172 = arith.constant 0 : i32
      %dma_wait3A_173 = tpu.memref_slice %arg22[%dma_wait3A_171, %dma_wait3A_172] : memref<10240x64xf32, #tpu.memory_space<vmem_shared>> -> memref<10240x64xf32, #tpu.memory_space<vmem_shared>>
      tpu.wait_indirect_dma semaphore(%arg23 : memref<!tpu.dma_semaphore, #tpu.memory_space<semaphore_mem>>) src(%dma_wait3A_173 : memref<10240x64xf32, #tpu.memory_space<vmem_shared>>) dst(%arg6 : memref<128x64xf32, #tpu.memory_space<vmem>>)
      %dma_start3A_174 = arith.constant 0 : i32
      %dma_start3A_175 = arith.constant 0 : i32
      %dma_start3A_176 = tpu.memref_slice %arg21[%dma_start3A_174, %dma_start3A_175] : memref<10240x64xf32, #tpu.memory_space<vmem_shared>> -> memref<10240x64xf32, #tpu.memory_space<vmem_shared>>
      tpu.enqueue_indirect_dma source(%arg6 : memref<128x64xf32, #tpu.memory_space<vmem>>) target(%dma_start3A_176 : memref<10240x64xf32, #tpu.memory_space<vmem_shared>>) offsets(%arg16 : memref<128xi32, #tpu.memory_space<vmem>>) semaphore(%arg28 : memref<!tpu.dma_semaphore, #tpu.memory_space<semaphore_mem>>) {add = true}
      %ge3A = arith.constant 2 : i32
      %ge3A_177 = arith.cmpi sge, %add3A_170, %ge3A : i32
      %convert_element_type3A = arith.extui %ge3A_177 : i1 to i32
      %cond3A = arith.constant 0 : i32
      %cond3A_178 = arith.cmpi ne, %convert_element_type3A, %cond3A : i32
      scf.if %cond3A_178 {
        %dma_wait3A_309 = arith.constant 0 : i32
        %dma_wait3A_310 = arith.constant 0 : i32
        %dma_wait3A_311 = tpu.memref_slice %arg21[%dma_wait3A_309, %dma_wait3A_310] : memref<10240x64xf32, #tpu.memory_space<vmem_shared>> -> memref<10240x64xf32, #tpu.memory_space<vmem_shared>>
        tpu.wait_indirect_dma semaphore(%arg31 : memref<!tpu.dma_semaphore, #tpu.memory_space<semaphore_mem>>) src(%arg9 : memref<128x64xf32, #tpu.memory_space<vmem>>) dst(%dma_wait3A_311 : memref<10240x64xf32, #tpu.memory_space<vmem_shared>>)
      } else {
      }
      %add3A_179 = arith.constant 3 : i32
      %add3A_180 = arith.addi %add3A_170, %add3A_179 : i32
      %lt3A = arith.constant 160 : i32
      %lt3A_181 = arith.cmpi slt, %add3A_180, %lt3A : i32
      %convert_element_type3A_182 = arith.extui %lt3A_181 : i1 to i32
      %cond3A_183 = arith.constant 0 : i32
      %cond3A_184 = arith.cmpi ne, %convert_element_type3A_182, %cond3A_183 : i32
      scf.if %cond3A_184 {
        %add3A_309 = arith.constant 3 : i32
        %add3A_310 = arith.addi %add3A_170, %add3A_309 : i32
        %dma_start3A_311 = arith.constant 0 : i32
        %dma_start3A_312 = arith.constant 0 : i32
        %dma_start3A_313 = tpu.memref_slice %arg3[%arg1, %dma_start3A_311, %dma_start3A_312] : memref<16x160x128xi32, #tpu.memory_space<hbm>> -> memref<1x160x128xi32, #tpu.memory_space<hbm>>
        %dma_start3A_314 = tpu.memref_squeeze %dma_start3A_313 : memref<1x160x128xi32, #tpu.memory_space<hbm>> -> memref<160x128xi32, #tpu.memory_space<hbm>>
        %dma_start3A_315 = arith.constant 0 : i32
        %dma_start3A_316 = tpu.memref_slice %dma_start3A_314[%add3A_310, %dma_start3A_315] : memref<160x128xi32, #tpu.memory_space<hbm>> -> memref<1x128xi32, #tpu.memory_space<hbm>>
        %dma_start3A_317 = tpu.memref_squeeze %dma_start3A_316 : memref<1x128xi32, #tpu.memory_space<hbm>> -> memref<128xi32, #tpu.memory_space<hbm>>
        %dma_start3A_318 = arith.constant 0 : i32
        %dma_start3A_319 = arith.constant 0 : i32
        %dma_start3A_320 = tpu.memref_slice %arg3[%arg1, %dma_start3A_318, %dma_start3A_319] : memref<16x160x128xi32, #tpu.memory_space<hbm>> -> memref<1x160x128xi32, #tpu.memory_space<hbm>>
        %dma_start3A_321 = tpu.memref_squeeze %dma_start3A_320 : memref<1x160x128xi32, #tpu.memory_space<hbm>> -> memref<160x128xi32, #tpu.memory_space<hbm>>
        %dma_start3A_322 = arith.constant 0 : i32
        %dma_start3A_323 = tpu.memref_slice %dma_start3A_321[%add3A_310, %dma_start3A_322] : memref<160x128xi32, #tpu.memory_space<hbm>> -> memref<1x128xi32, #tpu.memory_space<hbm>>
        %dma_start3A_324 = tpu.memref_squeeze %dma_start3A_323 : memref<1x128xi32, #tpu.memory_space<hbm>> -> memref<128xi32, #tpu.memory_space<hbm>>
        tpu.enqueue_dma source(%dma_start3A_324 : memref<128xi32, #tpu.memory_space<hbm>>) target(%arg14 : memref<128xi32, #tpu.memory_space<vmem>>) target_semaphore(%arg36 : memref<!tpu.dma_semaphore, #tpu.memory_space<semaphore_mem>>)
        %dma_start3A_325 = arith.constant 0 : i32
        %dma_start3A_326 = arith.constant 0 : i32
        %dma_start3A_327 = tpu.memref_slice %arg4[%arg1, %dma_start3A_325, %dma_start3A_326] : memref<16x160x128xi32, #tpu.memory_space<hbm>> -> memref<1x160x128xi32, #tpu.memory_space<hbm>>
        %dma_start3A_328 = tpu.memref_squeeze %dma_start3A_327 : memref<1x160x128xi32, #tpu.memory_space<hbm>> -> memref<160x128xi32, #tpu.memory_space<hbm>>
        %dma_start3A_329 = arith.constant 0 : i32
        %dma_start3A_330 = tpu.memref_slice %dma_start3A_328[%add3A_310, %dma_start3A_329] : memref<160x128xi32, #tpu.memory_space<hbm>> -> memref<1x128xi32, #tpu.memory_space<hbm>>
        %dma_start3A_331 = tpu.memref_squeeze %dma_start3A_330 : memref<1x128xi32, #tpu.memory_space<hbm>> -> memref<128xi32, #tpu.memory_space<hbm>>
        %dma_start3A_332 = arith.constant 0 : i32
        %dma_start3A_333 = arith.constant 0 : i32
        %dma_start3A_334 = tpu.memref_slice %arg4[%arg1, %dma_start3A_332, %dma_start3A_333] : memref<16x160x128xi32, #tpu.memory_space<hbm>> -> memref<1x160x128xi32, #tpu.memory_space<hbm>>
        %dma_start3A_335 = tpu.memref_squeeze %dma_start3A_334 : memref<1x160x128xi32, #tpu.memory_space<hbm>> -> memref<160x128xi32, #tpu.memory_space<hbm>>
        %dma_start3A_336 = arith.constant 0 : i32
        %dma_start3A_337 = tpu.memref_slice %dma_start3A_335[%add3A_310, %dma_start3A_336] : memref<160x128xi32, #tpu.memory_space<hbm>> -> memref<1x128xi32, #tpu.memory_space<hbm>>
        %dma_start3A_338 = tpu.memref_squeeze %dma_start3A_337 : memref<1x128xi32, #tpu.memory_space<hbm>> -> memref<128xi32, #tpu.memory_space<hbm>>
        tpu.enqueue_dma source(%dma_start3A_338 : memref<128xi32, #tpu.memory_space<hbm>>) target(%arg19 : memref<128xi32, #tpu.memory_space<vmem>>) target_semaphore(%arg36 : memref<!tpu.dma_semaphore, #tpu.memory_space<semaphore_mem>>)
      } else {
      }
      %add3A_185 = arith.constant 3 : i32
      %add3A_186 = arith.addi %add3A_170, %add3A_185 : i32
      %sub3A = arith.constant 1 : i32
      %sub3A_187 = arith.subi %add3A_186, %sub3A : i32
      %lt3A_188 = arith.constant 160 : i32
      %lt3A_189 = arith.cmpi slt, %sub3A_187, %lt3A_188 : i32
      %convert_element_type3A_190 = arith.extui %lt3A_189 : i1 to i32
      %cond3A_191 = arith.constant 0 : i32
      %cond3A_192 = arith.cmpi ne, %convert_element_type3A_190, %cond3A_191 : i32
      scf.if %cond3A_192 {
        %dma_wait3A_309 = arith.constant 0 : i32
        %dma_wait3A_310 = arith.constant 0 : i32
        %dma_wait3A_311 = arith.constant 0 : i32
        %dma_wait3A_312 = tpu.memref_slice %arg3[%arg1, %dma_wait3A_310, %dma_wait3A_311] : memref<16x160x128xi32, #tpu.memory_space<hbm>> -> memref<1x160x128xi32, #tpu.memory_space<hbm>>
        %dma_wait3A_313 = tpu.memref_squeeze %dma_wait3A_312 : memref<1x160x128xi32, #tpu.memory_space<hbm>> -> memref<160x128xi32, #tpu.memory_space<hbm>>
        %dma_wait3A_314 = arith.constant 0 : i32
        %dma_wait3A_315 = tpu.memref_slice %dma_wait3A_313[%dma_wait3A_309, %dma_wait3A_314] : memref<160x128xi32, #tpu.memory_space<hbm>> -> memref<1x128xi32, #tpu.memory_space<hbm>>
        %dma_wait3A_316 = tpu.memref_squeeze %dma_wait3A_315 : memref<1x128xi32, #tpu.memory_space<hbm>> -> memref<128xi32, #tpu.memory_space<hbm>>
        %dma_wait3A_317 = arith.constant 0 : i32
        %dma_wait3A_318 = arith.constant 0 : i32
        %dma_wait3A_319 = tpu.memref_slice %arg3[%arg1, %dma_wait3A_317, %dma_wait3A_318] : memref<16x160x128xi32, #tpu.memory_space<hbm>> -> memref<1x160x128xi32, #tpu.memory_space<hbm>>
        %dma_wait3A_320 = tpu.memref_squeeze %dma_wait3A_319 : memref<1x160x128xi32, #tpu.memory_space<hbm>> -> memref<160x128xi32, #tpu.memory_space<hbm>>
        %dma_wait3A_321 = arith.constant 0 : i32
        %dma_wait3A_322 = tpu.memref_slice %dma_wait3A_320[%dma_wait3A_309, %dma_wait3A_321] : memref<160x128xi32, #tpu.memory_space<hbm>> -> memref<1x128xi32, #tpu.memory_space<hbm>>
        %dma_wait3A_323 = tpu.memref_squeeze %dma_wait3A_322 : memref<1x128xi32, #tpu.memory_space<hbm>> -> memref<128xi32, #tpu.memory_space<hbm>>
        tpu.wait_dma2 semaphore(%arg35 : memref<!tpu.dma_semaphore, #tpu.memory_space<semaphore_mem>>) src(%dma_wait3A_323 : memref<128xi32, #tpu.memory_space<hbm>>) dst(%arg13 : memref<128xi32, #tpu.memory_space<vmem>>)
        %dma_wait3A_324 = arith.constant 0 : i32
        %dma_wait3A_325 = arith.constant 0 : i32
        %dma_wait3A_326 = arith.constant 0 : i32
        %dma_wait3A_327 = tpu.memref_slice %arg4[%arg1, %dma_wait3A_325, %dma_wait3A_326] : memref<16x160x128xi32, #tpu.memory_space<hbm>> -> memref<1x160x128xi32, #tpu.memory_space<hbm>>
        %dma_wait3A_328 = tpu.memref_squeeze %dma_wait3A_327 : memref<1x160x128xi32, #tpu.memory_space<hbm>> -> memref<160x128xi32, #tpu.memory_space<hbm>>
        %dma_wait3A_329 = arith.constant 0 : i32
        %dma_wait3A_330 = tpu.memref_slice %dma_wait3A_328[%dma_wait3A_324, %dma_wait3A_329] : memref<160x128xi32, #tpu.memory_space<hbm>> -> memref<1x128xi32, #tpu.memory_space<hbm>>
        %dma_wait3A_331 = tpu.memref_squeeze %dma_wait3A_330 : memref<1x128xi32, #tpu.memory_space<hbm>> -> memref<128xi32, #tpu.memory_space<hbm>>
        %dma_wait3A_332 = arith.constant 0 : i32
        %dma_wait3A_333 = arith.constant 0 : i32
        %dma_wait3A_334 = tpu.memref_slice %arg4[%arg1, %dma_wait3A_332, %dma_wait3A_333] : memref<16x160x128xi32, #tpu.memory_space<hbm>> -> memref<1x160x128xi32, #tpu.memory_space<hbm>>
        %dma_wait3A_335 = tpu.memref_squeeze %dma_wait3A_334 : memref<1x160x128xi32, #tpu.memory_space<hbm>> -> memref<160x128xi32, #tpu.memory_space<hbm>>
        %dma_wait3A_336 = arith.constant 0 : i32
        %dma_wait3A_337 = tpu.memref_slice %dma_wait3A_335[%dma_wait3A_324, %dma_wait3A_336] : memref<160x128xi32, #tpu.memory_space<hbm>> -> memref<1x128xi32, #tpu.memory_space<hbm>>
        %dma_wait3A_338 = tpu.memref_squeeze %dma_wait3A_337 : memref<1x128xi32, #tpu.memory_space<hbm>> -> memref<128xi32, #tpu.memory_space<hbm>>
        tpu.wait_dma2 semaphore(%arg35 : memref<!tpu.dma_semaphore, #tpu.memory_space<semaphore_mem>>) src(%dma_wait3A_338 : memref<128xi32, #tpu.memory_space<hbm>>) dst(%arg18 : memref<128xi32, #tpu.memory_space<vmem>>)
        %add3A_339 = arith.constant 3 : i32
        %add3A_340 = arith.addi %add3A_170, %add3A_339 : i32
        %sub3A_341 = arith.constant 1 : i32
        %sub3A_342 = arith.subi %add3A_340, %sub3A_341 : i32
        %dma_start3A_343 = arith.constant 0 : i32
        %dma_start3A_344 = arith.constant 0 : i32
        %dma_start3A_345 = tpu.memref_slice %arg22[%dma_start3A_343, %dma_start3A_344] : memref<10240x64xf32, #tpu.memory_space<vmem_shared>> -> memref<10240x64xf32, #tpu.memory_space<vmem_shared>>
        tpu.enqueue_indirect_dma source(%dma_start3A_345 : memref<10240x64xf32, #tpu.memory_space<vmem_shared>>) target(%arg8 : memref<128x64xf32, #tpu.memory_space<vmem>>) offsets(%arg13 : memref<128xi32, #tpu.memory_space<vmem>>) semaphore(%arg25 : memref<!tpu.dma_semaphore, #tpu.memory_space<semaphore_mem>>)
      } else {
      }
      %add3A_193 = arith.constant 1 : i32
      %add3A_194 = arith.addi %mul3A_169, %add3A_193 : i32
      %dma_wait3A_195 = arith.constant 0 : i32
      %dma_wait3A_196 = arith.constant 0 : i32
      %dma_wait3A_197 = tpu.memref_slice %arg22[%dma_wait3A_195, %dma_wait3A_196] : memref<10240x64xf32, #tpu.memory_space<vmem_shared>> -> memref<10240x64xf32, #tpu.memory_space<vmem_shared>>
      tpu.wait_indirect_dma semaphore(%arg24 : memref<!tpu.dma_semaphore, #tpu.memory_space<semaphore_mem>>) src(%dma_wait3A_197 : memref<10240x64xf32, #tpu.memory_space<vmem_shared>>) dst(%arg7 : memref<128x64xf32, #tpu.memory_space<vmem>>)
      %dma_start3A_198 = arith.constant 0 : i32
      %dma_start3A_199 = arith.constant 0 : i32
      %dma_start3A_200 = tpu.memref_slice %arg21[%dma_start3A_198, %dma_start3A_199] : memref<10240x64xf32, #tpu.memory_space<vmem_shared>> -> memref<10240x64xf32, #tpu.memory_space<vmem_shared>>
      tpu.enqueue_indirect_dma source(%arg7 : memref<128x64xf32, #tpu.memory_space<vmem>>) target(%dma_start3A_200 : memref<10240x64xf32, #tpu.memory_space<vmem_shared>>) offsets(%arg17 : memref<128xi32, #tpu.memory_space<vmem>>) semaphore(%arg29 : memref<!tpu.dma_semaphore, #tpu.memory_space<semaphore_mem>>) {add = true}
      %ge3A_201 = arith.constant 2 : i32
      %ge3A_202 = arith.cmpi sge, %add3A_194, %ge3A_201 : i32
      %convert_element_type3A_203 = arith.extui %ge3A_202 : i1 to i32
      %cond3A_204 = arith.constant 0 : i32
      %cond3A_205 = arith.cmpi ne, %convert_element_type3A_203, %cond3A_204 : i32
      scf.if %cond3A_205 {
        %dma_wait3A_309 = arith.constant 0 : i32
        %dma_wait3A_310 = arith.constant 0 : i32
        %dma_wait3A_311 = tpu.memref_slice %arg21[%dma_wait3A_309, %dma_wait3A_310] : memref<10240x64xf32, #tpu.memory_space<vmem_shared>> -> memref<10240x64xf32, #tpu.memory_space<vmem_shared>>
        tpu.wait_indirect_dma semaphore(%arg32 : memref<!tpu.dma_semaphore, #tpu.memory_space<semaphore_mem>>) src(%arg10 : memref<128x64xf32, #tpu.memory_space<vmem>>) dst(%dma_wait3A_311 : memref<10240x64xf32, #tpu.memory_space<vmem_shared>>)
      } else {
      }
      %add3A_206 = arith.constant 3 : i32
      %add3A_207 = arith.addi %add3A_194, %add3A_206 : i32
      %lt3A_208 = arith.constant 160 : i32
      %lt3A_209 = arith.cmpi slt, %add3A_207, %lt3A_208 : i32
      %convert_element_type3A_210 = arith.extui %lt3A_209 : i1 to i32
      %cond3A_211 = arith.constant 0 : i32
      %cond3A_212 = arith.cmpi ne, %convert_element_type3A_210, %cond3A_211 : i32
      scf.if %cond3A_212 {
        %add3A_309 = arith.constant 3 : i32
        %add3A_310 = arith.addi %add3A_194, %add3A_309 : i32
        %dma_start3A_311 = arith.constant 0 : i32
        %dma_start3A_312 = arith.constant 0 : i32
        %dma_start3A_313 = tpu.memref_slice %arg3[%arg1, %dma_start3A_311, %dma_start3A_312] : memref<16x160x128xi32, #tpu.memory_space<hbm>> -> memref<1x160x128xi32, #tpu.memory_space<hbm>>
        %dma_start3A_314 = tpu.memref_squeeze %dma_start3A_313 : memref<1x160x128xi32, #tpu.memory_space<hbm>> -> memref<160x128xi32, #tpu.memory_space<hbm>>
        %dma_start3A_315 = arith.constant 0 : i32
        %dma_start3A_316 = tpu.memref_slice %dma_start3A_314[%add3A_310, %dma_start3A_315] : memref<160x128xi32, #tpu.memory_space<hbm>> -> memref<1x128xi32, #tpu.memory_space<hbm>>
        %dma_start3A_317 = tpu.memref_squeeze %dma_start3A_316 : memref<1x128xi32, #tpu.memory_space<hbm>> -> memref<128xi32, #tpu.memory_space<hbm>>
        %dma_start3A_318 = arith.constant 0 : i32
        %dma_start3A_319 = arith.constant 0 : i32
        %dma_start3A_320 = tpu.memref_slice %arg3[%arg1, %dma_start3A_318, %dma_start3A_319] : memref<16x160x128xi32, #tpu.memory_space<hbm>> -> memref<1x160x128xi32, #tpu.memory_space<hbm>>
        %dma_start3A_321 = tpu.memref_squeeze %dma_start3A_320 : memref<1x160x128xi32, #tpu.memory_space<hbm>> -> memref<160x128xi32, #tpu.memory_space<hbm>>
        %dma_start3A_322 = arith.constant 0 : i32
        %dma_start3A_323 = tpu.memref_slice %dma_start3A_321[%add3A_310, %dma_start3A_322] : memref<160x128xi32, #tpu.memory_space<hbm>> -> memref<1x128xi32, #tpu.memory_space<hbm>>
        %dma_start3A_324 = tpu.memref_squeeze %dma_start3A_323 : memref<1x128xi32, #tpu.memory_space<hbm>> -> memref<128xi32, #tpu.memory_space<hbm>>
        tpu.enqueue_dma source(%dma_start3A_324 : memref<128xi32, #tpu.memory_space<hbm>>) target(%arg15 : memref<128xi32, #tpu.memory_space<vmem>>) target_semaphore(%arg37 : memref<!tpu.dma_semaphore, #tpu.memory_space<semaphore_mem>>)
        %dma_start3A_325 = arith.constant 0 : i32
        %dma_start3A_326 = arith.constant 0 : i32
        %dma_start3A_327 = tpu.memref_slice %arg4[%arg1, %dma_start3A_325, %dma_start3A_326] : memref<16x160x128xi32, #tpu.memory_space<hbm>> -> memref<1x160x128xi32, #tpu.memory_space<hbm>>
        %dma_start3A_328 = tpu.memref_squeeze %dma_start3A_327 : memref<1x160x128xi32, #tpu.memory_space<hbm>> -> memref<160x128xi32, #tpu.memory_space<hbm>>
        %dma_start3A_329 = arith.constant 0 : i32
        %dma_start3A_330 = tpu.memref_slice %dma_start3A_328[%add3A_310, %dma_start3A_329] : memref<160x128xi32, #tpu.memory_space<hbm>> -> memref<1x128xi32, #tpu.memory_space<hbm>>
        %dma_start3A_331 = tpu.memref_squeeze %dma_start3A_330 : memref<1x128xi32, #tpu.memory_space<hbm>> -> memref<128xi32, #tpu.memory_space<hbm>>
        %dma_start3A_332 = arith.constant 0 : i32
        %dma_start3A_333 = arith.constant 0 : i32
        %dma_start3A_334 = tpu.memref_slice %arg4[%arg1, %dma_start3A_332, %dma_start3A_333] : memref<16x160x128xi32, #tpu.memory_space<hbm>> -> memref<1x160x128xi32, #tpu.memory_space<hbm>>
        %dma_start3A_335 = tpu.memref_squeeze %dma_start3A_334 : memref<1x160x128xi32, #tpu.memory_space<hbm>> -> memref<160x128xi32, #tpu.memory_space<hbm>>
        %dma_start3A_336 = arith.constant 0 : i32
        %dma_start3A_337 = tpu.memref_slice %dma_start3A_335[%add3A_310, %dma_start3A_336] : memref<160x128xi32, #tpu.memory_space<hbm>> -> memref<1x128xi32, #tpu.memory_space<hbm>>
        %dma_start3A_338 = tpu.memref_squeeze %dma_start3A_337 : memref<1x128xi32, #tpu.memory_space<hbm>> -> memref<128xi32, #tpu.memory_space<hbm>>
        tpu.enqueue_dma source(%dma_start3A_338 : memref<128xi32, #tpu.memory_space<hbm>>) target(%arg20 : memref<128xi32, #tpu.memory_space<vmem>>) target_semaphore(%arg37 : memref<!tpu.dma_semaphore, #tpu.memory_space<semaphore_mem>>)
      } else {
      }
      %add3A_213 = arith.constant 3 : i32
      %add3A_214 = arith.addi %add3A_194, %add3A_213 : i32
      %sub3A_215 = arith.constant 1 : i32
      %sub3A_216 = arith.subi %add3A_214, %sub3A_215 : i32
      %lt3A_217 = arith.constant 160 : i32
      %lt3A_218 = arith.cmpi slt, %sub3A_216, %lt3A_217 : i32
      %convert_element_type3A_219 = arith.extui %lt3A_218 : i1 to i32
      %cond3A_220 = arith.constant 0 : i32
      %cond3A_221 = arith.cmpi ne, %convert_element_type3A_219, %cond3A_220 : i32
      scf.if %cond3A_221 {
        %dma_wait3A_309 = arith.constant 0 : i32
        %dma_wait3A_310 = arith.constant 0 : i32
        %dma_wait3A_311 = arith.constant 0 : i32
        %dma_wait3A_312 = tpu.memref_slice %arg3[%arg1, %dma_wait3A_310, %dma_wait3A_311] : memref<16x160x128xi32, #tpu.memory_space<hbm>> -> memref<1x160x128xi32, #tpu.memory_space<hbm>>
        %dma_wait3A_313 = tpu.memref_squeeze %dma_wait3A_312 : memref<1x160x128xi32, #tpu.memory_space<hbm>> -> memref<160x128xi32, #tpu.memory_space<hbm>>
        %dma_wait3A_314 = arith.constant 0 : i32
        %dma_wait3A_315 = tpu.memref_slice %dma_wait3A_313[%dma_wait3A_309, %dma_wait3A_314] : memref<160x128xi32, #tpu.memory_space<hbm>> -> memref<1x128xi32, #tpu.memory_space<hbm>>
        %dma_wait3A_316 = tpu.memref_squeeze %dma_wait3A_315 : memref<1x128xi32, #tpu.memory_space<hbm>> -> memref<128xi32, #tpu.memory_space<hbm>>
        %dma_wait3A_317 = arith.constant 0 : i32
        %dma_wait3A_318 = arith.constant 0 : i32
        %dma_wait3A_319 = tpu.memref_slice %arg3[%arg1, %dma_wait3A_317, %dma_wait3A_318] : memref<16x160x128xi32, #tpu.memory_space<hbm>> -> memref<1x160x128xi32, #tpu.memory_space<hbm>>
        %dma_wait3A_320 = tpu.memref_squeeze %dma_wait3A_319 : memref<1x160x128xi32, #tpu.memory_space<hbm>> -> memref<160x128xi32, #tpu.memory_space<hbm>>
        %dma_wait3A_321 = arith.constant 0 : i32
        %dma_wait3A_322 = tpu.memref_slice %dma_wait3A_320[%dma_wait3A_309, %dma_wait3A_321] : memref<160x128xi32, #tpu.memory_space<hbm>> -> memref<1x128xi32, #tpu.memory_space<hbm>>
        %dma_wait3A_323 = tpu.memref_squeeze %dma_wait3A_322 : memref<1x128xi32, #tpu.memory_space<hbm>> -> memref<128xi32, #tpu.memory_space<hbm>>
        tpu.wait_dma2 semaphore(%arg36 : memref<!tpu.dma_semaphore, #tpu.memory_space<semaphore_mem>>) src(%dma_wait3A_323 : memref<128xi32, #tpu.memory_space<hbm>>) dst(%arg14 : memref<128xi32, #tpu.memory_space<vmem>>)
        %dma_wait3A_324 = arith.constant 0 : i32
        %dma_wait3A_325 = arith.constant 0 : i32
        %dma_wait3A_326 = arith.constant 0 : i32
        %dma_wait3A_327 = tpu.memref_slice %arg4[%arg1, %dma_wait3A_325, %dma_wait3A_326] : memref<16x160x128xi32, #tpu.memory_space<hbm>> -> memref<1x160x128xi32, #tpu.memory_space<hbm>>
        %dma_wait3A_328 = tpu.memref_squeeze %dma_wait3A_327 : memref<1x160x128xi32, #tpu.memory_space<hbm>> -> memref<160x128xi32, #tpu.memory_space<hbm>>
        %dma_wait3A_329 = arith.constant 0 : i32
        %dma_wait3A_330 = tpu.memref_slice %dma_wait3A_328[%dma_wait3A_324, %dma_wait3A_329] : memref<160x128xi32, #tpu.memory_space<hbm>> -> memref<1x128xi32, #tpu.memory_space<hbm>>
        %dma_wait3A_331 = tpu.memref_squeeze %dma_wait3A_330 : memref<1x128xi32, #tpu.memory_space<hbm>> -> memref<128xi32, #tpu.memory_space<hbm>>
        %dma_wait3A_332 = arith.constant 0 : i32
        %dma_wait3A_333 = arith.constant 0 : i32
        %dma_wait3A_334 = tpu.memref_slice %arg4[%arg1, %dma_wait3A_332, %dma_wait3A_333] : memref<16x160x128xi32, #tpu.memory_space<hbm>> -> memref<1x160x128xi32, #tpu.memory_space<hbm>>
        %dma_wait3A_335 = tpu.memref_squeeze %dma_wait3A_334 : memref<1x160x128xi32, #tpu.memory_space<hbm>> -> memref<160x128xi32, #tpu.memory_space<hbm>>
        %dma_wait3A_336 = arith.constant 0 : i32
        %dma_wait3A_337 = tpu.memref_slice %dma_wait3A_335[%dma_wait3A_324, %dma_wait3A_336] : memref<160x128xi32, #tpu.memory_space<hbm>> -> memref<1x128xi32, #tpu.memory_space<hbm>>
        %dma_wait3A_338 = tpu.memref_squeeze %dma_wait3A_337 : memref<1x128xi32, #tpu.memory_space<hbm>> -> memref<128xi32, #tpu.memory_space<hbm>>
        tpu.wait_dma2 semaphore(%arg36 : memref<!tpu.dma_semaphore, #tpu.memory_space<semaphore_mem>>) src(%dma_wait3A_338 : memref<128xi32, #tpu.memory_space<hbm>>) dst(%arg19 : memref<128xi32, #tpu.memory_space<vmem>>)
        %add3A_339 = arith.constant 3 : i32
        %add3A_340 = arith.addi %add3A_194, %add3A_339 : i32
        %sub3A_341 = arith.constant 1 : i32
        %sub3A_342 = arith.subi %add3A_340, %sub3A_341 : i32
        %dma_start3A_343 = arith.constant 0 : i32
        %dma_start3A_344 = arith.constant 0 : i32
        %dma_start3A_345 = tpu.memref_slice %arg22[%dma_start3A_343, %dma_start3A_344] : memref<10240x64xf32, #tpu.memory_space<vmem_shared>> -> memref<10240x64xf32, #tpu.memory_space<vmem_shared>>
        tpu.enqueue_indirect_dma source(%dma_start3A_345 : memref<10240x64xf32, #tpu.memory_space<vmem_shared>>) target(%arg9 : memref<128x64xf32, #tpu.memory_space<vmem>>) offsets(%arg14 : memref<128xi32, #tpu.memory_space<vmem>>) semaphore(%arg26 : memref<!tpu.dma_semaphore, #tpu.memory_space<semaphore_mem>>)
      } else {
      }
      %add3A_222 = arith.constant 2 : i32
      %add3A_223 = arith.addi %mul3A_169, %add3A_222 : i32
      %dma_wait3A_224 = arith.constant 0 : i32
      %dma_wait3A_225 = arith.constant 0 : i32
      %dma_wait3A_226 = tpu.memref_slice %arg22[%dma_wait3A_224, %dma_wait3A_225] : memref<10240x64xf32, #tpu.memory_space<vmem_shared>> -> memref<10240x64xf32, #tpu.memory_space<vmem_shared>>
      tpu.wait_indirect_dma semaphore(%arg25 : memref<!tpu.dma_semaphore, #tpu.memory_space<semaphore_mem>>) src(%dma_wait3A_226 : memref<10240x64xf32, #tpu.memory_space<vmem_shared>>) dst(%arg8 : memref<128x64xf32, #tpu.memory_space<vmem>>)
      %dma_start3A_227 = arith.constant 0 : i32
      %dma_start3A_228 = arith.constant 0 : i32
      %dma_start3A_229 = tpu.memref_slice %arg21[%dma_start3A_227, %dma_start3A_228] : memref<10240x64xf32, #tpu.memory_space<vmem_shared>> -> memref<10240x64xf32, #tpu.memory_space<vmem_shared>>
      tpu.enqueue_indirect_dma source(%arg8 : memref<128x64xf32, #tpu.memory_space<vmem>>) target(%dma_start3A_229 : memref<10240x64xf32, #tpu.memory_space<vmem_shared>>) offsets(%arg18 : memref<128xi32, #tpu.memory_space<vmem>>) semaphore(%arg30 : memref<!tpu.dma_semaphore, #tpu.memory_space<semaphore_mem>>) {add = true}
      %ge3A_230 = arith.constant 2 : i32
      %ge3A_231 = arith.cmpi sge, %add3A_223, %ge3A_230 : i32
      %convert_element_type3A_232 = arith.extui %ge3A_231 : i1 to i32
      %cond3A_233 = arith.constant 0 : i32
      %cond3A_234 = arith.cmpi ne, %convert_element_type3A_232, %cond3A_233 : i32
      scf.if %cond3A_234 {
        %dma_wait3A_309 = arith.constant 0 : i32
        %dma_wait3A_310 = arith.constant 0 : i32
        %dma_wait3A_311 = tpu.memref_slice %arg21[%dma_wait3A_309, %dma_wait3A_310] : memref<10240x64xf32, #tpu.memory_space<vmem_shared>> -> memref<10240x64xf32, #tpu.memory_space<vmem_shared>>
        tpu.wait_indirect_dma semaphore(%arg28 : memref<!tpu.dma_semaphore, #tpu.memory_space<semaphore_mem>>) src(%arg6 : memref<128x64xf32, #tpu.memory_space<vmem>>) dst(%dma_wait3A_311 : memref<10240x64xf32, #tpu.memory_space<vmem_shared>>)
      } else {
      }
      %add3A_235 = arith.constant 3 : i32
      %add3A_236 = arith.addi %add3A_223, %add3A_235 : i32
      %lt3A_237 = arith.constant 160 : i32
      %lt3A_238 = arith.cmpi slt, %add3A_236, %lt3A_237 : i32
      %convert_element_type3A_239 = arith.extui %lt3A_238 : i1 to i32
      %cond3A_240 = arith.constant 0 : i32
      %cond3A_241 = arith.cmpi ne, %convert_element_type3A_239, %cond3A_240 : i32
      scf.if %cond3A_241 {
        %add3A_309 = arith.constant 3 : i32
        %add3A_310 = arith.addi %add3A_223, %add3A_309 : i32
        %dma_start3A_311 = arith.constant 0 : i32
        %dma_start3A_312 = arith.constant 0 : i32
        %dma_start3A_313 = tpu.memref_slice %arg3[%arg1, %dma_start3A_311, %dma_start3A_312] : memref<16x160x128xi32, #tpu.memory_space<hbm>> -> memref<1x160x128xi32, #tpu.memory_space<hbm>>
        %dma_start3A_314 = tpu.memref_squeeze %dma_start3A_313 : memref<1x160x128xi32, #tpu.memory_space<hbm>> -> memref<160x128xi32, #tpu.memory_space<hbm>>
        %dma_start3A_315 = arith.constant 0 : i32
        %dma_start3A_316 = tpu.memref_slice %dma_start3A_314[%add3A_310, %dma_start3A_315] : memref<160x128xi32, #tpu.memory_space<hbm>> -> memref<1x128xi32, #tpu.memory_space<hbm>>
        %dma_start3A_317 = tpu.memref_squeeze %dma_start3A_316 : memref<1x128xi32, #tpu.memory_space<hbm>> -> memref<128xi32, #tpu.memory_space<hbm>>
        %dma_start3A_318 = arith.constant 0 : i32
        %dma_start3A_319 = arith.constant 0 : i32
        %dma_start3A_320 = tpu.memref_slice %arg3[%arg1, %dma_start3A_318, %dma_start3A_319] : memref<16x160x128xi32, #tpu.memory_space<hbm>> -> memref<1x160x128xi32, #tpu.memory_space<hbm>>
        %dma_start3A_321 = tpu.memref_squeeze %dma_start3A_320 : memref<1x160x128xi32, #tpu.memory_space<hbm>> -> memref<160x128xi32, #tpu.memory_space<hbm>>
        %dma_start3A_322 = arith.constant 0 : i32
        %dma_start3A_323 = tpu.memref_slice %dma_start3A_321[%add3A_310, %dma_start3A_322] : memref<160x128xi32, #tpu.memory_space<hbm>> -> memref<1x128xi32, #tpu.memory_space<hbm>>
        %dma_start3A_324 = tpu.memref_squeeze %dma_start3A_323 : memref<1x128xi32, #tpu.memory_space<hbm>> -> memref<128xi32, #tpu.memory_space<hbm>>
        tpu.enqueue_dma source(%dma_start3A_324 : memref<128xi32, #tpu.memory_space<hbm>>) target(%arg11 : memref<128xi32, #tpu.memory_space<vmem>>) target_semaphore(%arg33 : memref<!tpu.dma_semaphore, #tpu.memory_space<semaphore_mem>>)
        %dma_start3A_325 = arith.constant 0 : i32
        %dma_start3A_326 = arith.constant 0 : i32
        %dma_start3A_327 = tpu.memref_slice %arg4[%arg1, %dma_start3A_325, %dma_start3A_326] : memref<16x160x128xi32, #tpu.memory_space<hbm>> -> memref<1x160x128xi32, #tpu.memory_space<hbm>>
        %dma_start3A_328 = tpu.memref_squeeze %dma_start3A_327 : memref<1x160x128xi32, #tpu.memory_space<hbm>> -> memref<160x128xi32, #tpu.memory_space<hbm>>
        %dma_start3A_329 = arith.constant 0 : i32
        %dma_start3A_330 = tpu.memref_slice %dma_start3A_328[%add3A_310, %dma_start3A_329] : memref<160x128xi32, #tpu.memory_space<hbm>> -> memref<1x128xi32, #tpu.memory_space<hbm>>
        %dma_start3A_331 = tpu.memref_squeeze %dma_start3A_330 : memref<1x128xi32, #tpu.memory_space<hbm>> -> memref<128xi32, #tpu.memory_space<hbm>>
        %dma_start3A_332 = arith.constant 0 : i32
        %dma_start3A_333 = arith.constant 0 : i32
        %dma_start3A_334 = tpu.memref_slice %arg4[%arg1, %dma_start3A_332, %dma_start3A_333] : memref<16x160x128xi32, #tpu.memory_space<hbm>> -> memref<1x160x128xi32, #tpu.memory_space<hbm>>
        %dma_start3A_335 = tpu.memref_squeeze %dma_start3A_334 : memref<1x160x128xi32, #tpu.memory_space<hbm>> -> memref<160x128xi32, #tpu.memory_space<hbm>>
        %dma_start3A_336 = arith.constant 0 : i32
        %dma_start3A_337 = tpu.memref_slice %dma_start3A_335[%add3A_310, %dma_start3A_336] : memref<160x128xi32, #tpu.memory_space<hbm>> -> memref<1x128xi32, #tpu.memory_space<hbm>>
        %dma_start3A_338 = tpu.memref_squeeze %dma_start3A_337 : memref<1x128xi32, #tpu.memory_space<hbm>> -> memref<128xi32, #tpu.memory_space<hbm>>
        tpu.enqueue_dma source(%dma_start3A_338 : memref<128xi32, #tpu.memory_space<hbm>>) target(%arg16 : memref<128xi32, #tpu.memory_space<vmem>>) target_semaphore(%arg33 : memref<!tpu.dma_semaphore, #tpu.memory_space<semaphore_mem>>)
      } else {
      }
      %add3A_242 = arith.constant 3 : i32
      %add3A_243 = arith.addi %add3A_223, %add3A_242 : i32
      %sub3A_244 = arith.constant 1 : i32
      %sub3A_245 = arith.subi %add3A_243, %sub3A_244 : i32
      %lt3A_246 = arith.constant 160 : i32
      %lt3A_247 = arith.cmpi slt, %sub3A_245, %lt3A_246 : i32
      %convert_element_type3A_248 = arith.extui %lt3A_247 : i1 to i32
      %cond3A_249 = arith.constant 0 : i32
      %cond3A_250 = arith.cmpi ne, %convert_element_type3A_248, %cond3A_249 : i32
      scf.if %cond3A_250 {
        %dma_wait3A_309 = arith.constant 0 : i32
        %dma_wait3A_310 = arith.constant 0 : i32
        %dma_wait3A_311 = arith.constant 0 : i32
        %dma_wait3A_312 = tpu.memref_slice %arg3[%arg1, %dma_wait3A_310, %dma_wait3A_311] : memref<16x160x128xi32, #tpu.memory_space<hbm>> -> memref<1x160x128xi32, #tpu.memory_space<hbm>>
        %dma_wait3A_313 = tpu.memref_squeeze %dma_wait3A_312 : memref<1x160x128xi32, #tpu.memory_space<hbm>> -> memref<160x128xi32, #tpu.memory_space<hbm>>
        %dma_wait3A_314 = arith.constant 0 : i32
        %dma_wait3A_315 = tpu.memref_slice %dma_wait3A_313[%dma_wait3A_309, %dma_wait3A_314] : memref<160x128xi32, #tpu.memory_space<hbm>> -> memref<1x128xi32, #tpu.memory_space<hbm>>
        %dma_wait3A_316 = tpu.memref_squeeze %dma_wait3A_315 : memref<1x128xi32, #tpu.memory_space<hbm>> -> memref<128xi32, #tpu.memory_space<hbm>>
        %dma_wait3A_317 = arith.constant 0 : i32
        %dma_wait3A_318 = arith.constant 0 : i32
        %dma_wait3A_319 = tpu.memref_slice %arg3[%arg1, %dma_wait3A_317, %dma_wait3A_318] : memref<16x160x128xi32, #tpu.memory_space<hbm>> -> memref<1x160x128xi32, #tpu.memory_space<hbm>>
        %dma_wait3A_320 = tpu.memref_squeeze %dma_wait3A_319 : memref<1x160x128xi32, #tpu.memory_space<hbm>> -> memref<160x128xi32, #tpu.memory_space<hbm>>
        %dma_wait3A_321 = arith.constant 0 : i32
        %dma_wait3A_322 = tpu.memref_slice %dma_wait3A_320[%dma_wait3A_309, %dma_wait3A_321] : memref<160x128xi32, #tpu.memory_space<hbm>> -> memref<1x128xi32, #tpu.memory_space<hbm>>
        %dma_wait3A_323 = tpu.memref_squeeze %dma_wait3A_322 : memref<1x128xi32, #tpu.memory_space<hbm>> -> memref<128xi32, #tpu.memory_space<hbm>>
        tpu.wait_dma2 semaphore(%arg37 : memref<!tpu.dma_semaphore, #tpu.memory_space<semaphore_mem>>) src(%dma_wait3A_323 : memref<128xi32, #tpu.memory_space<hbm>>) dst(%arg15 : memref<128xi32, #tpu.memory_space<vmem>>)
        %dma_wait3A_324 = arith.constant 0 : i32
        %dma_wait3A_325 = arith.constant 0 : i32
        %dma_wait3A_326 = arith.constant 0 : i32
        %dma_wait3A_327 = tpu.memref_slice %arg4[%arg1, %dma_wait3A_325, %dma_wait3A_326] : memref<16x160x128xi32, #tpu.memory_space<hbm>> -> memref<1x160x128xi32, #tpu.memory_space<hbm>>
        %dma_wait3A_328 = tpu.memref_squeeze %dma_wait3A_327 : memref<1x160x128xi32, #tpu.memory_space<hbm>> -> memref<160x128xi32, #tpu.memory_space<hbm>>
        %dma_wait3A_329 = arith.constant 0 : i32
        %dma_wait3A_330 = tpu.memref_slice %dma_wait3A_328[%dma_wait3A_324, %dma_wait3A_329] : memref<160x128xi32, #tpu.memory_space<hbm>> -> memref<1x128xi32, #tpu.memory_space<hbm>>
        %dma_wait3A_331 = tpu.memref_squeeze %dma_wait3A_330 : memref<1x128xi32, #tpu.memory_space<hbm>> -> memref<128xi32, #tpu.memory_space<hbm>>
        %dma_wait3A_332 = arith.constant 0 : i32
        %dma_wait3A_333 = arith.constant 0 : i32
        %dma_wait3A_334 = tpu.memref_slice %arg4[%arg1, %dma_wait3A_332, %dma_wait3A_333] : memref<16x160x128xi32, #tpu.memory_space<hbm>> -> memref<1x160x128xi32, #tpu.memory_space<hbm>>
        %dma_wait3A_335 = tpu.memref_squeeze %dma_wait3A_334 : memref<1x160x128xi32, #tpu.memory_space<hbm>> -> memref<160x128xi32, #tpu.memory_space<hbm>>
        %dma_wait3A_336 = arith.constant 0 : i32
        %dma_wait3A_337 = tpu.memref_slice %dma_wait3A_335[%dma_wait3A_324, %dma_wait3A_336] : memref<160x128xi32, #tpu.memory_space<hbm>> -> memref<1x128xi32, #tpu.memory_space<hbm>>
        %dma_wait3A_338 = tpu.memref_squeeze %dma_wait3A_337 : memref<1x128xi32, #tpu.memory_space<hbm>> -> memref<128xi32, #tpu.memory_space<hbm>>
        tpu.wait_dma2 semaphore(%arg37 : memref<!tpu.dma_semaphore, #tpu.memory_space<semaphore_mem>>) src(%dma_wait3A_338 : memref<128xi32, #tpu.memory_space<hbm>>) dst(%arg20 : memref<128xi32, #tpu.memory_space<vmem>>)
        %add3A_339 = arith.constant 3 : i32
        %add3A_340 = arith.addi %add3A_223, %add3A_339 : i32
        %sub3A_341 = arith.constant 1 : i32
        %sub3A_342 = arith.subi %add3A_340, %sub3A_341 : i32
        %dma_start3A_343 = arith.constant 0 : i32
        %dma_start3A_344 = arith.constant 0 : i32
        %dma_start3A_345 = tpu.memref_slice %arg22[%dma_start3A_343, %dma_start3A_344] : memref<10240x64xf32, #tpu.memory_space<vmem_shared>> -> memref<10240x64xf32, #tpu.memory_space<vmem_shared>>
        tpu.enqueue_indirect_dma source(%dma_start3A_345 : memref<10240x64xf32, #tpu.memory_space<vmem_shared>>) target(%arg10 : memref<128x64xf32, #tpu.memory_space<vmem>>) offsets(%arg15 : memref<128xi32, #tpu.memory_space<vmem>>) semaphore(%arg27 : memref<!tpu.dma_semaphore, #tpu.memory_space<semaphore_mem>>)
      } else {
      }
      %add3A_251 = arith.constant 3 : i32
      %add3A_252 = arith.addi %mul3A_169, %add3A_251 : i32
      %dma_wait3A_253 = arith.constant 0 : i32
      %dma_wait3A_254 = arith.constant 0 : i32
      %dma_wait3A_255 = tpu.memref_slice %arg22[%dma_wait3A_253, %dma_wait3A_254] : memref<10240x64xf32, #tpu.memory_space<vmem_shared>> -> memref<10240x64xf32, #tpu.memory_space<vmem_shared>>
      tpu.wait_indirect_dma semaphore(%arg26 : memref<!tpu.dma_semaphore, #tpu.memory_space<semaphore_mem>>) src(%dma_wait3A_255 : memref<10240x64xf32, #tpu.memory_space<vmem_shared>>) dst(%arg9 : memref<128x64xf32, #tpu.memory_space<vmem>>)
      %dma_start3A_256 = arith.constant 0 : i32
      %dma_start3A_257 = arith.constant 0 : i32
      %dma_start3A_258 = tpu.memref_slice %arg21[%dma_start3A_256, %dma_start3A_257] : memref<10240x64xf32, #tpu.memory_space<vmem_shared>> -> memref<10240x64xf32, #tpu.memory_space<vmem_shared>>
      tpu.enqueue_indirect_dma source(%arg9 : memref<128x64xf32, #tpu.memory_space<vmem>>) target(%dma_start3A_258 : memref<10240x64xf32, #tpu.memory_space<vmem_shared>>) offsets(%arg19 : memref<128xi32, #tpu.memory_space<vmem>>) semaphore(%arg31 : memref<!tpu.dma_semaphore, #tpu.memory_space<semaphore_mem>>) {add = true}
      %ge3A_259 = arith.constant 2 : i32
      %ge3A_260 = arith.cmpi sge, %add3A_252, %ge3A_259 : i32
      %convert_element_type3A_261 = arith.extui %ge3A_260 : i1 to i32
      %cond3A_262 = arith.constant 0 : i32
      %cond3A_263 = arith.cmpi ne, %convert_element_type3A_261, %cond3A_262 : i32
      scf.if %cond3A_263 {
        %dma_wait3A_309 = arith.constant 0 : i32
        %dma_wait3A_310 = arith.constant 0 : i32
        %dma_wait3A_311 = tpu.memref_slice %arg21[%dma_wait3A_309, %dma_wait3A_310] : memref<10240x64xf32, #tpu.memory_space<vmem_shared>> -> memref<10240x64xf32, #tpu.memory_space<vmem_shared>>
        tpu.wait_indirect_dma semaphore(%arg29 : memref<!tpu.dma_semaphore, #tpu.memory_space<semaphore_mem>>) src(%arg7 : memref<128x64xf32, #tpu.memory_space<vmem>>) dst(%dma_wait3A_311 : memref<10240x64xf32, #tpu.memory_space<vmem_shared>>)
      } else {
      }
      %add3A_264 = arith.constant 3 : i32
      %add3A_265 = arith.addi %add3A_252, %add3A_264 : i32
      %lt3A_266 = arith.constant 160 : i32
      %lt3A_267 = arith.cmpi slt, %add3A_265, %lt3A_266 : i32
      %convert_element_type3A_268 = arith.extui %lt3A_267 : i1 to i32
      %cond3A_269 = arith.constant 0 : i32
      %cond3A_270 = arith.cmpi ne, %convert_element_type3A_268, %cond3A_269 : i32
      scf.if %cond3A_270 {
        %add3A_309 = arith.constant 3 : i32
        %add3A_310 = arith.addi %add3A_252, %add3A_309 : i32
        %dma_start3A_311 = arith.constant 0 : i32
        %dma_start3A_312 = arith.constant 0 : i32
        %dma_start3A_313 = tpu.memref_slice %arg3[%arg1, %dma_start3A_311, %dma_start3A_312] : memref<16x160x128xi32, #tpu.memory_space<hbm>> -> memref<1x160x128xi32, #tpu.memory_space<hbm>>
        %dma_start3A_314 = tpu.memref_squeeze %dma_start3A_313 : memref<1x160x128xi32, #tpu.memory_space<hbm>> -> memref<160x128xi32, #tpu.memory_space<hbm>>
        %dma_start3A_315 = arith.constant 0 : i32
        %dma_start3A_316 = tpu.memref_slice %dma_start3A_314[%add3A_310, %dma_start3A_315] : memref<160x128xi32, #tpu.memory_space<hbm>> -> memref<1x128xi32, #tpu.memory_space<hbm>>
        %dma_start3A_317 = tpu.memref_squeeze %dma_start3A_316 : memref<1x128xi32, #tpu.memory_space<hbm>> -> memref<128xi32, #tpu.memory_space<hbm>>
        %dma_start3A_318 = arith.constant 0 : i32
        %dma_start3A_319 = arith.constant 0 : i32
        %dma_start3A_320 = tpu.memref_slice %arg3[%arg1, %dma_start3A_318, %dma_start3A_319] : memref<16x160x128xi32, #tpu.memory_space<hbm>> -> memref<1x160x128xi32, #tpu.memory_space<hbm>>
        %dma_start3A_321 = tpu.memref_squeeze %dma_start3A_320 : memref<1x160x128xi32, #tpu.memory_space<hbm>> -> memref<160x128xi32, #tpu.memory_space<hbm>>
        %dma_start3A_322 = arith.constant 0 : i32
        %dma_start3A_323 = tpu.memref_slice %dma_start3A_321[%add3A_310, %dma_start3A_322] : memref<160x128xi32, #tpu.memory_space<hbm>> -> memref<1x128xi32, #tpu.memory_space<hbm>>
        %dma_start3A_324 = tpu.memref_squeeze %dma_start3A_323 : memref<1x128xi32, #tpu.memory_space<hbm>> -> memref<128xi32, #tpu.memory_space<hbm>>
        tpu.enqueue_dma source(%dma_start3A_324 : memref<128xi32, #tpu.memory_space<hbm>>) target(%arg12 : memref<128xi32, #tpu.memory_space<vmem>>) target_semaphore(%arg34 : memref<!tpu.dma_semaphore, #tpu.memory_space<semaphore_mem>>)
        %dma_start3A_325 = arith.constant 0 : i32
        %dma_start3A_326 = arith.constant 0 : i32
        %dma_start3A_327 = tpu.memref_slice %arg4[%arg1, %dma_start3A_325, %dma_start3A_326] : memref<16x160x128xi32, #tpu.memory_space<hbm>> -> memref<1x160x128xi32, #tpu.memory_space<hbm>>
        %dma_start3A_328 = tpu.memref_squeeze %dma_start3A_327 : memref<1x160x128xi32, #tpu.memory_space<hbm>> -> memref<160x128xi32, #tpu.memory_space<hbm>>
        %dma_start3A_329 = arith.constant 0 : i32
        %dma_start3A_330 = tpu.memref_slice %dma_start3A_328[%add3A_310, %dma_start3A_329] : memref<160x128xi32, #tpu.memory_space<hbm>> -> memref<1x128xi32, #tpu.memory_space<hbm>>
        %dma_start3A_331 = tpu.memref_squeeze %dma_start3A_330 : memref<1x128xi32, #tpu.memory_space<hbm>> -> memref<128xi32, #tpu.memory_space<hbm>>
        %dma_start3A_332 = arith.constant 0 : i32
        %dma_start3A_333 = arith.constant 0 : i32
        %dma_start3A_334 = tpu.memref_slice %arg4[%arg1, %dma_start3A_332, %dma_start3A_333] : memref<16x160x128xi32, #tpu.memory_space<hbm>> -> memref<1x160x128xi32, #tpu.memory_space<hbm>>
        %dma_start3A_335 = tpu.memref_squeeze %dma_start3A_334 : memref<1x160x128xi32, #tpu.memory_space<hbm>> -> memref<160x128xi32, #tpu.memory_space<hbm>>
        %dma_start3A_336 = arith.constant 0 : i32
        %dma_start3A_337 = tpu.memref_slice %dma_start3A_335[%add3A_310, %dma_start3A_336] : memref<160x128xi32, #tpu.memory_space<hbm>> -> memref<1x128xi32, #tpu.memory_space<hbm>>
        %dma_start3A_338 = tpu.memref_squeeze %dma_start3A_337 : memref<1x128xi32, #tpu.memory_space<hbm>> -> memref<128xi32, #tpu.memory_space<hbm>>
        tpu.enqueue_dma source(%dma_start3A_338 : memref<128xi32, #tpu.memory_space<hbm>>) target(%arg17 : memref<128xi32, #tpu.memory_space<vmem>>) target_semaphore(%arg34 : memref<!tpu.dma_semaphore, #tpu.memory_space<semaphore_mem>>)
      } else {
      }
      %add3A_271 = arith.constant 3 : i32
      %add3A_272 = arith.addi %add3A_252, %add3A_271 : i32
      %sub3A_273 = arith.constant 1 : i32
      %sub3A_274 = arith.subi %add3A_272, %sub3A_273 : i32
      %lt3A_275 = arith.constant 160 : i32
      %lt3A_276 = arith.cmpi slt, %sub3A_274, %lt3A_275 : i32
      %convert_element_type3A_277 = arith.extui %lt3A_276 : i1 to i32
      %cond3A_278 = arith.constant 0 : i32
      %cond3A_279 = arith.cmpi ne, %convert_element_type3A_277, %cond3A_278 : i32
      scf.if %cond3A_279 {
        %dma_wait3A_309 = arith.constant 0 : i32
        %dma_wait3A_310 = arith.constant 0 : i32
        %dma_wait3A_311 = arith.constant 0 : i32
        %dma_wait3A_312 = tpu.memref_slice %arg3[%arg1, %dma_wait3A_310, %dma_wait3A_311] : memref<16x160x128xi32, #tpu.memory_space<hbm>> -> memref<1x160x128xi32, #tpu.memory_space<hbm>>
        %dma_wait3A_313 = tpu.memref_squeeze %dma_wait3A_312 : memref<1x160x128xi32, #tpu.memory_space<hbm>> -> memref<160x128xi32, #tpu.memory_space<hbm>>
        %dma_wait3A_314 = arith.constant 0 : i32
        %dma_wait3A_315 = tpu.memref_slice %dma_wait3A_313[%dma_wait3A_309, %dma_wait3A_314] : memref<160x128xi32, #tpu.memory_space<hbm>> -> memref<1x128xi32, #tpu.memory_space<hbm>>
        %dma_wait3A_316 = tpu.memref_squeeze %dma_wait3A_315 : memref<1x128xi32, #tpu.memory_space<hbm>> -> memref<128xi32, #tpu.memory_space<hbm>>
        %dma_wait3A_317 = arith.constant 0 : i32
        %dma_wait3A_318 = arith.constant 0 : i32
        %dma_wait3A_319 = tpu.memref_slice %arg3[%arg1, %dma_wait3A_317, %dma_wait3A_318] : memref<16x160x128xi32, #tpu.memory_space<hbm>> -> memref<1x160x128xi32, #tpu.memory_space<hbm>>
        %dma_wait3A_320 = tpu.memref_squeeze %dma_wait3A_319 : memref<1x160x128xi32, #tpu.memory_space<hbm>> -> memref<160x128xi32, #tpu.memory_space<hbm>>
        %dma_wait3A_321 = arith.constant 0 : i32
        %dma_wait3A_322 = tpu.memref_slice %dma_wait3A_320[%dma_wait3A_309, %dma_wait3A_321] : memref<160x128xi32, #tpu.memory_space<hbm>> -> memref<1x128xi32, #tpu.memory_space<hbm>>
        %dma_wait3A_323 = tpu.memref_squeeze %dma_wait3A_322 : memref<1x128xi32, #tpu.memory_space<hbm>> -> memref<128xi32, #tpu.memory_space<hbm>>
        tpu.wait_dma2 semaphore(%arg33 : memref<!tpu.dma_semaphore, #tpu.memory_space<semaphore_mem>>) src(%dma_wait3A_323 : memref<128xi32, #tpu.memory_space<hbm>>) dst(%arg11 : memref<128xi32, #tpu.memory_space<vmem>>)
        %dma_wait3A_324 = arith.constant 0 : i32
        %dma_wait3A_325 = arith.constant 0 : i32
        %dma_wait3A_326 = arith.constant 0 : i32
        %dma_wait3A_327 = tpu.memref_slice %arg4[%arg1, %dma_wait3A_325, %dma_wait3A_326] : memref<16x160x128xi32, #tpu.memory_space<hbm>> -> memref<1x160x128xi32, #tpu.memory_space<hbm>>
        %dma_wait3A_328 = tpu.memref_squeeze %dma_wait3A_327 : memref<1x160x128xi32, #tpu.memory_space<hbm>> -> memref<160x128xi32, #tpu.memory_space<hbm>>
        %dma_wait3A_329 = arith.constant 0 : i32
        %dma_wait3A_330 = tpu.memref_slice %dma_wait3A_328[%dma_wait3A_324, %dma_wait3A_329] : memref<160x128xi32, #tpu.memory_space<hbm>> -> memref<1x128xi32, #tpu.memory_space<hbm>>
        %dma_wait3A_331 = tpu.memref_squeeze %dma_wait3A_330 : memref<1x128xi32, #tpu.memory_space<hbm>> -> memref<128xi32, #tpu.memory_space<hbm>>
        %dma_wait3A_332 = arith.constant 0 : i32
        %dma_wait3A_333 = arith.constant 0 : i32
        %dma_wait3A_334 = tpu.memref_slice %arg4[%arg1, %dma_wait3A_332, %dma_wait3A_333] : memref<16x160x128xi32, #tpu.memory_space<hbm>> -> memref<1x160x128xi32, #tpu.memory_space<hbm>>
        %dma_wait3A_335 = tpu.memref_squeeze %dma_wait3A_334 : memref<1x160x128xi32, #tpu.memory_space<hbm>> -> memref<160x128xi32, #tpu.memory_space<hbm>>
        %dma_wait3A_336 = arith.constant 0 : i32
        %dma_wait3A_337 = tpu.memref_slice %dma_wait3A_335[%dma_wait3A_324, %dma_wait3A_336] : memref<160x128xi32, #tpu.memory_space<hbm>> -> memref<1x128xi32, #tpu.memory_space<hbm>>
        %dma_wait3A_338 = tpu.memref_squeeze %dma_wait3A_337 : memref<1x128xi32, #tpu.memory_space<hbm>> -> memref<128xi32, #tpu.memory_space<hbm>>
        tpu.wait_dma2 semaphore(%arg33 : memref<!tpu.dma_semaphore, #tpu.memory_space<semaphore_mem>>) src(%dma_wait3A_338 : memref<128xi32, #tpu.memory_space<hbm>>) dst(%arg16 : memref<128xi32, #tpu.memory_space<vmem>>)
        %add3A_339 = arith.constant 3 : i32
        %add3A_340 = arith.addi %add3A_252, %add3A_339 : i32
        %sub3A_341 = arith.constant 1 : i32
        %sub3A_342 = arith.subi %add3A_340, %sub3A_341 : i32
        %dma_start3A_343 = arith.constant 0 : i32
        %dma_start3A_344 = arith.constant 0 : i32
        %dma_start3A_345 = tpu.memref_slice %arg22[%dma_start3A_343, %dma_start3A_344] : memref<10240x64xf32, #tpu.memory_space<vmem_shared>> -> memref<10240x64xf32, #tpu.memory_space<vmem_shared>>
        tpu.enqueue_indirect_dma source(%dma_start3A_345 : memref<10240x64xf32, #tpu.memory_space<vmem_shared>>) target(%arg6 : memref<128x64xf32, #tpu.memory_space<vmem>>) offsets(%arg11 : memref<128xi32, #tpu.memory_space<vmem>>) semaphore(%arg23 : memref<!tpu.dma_semaphore, #tpu.memory_space<semaphore_mem>>)
      } else {
      }
      %add3A_280 = arith.constant 4 : i32
      %add3A_281 = arith.addi %mul3A_169, %add3A_280 : i32
      %dma_wait3A_282 = arith.constant 0 : i32
      %dma_wait3A_283 = arith.constant 0 : i32
      %dma_wait3A_284 = tpu.memref_slice %arg22[%dma_wait3A_282, %dma_wait3A_283] : memref<10240x64xf32, #tpu.memory_space<vmem_shared>> -> memref<10240x64xf32, #tpu.memory_space<vmem_shared>>
      tpu.wait_indirect_dma semaphore(%arg27 : memref<!tpu.dma_semaphore, #tpu.memory_space<semaphore_mem>>) src(%dma_wait3A_284 : memref<10240x64xf32, #tpu.memory_space<vmem_shared>>) dst(%arg10 : memref<128x64xf32, #tpu.memory_space<vmem>>)
      %dma_start3A_285 = arith.constant 0 : i32
      %dma_start3A_286 = arith.constant 0 : i32
      %dma_start3A_287 = tpu.memref_slice %arg21[%dma_start3A_285, %dma_start3A_286] : memref<10240x64xf32, #tpu.memory_space<vmem_shared>> -> memref<10240x64xf32, #tpu.memory_space<vmem_shared>>
      tpu.enqueue_indirect_dma source(%arg10 : memref<128x64xf32, #tpu.memory_space<vmem>>) target(%dma_start3A_287 : memref<10240x64xf32, #tpu.memory_space<vmem_shared>>) offsets(%arg20 : memref<128xi32, #tpu.memory_space<vmem>>) semaphore(%arg32 : memref<!tpu.dma_semaphore, #tpu.memory_space<semaphore_mem>>) {add = true}
      %ge3A_288 = arith.constant 2 : i32
      %ge3A_289 = arith.cmpi sge, %add3A_281, %ge3A_288 : i32
      %convert_element_type3A_290 = arith.extui %ge3A_289 : i1 to i32
      %cond3A_291 = arith.constant 0 : i32
      %cond3A_292 = arith.cmpi ne, %convert_element_type3A_290, %cond3A_291 : i32
      scf.if %cond3A_292 {
        %dma_wait3A_309 = arith.constant 0 : i32
        %dma_wait3A_310 = arith.constant 0 : i32
        %dma_wait3A_311 = tpu.memref_slice %arg21[%dma_wait3A_309, %dma_wait3A_310] : memref<10240x64xf32, #tpu.memory_space<vmem_shared>> -> memref<10240x64xf32, #tpu.memory_space<vmem_shared>>
        tpu.wait_indirect_dma semaphore(%arg30 : memref<!tpu.dma_semaphore, #tpu.memory_space<semaphore_mem>>) src(%arg8 : memref<128x64xf32, #tpu.memory_space<vmem>>) dst(%dma_wait3A_311 : memref<10240x64xf32, #tpu.memory_space<vmem_shared>>)
      } else {
      }
      %add3A_293 = arith.constant 3 : i32
      %add3A_294 = arith.addi %add3A_281, %add3A_293 : i32
      %lt3A_295 = arith.constant 160 : i32
      %lt3A_296 = arith.cmpi slt, %add3A_294, %lt3A_295 : i32
      %convert_element_type3A_297 = arith.extui %lt3A_296 : i1 to i32
      %cond3A_298 = arith.constant 0 : i32
      %cond3A_299 = arith.cmpi ne, %convert_element_type3A_297, %cond3A_298 : i32
      scf.if %cond3A_299 {
        %add3A_309 = arith.constant 3 : i32
        %add3A_310 = arith.addi %add3A_281, %add3A_309 : i32
        %dma_start3A_311 = arith.constant 0 : i32
        %dma_start3A_312 = arith.constant 0 : i32
        %dma_start3A_313 = tpu.memref_slice %arg3[%arg1, %dma_start3A_311, %dma_start3A_312] : memref<16x160x128xi32, #tpu.memory_space<hbm>> -> memref<1x160x128xi32, #tpu.memory_space<hbm>>
        %dma_start3A_314 = tpu.memref_squeeze %dma_start3A_313 : memref<1x160x128xi32, #tpu.memory_space<hbm>> -> memref<160x128xi32, #tpu.memory_space<hbm>>
        %dma_start3A_315 = arith.constant 0 : i32
        %dma_start3A_316 = tpu.memref_slice %dma_start3A_314[%add3A_310, %dma_start3A_315] : memref<160x128xi32, #tpu.memory_space<hbm>> -> memref<1x128xi32, #tpu.memory_space<hbm>>
        %dma_start3A_317 = tpu.memref_squeeze %dma_start3A_316 : memref<1x128xi32, #tpu.memory_space<hbm>> -> memref<128xi32, #tpu.memory_space<hbm>>
        %dma_start3A_318 = arith.constant 0 : i32
        %dma_start3A_319 = arith.constant 0 : i32
        %dma_start3A_320 = tpu.memref_slice %arg3[%arg1, %dma_start3A_318, %dma_start3A_319] : memref<16x160x128xi32, #tpu.memory_space<hbm>> -> memref<1x160x128xi32, #tpu.memory_space<hbm>>
        %dma_start3A_321 = tpu.memref_squeeze %dma_start3A_320 : memref<1x160x128xi32, #tpu.memory_space<hbm>> -> memref<160x128xi32, #tpu.memory_space<hbm>>
        %dma_start3A_322 = arith.constant 0 : i32
        %dma_start3A_323 = tpu.memref_slice %dma_start3A_321[%add3A_310, %dma_start3A_322] : memref<160x128xi32, #tpu.memory_space<hbm>> -> memref<1x128xi32, #tpu.memory_space<hbm>>
        %dma_start3A_324 = tpu.memref_squeeze %dma_start3A_323 : memref<1x128xi32, #tpu.memory_space<hbm>> -> memref<128xi32, #tpu.memory_space<hbm>>
        tpu.enqueue_dma source(%dma_start3A_324 : memref<128xi32, #tpu.memory_space<hbm>>) target(%arg13 : memref<128xi32, #tpu.memory_space<vmem>>) target_semaphore(%arg35 : memref<!tpu.dma_semaphore, #tpu.memory_space<semaphore_mem>>)
        %dma_start3A_325 = arith.constant 0 : i32
        %dma_start3A_326 = arith.constant 0 : i32
        %dma_start3A_327 = tpu.memref_slice %arg4[%arg1, %dma_start3A_325, %dma_start3A_326] : memref<16x160x128xi32, #tpu.memory_space<hbm>> -> memref<1x160x128xi32, #tpu.memory_space<hbm>>
        %dma_start3A_328 = tpu.memref_squeeze %dma_start3A_327 : memref<1x160x128xi32, #tpu.memory_space<hbm>> -> memref<160x128xi32, #tpu.memory_space<hbm>>
        %dma_start3A_329 = arith.constant 0 : i32
        %dma_start3A_330 = tpu.memref_slice %dma_start3A_328[%add3A_310, %dma_start3A_329] : memref<160x128xi32, #tpu.memory_space<hbm>> -> memref<1x128xi32, #tpu.memory_space<hbm>>
        %dma_start3A_331 = tpu.memref_squeeze %dma_start3A_330 : memref<1x128xi32, #tpu.memory_space<hbm>> -> memref<128xi32, #tpu.memory_space<hbm>>
        %dma_start3A_332 = arith.constant 0 : i32
        %dma_start3A_333 = arith.constant 0 : i32
        %dma_start3A_334 = tpu.memref_slice %arg4[%arg1, %dma_start3A_332, %dma_start3A_333] : memref<16x160x128xi32, #tpu.memory_space<hbm>> -> memref<1x160x128xi32, #tpu.memory_space<hbm>>
        %dma_start3A_335 = tpu.memref_squeeze %dma_start3A_334 : memref<1x160x128xi32, #tpu.memory_space<hbm>> -> memref<160x128xi32, #tpu.memory_space<hbm>>
        %dma_start3A_336 = arith.constant 0 : i32
        %dma_start3A_337 = tpu.memref_slice %dma_start3A_335[%add3A_310, %dma_start3A_336] : memref<160x128xi32, #tpu.memory_space<hbm>> -> memref<1x128xi32, #tpu.memory_space<hbm>>
        %dma_start3A_338 = tpu.memref_squeeze %dma_start3A_337 : memref<1x128xi32, #tpu.memory_space<hbm>> -> memref<128xi32, #tpu.memory_space<hbm>>
        tpu.enqueue_dma source(%dma_start3A_338 : memref<128xi32, #tpu.memory_space<hbm>>) target(%arg18 : memref<128xi32, #tpu.memory_space<vmem>>) target_semaphore(%arg35 : memref<!tpu.dma_semaphore, #tpu.memory_space<semaphore_mem>>)
      } else {
      }
      %add3A_300 = arith.constant 3 : i32
      %add3A_301 = arith.addi %add3A_281, %add3A_300 : i32
      %sub3A_302 = arith.constant 1 : i32
      %sub3A_303 = arith.subi %add3A_301, %sub3A_302 : i32
      %lt3A_304 = arith.constant 160 : i32
      %lt3A_305 = arith.cmpi slt, %sub3A_303, %lt3A_304 : i32
      %convert_element_type3A_306 = arith.extui %lt3A_305 : i1 to i32
      %cond3A_307 = arith.constant 0 : i32
      %cond3A_308 = arith.cmpi ne, %convert_element_type3A_306, %cond3A_307 : i32
      scf.if %cond3A_308 {
        %dma_wait3A_309 = arith.constant 0 : i32
        %dma_wait3A_310 = arith.constant 0 : i32
        %dma_wait3A_311 = arith.constant 0 : i32
        %dma_wait3A_312 = tpu.memref_slice %arg3[%arg1, %dma_wait3A_310, %dma_wait3A_311] : memref<16x160x128xi32, #tpu.memory_space<hbm>> -> memref<1x160x128xi32, #tpu.memory_space<hbm>>
        %dma_wait3A_313 = tpu.memref_squeeze %dma_wait3A_312 : memref<1x160x128xi32, #tpu.memory_space<hbm>> -> memref<160x128xi32, #tpu.memory_space<hbm>>
        %dma_wait3A_314 = arith.constant 0 : i32
        %dma_wait3A_315 = tpu.memref_slice %dma_wait3A_313[%dma_wait3A_309, %dma_wait3A_314] : memref<160x128xi32, #tpu.memory_space<hbm>> -> memref<1x128xi32, #tpu.memory_space<hbm>>
        %dma_wait3A_316 = tpu.memref_squeeze %dma_wait3A_315 : memref<1x128xi32, #tpu.memory_space<hbm>> -> memref<128xi32, #tpu.memory_space<hbm>>
        %dma_wait3A_317 = arith.constant 0 : i32
        %dma_wait3A_318 = arith.constant 0 : i32
        %dma_wait3A_319 = tpu.memref_slice %arg3[%arg1, %dma_wait3A_317, %dma_wait3A_318] : memref<16x160x128xi32, #tpu.memory_space<hbm>> -> memref<1x160x128xi32, #tpu.memory_space<hbm>>
        %dma_wait3A_320 = tpu.memref_squeeze %dma_wait3A_319 : memref<1x160x128xi32, #tpu.memory_space<hbm>> -> memref<160x128xi32, #tpu.memory_space<hbm>>
        %dma_wait3A_321 = arith.constant 0 : i32
        %dma_wait3A_322 = tpu.memref_slice %dma_wait3A_320[%dma_wait3A_309, %dma_wait3A_321] : memref<160x128xi32, #tpu.memory_space<hbm>> -> memref<1x128xi32, #tpu.memory_space<hbm>>
        %dma_wait3A_323 = tpu.memref_squeeze %dma_wait3A_322 : memref<1x128xi32, #tpu.memory_space<hbm>> -> memref<128xi32, #tpu.memory_space<hbm>>
        tpu.wait_dma2 semaphore(%arg34 : memref<!tpu.dma_semaphore, #tpu.memory_space<semaphore_mem>>) src(%dma_wait3A_323 : memref<128xi32, #tpu.memory_space<hbm>>) dst(%arg12 : memref<128xi32, #tpu.memory_space<vmem>>)
        %dma_wait3A_324 = arith.constant 0 : i32
        %dma_wait3A_325 = arith.constant 0 : i32
        %dma_wait3A_326 = arith.constant 0 : i32
        %dma_wait3A_327 = tpu.memref_slice %arg4[%arg1, %dma_wait3A_325, %dma_wait3A_326] : memref<16x160x128xi32, #tpu.memory_space<hbm>> -> memref<1x160x128xi32, #tpu.memory_space<hbm>>
        %dma_wait3A_328 = tpu.memref_squeeze %dma_wait3A_327 : memref<1x160x128xi32, #tpu.memory_space<hbm>> -> memref<160x128xi32, #tpu.memory_space<hbm>>
        %dma_wait3A_329 = arith.constant 0 : i32
        %dma_wait3A_330 = tpu.memref_slice %dma_wait3A_328[%dma_wait3A_324, %dma_wait3A_329] : memref<160x128xi32, #tpu.memory_space<hbm>> -> memref<1x128xi32, #tpu.memory_space<hbm>>
        %dma_wait3A_331 = tpu.memref_squeeze %dma_wait3A_330 : memref<1x128xi32, #tpu.memory_space<hbm>> -> memref<128xi32, #tpu.memory_space<hbm>>
        %dma_wait3A_332 = arith.constant 0 : i32
        %dma_wait3A_333 = arith.constant 0 : i32
        %dma_wait3A_334 = tpu.memref_slice %arg4[%arg1, %dma_wait3A_332, %dma_wait3A_333] : memref<16x160x128xi32, #tpu.memory_space<hbm>> -> memref<1x160x128xi32, #tpu.memory_space<hbm>>
        %dma_wait3A_335 = tpu.memref_squeeze %dma_wait3A_334 : memref<1x160x128xi32, #tpu.memory_space<hbm>> -> memref<160x128xi32, #tpu.memory_space<hbm>>
        %dma_wait3A_336 = arith.constant 0 : i32
        %dma_wait3A_337 = tpu.memref_slice %dma_wait3A_335[%dma_wait3A_324, %dma_wait3A_336] : memref<160x128xi32, #tpu.memory_space<hbm>> -> memref<1x128xi32, #tpu.memory_space<hbm>>
        %dma_wait3A_338 = tpu.memref_squeeze %dma_wait3A_337 : memref<1x128xi32, #tpu.memory_space<hbm>> -> memref<128xi32, #tpu.memory_space<hbm>>
        tpu.wait_dma2 semaphore(%arg34 : memref<!tpu.dma_semaphore, #tpu.memory_space<semaphore_mem>>) src(%dma_wait3A_338 : memref<128xi32, #tpu.memory_space<hbm>>) dst(%arg17 : memref<128xi32, #tpu.memory_space<vmem>>)
        %add3A_339 = arith.constant 3 : i32
        %add3A_340 = arith.addi %add3A_281, %add3A_339 : i32
        %sub3A_341 = arith.constant 1 : i32
        %sub3A_342 = arith.subi %add3A_340, %sub3A_341 : i32
        %dma_start3A_343 = arith.constant 0 : i32
        %dma_start3A_344 = arith.constant 0 : i32
        %dma_start3A_345 = tpu.memref_slice %arg22[%dma_start3A_343, %dma_start3A_344] : memref<10240x64xf32, #tpu.memory_space<vmem_shared>> -> memref<10240x64xf32, #tpu.memory_space<vmem_shared>>
        tpu.enqueue_indirect_dma source(%dma_start3A_345 : memref<10240x64xf32, #tpu.memory_space<vmem_shared>>) target(%arg7 : memref<128x64xf32, #tpu.memory_space<vmem>>) offsets(%arg12 : memref<128xi32, #tpu.memory_space<vmem>>) semaphore(%arg24 : memref<!tpu.dma_semaphore, #tpu.memory_space<semaphore_mem>>)
      } else {
      }
    }
    %scan3A_159 = arith.constant 32 : i32
    %dma_wait3A_160 = arith.constant 0 : i32
    %dma_wait3A_161 = arith.constant 0 : i32
    %dma_wait3A_162 = tpu.memref_slice %arg21[%dma_wait3A_160, %dma_wait3A_161] : memref<10240x64xf32, #tpu.memory_space<vmem_shared>> -> memref<10240x64xf32, #tpu.memory_space<vmem_shared>>
    tpu.wait_indirect_dma semaphore(%arg31 : memref<!tpu.dma_semaphore, #tpu.memory_space<semaphore_mem>>) src(%arg9 : memref<128x64xf32, #tpu.memory_space<vmem>>) dst(%dma_wait3A_162 : memref<10240x64xf32, #tpu.memory_space<vmem_shared>>)
    %dma_wait3A_163 = arith.constant 0 : i32
    %dma_wait3A_164 = arith.constant 0 : i32
    %dma_wait3A_165 = tpu.memref_slice %arg21[%dma_wait3A_163, %dma_wait3A_164] : memref<10240x64xf32, #tpu.memory_space<vmem_shared>> -> memref<10240x64xf32, #tpu.memory_space<vmem_shared>>
    tpu.wait_indirect_dma semaphore(%arg32 : memref<!tpu.dma_semaphore, #tpu.memory_space<semaphore_mem>>) src(%arg10 : memref<128x64xf32, #tpu.memory_space<vmem>>) dst(%dma_wait3A_165 : memref<10240x64xf32, #tpu.memory_space<vmem_shared>>)
    %barrier3A_166 = arith.constant 0 : index
    tpu.barrier barrier_id(%barrier3A_166)
    "tpu.region"() ({
      %run_scoped3A = tpu.sem_alloc : memref<!tpu.dma_semaphore, #tpu.memory_space<semaphore_mem>>
      %dma_start3A_167 = arith.constant 0 : i32
      %dma_start3A_168 = arith.constant 0 : i32
      %dma_start3A_169 = tpu.memref_slice %arg5[%arg0, %dma_start3A_167, %dma_start3A_168] : memref<2x10240x64xf32, #tpu.memory_space<hbm>> -> memref<1x10240x64xf32, #tpu.memory_space<hbm>>
      %dma_start3A_170 = tpu.memref_squeeze %dma_start3A_169 : memref<1x10240x64xf32, #tpu.memory_space<hbm>> -> memref<10240x64xf32, #tpu.memory_space<hbm>>
      %dma_start3A_171 = arith.constant 0 : i32
      %dma_start3A_172 = tpu.memref_slice %dma_start3A_170[%mul3A_0, %dma_start3A_171] : memref<10240x64xf32, #tpu.memory_space<hbm>> -> memref<640x64xf32, #tpu.memory_space<hbm>>
      %dma_start3A_173 = arith.constant 0 : i32
      %dma_start3A_174 = tpu.memref_slice %arg21[%mul3A_0, %dma_start3A_173] : memref<10240x64xf32, #tpu.memory_space<vmem_shared>> -> memref<640x64xf32, #tpu.memory_space<vmem_shared>>
      tpu.enqueue_dma source(%dma_start3A_174 : memref<640x64xf32, #tpu.memory_space<vmem_shared>>) target(%dma_start3A_172 : memref<640x64xf32, #tpu.memory_space<hbm>>) target_semaphore(%run_scoped3A : memref<!tpu.dma_semaphore, #tpu.memory_space<semaphore_mem>>)
      %dma_wait3A_175 = arith.constant 0 : i32
      %dma_wait3A_176 = arith.constant 0 : i32
      %dma_wait3A_177 = tpu.memref_slice %arg5[%arg0, %dma_wait3A_175, %dma_wait3A_176] : memref<2x10240x64xf32, #tpu.memory_space<hbm>> -> memref<1x10240x64xf32, #tpu.memory_space<hbm>>
      %dma_wait3A_178 = tpu.memref_squeeze %dma_wait3A_177 : memref<1x10240x64xf32, #tpu.memory_space<hbm>> -> memref<10240x64xf32, #tpu.memory_space<hbm>>
      %dma_wait3A_179 = arith.constant 0 : i32
      %dma_wait3A_180 = tpu.memref_slice %dma_wait3A_178[%mul3A_0, %dma_wait3A_179] : memref<10240x64xf32, #tpu.memory_space<hbm>> -> memref<640x64xf32, #tpu.memory_space<hbm>>
      %dma_wait3A_181 = arith.constant 0 : i32
      %dma_wait3A_182 = tpu.memref_slice %arg21[%mul3A_0, %dma_wait3A_181] : memref<10240x64xf32, #tpu.memory_space<vmem_shared>> -> memref<640x64xf32, #tpu.memory_space<vmem_shared>>
      tpu.wait_dma2 semaphore(%run_scoped3A : memref<!tpu.dma_semaphore, #tpu.memory_space<semaphore_mem>>) src(%dma_wait3A_182 : memref<640x64xf32, #tpu.memory_space<vmem_shared>>) dst(%dma_wait3A_180 : memref<640x64xf32, #tpu.memory_space<hbm>>)
      tpu.yield
    }) : () -> ()
    return
  }
}

module attributes {stable_mosaic.version = 14 : i64} {
  func.func @_mlp_bn_body(%arg0: memref<2x10240x64xf32, #tpu.memory_space<vmem>>, %arg1: memref<128x128xf32, #tpu.memory_space<vmem>>, %arg2: memref<1x128xf32, #tpu.memory_space<vmem>>, %arg3: memref<128x128xf32, #tpu.memory_space<vmem>>, %arg4: memref<1x128xf32, #tpu.memory_space<vmem>>, %arg5: memref<1x128xf32, #tpu.memory_space<vmem>>, %arg6: memref<1x128xf32, #tpu.memory_space<vmem>>, %arg7: memref<2x10240x64xf32, #tpu.memory_space<vmem>>) attributes {dimension_semantics = [], scalar_prefetch = 0 : i64, scratch_operands = 0 : i64, tpu.core_type = #tpu.core_type<tc>} {
    %get3A = arith.constant 0 : index
    %get3A_0 = arith.constant 0 : index
    %get3A_1 = arith.constant 0 : index
    %get3A_2 = vector.load %arg0[%get3A, %get3A_0, %get3A_1] : memref<2x10240x64xf32, #tpu.memory_space<vmem>>, vector<1x10000x64xf32>
    %get3A_3 = vector.shape_cast %get3A_2 : vector<1x10000x64xf32> to vector<10000x64xf32>
    %get3A_4 = arith.constant 1 : index
    %get3A_5 = arith.constant 0 : index
    %get3A_6 = arith.constant 0 : index
    %get3A_7 = vector.load %arg0[%get3A_4, %get3A_5, %get3A_6] : memref<2x10240x64xf32, #tpu.memory_space<vmem>>, vector<1x10000x64xf32>
    %get3A_8 = vector.shape_cast %get3A_7 : vector<1x10000x64xf32> to vector<10000x64xf32>
    %concatenate3A = tpu.concatenate %get3A_3, %get3A_8 in 1 : vector<10000x64xf32>, vector<10000x64xf32> -> vector<10000x128xf32>
    %get3A_9 = arith.constant 0 : index
    %get3A_10 = arith.constant 0 : index
    %get3A_11 = vector.load %arg1[%get3A_9, %get3A_10] : memref<128x128xf32, #tpu.memory_space<vmem>>, vector<128x128xf32>
    %dot_general3A = arith.constant dense<0.000000e+00> : vector<10000x128xf32>
    %dot_general3A_12 = tpu.matmul %concatenate3A, %get3A_11, %dot_general3A {dimension_numbers = #tpu.dot_dimension_numbers<[1], [0], [0], [1], [0, 0, 1, 1], [], []>, transpose_lhs_hint = false} : vector<10000x128xf32>, vector<128x128xf32>, vector<10000x128xf32> -> vector<10000x128xf32>
    %get3A_13 = arith.constant 0 : index
    %get3A_14 = arith.constant 0 : index
    %get3A_15 = vector.load %arg2[%get3A_13, %get3A_14] : memref<1x128xf32, #tpu.memory_space<vmem>>, vector<1x128xf32>
    %add3A = vector.broadcast %get3A_15 : vector<1x128xf32> to vector<10000x128xf32>
    %add3A_16 = arith.addf %dot_general3A_12, %add3A : vector<10000x128xf32>
    %max3A = arith.constant 0.000000e+00 : f32
    %max3A_17 = vector.broadcast %max3A : f32 to vector<10000x128xf32>
    %max3A_18 = arith.maximumf %add3A_16, %max3A_17 : vector<10000x128xf32>
    %get3A_19 = arith.constant 0 : index
    %get3A_20 = arith.constant 0 : index
    %get3A_21 = vector.load %arg3[%get3A_19, %get3A_20] : memref<128x128xf32, #tpu.memory_space<vmem>>, vector<128x128xf32>
    %dot_general3A_22 = arith.constant dense<0.000000e+00> : vector<10000x128xf32>
    %dot_general3A_23 = tpu.matmul %max3A_18, %get3A_21, %dot_general3A_22 {dimension_numbers = #tpu.dot_dimension_numbers<[1], [0], [0], [1], [0, 0, 1, 1], [], []>, transpose_lhs_hint = false} : vector<10000x128xf32>, vector<128x128xf32>, vector<10000x128xf32> -> vector<10000x128xf32>
    %get3A_24 = arith.constant 0 : index
    %get3A_25 = arith.constant 0 : index
    %get3A_26 = vector.load %arg4[%get3A_24, %get3A_25] : memref<1x128xf32, #tpu.memory_space<vmem>>, vector<1x128xf32>
    %add3A_27 = vector.broadcast %get3A_26 : vector<1x128xf32> to vector<10000x128xf32>
    %add3A_28 = arith.addf %dot_general3A_23, %add3A_27 : vector<10000x128xf32>
    %max3A_29 = arith.constant 0.000000e+00 : f32
    %max3A_30 = vector.broadcast %max3A_29 : f32 to vector<10000x128xf32>
    %max3A_31 = arith.maximumf %add3A_28, %max3A_30 : vector<10000x128xf32>
    %reduce_sum3A = arith.constant dense<0.000000e+00> : vector<128xf32>
    %reduce_sum3A_32 = vector.multi_reduction <add>, %max3A_31, %reduce_sum3A [0] : vector<10000x128xf32> to vector<128xf32>
    %broadcast_in_dim3A = vector.shape_cast %reduce_sum3A_32 : vector<128xf32> to vector<1x128xf32>
    %div3A = arith.constant 1.000000e+04 : f32
    %div3A_33 = vector.broadcast %div3A : f32 to vector<1x128xf32>
    %div3A_34 = arith.divf %broadcast_in_dim3A, %div3A_33 : vector<1x128xf32>
    %sub3A = vector.broadcast %div3A_34 : vector<1x128xf32> to vector<10000x128xf32>
    %sub3A_35 = arith.subf %max3A_31, %sub3A : vector<10000x128xf32>
    %mul3A = arith.mulf %sub3A_35, %sub3A_35 : vector<10000x128xf32>
    %reduce_sum3A_36 = arith.constant dense<0.000000e+00> : vector<128xf32>
    %reduce_sum3A_37 = vector.multi_reduction <add>, %mul3A, %reduce_sum3A_36 [0] : vector<10000x128xf32> to vector<128xf32>
    %broadcast_in_dim3A_38 = vector.shape_cast %reduce_sum3A_37 : vector<128xf32> to vector<1x128xf32>
    %div3A_39 = arith.constant 1.000000e+04 : f32
    %div3A_40 = vector.broadcast %div3A_39 : f32 to vector<1x128xf32>
    %div3A_41 = arith.divf %broadcast_in_dim3A_38, %div3A_40 : vector<1x128xf32>
    %add3A_42 = arith.constant 9.99999974E-6 : f32
    %add3A_43 = vector.broadcast %add3A_42 : f32 to vector<1x128xf32>
    %add3A_44 = arith.addf %div3A_41, %add3A_43 : vector<1x128xf32>
    %rsqrt3A = math.rsqrt %add3A_44 : vector<1x128xf32>
    %mul3A_45 = vector.broadcast %rsqrt3A : vector<1x128xf32> to vector<10000x128xf32>
    %mul3A_46 = arith.mulf %sub3A_35, %mul3A_45 : vector<10000x128xf32>
    %get3A_47 = arith.constant 0 : index
    %get3A_48 = arith.constant 0 : index
    %get3A_49 = vector.load %arg5[%get3A_47, %get3A_48] : memref<1x128xf32, #tpu.memory_space<vmem>>, vector<1x128xf32>
    %mul3A_50 = vector.broadcast %get3A_49 : vector<1x128xf32> to vector<10000x128xf32>
    %mul3A_51 = arith.mulf %mul3A_46, %mul3A_50 : vector<10000x128xf32>
    %get3A_52 = arith.constant 0 : index
    %get3A_53 = arith.constant 0 : index
    %get3A_54 = vector.load %arg6[%get3A_52, %get3A_53] : memref<1x128xf32, #tpu.memory_space<vmem>>, vector<1x128xf32>
    %add3A_55 = vector.broadcast %get3A_54 : vector<1x128xf32> to vector<10000x128xf32>
    %add3A_56 = arith.addf %mul3A_51, %add3A_55 : vector<10000x128xf32>
    %slice3A = vector.extract_strided_slice %add3A_56 {offsets = [0, 0], sizes = [10000, 64], strides = [1, 1]} : vector<10000x128xf32> to vector<10000x64xf32>
    %swap3A = arith.constant 0 : index
    %swap3A_57 = arith.constant 0 : index
    %swap3A_58 = arith.constant 0 : index
    %swap3A_59 = vector.load %arg7[%swap3A, %swap3A_57, %swap3A_58] : memref<2x10240x64xf32, #tpu.memory_space<vmem>>, vector<1x10000x64xf32>
    %swap3A_60 = vector.shape_cast %swap3A_59 : vector<1x10000x64xf32> to vector<10000x64xf32>
    %swap3A_61 = vector.shape_cast %slice3A : vector<10000x64xf32> to vector<1x10000x64xf32>
    tpu.vector_store %arg7[%swap3A, %swap3A_57, %swap3A_58], %swap3A_61 {strides = array<i32>} : memref<2x10240x64xf32, #tpu.memory_space<vmem>>, vector<1x10000x64xf32>,
    %slice3A_62 = vector.extract_strided_slice %add3A_56 {offsets = [0, 64], sizes = [10000, 64], strides = [1, 1]} : vector<10000x128xf32> to vector<10000x64xf32>
    %swap3A_63 = arith.constant 1 : index
    %swap3A_64 = arith.constant 0 : index
    %swap3A_65 = arith.constant 0 : index
    %swap3A_66 = vector.load %arg7[%swap3A_63, %swap3A_64, %swap3A_65] : memref<2x10240x64xf32, #tpu.memory_space<vmem>>, vector<1x10000x64xf32>
    %swap3A_67 = vector.shape_cast %swap3A_66 : vector<1x10000x64xf32> to vector<10000x64xf32>
    %swap3A_68 = vector.shape_cast %slice3A_62 : vector<10000x64xf32> to vector<1x10000x64xf32>
    tpu.vector_store %arg7[%swap3A_63, %swap3A_64, %swap3A_65], %swap3A_68 {strides = array<i32>} : memref<2x10240x64xf32, #tpu.memory_space<vmem>>, vector<1x10000x64xf32>,
    return
  }
}

module attributes {stable_mosaic.version = 14 : i64} {
  func.func @_mlp_bn_pool_body(%arg0: memref<2x10240x64xf32, #tpu.memory_space<vmem>>, %arg1: memref<128x128xf32, #tpu.memory_space<vmem>>, %arg2: memref<1x128xf32, #tpu.memory_space<vmem>>, %arg3: memref<128x128xf32, #tpu.memory_space<vmem>>, %arg4: memref<1x128xf32, #tpu.memory_space<vmem>>, %arg5: memref<1x128xf32, #tpu.memory_space<vmem>>, %arg6: memref<1x128xf32, #tpu.memory_space<vmem>>, %arg7: memref<10000x1xi32, #tpu.memory_space<vmem>>, %arg8: memref<10000x128xf32, #tpu.memory_space<vmem>>, %arg9: memref<64x128xf32, #tpu.memory_space<vmem>>) attributes {dimension_semantics = [], scalar_prefetch = 0 : i64, scratch_operands = 0 : i64, tpu.core_type = #tpu.core_type<tc>} {
    %get3A = arith.constant 0 : index
    %get3A_0 = arith.constant 0 : index
    %get3A_1 = arith.constant 0 : index
    %get3A_2 = vector.load %arg0[%get3A, %get3A_0, %get3A_1] : memref<2x10240x64xf32, #tpu.memory_space<vmem>>, vector<1x10000x64xf32>
    %get3A_3 = vector.shape_cast %get3A_2 : vector<1x10000x64xf32> to vector<10000x64xf32>
    %get3A_4 = arith.constant 1 : index
    %get3A_5 = arith.constant 0 : index
    %get3A_6 = arith.constant 0 : index
    %get3A_7 = vector.load %arg0[%get3A_4, %get3A_5, %get3A_6] : memref<2x10240x64xf32, #tpu.memory_space<vmem>>, vector<1x10000x64xf32>
    %get3A_8 = vector.shape_cast %get3A_7 : vector<1x10000x64xf32> to vector<10000x64xf32>
    %concatenate3A = tpu.concatenate %get3A_3, %get3A_8 in 1 : vector<10000x64xf32>, vector<10000x64xf32> -> vector<10000x128xf32>
    %get3A_9 = arith.constant 0 : index
    %get3A_10 = arith.constant 0 : index
    %get3A_11 = vector.load %arg1[%get3A_9, %get3A_10] : memref<128x128xf32, #tpu.memory_space<vmem>>, vector<128x128xf32>
    %dot_general3A = arith.constant dense<0.000000e+00> : vector<10000x128xf32>
    %dot_general3A_12 = tpu.matmul %concatenate3A, %get3A_11, %dot_general3A {dimension_numbers = #tpu.dot_dimension_numbers<[1], [0], [0], [1], [0, 0, 1, 1], [], []>, transpose_lhs_hint = false} : vector<10000x128xf32>, vector<128x128xf32>, vector<10000x128xf32> -> vector<10000x128xf32>
    %get3A_13 = arith.constant 0 : index
    %get3A_14 = arith.constant 0 : index
    %get3A_15 = vector.load %arg2[%get3A_13, %get3A_14] : memref<1x128xf32, #tpu.memory_space<vmem>>, vector<1x128xf32>
    %add3A = vector.broadcast %get3A_15 : vector<1x128xf32> to vector<10000x128xf32>
    %add3A_16 = arith.addf %dot_general3A_12, %add3A : vector<10000x128xf32>
    %max3A = arith.constant 0.000000e+00 : f32
    %max3A_17 = vector.broadcast %max3A : f32 to vector<10000x128xf32>
    %max3A_18 = arith.maximumf %add3A_16, %max3A_17 : vector<10000x128xf32>
    %get3A_19 = arith.constant 0 : index
    %get3A_20 = arith.constant 0 : index
    %get3A_21 = vector.load %arg3[%get3A_19, %get3A_20] : memref<128x128xf32, #tpu.memory_space<vmem>>, vector<128x128xf32>
    %dot_general3A_22 = arith.constant dense<0.000000e+00> : vector<10000x128xf32>
    %dot_general3A_23 = tpu.matmul %max3A_18, %get3A_21, %dot_general3A_22 {dimension_numbers = #tpu.dot_dimension_numbers<[1], [0], [0], [1], [0, 0, 1, 1], [], []>, transpose_lhs_hint = false} : vector<10000x128xf32>, vector<128x128xf32>, vector<10000x128xf32> -> vector<10000x128xf32>
    %get3A_24 = arith.constant 0 : index
    %get3A_25 = arith.constant 0 : index
    %get3A_26 = vector.load %arg4[%get3A_24, %get3A_25] : memref<1x128xf32, #tpu.memory_space<vmem>>, vector<1x128xf32>
    %add3A_27 = vector.broadcast %get3A_26 : vector<1x128xf32> to vector<10000x128xf32>
    %add3A_28 = arith.addf %dot_general3A_23, %add3A_27 : vector<10000x128xf32>
    %max3A_29 = arith.constant 0.000000e+00 : f32
    %max3A_30 = vector.broadcast %max3A_29 : f32 to vector<10000x128xf32>
    %max3A_31 = arith.maximumf %add3A_28, %max3A_30 : vector<10000x128xf32>
    %reduce_sum3A = arith.constant dense<0.000000e+00> : vector<128xf32>
    %reduce_sum3A_32 = vector.multi_reduction <add>, %max3A_31, %reduce_sum3A [0] : vector<10000x128xf32> to vector<128xf32>
    %broadcast_in_dim3A = vector.shape_cast %reduce_sum3A_32 : vector<128xf32> to vector<1x128xf32>
    %div3A = arith.constant 1.000000e+04 : f32
    %div3A_33 = vector.broadcast %div3A : f32 to vector<1x128xf32>
    %div3A_34 = arith.divf %broadcast_in_dim3A, %div3A_33 : vector<1x128xf32>
    %sub3A = vector.broadcast %div3A_34 : vector<1x128xf32> to vector<10000x128xf32>
    %sub3A_35 = arith.subf %max3A_31, %sub3A : vector<10000x128xf32>
    %mul3A = arith.mulf %sub3A_35, %sub3A_35 : vector<10000x128xf32>
    %reduce_sum3A_36 = arith.constant dense<0.000000e+00> : vector<128xf32>
    %reduce_sum3A_37 = vector.multi_reduction <add>, %mul3A, %reduce_sum3A_36 [0] : vector<10000x128xf32> to vector<128xf32>
    %broadcast_in_dim3A_38 = vector.shape_cast %reduce_sum3A_37 : vector<128xf32> to vector<1x128xf32>
    %div3A_39 = arith.constant 1.000000e+04 : f32
    %div3A_40 = vector.broadcast %div3A_39 : f32 to vector<1x128xf32>
    %div3A_41 = arith.divf %broadcast_in_dim3A_38, %div3A_40 : vector<1x128xf32>
    %add3A_42 = arith.constant 9.99999974E-6 : f32
    %add3A_43 = vector.broadcast %add3A_42 : f32 to vector<1x128xf32>
    %add3A_44 = arith.addf %div3A_41, %add3A_43 : vector<1x128xf32>
    %rsqrt3A = math.rsqrt %add3A_44 : vector<1x128xf32>
    %mul3A_45 = vector.broadcast %rsqrt3A : vector<1x128xf32> to vector<10000x128xf32>
    %mul3A_46 = arith.mulf %sub3A_35, %mul3A_45 : vector<10000x128xf32>
    %get3A_47 = arith.constant 0 : index
    %get3A_48 = arith.constant 0 : index
    %get3A_49 = vector.load %arg5[%get3A_47, %get3A_48] : memref<1x128xf32, #tpu.memory_space<vmem>>, vector<1x128xf32>
    %mul3A_50 = vector.broadcast %get3A_49 : vector<1x128xf32> to vector<10000x128xf32>
    %mul3A_51 = arith.mulf %mul3A_46, %mul3A_50 : vector<10000x128xf32>
    %get3A_52 = arith.constant 0 : index
    %get3A_53 = arith.constant 0 : index
    %get3A_54 = vector.load %arg6[%get3A_52, %get3A_53] : memref<1x128xf32, #tpu.memory_space<vmem>>, vector<1x128xf32>
    %add3A_55 = vector.broadcast %get3A_54 : vector<1x128xf32> to vector<10000x128xf32>
    %add3A_56 = arith.addf %mul3A_51, %add3A_55 : vector<10000x128xf32>
    %swap3A = arith.constant 0 : index
    %swap3A_57 = arith.constant 0 : index
    %swap3A_58 = vector.load %arg8[%swap3A, %swap3A_57] : memref<10000x128xf32, #tpu.memory_space<vmem>>, vector<10000x128xf32>
    tpu.vector_store %arg8[%swap3A, %swap3A_57], %add3A_56 {strides = array<i32>} : memref<10000x128xf32, #tpu.memory_space<vmem>>, vector<10000x128xf32>,
    %get3A_59 = arith.constant 0 : index
    %get3A_60 = arith.constant 0 : index
    %get3A_61 = vector.load %arg7[%get3A_59, %get3A_60] : memref<10000x1xi32, #tpu.memory_space<vmem>>, vector<10000x1xi32>
    %iota3A = tpu.iota {dimensions = array<i32: 1>} : vector<1x64xi32>
    %eq3A = vector.broadcast %get3A_61 : vector<10000x1xi32> to vector<10000x64xi32>
    %eq3A_62 = vector.broadcast %iota3A : vector<1x64xi32> to vector<10000x64xi32>
    %eq3A_63 = arith.cmpi eq, %eq3A, %eq3A_62 : vector<10000x64xi32>
    %convert_element_type3A = arith.extui %eq3A_63 : vector<10000x64xi1> to vector<10000x64xi32>
    %convert_element_type3A_64 = arith.sitofp %convert_element_type3A : vector<10000x64xi32> to vector<10000x64xf32>
    %reduce_sum3A_65 = arith.constant dense<0.000000e+00> : vector<64xf32>
    %reduce_sum3A_66 = vector.multi_reduction <add>, %convert_element_type3A_64, %reduce_sum3A_65 [0] : vector<10000x64xf32> to vector<64xf32>
    %broadcast_in_dim3A_67 = vector.shape_cast %reduce_sum3A_66 : vector<64xf32> to vector<1x64xf32>
    %max3A_68 = arith.constant 1.000000e+00 : f32
    %max3A_69 = vector.broadcast %max3A_68 : f32 to vector<1x64xf32>
    %max3A_70 = arith.maximumf %broadcast_in_dim3A_67, %max3A_69 : vector<1x64xf32>
    %div3A_71 = arith.constant 1.000000e+00 : f32
    %div3A_72 = vector.broadcast %div3A_71 : f32 to vector<1x64xf32>
    %div3A_73 = arith.divf %div3A_72, %max3A_70 : vector<1x64xf32>
    %mul3A_74 = vector.broadcast %div3A_73 : vector<1x64xf32> to vector<10000x64xf32>
    %mul3A_75 = arith.mulf %convert_element_type3A_64, %mul3A_74 : vector<10000x64xf32>
    %dot_general3A_76 = arith.constant dense<0.000000e+00> : vector<64x128xf32>
    %dot_general3A_77 = tpu.matmul %mul3A_75, %add3A_56, %dot_general3A_76 {dimension_numbers = #tpu.dot_dimension_numbers<[0], [0], [1], [1], [0, 1, 1, 1], [], []>, transpose_lhs_hint = false} : vector<10000x64xf32>, vector<10000x128xf32>, vector<64x128xf32> -> vector<64x128xf32>
    %swap3A_78 = arith.constant 0 : index
    %swap3A_79 = arith.constant 0 : index
    %swap3A_80 = vector.load %arg9[%swap3A_78, %swap3A_79] : memref<64x128xf32, #tpu.memory_space<vmem>>, vector<64x128xf32>
    tpu.vector_store %arg9[%swap3A_78, %swap3A_79], %dot_general3A_77 {strides = array<i32>} : memref<64x128xf32, #tpu.memory_space<vmem>>, vector<64x128xf32>,
    return
  }
}

</mosaic_0001>

<sc_bundles>
// kernel: kernel.11.cloned.1.call-start
scs
__scs_entry_jumppad:
0x0: {  	(pc) =	sbr.rel $0x88, $3  }
0x1: {  	(tag) =	ssettag $0x0;
	lr =	simm.s32 $0x1  }
0x2: {  	[smem:$0x3F8C] =	sst lr;
	_ =	strace $0xD0000000  }
0x3: {  	_ = 	snop  }
0x4: {  	_ = 	snop  }
0x5: {  	_ = 	snop  }
0x6: {  	_ = 	snop  }
0x7: {  	_ = 	snop  }
__scs_overlays_trampoline_lowered:
0x8: {  	[smem:$0x3F9B] =	sst s0  }
0x9: {  	[smem:$0x3F9C] =	sst s1  }
0xa: {  	[smem:$0x3F9D] =	sst s2  }
0xb: {  	[smem:$0x3F9E] =	sst s3  }
0xc: {  	[smem:$0x3F9F] =	sst s4  }
0xd: {  	[smem:$0x3FA0] =	sst s5  }
0xe: {  	[smem:$0x3FA1] =	sst s6  }
0xf: {  	[smem:$0x3FA2] =	sst s7  }
0x10: {  	[smem:$0x3FA3] =	sst s8  }
0x11: {  	[smem:$0x3FA4] =	sst s9;
	s0 =	simm.s32 @!p0 $0x0  }
0x12: {  	s1 =	sld [smem:$0x3F8A];
	s0 =	simm.s32 @p0 $0x1  }
0x13: {  	[smem:$0x3FA5] =	sst s0;
	s0 =	simm.s32 @!p1 $0x0  }
0x14: {  	s2 =	sld [smem:$0x3F89];
	s0 =	simm.s32 @p1 $0x1  }
0x15: {  	[smem:$0x3FA6] =	sst s0;
	s0 =	simm.s32 @!p2 $0x0  }
0x16: {  	s3 =	sld [smem:$0x3FDB];
	s0 =	simm.s32 @p2 $0x1  }
0x17: {  	s4 =	simm.s32 $0x1BF5;
	[smem:$0x3FA8] =	sst s0  }
0x18: {  	s0 =	sld [smem:$0x3F8B];
	_ =	swait.ge [sflag:s4], $0x0  }
0x19: {  	s7 =	sld [smem:$0x3F8C]  }
0x1a: {  	s8 =	sadd.s32 $0xFFFFE003, lr  }
0x1b: {  	s9 =	sadd.s32 $0xFFFFFEF7, lr;
	s5 =	simm.s32 $0xFFFFFFFF;
	p2 =	slt.u32 s8, $0xFFFFF086  }
0x1c: {  	p1 =	slt.u32 s9, $0xF7A;
	s5 =	simm.s32 @!p2 $0x0  }
0x1d: {  	s5 =	simm.s32 @p1 $0x1;
	p0 =	seq.s32 s7, s2  }
0x1e: {  	s7 =	smul.u32 @!p0 $0xF7A, s2;
	p2 =	seq.s32 @!p0 s5, $0x0  }
0x1f: {  	s9 =	smul.u32 $0xF7A, s1;
	s8 =	simm.s32 @!p0 $0x1BF5;
	p2 =	por !p2, p0  }
0x20: {  	[sflag:s8] =	ssyncset.s32 @!p0 $0xFFFFF086;
	s6 =	sadd.s32 @!p0 s3, s7;
	s7 =	simm.s32 @!p0 $0x108  }
0x21: {  	s3 =	sadd.s32 s3, s9;
	s6 =	sadd.s32 @!p0 $0x88, s6;
	s7 =	simm.s32 @p2 $0x1082  }
0x22: {  	[simem:s7], [sflag:s8] =	dma.local @!p0 [hbm:s6], $0xF7A  }
0x23: {  	s9 =	sor.u32 $0xD0000000, s2;
	s6 =	simm.s32 $0x108;
	_ =	swait.ge @!p0 [sflag:s8], $0x0  }
0x24: {  	s3 =	sadd.s32 $0x88, s3;
	s6 =	simm.s32 @!p1 $0x1082;
	[sflag:s4] =	ssyncset.s32 $0xFFFFF086  }
0x25: {  	[simem:s6], [sflag:s4] =	dma.local [hbm:s3], $0xF7A  }
0x26: {  	[smem:$0x3F8C] =	sst s1;
	(tag) =	ssettag s2;
	_ =	strace s9  }
0x27: {  	s1 =	sld [smem:$0x3F9C]  }
0x28: {  	s2 =	sld [smem:$0x3F9D]  }
0x29: {  	s4 =	sld [smem:$0x3F9F]  }
0x2a: {  	p0 =	seq.s32 s5, $0x0;
	s5 =	sld [smem:$0x3FA0]  }
0x2b: {  	s6 =	sld [smem:$0x3FA1]  }
0x2c: {  	s7 =	sld [smem:$0x3FA2]  }
0x2d: {  	s3 =	simm.s32 $0x108;
	s8 =	sld [smem:$0x3FA3]  }
0x2e: {  	s3 =	simm.s32 @!p0 $0x1082;
	s9 =	sld [smem:$0x3FA4]  }
0x2f: {  	lr =	sadd.s32 s0, s3;
	s0 =	sld [smem:$0x3F9B]  }
0x30: {  	s3 =	sld [smem:$0x3F9E]  }
0x31: {  	[smem:$0x3FA7] =	sst s10  }
0x32: {  	s10 =	sld [smem:$0x3FA5];
	_ =	sdelay $0x3  }
0x33: {  	p0 =	seq.s32 s10, $0x1;
	s10 =	sld [smem:$0x3FA7];
	_ =	sdelay $0x3  }
0x34: {  	[smem:$0x3FA7] =	sst s10  }
0x35: {  	s10 =	sld [smem:$0x3FA6];
	_ =	sdelay $0x3  }
0x36: {  	p1 =	seq.s32 s10, $0x1;
	s10 =	sld [smem:$0x3FA7];
	_ =	sdelay $0x3  }
0x37: {  	[smem:$0x3FA7] =	sst s10  }
0x38: {  	s10 =	sld [smem:$0x3FA8]  }
0x39: {  	_ = 	snop;
	(pc) =	sbr.ind lr, $3  }
0x3a: {  	_ = 	snop  }
0x3b: {  	_ = 	snop  }
0x3c: {  	p2 =	seq.s32 s10, $0x1;
	s10 =	sld [smem:$0x3FA7]  }
0x3d: {  	_ =	shalt  }
0x3e: {  	_ =	shalt  }
0x3f: {  	_ =	shalt  }
0x40: {  	_ =	shalt  }
0x41: {  	_ =	shalt  }
0x42: {  	_ =	shalt  }
0x43: {  	_ =	shalt  }
0x44: {  	_ =	shalt  }
0x45: {  	_ =	shalt  }
0x46: {  	_ =	shalt  }
0x47: {  	_ =	shalt  }
0x48: {  	_ =	shalt  }
0x49: {  	_ =	shalt  }
0x4a: {  	_ =	shalt  }
0x4b: {  	_ =	shalt  }
0x4c: {  	_ =	shalt  }
0x4d: {  	_ =	shalt  }
0x4e: {  	_ =	shalt  }
0x4f: {  	_ =	shalt  }
0x50: {  	_ =	shalt  }
0x51: {  	_ =	shalt  }
0x52: {  	_ =	shalt  }
0x53: {  	_ =	shalt  }
0x54: {  	_ =	shalt  }
0x55: {  	_ =	shalt  }
0x56: {  	_ =	shalt  }
0x57: {  	_ =	shalt  }
0x58: {  	_ =	shalt  }
0x59: {  	_ =	shalt  }
0x5a: {  	_ =	shalt  }
0x5b: {  	_ =	shalt  }
0x5c: {  	_ =	shalt  }
0x5d: {  	_ =	shalt  }
0x5e: {  	_ =	shalt  }
0x5f: {  	_ =	shalt  }
0x60: {  	_ =	shalt  }
0x61: {  	_ =	shalt  }
0x62: {  	_ =	shalt  }
0x63: {  	_ =	shalt  }
0x64: {  	_ =	shalt  }
0x65: {  	_ =	shalt  }
0x66: {  	_ =	shalt  }
0x67: {  	_ =	shalt  }
0x68: {  	_ =	shalt  }
0x69: {  	_ =	shalt  }
0x6a: {  	_ =	shalt  }
0x6b: {  	_ =	shalt  }
0x6c: {  	_ =	shalt  }
0x6d: {  	_ =	shalt  }
0x6e: {  	_ =	shalt  }
0x6f: {  	_ =	shalt  }
0x70: {  	_ =	shalt  }
0x71: {  	_ =	shalt  }
0x72: {  	_ =	shalt  }
0x73: {  	_ =	shalt  }
0x74: {  	_ =	shalt  }
0x75: {  	_ =	shalt  }
0x76: {  	_ =	shalt  }
0x77: {  	_ =	shalt  }
0x78: {  	_ =	shalt  }
0x79: {  	_ =	shalt  }
0x7a: {  	_ =	shalt  }
0x7b: {  	_ =	shalt  }
0x7c: {  	_ =	shalt  }
0x7d: {  	_ =	shalt  }
0x7e: {  	_ =	shalt  }
0x7f: {  	_ =	shalt  }
0x80: {  	_ =	shalt  }
0x81: {  	_ =	shalt  }
0x82: {  	_ =	shalt  }
0x83: {  	_ =	shalt  }
0x84: {  	_ =	shalt  }
0x85: {  	_ =	shalt  }
0x86: {  	_ =	shalt  }
0x87: {  	_ =	shalt  }
.Lfunc_end0:
.L_simem_size_0:
called_computation.1_lowered:
.L_overlay_start_0:
0x88: {  	s2 =	sld [smem:$0x3FD9]  }
0x89: {  	s3 =	sld [smem:$0x3FFE];
	_ =	sdelay $0x1  }
0x8a: {  	s1 =	srdreg.scid  }
0x8b: {  	s0 =	sand.u32 $0x1, s1  }
0x8c: {  	s14 =	sshll.u32 s0, $0xA;
	s2 =	sadd.s32 s3, s2  }
0x8d: {  	s2 =	sadd.s32 s2, s14  }
0x8e: {  	[smem:$0x3FB3] =	sst s2  }
0x8f: {  	_ = 	snop  }
0x90: {  	s2 =	sld [smem:$0x3FD0];
	_ =	sdelay $0x2  }
0x91: {  	s15 =	simm.s32 $0xA;
	s4 =	simm.s32 $0x10  }
0x92: {  	[smem:s4], [sflag:s15] =	dma.local [hbm:s2], $0x1  }
0x93: {  	_ =	swait.eq [sflag:s15], $0x1  }
0x94: {  	[sflag:s15] =	ssyncset.done $0x0  }
0x95: {  	[sflag:s15] =	ssyncadd.s32 $0xFFFFFFFF  }
0x96: {  	s16 =	sld [smem:$0x10];
	(tm) =	ssettm $0x1  }
0x97: {  	s17 =	sld [smem:$0x3FFB];
	_ =	sdelay $0x3  }
0x98: {  	_ =	strace s17  }
0x99: {  	s3 =	sld [smem:$0x3FFC];
	_ =	sdelay $0x3  }
0x9a: {  	_ =	strace s3  }
0x9b: {  	s3 =	sld [smem:$0x3FFD];
	_ =	sdelay $0x3  }
0x9c: {  	_ =	strace s3  }
0x9d: {  	_ =	strace $0x8FFFFFFF  }
0x9e: {  	s18 =	sld [smem:$0x3FDB];
	_ =	sdelay $0x1  }
0x9f: {  	s19 =	simm.s32 $_scs_section_size  }
0xa0: {  	s5 =	simm.s32 $_size__tile_overlayer_lowered;
	s6 =	simm.s32 $_tile_overlayer_lowered  }
0xa1: {  	s22 =	simm.s32 $0x1BFF;
	s21 =	sshll.u32 s6, $0x1;
	s3 =	sadd.s32 s19, s18  }
0xa2: {  	s7 =	simm.s32 $0x0;
	s20 =	sshll.u32 s5, $0x1;
	s5 =	sadd.s32 s21, s3  }
0xa3: {  	[timem:s7], [sflag:s22] =	dma.local [hbm:s5], s20  }
0xa4: {  	_ =	swait.ge [sflag:s22], s20  }
0xa5: {  	s4 =	ssub.s32 $0x0, s20;
	[sflag:s22] =	ssyncset.done $0x0  }
0xa6: {  	[sflag:s22] =	ssyncadd.s32 s4;
	_ =	sdelay $0x1  }
0xa7: {  	s23 =	simm.s32 $0x1B8B  }
0xa8: {  	_ =	swait.ge [sflag:s23], $0x1  }
0xa9: {  	[sflag:s23] =	ssyncset.done $0x0  }
0xaa: {  	s25 =	simm.s32 $0x1B8E;
	s24 =	sld [smem:$0x3FFE];
	[sflag:s23] =	ssyncadd.s32 $0xFFFFFFFF  }
0xab: {  	s26 =	simm.s32 $execute0_lowered;
	[smem:$0x3FD2] =	sst s25  }
0xac: {  	s5 =	sshll.u32 s26, $0x1;
	_ =	strace $0x80000049;
	[dreg:$0x1] =	wrdreg $0xFFFFFFFF  }
0xad: {  	s28 =	simm.s32 $_size_execute0_lowered;
	s3 =	sadd.s32 s3, s5;
	[dreg:$0x0] =	wrdreg $0x0  }
0xae: {  	s5 =	sshll.u32 s28, $0x1;
	[dreg:$0x2] =	wrdreg s3  }
0xaf: {  	[dreg:$0x3] =	wrdreg s5  }
0xb0: {  	[dreg:$0x4] =	wrdreg $0xC0  }
0xb1: {  	_ =	task [dreg:s7], $0x5FFFF  }
0xb2: {  	[dreg:$0x1] =	wrdreg $0xFFFFFFFF  }
0xb3: {  	[dreg:$0x0] =	wrdreg $0x60  }
0xb4: {  	[dreg:$0x2] =	wrdreg s24  }
0xb5: {  	[dreg:$0x3] =	wrdreg s16  }
0xb6: {  	[dreg:$0x4] =	wrdreg $0xA5000  }
0xb7: {  	[dreg:$0x5] =	wrdreg $0x145000  }
0xb8: {  	[dreg:$0x6] =	wrdreg $0x9  }
0xb9: {  	_ =	task.clear_ibuf [dreg:s7], $0x7FFFF;
	_ =	strace $0x90000049  }
0xba: {  	s29 =	simm.s32 $0x9;
	_ =	strace $0x8000004B  }
0xbb: {  	_ =	swait.ge [sflag:s29], $0x1  }
0xbc: {  	[sflag:s29] =	ssyncadd.s32 $0xFFFFFFFF  }
0xbd: {  	_ =	strace $0x9000004B  }
0xbe: {  	_ =	sfence  }
0xbf: {  	s30 =	sld [smem:$0x0];
	_ =	sdelay $0x2  }
0xc0: {  	s31 =	sshll.u32 s1, $0xD;
	s1 =	sshrl.u32 s1, $0x2  }
0xc1: {  	s3 =	sand.u32 $0x4000, s31;
	s1 =	sadd.s32 s1, s30  }
0xc2: {  	s0 =	sor.u32 s3, s0;
	s1 =	sshll.u32 s1, $0x11  }
0xc3: {  	s0 =	sor.u32 s1, s0  }
0xc4: {  	s0 =	sadd.s32 $0x8F2B, s0  }
0xc5: {  	[sflag:s0] =	ssyncadd.remote.s32 $0x1  }
0xc6: {  	_ =	sfence.sel $0xFFFF  }
0xc7: {  	[dreg:$0x0] =	wrdreg $0xFFFFFFFF;
	(pc) =	sbr.abs _section_cstart, $3  }
0xc8: {  	[dreg:$0x1] =	wrdreg $0xFFFFFFFF  }
0xc9: {  	_ =	task.clear_ibuf [dreg:s7], $0x2FFFF;
	_ =	strace $0x9FFFFFFF  }
0xca: {  	(tm) =	ssettm $0x7FFFFFFF  }
0xcb: {  	_ =	shalt  }
tec
execute0_lowered:
.L_overlay_start_1:
0x0: {  	(tag) =	ssettag $0x1  }
0x1: {  	s0 =	rddreg [dreg:$0x0]  }
0x2: {  	s3 =	rddreg [dreg:$0x1]  }
0x3: {  	s1 =	rddreg [dreg:$0x2]  }
0x4: {  	s2 =	rddreg [dreg:$0x3]  }
0x5: {  	s4 =	srdreg.scid;
	s12 =	stileid.u32  }
0x6: {  	s28 =	simm.s32 $0xA300;
	s30 =	simm.s32 $0xA100;
	s31 =	simm.s32 $0xA380  }
0x7: {  	s13 =	simm.s32 $0x5;
	s14 =	simm.s32 $0x8;
	s7 =	smul.u32 $0xA000, s12  }
0x8: {  	s5 =	sand.u32 $0x1, s4;
	s4 =	simm.s32 $0x0;
	s8 =	smul.u32 $0xA00, s12  }
0x9: {  	s18 =	sshll.u32 s12, $0x6;
	s12 =	simm.s32 $0x2000;
	s6 =	smul.u32 $0x14000, s5  }
0xa: {  	[smem:$0x7FF] =	sst s4;
	s5 =	ssub.s32 $0x2, s5;
	s18 =	sor.u32 $0x1C10, s18  }
0xb: {  	_ =	strace $0x8000004A;
	s9 =	sshrl.u32 s5, $0x1;
	s10 =	sshrl.u32 s7, $0x3  }
0xc: {  	s11 =	sadd.s32 s7, s1;
	s19 =	sadd.s32 s7, s2;
	s7 =	sadd.s32 s3, s8  }
0xd: {  	s3 =	simm.s32 $0x0;
	[dreg:$0x6] =	wrdreg s18;
	s6 =	sadd.s32 s6, s0  }
0xe: {  	s0 =	sadd.s32 s8, s0;
	s5 =	ssub.s32 s5, s9;
	s20 =	sshrl.u32 s11, $0x3  }
0xf: {  	s23 =	sshrl.u32 s19, $0x3;
	s24 =	sadd.s32 $0x10, s7;
	s26 =	sadd.s32 $0x20, s7  }
0x10: {  	s11 =	simm.s32 $0x7;
	s19 =	simm.s32 $0xA400;
	[dreg:$0x9] =	wrdreg s23  }
0x11: {  	s17 =	sadd.s32 s10, s6;
	s8 =	sadd.s32 $0x2AE00, s0;
	[dreg:$0xa] =	wrdreg s24  }
0x12: {  	s21 =	sadd.s32 $0x34E00, s6;
	s22 =	smax.u32 s5, $0x1;
	[dreg:$0xc] =	wrdreg s26  }
0x13: {  	s23 =	simm.s32 $0xB;
	s26 =	simm.s32 $0xC;
	s24 =	simm.s32 $0x6  }
0x14: {  	s5 =	simm.s32 $0xF;
	s6 =	simm.s32 $0x4;
	[dreg:$0x8] =	wrdreg s20  }
.Ltmp0:
0x15: {  	s9 =	sadd.s32 $0x2E00, s17;
	[dreg:$0x7] =	wrdreg s22;
	(pc) =	sbr.rel .LBB2_1-.Ltmp0, $4  }
0x16: {  	s22 =	simm.s32 $0x10;
	s25 =	sadd.s32 $0x10, s8;
	[dreg:$0x5] =	wrdreg s9  }
0x17: {  	s29 =	sadd.s32 $0x20, s8;
	s0 =	sadd.s32 s10, s21;
	[dreg:$0xb] =	wrdreg s25  }
0x18: {  	s17 =	simm.s32 $0xE;
	s21 =	simm.s32 $0x3;
	[dreg:$0xd] =	wrdreg s29  }
0x19: {  	[dreg:$0xe] =	wrdreg s0;
	s25 =	simm.s32 $0x80;
	s0 =	simm.s32 $0xD  }
.LBB2_4:
0x1a: {  	_ =	swait.ge [sflag:s13], $0x2000  }
0x1b: {  	[sflag:s13] =	ssyncset.done $0x0  }
0x1c: {  	s3 =	simm.s32 $0xA480;
	[sflag:s13] =	ssyncadd.s32 $0xFFFFE000  }
0x1d: {  	[spmem:s1] =	stream.indirect.scatter.add.f32 [tilespmem:s9], [sflag:$0xA], $0x40, s3, s25, $0xb8;
	[tilespmem:$0x1E500] =	vst v63  }
0x1e: {  	_ =	swait.ge [sflag:s14], $0x2000  }
0x1f: {  	[sflag:s14] =	ssyncset.done $0x0  }
0x20: {  	s18 =	simm.s32 $0x9;
	[sflag:s14] =	ssyncadd.s32 $0xFFFFE000  }
0x21: {  	_ =	swait.ge [sflag:s18], $0x2000  }
0x22: {  	[sflag:s18] =	ssyncset.done $0x0  }
0x23: {  	s20 =	simm.s32 $0xA;
	[sflag:s18] =	ssyncadd.s32 $0xFFFFE000  }
0x24: {  	_ =	swait.ge [sflag:s20], $0x2000  }
0x25: {  	[sflag:s20] =	ssyncset.done $0x0  }
0x26: {  	[sflag:s20] =	ssyncadd.s32 $0xFFFFE000  }
0x27: {  	[bflag:$0x0] =	sbarrier.arrive $0xFFFF  }
0x28: {  	s18 =	rddreg [dreg:$0x6]  }
0x29: {  	s20 =	rddreg [dreg:$0x8]  }
0x2a: {  	s22 =	rddreg [dreg:$0xe]  }
0x2b: {  	[hbm:s22], [sflag:s18] =	dma.local [spmem:s20], $0x1400  }
0x2c: {  	s22 =	simm.s32 $0x10  }
0x2d: {  	_ =	swait.ge [sflag:s22], $0x1400  }
0x2e: {  	s29 =	rddreg [dreg:$0xf]  }
0x2f: {  	s16 =	rddreg [dreg:$0x7];
	s3 =	sadd.s32 $0x1, s29  }
0x30: {  	p0 =	sne.s32 s3, s16  }
.Ltmp1:
0x31: {  	_ = 	snop;
	(pc) =	sbr.rel @!p0 .LBB2_5-.Ltmp1, $3  }
0x32: {  	_ =	sdelay $0x1  }
0x33: {  	s28 =	simm.s32 $0xA300;
	s30 =	simm.s32 $0xA100;
	[sflag:s22] =	ssyncset.done $0x0  }
0x34: {  	s31 =	simm.s32 $0xA380;
	s12 =	simm.s32 $0x2000;
	[sflag:s22] =	ssyncadd.s32 $0xFFFFEC00  }
.LBB2_1:
0x35: {  	[dreg:$0xf] =	wrdreg s3  }
0x36: {  	s16 =	rddreg [dreg:$0x5]  }
0x37: {  	[spmem:s20], [sflag:s18] =	dma.local [hbm:s16], $0x1400  }
0x38: {  	_ =	swait.ge [sflag:s22], $0x1400  }
0x39: {  	[sflag:s22] =	ssyncset.done $0x0  }
0x3a: {  	s15 =	rddreg [dreg:$0x9];
	[sflag:s22] =	ssyncadd.s32 $0xFFFFEC00  }
0x3b: {  	[spmem:s15], [sflag:s18] =	dma.local [hbm:s16], $0x1400  }
0x3c: {  	_ =	swait.ge [sflag:s22], $0x1400  }
0x3d: {  	[sflag:s22] =	ssyncset.done $0x0  }
0x3e: {  	[sflag:s22] =	ssyncadd.s32 $0xFFFFEC00  }
0x3f: {  	s20 =	simm.s32 $0xA000;
	[bflag:$0x0] =	sbarrier.arrive $0xFFFF  }
0x40: {  	[tilespmem:s20], [sflag:$0xB] =	stream.linear.gather [hbm4b:s7+s4], $0x80, $0x38;
	[tilespmem:$0x1E500] =	vst v63  }
0x41: {  	s22 =	simm.s32 $0xA280  }
0x42: {  	[tilespmem:s22], [sflag:$0xB] =	stream.linear.gather [hbm4b:s8+s4], $0x80, $0x38;
	[tilespmem:$0x1E500] =	vst v63  }
0x43: {  	s9 =	simm.s32 $0xA080;
	s3 =	rddreg [dreg:$0xa]  }
0x44: {  	[tilespmem:s9], [sflag:$0xC] =	stream.linear.gather [hbm4b:s3+s4], $0x80, $0x38;
	[tilespmem:$0x1E500] =	vst v63  }
0x45: {  	s10 =	rddreg [dreg:$0xb]  }
0x46: {  	[tilespmem:s28], [sflag:$0xC] =	stream.linear.gather [hbm4b:s10+s4], $0x80, $0x38;
	[tilespmem:$0x1E500] =	vst v63  }
0x47: {  	s15 =	rddreg [dreg:$0xc]  }
0x48: {  	[tilespmem:s30], [sflag:$0xD] =	stream.linear.gather [hbm4b:s15+s4], $0x80, $0x38;
	[tilespmem:$0x1E500] =	vst v63  }
0x49: {  	s22 =	rddreg [dreg:$0xd]  }
0x4a: {  	[tilespmem:s31], [sflag:$0xD] =	stream.linear.gather [hbm4b:s22+s4], $0x80, $0x38;
	[tilespmem:$0x1E500] =	vst v63  }
0x4b: {  	_ =	swait.ge [sflag:s23], $0x80  }
0x4c: {  	[sflag:s23] =	ssyncset.done $0x0  }
0x4d: {  	[sflag:s23] =	ssyncadd.s32 $0xFFFFFF80  }
0x4e: {  	_ =	swait.ge [sflag:s23], $0x80  }
0x4f: {  	[sflag:s23] =	ssyncset.done $0x0  }
0x50: {  	[sflag:s23] =	ssyncadd.s32 $0xFFFFFF80  }
0x51: {  	[tilespmem:s4], [sflag:$0x1] =	stream.indirect.gather [spmem:s2], $0x40, s20, s25, $0xb8;
	[tilespmem:$0x1E500] =	vst v63  }
0x52: {  	_ =	swait.ge [sflag:s26], $0x80  }
0x53: {  	[sflag:s26] =	ssyncset.done $0x0  }
0x54: {  	[sflag:s26] =	ssyncadd.s32 $0xFFFFFF80  }
0x55: {  	_ =	swait.ge [sflag:s26], $0x80  }
0x56: {  	[sflag:s26] =	ssyncset.done $0x0  }
0x57: {  	s29 =	simm.s32 $0x8000;
	s16 =	simm.s32 $0x0;
	[sflag:s26] =	ssyncadd.s32 $0xFFFFFF80  }
0x58: {  	[tilespmem:s12], [sflag:$0x2] =	stream.indirect.gather [spmem:s2], $0x40, s9, s25, $0xb8;
	[tilespmem:$0x1E500] =	vst v63  }
.LBB2_2:
0x59: {  	s3 =	simm.s32 $0x1  }
0x5a: {  	_ =	swait.ge [sflag:s3], $0x2000  }
0x5b: {  	p0 =	seq.s32 s16, $0x0;
	[sflag:s3] =	ssyncset.done $0x0  }
0x5c: {  	s18 =	simm.s32 $0xA280;
	s20 =	simm.s32 @!p0 $0x9;
	[sflag:s3] =	ssyncadd.s32 $0xFFFFE000  }
0x5d: {  	[spmem:s1] =	stream.indirect.scatter.add.f32 [tilespmem:s4], [sflag:$0x6], $0x40, s18, s25, $0xb8;
	[tilespmem:$0x1E500] =	vst v63  }
0x5e: {  	_ =	swait.ge @!p0 [sflag:s20], $0x2000  }
0x5f: {  	s3 =	simm.s32 $0xA180;
	s18 =	sadd.s32 s16, s7;
	[sflag:s20] =	ssyncset.done @!p0 $0x0  }
0x60: {  	s10 =	sadd.s32 $0x30, s18;
	[sflag:s20] =	ssyncadd.s32 @!p0 $0xFFFFE000;
	s20 =	sadd.s32 s16, s8  }
0x61: {  	[tilespmem:s3], [sflag:$0xE] =	stream.linear.gather [hbm4b:s10+s4], $0x80, $0x38;
	[tilespmem:$0x1E500] =	vst v63  }
0x62: {  	s22 =	sadd.s32 $0x30, s20  }
0x63: {  	[tilespmem:s19], [sflag:$0xE] =	stream.linear.gather [hbm4b:s22+s4], $0x80, $0x38;
	[tilespmem:$0x1E500] =	vst v63  }
0x64: {  	_ =	swait.ge [sflag:s0], $0x80  }
0x65: {  	[sflag:s0] =	ssyncset.done $0x0  }
0x66: {  	[sflag:s0] =	ssyncadd.s32 $0xFFFFFF80  }
0x67: {  	_ =	swait.ge [sflag:s0], $0x80  }
0x68: {  	[sflag:s0] =	ssyncset.done $0x0  }
0x69: {  	s15 =	simm.s32 $0x4000;
	s9 =	simm.s32 $0x2;
	[sflag:s0] =	ssyncadd.s32 $0xFFFFFF80  }
0x6a: {  	[tilespmem:s15], [sflag:$0x3] =	stream.indirect.gather [spmem:s2], $0x40, s30, s25, $0xb8;
	[tilespmem:$0x1E500] =	vst v63  }
0x6b: {  	_ =	swait.ge [sflag:s9], $0x2000  }
0x6c: {  	[sflag:s9] =	ssyncset.done $0x0  }
0x6d: {  	s22 =	simm.s32 @!p0 $0xA;
	[sflag:s9] =	ssyncadd.s32 $0xFFFFE000  }
0x6e: {  	[spmem:s1] =	stream.indirect.scatter.add.f32 [tilespmem:s12], [sflag:$0x7], $0x40, s28, s25, $0xb8;
	[tilespmem:$0x1E500] =	vst v63  }
0x6f: {  	_ =	swait.ge @!p0 [sflag:s22], $0x2000  }
0x70: {  	[sflag:s22] =	ssyncset.done @!p0 $0x0  }
0x71: {  	s10 =	simm.s32 $0xA200;
	s12 =	sadd.s32 $0x40, s18;
	[sflag:s22] =	ssyncadd.s32 @!p0 $0xFFFFE000  }
0x72: {  	[tilespmem:s10], [sflag:$0xF] =	stream.linear.gather [hbm4b:s12+s4], $0x80, $0x38;
	[tilespmem:$0x1E500] =	vst v63  }
0x73: {  	s30 =	simm.s32 $0xA480;
	s28 =	sadd.s32 $0x40, s20  }
0x74: {  	[tilespmem:s30], [sflag:$0xF] =	stream.linear.gather [hbm4b:s28+s4], $0x80, $0x38;
	[tilespmem:$0x1E500] =	vst v63  }
0x75: {  	_ =	swait.ge [sflag:s17], $0x80  }
0x76: {  	[sflag:s17] =	ssyncset.done $0x0  }
0x77: {  	[sflag:s17] =	ssyncadd.s32 $0xFFFFFF80  }
0x78: {  	_ =	swait.ge [sflag:s17], $0x80  }
0x79: {  	[sflag:s17] =	ssyncset.done $0x0  }
0x7a: {  	s9 =	simm.s32 $0x6000;
	[sflag:s17] =	ssyncadd.s32 $0xFFFFFF80  }
0x7b: {  	[tilespmem:s9], [sflag:$0x4] =	stream.indirect.gather [spmem:s2], $0x40, s3, s25, $0xb8;
	[tilespmem:$0x1E500] =	vst v63  }
0x7c: {  	_ =	swait.ge [sflag:s21], $0x2000  }
0x7d: {  	[sflag:s21] =	ssyncset.done $0x0  }
0x7e: {  	p0 =	seq.s32 s16, $0x9B0;
	[sflag:s21] =	ssyncadd.s32 $0xFFFFE000  }
0x7f: {  	[spmem:s1] =	stream.indirect.scatter.add.f32 [tilespmem:s15], [sflag:$0x8], $0x40, s31, s25, $0xb8;
	[tilespmem:$0x1E500] =	vst v63  }
0x80: {  	s22 =	sadd.s32 @!p0 s16, s7;
	_ =	swait.ge [sflag:s24], $0x2000  }
0x81: {  	s22 =	sadd.s32 @!p0 $0x50, s22;
	[sflag:s24] =	ssyncset.done $0x0  }
0x82: {  	s28 =	simm.s32 @!p0 $0x0;
	s30 =	simm.s32 @!p0 $0xA000;
	[sflag:s24] =	ssyncadd.s32 $0xFFFFE000  }
0x83: {  	[tilespmem:s30], [sflag:$0xB] =	stream.linear.gather @!p0 [hbm4b:s22+s28], $0x80, $0x38;
	[tilespmem:$0x1E500] =	vst v63  }
0x84: {  	s22 =	sadd.s32 @!p0 s16, s8  }
0x85: {  	s30 =	simm.s32 @!p0 $0xA280;
	s22 =	sadd.s32 @!p0 $0x50, s22  }
0x86: {  	[tilespmem:s30], [sflag:$0xB] =	stream.linear.gather @!p0 [hbm4b:s22+s28], $0x80, $0x38;
	[tilespmem:$0x1E500] =	vst v63  }
0x87: {  	_ =	swait.ge [sflag:s5], $0x80  }
0x88: {  	[sflag:s5] =	ssyncset.done $0x0  }
0x89: {  	[sflag:s5] =	ssyncadd.s32 $0xFFFFFF80  }
0x8a: {  	_ =	swait.ge [sflag:s5], $0x80  }
0x8b: {  	[sflag:s5] =	ssyncset.done $0x0  }
0x8c: {  	[sflag:s5] =	ssyncadd.s32 $0xFFFFFF80  }
0x8d: {  	[tilespmem:s29], [sflag:$0x5] =	stream.indirect.gather [spmem:s2], $0x40, s10, s25, $0xb8;
	[tilespmem:$0x1E500] =	vst v63  }
0x8e: {  	_ =	swait.ge [sflag:s6], $0x2000  }
0x8f: {  	[sflag:s6] =	ssyncset.done $0x0  }
.Ltmp2:
0x90: {  	[sflag:s6] =	ssyncadd.s32 $0xFFFFE000;
	(pc) =	sbr.rel @p0 .LBB2_4-.Ltmp2, $4  }
0x91: {  	[spmem:s1] =	stream.indirect.scatter.add.f32 [tilespmem:s9], [sflag:$0x9], $0x40, s19, s25, $0xb8;
	[tilespmem:$0x1E500] =	vst v63  }
0x92: {  	s12 =	simm.s32 $0xA380;
	_ =	swait.ge [sflag:s11], $0x2000  }
0x93: {  	s3 =	simm.s32 $0xA100;
	s15 =	simm.s32 $0x2000;
	[sflag:s11] =	ssyncset.done $0x0  }
0x94: {  	s31 =	simm.s32 $0xA300;
	s9 =	simm.s32 $0x8000;
	[sflag:s11] =	ssyncadd.s32 $0xFFFFE000  }
0x95: {  	s22 =	sadd.s32 $0x60, s18;
	s28 =	simm.s32 $0xA080  }
0x96: {  	[tilespmem:s28], [sflag:$0xC] =	stream.linear.gather [hbm4b:s22+s4], $0x80, $0x38;
	[tilespmem:$0x1E500] =	vst v63  }
0x97: {  	s10 =	sadd.s32 $0x60, s20  }
0x98: {  	[tilespmem:s31], [sflag:$0xC] =	stream.linear.gather [hbm4b:s10+s4], $0x80, $0x38;
	[tilespmem:$0x1E500] =	vst v63  }
0x99: {  	_ =	swait.ge [sflag:s23], $0x80  }
0x9a: {  	[sflag:s23] =	ssyncset.done $0x0  }
0x9b: {  	[sflag:s23] =	ssyncadd.s32 $0xFFFFFF80  }
0x9c: {  	_ =	swait.ge [sflag:s23], $0x80  }
0x9d: {  	[sflag:s23] =	ssyncset.done $0x0  }
0x9e: {  	s10 =	simm.s32 $0xA000;
	[sflag:s23] =	ssyncadd.s32 $0xFFFFFF80  }
0x9f: {  	[tilespmem:s4], [sflag:$0x1] =	stream.indirect.gather [spmem:s2], $0x40, s10, s25, $0xb8;
	[tilespmem:$0x1E500] =	vst v63  }
0xa0: {  	_ =	swait.ge [sflag:s13], $0x2000  }
0xa1: {  	[sflag:s13] =	ssyncset.done $0x0  }
0xa2: {  	s10 =	simm.s32 $0xA480;
	[sflag:s13] =	ssyncadd.s32 $0xFFFFE000  }
0xa3: {  	[spmem:s1] =	stream.indirect.scatter.add.f32 [tilespmem:s9], [sflag:$0xA], $0x40, s10, s25, $0xb8;
	[tilespmem:$0x1E500] =	vst v63  }
0xa4: {  	_ =	swait.ge [sflag:s14], $0x2000  }
0xa5: {  	[sflag:s14] =	ssyncset.done $0x0  }
0xa6: {  	s10 =	sadd.s32 $0x70, s18;
	[sflag:s14] =	ssyncadd.s32 $0xFFFFE000  }
0xa7: {  	[tilespmem:s3], [sflag:$0xD] =	stream.linear.gather [hbm4b:s10+s4], $0x80, $0x38;
	[tilespmem:$0x1E500] =	vst v63  }
0xa8: {  	s22 =	sadd.s32 $0x70, s20  }
0xa9: {  	[tilespmem:s12], [sflag:$0xD] =	stream.linear.gather [hbm4b:s22+s4], $0x80, $0x38;
	[tilespmem:$0x1E500] =	vst v63  }
0xaa: {  	_ =	swait.ge [sflag:s26], $0x80  }
0xab: {  	[sflag:s26] =	ssyncset.done $0x0  }
0xac: {  	[sflag:s26] =	ssyncadd.s32 $0xFFFFFF80  }
.Ltmp3:
0xad: {  	_ =	swait.ge [sflag:s26], $0x80;
	(pc) =	sbr.rel .LBB2_2-.Ltmp3, $4  }
0xae: {  	s16 =	sadd.s32 $0x50, s16;
	[sflag:s26] =	ssyncset.done $0x0  }
0xaf: {  	s30 =	simm.s32 $0xA100;
	s29 =	simm.s32 $0x8000;
	[sflag:s26] =	ssyncadd.s32 $0xFFFFFF80  }
0xb0: {  	[tilespmem:s15], [sflag:$0x2] =	stream.indirect.gather [spmem:s2], $0x40, s28, s25, $0xb8;
	[tilespmem:$0x1E500] =	vst v63  }
0xb1: {  	s31 =	simm.s32 $0xA380;
	s12 =	simm.s32 $0x2000;
	s28 =	simm.s32 $0xA300  }
.LBB2_5:
0xb2: {  	_ =	sfence.sel $0x180000  }
0xb3: {  	[bflag:$0x0] =	sbarrier.arrive $0xFFFF  }
0xb4: {  	_ =	strace $0x9000004A  }
0xb5: {  	s0 =	stileid.u32;
	[bflag:$0x2] =	sbarrier.arrive $0xFFFF  }
0xb6: {  	p0 =	sne.s32 s0, $0x0;
	s0 =	rddreg [dreg:$0x4]  }
0xb7: {  	s0 =	sadd.s32 @!p0 $0x100000, s0  }
0xb8: {  	[sflag:s0] =	ssyncadd.tile.s32 @!p0 $0x1;
	_ =	shalt  }
.Lfunc_end2:
_tile_overlayer_lowered:
.L_overlay_start_2:
0xb9: {  	(tag) =	ssettag $0x2  }
0xba: {  	s0 =	rddreg [dreg:$0x0];
	s2 =	stileid.u32  }
0xbb: {  	s1 =	rddreg [dreg:$0x1];
	p0 =	sne.s32 s2, $0x0  }
0xbc: {  	s3 =	rddreg [dreg:$0x2];
	[bflag:$0x3] =	sbarrier.arrive $0xFFFF;
	s2 =	simm.s32 @!p0 $0x1C10  }
0xbd: {  	[timem:s3], [sflag:s2] =	dma.local @!p0 [hbm:s0], s1  }
0xbe: {  	s0 =	simm.s32 @!p0 $0x10  }
0xbf: {  	_ =	swait.ge @!p0 [sflag:s0], s1  }
0xc0: {  	s1 =	ssub.s32 @!p0 $0x0, s1;
	[sflag:s0] =	ssyncset.done @!p0 $0x0  }
0xc1: {  	[sflag:s0] =	ssyncadd.s32 @!p0 s1  }
0xc2: {  	[bflag:$0x3] =	sbarrier.arrive $0xFFFF  }
0xc3: {  	_ =	shalt  }

// kernel: kernel.14.cloned.1.call-start
scs
__scs_entry_jumppad:
0x0: {  	(pc) =	sbr.rel $0x88, $3  }
0x1: {  	(tag) =	ssettag $0x0;
	lr =	simm.s32 $0x1  }
0x2: {  	[smem:$0x3F8C] =	sst lr;
	_ =	strace $0xD0000000  }
0x3: {  	_ = 	snop  }
0x4: {  	_ = 	snop  }
0x5: {  	_ = 	snop  }
0x6: {  	_ = 	snop  }
0x7: {  	_ = 	snop  }
__scs_overlays_trampoline_lowered:
0x8: {  	[smem:$0x3F9B] =	sst s0  }
0x9: {  	[smem:$0x3F9C] =	sst s1  }
0xa: {  	[smem:$0x3F9D] =	sst s2  }
0xb: {  	[smem:$0x3F9E] =	sst s3  }
0xc: {  	[smem:$0x3F9F] =	sst s4  }
0xd: {  	[smem:$0x3FA0] =	sst s5  }
0xe: {  	[smem:$0x3FA1] =	sst s6  }
0xf: {  	[smem:$0x3FA2] =	sst s7  }
0x10: {  	[smem:$0x3FA3] =	sst s8  }
0x11: {  	[smem:$0x3FA4] =	sst s9;
	s0 =	simm.s32 @!p0 $0x0  }
0x12: {  	s1 =	sld [smem:$0x3F8A];
	s0 =	simm.s32 @p0 $0x1  }
0x13: {  	[smem:$0x3FA5] =	sst s0;
	s0 =	simm.s32 @!p1 $0x0  }
0x14: {  	s2 =	sld [smem:$0x3F89];
	s0 =	simm.s32 @p1 $0x1  }
0x15: {  	[smem:$0x3FA6] =	sst s0;
	s0 =	simm.s32 @!p2 $0x0  }
0x16: {  	s3 =	sld [smem:$0x3FDB];
	s0 =	simm.s32 @p2 $0x1  }
0x17: {  	s4 =	simm.s32 $0x1BF5;
	[smem:$0x3FA8] =	sst s0  }
0x18: {  	s0 =	sld [smem:$0x3F8B];
	_ =	swait.ge [sflag:s4], $0x0  }
0x19: {  	s7 =	sld [smem:$0x3F8C]  }
0x1a: {  	s8 =	sadd.s32 $0xFFFFE003, lr  }
0x1b: {  	s9 =	sadd.s32 $0xFFFFFEF7, lr;
	s5 =	simm.s32 $0xFFFFFFFF;
	p2 =	slt.u32 s8, $0xFFFFF086  }
0x1c: {  	p1 =	slt.u32 s9, $0xF7A;
	s5 =	simm.s32 @!p2 $0x0  }
0x1d: {  	s5 =	simm.s32 @p1 $0x1;
	p0 =	seq.s32 s7, s2  }
0x1e: {  	s7 =	smul.u32 @!p0 $0xF7A, s2;
	p2 =	seq.s32 @!p0 s5, $0x0  }
0x1f: {  	s9 =	smul.u32 $0xF7A, s1;
	s8 =	simm.s32 @!p0 $0x1BF5;
	p2 =	por !p2, p0  }
0x20: {  	[sflag:s8] =	ssyncset.s32 @!p0 $0xFFFFF086;
	s6 =	sadd.s32 @!p0 s3, s7;
	s7 =	simm.s32 @!p0 $0x108  }
0x21: {  	s3 =	sadd.s32 s3, s9;
	s6 =	sadd.s32 @!p0 $0x88, s6;
	s7 =	simm.s32 @p2 $0x1082  }
0x22: {  	[simem:s7], [sflag:s8] =	dma.local @!p0 [hbm:s6], $0xF7A  }
0x23: {  	s9 =	sor.u32 $0xD0000000, s2;
	s6 =	simm.s32 $0x108;
	_ =	swait.ge @!p0 [sflag:s8], $0x0  }
0x24: {  	s3 =	sadd.s32 $0x88, s3;
	s6 =	simm.s32 @!p1 $0x1082;
	[sflag:s4] =	ssyncset.s32 $0xFFFFF086  }
0x25: {  	[simem:s6], [sflag:s4] =	dma.local [hbm:s3], $0xF7A  }
0x26: {  	[smem:$0x3F8C] =	sst s1;
	(tag) =	ssettag s2;
	_ =	strace s9  }
0x27: {  	s1 =	sld [smem:$0x3F9C]  }
0x28: {  	s2 =	sld [smem:$0x3F9D]  }
0x29: {  	s4 =	sld [smem:$0x3F9F]  }
0x2a: {  	p0 =	seq.s32 s5, $0x0;
	s5 =	sld [smem:$0x3FA0]  }
0x2b: {  	s6 =	sld [smem:$0x3FA1]  }
0x2c: {  	s7 =	sld [smem:$0x3FA2]  }
0x2d: {  	s3 =	simm.s32 $0x108;
	s8 =	sld [smem:$0x3FA3]  }
0x2e: {  	s3 =	simm.s32 @!p0 $0x1082;
	s9 =	sld [smem:$0x3FA4]  }
0x2f: {  	lr =	sadd.s32 s0, s3;
	s0 =	sld [smem:$0x3F9B]  }
0x30: {  	s3 =	sld [smem:$0x3F9E]  }
0x31: {  	[smem:$0x3FA7] =	sst s10  }
0x32: {  	s10 =	sld [smem:$0x3FA5];
	_ =	sdelay $0x3  }
0x33: {  	p0 =	seq.s32 s10, $0x1;
	s10 =	sld [smem:$0x3FA7];
	_ =	sdelay $0x3  }
0x34: {  	[smem:$0x3FA7] =	sst s10  }
0x35: {  	s10 =	sld [smem:$0x3FA6];
	_ =	sdelay $0x3  }
0x36: {  	p1 =	seq.s32 s10, $0x1;
	s10 =	sld [smem:$0x3FA7];
	_ =	sdelay $0x3  }
0x37: {  	[smem:$0x3FA7] =	sst s10  }
0x38: {  	s10 =	sld [smem:$0x3FA8]  }
0x39: {  	_ = 	snop;
	(pc) =	sbr.ind lr, $3  }
0x3a: {  	_ = 	snop  }
0x3b: {  	_ = 	snop  }
0x3c: {  	p2 =	seq.s32 s10, $0x1;
	s10 =	sld [smem:$0x3FA7]  }
0x3d: {  	_ =	shalt  }
0x3e: {  	_ =	shalt  }
0x3f: {  	_ =	shalt  }
0x40: {  	_ =	shalt  }
0x41: {  	_ =	shalt  }
0x42: {  	_ =	shalt  }
0x43: {  	_ =	shalt  }
0x44: {  	_ =	shalt  }
0x45: {  	_ =	shalt  }
0x46: {  	_ =	shalt  }
0x47: {  	_ =	shalt  }
0x48: {  	_ =	shalt  }
0x49: {  	_ =	shalt  }
0x4a: {  	_ =	shalt  }
0x4b: {  	_ =	shalt  }
0x4c: {  	_ =	shalt  }
0x4d: {  	_ =	shalt  }
0x4e: {  	_ =	shalt  }
0x4f: {  	_ =	shalt  }
0x50: {  	_ =	shalt  }
0x51: {  	_ =	shalt  }
0x52: {  	_ =	shalt  }
0x53: {  	_ =	shalt  }
0x54: {  	_ =	shalt  }
0x55: {  	_ =	shalt  }
0x56: {  	_ =	shalt  }
0x57: {  	_ =	shalt  }
0x58: {  	_ =	shalt  }
0x59: {  	_ =	shalt  }
0x5a: {  	_ =	shalt  }
0x5b: {  	_ =	shalt  }
0x5c: {  	_ =	shalt  }
0x5d: {  	_ =	shalt  }
0x5e: {  	_ =	shalt  }
0x5f: {  	_ =	shalt  }
0x60: {  	_ =	shalt  }
0x61: {  	_ =	shalt  }
0x62: {  	_ =	shalt  }
0x63: {  	_ =	shalt  }
0x64: {  	_ =	shalt  }
0x65: {  	_ =	shalt  }
0x66: {  	_ =	shalt  }
0x67: {  	_ =	shalt  }
0x68: {  	_ =	shalt  }
0x69: {  	_ =	shalt  }
0x6a: {  	_ =	shalt  }
0x6b: {  	_ =	shalt  }
0x6c: {  	_ =	shalt  }
0x6d: {  	_ =	shalt  }
0x6e: {  	_ =	shalt  }
0x6f: {  	_ =	shalt  }
0x70: {  	_ =	shalt  }
0x71: {  	_ =	shalt  }
0x72: {  	_ =	shalt  }
0x73: {  	_ =	shalt  }
0x74: {  	_ =	shalt  }
0x75: {  	_ =	shalt  }
0x76: {  	_ =	shalt  }
0x77: {  	_ =	shalt  }
0x78: {  	_ =	shalt  }
0x79: {  	_ =	shalt  }
0x7a: {  	_ =	shalt  }
0x7b: {  	_ =	shalt  }
0x7c: {  	_ =	shalt  }
0x7d: {  	_ =	shalt  }
0x7e: {  	_ =	shalt  }
0x7f: {  	_ =	shalt  }
0x80: {  	_ =	shalt  }
0x81: {  	_ =	shalt  }
0x82: {  	_ =	shalt  }
0x83: {  	_ =	shalt  }
0x84: {  	_ =	shalt  }
0x85: {  	_ =	shalt  }
0x86: {  	_ =	shalt  }
0x87: {  	_ =	shalt  }
.Lfunc_end0:
.L_simem_size_0:
called_computation.2_lowered:
.L_overlay_start_0:
0x88: {  	s2 =	sld [smem:$0x3FD9]  }
0x89: {  	s3 =	sld [smem:$0x3FFE];
	_ =	sdelay $0x1  }
0x8a: {  	s1 =	srdreg.scid  }
0x8b: {  	s0 =	sand.u32 $0x1, s1  }
0x8c: {  	s14 =	sshll.u32 s0, $0xA;
	s2 =	sadd.s32 s3, s2  }
0x8d: {  	s2 =	sadd.s32 s2, s14  }
0x8e: {  	[smem:$0x3FB3] =	sst s2  }
0x8f: {  	_ = 	snop  }
0x90: {  	s2 =	sld [smem:$0x3FD0];
	_ =	sdelay $0x2  }
0x91: {  	s15 =	simm.s32 $0xA;
	s4 =	simm.s32 $0x10  }
0x92: {  	[smem:s4], [sflag:s15] =	dma.local [hbm:s2], $0x1  }
0x93: {  	_ =	swait.eq [sflag:s15], $0x1  }
0x94: {  	[sflag:s15] =	ssyncset.done $0x0  }
0x95: {  	[sflag:s15] =	ssyncadd.s32 $0xFFFFFFFF  }
0x96: {  	s16 =	sld [smem:$0x10];
	(tm) =	ssettm $0x1  }
0x97: {  	s17 =	sld [smem:$0x3FFB];
	_ =	sdelay $0x3  }
0x98: {  	_ =	strace s17  }
0x99: {  	s3 =	sld [smem:$0x3FFC];
	_ =	sdelay $0x3  }
0x9a: {  	_ =	strace s3  }
0x9b: {  	s3 =	sld [smem:$0x3FFD];
	_ =	sdelay $0x3  }
0x9c: {  	_ =	strace s3  }
0x9d: {  	_ =	strace $0x8FFFFFFF  }
0x9e: {  	s18 =	sld [smem:$0x3FDB];
	_ =	sdelay $0x1  }
0x9f: {  	s19 =	simm.s32 $_scs_section_size  }
0xa0: {  	s5 =	simm.s32 $_size__tile_overlayer_lowered;
	s6 =	simm.s32 $_tile_overlayer_lowered  }
0xa1: {  	s22 =	simm.s32 $0x1BFF;
	s21 =	sshll.u32 s6, $0x1;
	s3 =	sadd.s32 s19, s18  }
0xa2: {  	s7 =	simm.s32 $0x0;
	s20 =	sshll.u32 s5, $0x1;
	s5 =	sadd.s32 s21, s3  }
0xa3: {  	[timem:s7], [sflag:s22] =	dma.local [hbm:s5], s20  }
0xa4: {  	_ =	swait.ge [sflag:s22], s20  }
0xa5: {  	s4 =	ssub.s32 $0x0, s20;
	[sflag:s22] =	ssyncset.done $0x0  }
0xa6: {  	[sflag:s22] =	ssyncadd.s32 s4;
	_ =	sdelay $0x1  }
0xa7: {  	s23 =	simm.s32 $0x1B8B  }
0xa8: {  	_ =	swait.ge [sflag:s23], $0x1  }
0xa9: {  	[sflag:s23] =	ssyncset.done $0x0  }
0xaa: {  	s25 =	simm.s32 $0x1B8E;
	s24 =	sld [smem:$0x3FFE];
	[sflag:s23] =	ssyncadd.s32 $0xFFFFFFFF  }
0xab: {  	s26 =	simm.s32 $execute0_lowered;
	[smem:$0x3FD2] =	sst s25  }
0xac: {  	s5 =	sshll.u32 s26, $0x1;
	_ =	strace $0x8000004C;
	[dreg:$0x1] =	wrdreg $0xFFFFFFFF  }
0xad: {  	s28 =	simm.s32 $_size_execute0_lowered;
	s3 =	sadd.s32 s3, s5;
	[dreg:$0x0] =	wrdreg $0x0  }
0xae: {  	s5 =	sshll.u32 s28, $0x1;
	[dreg:$0x2] =	wrdreg s3  }
0xaf: {  	[dreg:$0x3] =	wrdreg s5  }
0xb0: {  	[dreg:$0x4] =	wrdreg $0xC0  }
0xb1: {  	_ =	task [dreg:s7], $0x5FFFF  }
0xb2: {  	[dreg:$0x1] =	wrdreg $0xFFFFFFFF  }
0xb3: {  	[dreg:$0x0] =	wrdreg $0x60  }
0xb4: {  	[dreg:$0x2] =	wrdreg s24  }
0xb5: {  	[dreg:$0x3] =	wrdreg s16  }
0xb6: {  	[dreg:$0x4] =	wrdreg $0xA5000  }
0xb7: {  	[dreg:$0x5] =	wrdreg $0x145000  }
0xb8: {  	[dreg:$0x6] =	wrdreg $0x9  }
0xb9: {  	_ =	task.clear_ibuf [dreg:s7], $0x7FFFF;
	_ =	strace $0x9000004C  }
0xba: {  	s29 =	simm.s32 $0x9;
	_ =	strace $0x8000004E  }
0xbb: {  	_ =	swait.ge [sflag:s29], $0x1  }
0xbc: {  	[sflag:s29] =	ssyncadd.s32 $0xFFFFFFFF  }
0xbd: {  	_ =	strace $0x9000004E  }
0xbe: {  	_ =	sfence  }
0xbf: {  	s30 =	sld [smem:$0x0];
	_ =	sdelay $0x2  }
0xc0: {  	s31 =	sshll.u32 s1, $0xD;
	s1 =	sshrl.u32 s1, $0x2  }
0xc1: {  	s3 =	sand.u32 $0x4000, s31;
	s1 =	sadd.s32 s1, s30  }
0xc2: {  	s0 =	sor.u32 s3, s0;
	s1 =	sshll.u32 s1, $0x11  }
0xc3: {  	s0 =	sor.u32 s1, s0  }
0xc4: {  	s0 =	sadd.s32 $0x8F2B, s0  }
0xc5: {  	[sflag:s0] =	ssyncadd.remote.s32 $0x1  }
0xc6: {  	_ =	sfence.sel $0xFFFF  }
0xc7: {  	[dreg:$0x0] =	wrdreg $0xFFFFFFFF;
	(pc) =	sbr.abs _section_cstart, $3  }
0xc8: {  	[dreg:$0x1] =	wrdreg $0xFFFFFFFF  }
0xc9: {  	_ =	task.clear_ibuf [dreg:s7], $0x2FFFF;
	_ =	strace $0x9FFFFFFF  }
0xca: {  	(tm) =	ssettm $0x7FFFFFFF  }
0xcb: {  	_ =	shalt  }
tec
execute0_lowered:
.L_overlay_start_1:
0x0: {  	(tag) =	ssettag $0x1  }
0x1: {  	s0 =	rddreg [dreg:$0x0]  }
0x2: {  	s3 =	rddreg [dreg:$0x1]  }
0x3: {  	s1 =	rddreg [dreg:$0x2]  }
0x4: {  	s2 =	rddreg [dreg:$0x3]  }
0x5: {  	s4 =	srdreg.scid;
	s12 =	stileid.u32  }
0x6: {  	s28 =	simm.s32 $0xA300;
	s30 =	simm.s32 $0xA100;
	s31 =	simm.s32 $0xA380  }
0x7: {  	s13 =	simm.s32 $0x5;
	s14 =	simm.s32 $0x8;
	s7 =	smul.u32 $0xA000, s12  }
0x8: {  	s5 =	sand.u32 $0x1, s4;
	s4 =	simm.s32 $0x0;
	s8 =	smul.u32 $0xA00, s12  }
0x9: {  	s18 =	sshll.u32 s12, $0x6;
	s12 =	simm.s32 $0x2000;
	s6 =	smul.u32 $0x14000, s5  }
0xa: {  	[smem:$0x7FF] =	sst s4;
	s5 =	ssub.s32 $0x2, s5;
	s18 =	sor.u32 $0x1C10, s18  }
0xb: {  	_ =	strace $0x8000004D;
	s9 =	sshrl.u32 s5, $0x1;
	s10 =	sshrl.u32 s7, $0x3  }
0xc: {  	s11 =	sadd.s32 s7, s1;
	s19 =	sadd.s32 s7, s2;
	s7 =	sadd.s32 s3, s8  }
0xd: {  	s3 =	simm.s32 $0x0;
	[dreg:$0x6] =	wrdreg s18;
	s6 =	sadd.s32 s6, s0  }
0xe: {  	s0 =	sadd.s32 s8, s0;
	s5 =	ssub.s32 s5, s9;
	s20 =	sshrl.u32 s11, $0x3  }
0xf: {  	s23 =	sshrl.u32 s19, $0x3;
	s24 =	sadd.s32 $0x10, s7;
	s26 =	sadd.s32 $0x20, s7  }
0x10: {  	s11 =	simm.s32 $0x7;
	s19 =	simm.s32 $0xA400;
	[dreg:$0x9] =	wrdreg s23  }
0x11: {  	s17 =	sadd.s32 s10, s6;
	s8 =	sadd.s32 $0x2AE00, s0;
	[dreg:$0xa] =	wrdreg s24  }
0x12: {  	s21 =	sadd.s32 $0x34E00, s6;
	s22 =	smax.u32 s5, $0x1;
	[dreg:$0xc] =	wrdreg s26  }
0x13: {  	s23 =	simm.s32 $0xB;
	s26 =	simm.s32 $0xC;
	s24 =	simm.s32 $0x6  }
0x14: {  	s5 =	simm.s32 $0xF;
	s6 =	simm.s32 $0x4;
	[dreg:$0x8] =	wrdreg s20  }
.Ltmp0:
0x15: {  	s9 =	sadd.s32 $0x2E00, s17;
	[dreg:$0x7] =	wrdreg s22;
	(pc) =	sbr.rel .LBB2_1-.Ltmp0, $4  }
0x16: {  	s22 =	simm.s32 $0x10;
	s25 =	sadd.s32 $0x10, s8;
	[dreg:$0x5] =	wrdreg s9  }
0x17: {  	s29 =	sadd.s32 $0x20, s8;
	s0 =	sadd.s32 s10, s21;
	[dreg:$0xb] =	wrdreg s25  }
0x18: {  	s17 =	simm.s32 $0xE;
	s21 =	simm.s32 $0x3;
	[dreg:$0xd] =	wrdreg s29  }
0x19: {  	[dreg:$0xe] =	wrdreg s0;
	s25 =	simm.s32 $0x80;
	s0 =	simm.s32 $0xD  }
.LBB2_4:
0x1a: {  	_ =	swait.ge [sflag:s13], $0x2000  }
0x1b: {  	[sflag:s13] =	ssyncset.done $0x0  }
0x1c: {  	s3 =	simm.s32 $0xA480;
	[sflag:s13] =	ssyncadd.s32 $0xFFFFE000  }
0x1d: {  	[spmem:s1] =	stream.indirect.scatter.add.f32 [tilespmem:s9], [sflag:$0xA], $0x40, s3, s25, $0xb8;
	[tilespmem:$0x1E500] =	vst v63  }
0x1e: {  	_ =	swait.ge [sflag:s14], $0x2000  }
0x1f: {  	[sflag:s14] =	ssyncset.done $0x0  }
0x20: {  	s18 =	simm.s32 $0x9;
	[sflag:s14] =	ssyncadd.s32 $0xFFFFE000  }
0x21: {  	_ =	swait.ge [sflag:s18], $0x2000  }
0x22: {  	[sflag:s18] =	ssyncset.done $0x0  }
0x23: {  	s20 =	simm.s32 $0xA;
	[sflag:s18] =	ssyncadd.s32 $0xFFFFE000  }
0x24: {  	_ =	swait.ge [sflag:s20], $0x2000  }
0x25: {  	[sflag:s20] =	ssyncset.done $0x0  }
0x26: {  	[sflag:s20] =	ssyncadd.s32 $0xFFFFE000  }
0x27: {  	[bflag:$0x0] =	sbarrier.arrive $0xFFFF  }
0x28: {  	s18 =	rddreg [dreg:$0x6]  }
0x29: {  	s20 =	rddreg [dreg:$0x8]  }
0x2a: {  	s22 =	rddreg [dreg:$0xe]  }
0x2b: {  	[hbm:s22], [sflag:s18] =	dma.local [spmem:s20], $0x1400  }
0x2c: {  	s22 =	simm.s32 $0x10  }
0x2d: {  	_ =	swait.ge [sflag:s22], $0x1400  }
0x2e: {  	s29 =	rddreg [dreg:$0xf]  }
0x2f: {  	s16 =	rddreg [dreg:$0x7];
	s3 =	sadd.s32 $0x1, s29  }
0x30: {  	p0 =	sne.s32 s3, s16  }
.Ltmp1:
0x31: {  	_ = 	snop;
	(pc) =	sbr.rel @!p0 .LBB2_5-.Ltmp1, $3  }
0x32: {  	_ =	sdelay $0x1  }
0x33: {  	s28 =	simm.s32 $0xA300;
	s30 =	simm.s32 $0xA100;
	[sflag:s22] =	ssyncset.done $0x0  }
0x34: {  	s31 =	simm.s32 $0xA380;
	s12 =	simm.s32 $0x2000;
	[sflag:s22] =	ssyncadd.s32 $0xFFFFEC00  }
.LBB2_1:
0x35: {  	[dreg:$0xf] =	wrdreg s3  }
0x36: {  	s16 =	rddreg [dreg:$0x5]  }
0x37: {  	[spmem:s20], [sflag:s18] =	dma.local [hbm:s16], $0x1400  }
0x38: {  	_ =	swait.ge [sflag:s22], $0x1400  }
0x39: {  	[sflag:s22] =	ssyncset.done $0x0  }
0x3a: {  	s15 =	rddreg [dreg:$0x9];
	[sflag:s22] =	ssyncadd.s32 $0xFFFFEC00  }
0x3b: {  	[spmem:s15], [sflag:s18] =	dma.local [hbm:s16], $0x1400  }
0x3c: {  	_ =	swait.ge [sflag:s22], $0x1400  }
0x3d: {  	[sflag:s22] =	ssyncset.done $0x0  }
0x3e: {  	[sflag:s22] =	ssyncadd.s32 $0xFFFFEC00  }
0x3f: {  	s20 =	simm.s32 $0xA000;
	[bflag:$0x0] =	sbarrier.arrive $0xFFFF  }
0x40: {  	[tilespmem:s20], [sflag:$0xB] =	stream.linear.gather [hbm4b:s7+s4], $0x80, $0x38;
	[tilespmem:$0x1E500] =	vst v63  }
0x41: {  	s22 =	simm.s32 $0xA280  }
0x42: {  	[tilespmem:s22], [sflag:$0xB] =	stream.linear.gather [hbm4b:s8+s4], $0x80, $0x38;
	[tilespmem:$0x1E500] =	vst v63  }
0x43: {  	s9 =	simm.s32 $0xA080;
	s3 =	rddreg [dreg:$0xa]  }
0x44: {  	[tilespmem:s9], [sflag:$0xC] =	stream.linear.gather [hbm4b:s3+s4], $0x80, $0x38;
	[tilespmem:$0x1E500] =	vst v63  }
0x45: {  	s10 =	rddreg [dreg:$0xb]  }
0x46: {  	[tilespmem:s28], [sflag:$0xC] =	stream.linear.gather [hbm4b:s10+s4], $0x80, $0x38;
	[tilespmem:$0x1E500] =	vst v63  }
0x47: {  	s15 =	rddreg [dreg:$0xc]  }
0x48: {  	[tilespmem:s30], [sflag:$0xD] =	stream.linear.gather [hbm4b:s15+s4], $0x80, $0x38;
	[tilespmem:$0x1E500] =	vst v63  }
0x49: {  	s22 =	rddreg [dreg:$0xd]  }
0x4a: {  	[tilespmem:s31], [sflag:$0xD] =	stream.linear.gather [hbm4b:s22+s4], $0x80, $0x38;
	[tilespmem:$0x1E500] =	vst v63  }
0x4b: {  	_ =	swait.ge [sflag:s23], $0x80  }
0x4c: {  	[sflag:s23] =	ssyncset.done $0x0  }
0x4d: {  	[sflag:s23] =	ssyncadd.s32 $0xFFFFFF80  }
0x4e: {  	_ =	swait.ge [sflag:s23], $0x80  }
0x4f: {  	[sflag:s23] =	ssyncset.done $0x0  }
0x50: {  	[sflag:s23] =	ssyncadd.s32 $0xFFFFFF80  }
0x51: {  	[tilespmem:s4], [sflag:$0x1] =	stream.indirect.gather [spmem:s2], $0x40, s20, s25, $0xb8;
	[tilespmem:$0x1E500] =	vst v63  }
0x52: {  	_ =	swait.ge [sflag:s26], $0x80  }
0x53: {  	[sflag:s26] =	ssyncset.done $0x0  }
0x54: {  	[sflag:s26] =	ssyncadd.s32 $0xFFFFFF80  }
0x55: {  	_ =	swait.ge [sflag:s26], $0x80  }
0x56: {  	[sflag:s26] =	ssyncset.done $0x0  }
0x57: {  	s29 =	simm.s32 $0x8000;
	s16 =	simm.s32 $0x0;
	[sflag:s26] =	ssyncadd.s32 $0xFFFFFF80  }
0x58: {  	[tilespmem:s12], [sflag:$0x2] =	stream.indirect.gather [spmem:s2], $0x40, s9, s25, $0xb8;
	[tilespmem:$0x1E500] =	vst v63  }
.LBB2_2:
0x59: {  	s3 =	simm.s32 $0x1  }
0x5a: {  	_ =	swait.ge [sflag:s3], $0x2000  }
0x5b: {  	p0 =	seq.s32 s16, $0x0;
	[sflag:s3] =	ssyncset.done $0x0  }
0x5c: {  	s18 =	simm.s32 $0xA280;
	s20 =	simm.s32 @!p0 $0x9;
	[sflag:s3] =	ssyncadd.s32 $0xFFFFE000  }
0x5d: {  	[spmem:s1] =	stream.indirect.scatter.add.f32 [tilespmem:s4], [sflag:$0x6], $0x40, s18, s25, $0xb8;
	[tilespmem:$0x1E500] =	vst v63  }
0x5e: {  	_ =	swait.ge @!p0 [sflag:s20], $0x2000  }
0x5f: {  	s3 =	simm.s32 $0xA180;
	s18 =	sadd.s32 s16, s7;
	[sflag:s20] =	ssyncset.done @!p0 $0x0  }
0x60: {  	s10 =	sadd.s32 $0x30, s18;
	[sflag:s20] =	ssyncadd.s32 @!p0 $0xFFFFE000;
	s20 =	sadd.s32 s16, s8  }
0x61: {  	[tilespmem:s3], [sflag:$0xE] =	stream.linear.gather [hbm4b:s10+s4], $0x80, $0x38;
	[tilespmem:$0x1E500] =	vst v63  }
0x62: {  	s22 =	sadd.s32 $0x30, s20  }
0x63: {  	[tilespmem:s19], [sflag:$0xE] =	stream.linear.gather [hbm4b:s22+s4], $0x80, $0x38;
	[tilespmem:$0x1E500] =	vst v63  }
0x64: {  	_ =	swait.ge [sflag:s0], $0x80  }
0x65: {  	[sflag:s0] =	ssyncset.done $0x0  }
0x66: {  	[sflag:s0] =	ssyncadd.s32 $0xFFFFFF80  }
0x67: {  	_ =	swait.ge [sflag:s0], $0x80  }
0x68: {  	[sflag:s0] =	ssyncset.done $0x0  }
0x69: {  	s15 =	simm.s32 $0x4000;
	s9 =	simm.s32 $0x2;
	[sflag:s0] =	ssyncadd.s32 $0xFFFFFF80  }
0x6a: {  	[tilespmem:s15], [sflag:$0x3] =	stream.indirect.gather [spmem:s2], $0x40, s30, s25, $0xb8;
	[tilespmem:$0x1E500] =	vst v63  }
0x6b: {  	_ =	swait.ge [sflag:s9], $0x2000  }
0x6c: {  	[sflag:s9] =	ssyncset.done $0x0  }
0x6d: {  	s22 =	simm.s32 @!p0 $0xA;
	[sflag:s9] =	ssyncadd.s32 $0xFFFFE000  }
0x6e: {  	[spmem:s1] =	stream.indirect.scatter.add.f32 [tilespmem:s12], [sflag:$0x7], $0x40, s28, s25, $0xb8;
	[tilespmem:$0x1E500] =	vst v63  }
0x6f: {  	_ =	swait.ge @!p0 [sflag:s22], $0x2000  }
0x70: {  	[sflag:s22] =	ssyncset.done @!p0 $0x0  }
0x71: {  	s10 =	simm.s32 $0xA200;
	s12 =	sadd.s32 $0x40, s18;
	[sflag:s22] =	ssyncadd.s32 @!p0 $0xFFFFE000  }
0x72: {  	[tilespmem:s10], [sflag:$0xF] =	stream.linear.gather [hbm4b:s12+s4], $0x80, $0x38;
	[tilespmem:$0x1E500] =	vst v63  }
0x73: {  	s30 =	simm.s32 $0xA480;
	s28 =	sadd.s32 $0x40, s20  }
0x74: {  	[tilespmem:s30], [sflag:$0xF] =	stream.linear.gather [hbm4b:s28+s4], $0x80, $0x38;
	[tilespmem:$0x1E500] =	vst v63  }
0x75: {  	_ =	swait.ge [sflag:s17], $0x80  }
0x76: {  	[sflag:s17] =	ssyncset.done $0x0  }
0x77: {  	[sflag:s17] =	ssyncadd.s32 $0xFFFFFF80  }
0x78: {  	_ =	swait.ge [sflag:s17], $0x80  }
0x79: {  	[sflag:s17] =	ssyncset.done $0x0  }
0x7a: {  	s9 =	simm.s32 $0x6000;
	[sflag:s17] =	ssyncadd.s32 $0xFFFFFF80  }
0x7b: {  	[tilespmem:s9], [sflag:$0x4] =	stream.indirect.gather [spmem:s2], $0x40, s3, s25, $0xb8;
	[tilespmem:$0x1E500] =	vst v63  }
0x7c: {  	_ =	swait.ge [sflag:s21], $0x2000  }
0x7d: {  	[sflag:s21] =	ssyncset.done $0x0  }
0x7e: {  	p0 =	seq.s32 s16, $0x9B0;
	[sflag:s21] =	ssyncadd.s32 $0xFFFFE000  }
0x7f: {  	[spmem:s1] =	stream.indirect.scatter.add.f32 [tilespmem:s15], [sflag:$0x8], $0x40, s31, s25, $0xb8;
	[tilespmem:$0x1E500] =	vst v63  }
0x80: {  	s22 =	sadd.s32 @!p0 s16, s7;
	_ =	swait.ge [sflag:s24], $0x2000  }
0x81: {  	s22 =	sadd.s32 @!p0 $0x50, s22;
	[sflag:s24] =	ssyncset.done $0x0  }
0x82: {  	s28 =	simm.s32 @!p0 $0x0;
	s30 =	simm.s32 @!p0 $0xA000;
	[sflag:s24] =	ssyncadd.s32 $0xFFFFE000  }
0x83: {  	[tilespmem:s30], [sflag:$0xB] =	stream.linear.gather @!p0 [hbm4b:s22+s28], $0x80, $0x38;
	[tilespmem:$0x1E500] =	vst v63  }
0x84: {  	s22 =	sadd.s32 @!p0 s16, s8  }
0x85: {  	s30 =	simm.s32 @!p0 $0xA280;
	s22 =	sadd.s32 @!p0 $0x50, s22  }
0x86: {  	[tilespmem:s30], [sflag:$0xB] =	stream.linear.gather @!p0 [hbm4b:s22+s28], $0x80, $0x38;
	[tilespmem:$0x1E500] =	vst v63  }
0x87: {  	_ =	swait.ge [sflag:s5], $0x80  }
0x88: {  	[sflag:s5] =	ssyncset.done $0x0  }
0x89: {  	[sflag:s5] =	ssyncadd.s32 $0xFFFFFF80  }
0x8a: {  	_ =	swait.ge [sflag:s5], $0x80  }
0x8b: {  	[sflag:s5] =	ssyncset.done $0x0  }
0x8c: {  	[sflag:s5] =	ssyncadd.s32 $0xFFFFFF80  }
0x8d: {  	[tilespmem:s29], [sflag:$0x5] =	stream.indirect.gather [spmem:s2], $0x40, s10, s25, $0xb8;
	[tilespmem:$0x1E500] =	vst v63  }
0x8e: {  	_ =	swait.ge [sflag:s6], $0x2000  }
0x8f: {  	[sflag:s6] =	ssyncset.done $0x0  }
.Ltmp2:
0x90: {  	[sflag:s6] =	ssyncadd.s32 $0xFFFFE000;
	(pc) =	sbr.rel @p0 .LBB2_4-.Ltmp2, $4  }
0x91: {  	[spmem:s1] =	stream.indirect.scatter.add.f32 [tilespmem:s9], [sflag:$0x9], $0x40, s19, s25, $0xb8;
	[tilespmem:$0x1E500] =	vst v63  }
0x92: {  	s12 =	simm.s32 $0xA380;
	_ =	swait.ge [sflag:s11], $0x2000  }
0x93: {  	s3 =	simm.s32 $0xA100;
	s15 =	simm.s32 $0x2000;
	[sflag:s11] =	ssyncset.done $0x0  }
0x94: {  	s31 =	simm.s32 $0xA300;
	s9 =	simm.s32 $0x8000;
	[sflag:s11] =	ssyncadd.s32 $0xFFFFE000  }
0x95: {  	s22 =	sadd.s32 $0x60, s18;
	s28 =	simm.s32 $0xA080  }
0x96: {  	[tilespmem:s28], [sflag:$0xC] =	stream.linear.gather [hbm4b:s22+s4], $0x80, $0x38;
	[tilespmem:$0x1E500] =	vst v63  }
0x97: {  	s10 =	sadd.s32 $0x60, s20  }
0x98: {  	[tilespmem:s31], [sflag:$0xC] =	stream.linear.gather [hbm4b:s10+s4], $0x80, $0x38;
	[tilespmem:$0x1E500] =	vst v63  }
0x99: {  	_ =	swait.ge [sflag:s23], $0x80  }
0x9a: {  	[sflag:s23] =	ssyncset.done $0x0  }
0x9b: {  	[sflag:s23] =	ssyncadd.s32 $0xFFFFFF80  }
0x9c: {  	_ =	swait.ge [sflag:s23], $0x80  }
0x9d: {  	[sflag:s23] =	ssyncset.done $0x0  }
0x9e: {  	s10 =	simm.s32 $0xA000;
	[sflag:s23] =	ssyncadd.s32 $0xFFFFFF80  }
0x9f: {  	[tilespmem:s4], [sflag:$0x1] =	stream.indirect.gather [spmem:s2], $0x40, s10, s25, $0xb8;
	[tilespmem:$0x1E500] =	vst v63  }
0xa0: {  	_ =	swait.ge [sflag:s13], $0x2000  }
0xa1: {  	[sflag:s13] =	ssyncset.done $0x0  }
0xa2: {  	s10 =	simm.s32 $0xA480;
	[sflag:s13] =	ssyncadd.s32 $0xFFFFE000  }
0xa3: {  	[spmem:s1] =	stream.indirect.scatter.add.f32 [tilespmem:s9], [sflag:$0xA], $0x40, s10, s25, $0xb8;
	[tilespmem:$0x1E500] =	vst v63  }
0xa4: {  	_ =	swait.ge [sflag:s14], $0x2000  }
0xa5: {  	[sflag:s14] =	ssyncset.done $0x0  }
0xa6: {  	s10 =	sadd.s32 $0x70, s18;
	[sflag:s14] =	ssyncadd.s32 $0xFFFFE000  }
0xa7: {  	[tilespmem:s3], [sflag:$0xD] =	stream.linear.gather [hbm4b:s10+s4], $0x80, $0x38;
	[tilespmem:$0x1E500] =	vst v63  }
0xa8: {  	s22 =	sadd.s32 $0x70, s20  }
0xa9: {  	[tilespmem:s12], [sflag:$0xD] =	stream.linear.gather [hbm4b:s22+s4], $0x80, $0x38;
	[tilespmem:$0x1E500] =	vst v63  }
0xaa: {  	_ =	swait.ge [sflag:s26], $0x80  }
0xab: {  	[sflag:s26] =	ssyncset.done $0x0  }
0xac: {  	[sflag:s26] =	ssyncadd.s32 $0xFFFFFF80  }
.Ltmp3:
0xad: {  	_ =	swait.ge [sflag:s26], $0x80;
	(pc) =	sbr.rel .LBB2_2-.Ltmp3, $4  }
0xae: {  	s16 =	sadd.s32 $0x50, s16;
	[sflag:s26] =	ssyncset.done $0x0  }
0xaf: {  	s30 =	simm.s32 $0xA100;
	s29 =	simm.s32 $0x8000;
	[sflag:s26] =	ssyncadd.s32 $0xFFFFFF80  }
0xb0: {  	[tilespmem:s15], [sflag:$0x2] =	stream.indirect.gather [spmem:s2], $0x40, s28, s25, $0xb8;
	[tilespmem:$0x1E500] =	vst v63  }
0xb1: {  	s31 =	simm.s32 $0xA380;
	s12 =	simm.s32 $0x2000;
	s28 =	simm.s32 $0xA300  }
.LBB2_5:
0xb2: {  	_ =	sfence.sel $0x180000  }
0xb3: {  	[bflag:$0x0] =	sbarrier.arrive $0xFFFF  }
0xb4: {  	_ =	strace $0x9000004D  }
0xb5: {  	s0 =	stileid.u32;
	[bflag:$0x2] =	sbarrier.arrive $0xFFFF  }
0xb6: {  	p0 =	sne.s32 s0, $0x0;
	s0 =	rddreg [dreg:$0x4]  }
0xb7: {  	s0 =	sadd.s32 @!p0 $0x100000, s0  }
0xb8: {  	[sflag:s0] =	ssyncadd.tile.s32 @!p0 $0x1;
	_ =	shalt  }
.Lfunc_end2:
_tile_overlayer_lowered:
.L_overlay_start_2:
0xb9: {  	(tag) =	ssettag $0x2  }
0xba: {  	s0 =	rddreg [dreg:$0x0];
	s2 =	stileid.u32  }
0xbb: {  	s1 =	rddreg [dreg:$0x1];
	p0 =	sne.s32 s2, $0x0  }
0xbc: {  	s3 =	rddreg [dreg:$0x2];
	[bflag:$0x3] =	sbarrier.arrive $0xFFFF;
	s2 =	simm.s32 @!p0 $0x1C10  }
0xbd: {  	[timem:s3], [sflag:s2] =	dma.local @!p0 [hbm:s0], s1  }
0xbe: {  	s0 =	simm.s32 @!p0 $0x10  }
0xbf: {  	_ =	swait.ge @!p0 [sflag:s0], s1  }
0xc0: {  	s1 =	ssub.s32 @!p0 $0x0, s1;
	[sflag:s0] =	ssyncset.done @!p0 $0x0  }
0xc1: {  	[sflag:s0] =	ssyncadd.s32 @!p0 s1  }
0xc2: {  	[bflag:$0x3] =	sbarrier.arrive $0xFFFF  }
0xc3: {  	_ =	shalt  }

// kernel: kernel.8.cloned.1.call-start
scs
__scs_entry_jumppad:
0x0: {  	(pc) =	sbr.rel $0x88, $3  }
0x1: {  	(tag) =	ssettag $0x0;
	lr =	simm.s32 $0x1  }
0x2: {  	[smem:$0x3F8C] =	sst lr;
	_ =	strace $0xD0000000  }
0x3: {  	_ = 	snop  }
0x4: {  	_ = 	snop  }
0x5: {  	_ = 	snop  }
0x6: {  	_ = 	snop  }
0x7: {  	_ = 	snop  }
__scs_overlays_trampoline_lowered:
0x8: {  	[smem:$0x3F9B] =	sst s0  }
0x9: {  	[smem:$0x3F9C] =	sst s1  }
0xa: {  	[smem:$0x3F9D] =	sst s2  }
0xb: {  	[smem:$0x3F9E] =	sst s3  }
0xc: {  	[smem:$0x3F9F] =	sst s4  }
0xd: {  	[smem:$0x3FA0] =	sst s5  }
0xe: {  	[smem:$0x3FA1] =	sst s6  }
0xf: {  	[smem:$0x3FA2] =	sst s7  }
0x10: {  	[smem:$0x3FA3] =	sst s8  }
0x11: {  	[smem:$0x3FA4] =	sst s9;
	s0 =	simm.s32 @!p0 $0x0  }
0x12: {  	s1 =	sld [smem:$0x3F8A];
	s0 =	simm.s32 @p0 $0x1  }
0x13: {  	[smem:$0x3FA5] =	sst s0;
	s0 =	simm.s32 @!p1 $0x0  }
0x14: {  	s2 =	sld [smem:$0x3F89];
	s0 =	simm.s32 @p1 $0x1  }
0x15: {  	[smem:$0x3FA6] =	sst s0;
	s0 =	simm.s32 @!p2 $0x0  }
0x16: {  	s3 =	sld [smem:$0x3FDB];
	s0 =	simm.s32 @p2 $0x1  }
0x17: {  	s4 =	simm.s32 $0x1BF5;
	[smem:$0x3FA8] =	sst s0  }
0x18: {  	s0 =	sld [smem:$0x3F8B];
	_ =	swait.ge [sflag:s4], $0x0  }
0x19: {  	s7 =	sld [smem:$0x3F8C]  }
0x1a: {  	s8 =	sadd.s32 $0xFFFFE003, lr  }
0x1b: {  	s9 =	sadd.s32 $0xFFFFFEF7, lr;
	s5 =	simm.s32 $0xFFFFFFFF;
	p2 =	slt.u32 s8, $0xFFFFF086  }
0x1c: {  	p1 =	slt.u32 s9, $0xF7A;
	s5 =	simm.s32 @!p2 $0x0  }
0x1d: {  	s5 =	simm.s32 @p1 $0x1;
	p0 =	seq.s32 s7, s2  }
0x1e: {  	s7 =	smul.u32 @!p0 $0xF7A, s2;
	p2 =	seq.s32 @!p0 s5, $0x0  }
0x1f: {  	s9 =	smul.u32 $0xF7A, s1;
	s8 =	simm.s32 @!p0 $0x1BF5;
	p2 =	por !p2, p0  }
0x20: {  	[sflag:s8] =	ssyncset.s32 @!p0 $0xFFFFF086;
	s6 =	sadd.s32 @!p0 s3, s7;
	s7 =	simm.s32 @!p0 $0x108  }
0x21: {  	s3 =	sadd.s32 s3, s9;
	s6 =	sadd.s32 @!p0 $0x88, s6;
	s7 =	simm.s32 @p2 $0x1082  }
0x22: {  	[simem:s7], [sflag:s8] =	dma.local @!p0 [hbm:s6], $0xF7A  }
0x23: {  	s9 =	sor.u32 $0xD0000000, s2;
	s6 =	simm.s32 $0x108;
	_ =	swait.ge @!p0 [sflag:s8], $0x0  }
0x24: {  	s3 =	sadd.s32 $0x88, s3;
	s6 =	simm.s32 @!p1 $0x1082;
	[sflag:s4] =	ssyncset.s32 $0xFFFFF086  }
0x25: {  	[simem:s6], [sflag:s4] =	dma.local [hbm:s3], $0xF7A  }
0x26: {  	[smem:$0x3F8C] =	sst s1;
	(tag) =	ssettag s2;
	_ =	strace s9  }
0x27: {  	s1 =	sld [smem:$0x3F9C]  }
0x28: {  	s2 =	sld [smem:$0x3F9D]  }
0x29: {  	s4 =	sld [smem:$0x3F9F]  }
0x2a: {  	p0 =	seq.s32 s5, $0x0;
	s5 =	sld [smem:$0x3FA0]  }
0x2b: {  	s6 =	sld [smem:$0x3FA1]  }
0x2c: {  	s7 =	sld [smem:$0x3FA2]  }
0x2d: {  	s3 =	simm.s32 $0x108;
	s8 =	sld [smem:$0x3FA3]  }
0x2e: {  	s3 =	simm.s32 @!p0 $0x1082;
	s9 =	sld [smem:$0x3FA4]  }
0x2f: {  	lr =	sadd.s32 s0, s3;
	s0 =	sld [smem:$0x3F9B]  }
0x30: {  	s3 =	sld [smem:$0x3F9E]  }
0x31: {  	[smem:$0x3FA7] =	sst s10  }
0x32: {  	s10 =	sld [smem:$0x3FA5];
	_ =	sdelay $0x3  }
0x33: {  	p0 =	seq.s32 s10, $0x1;
	s10 =	sld [smem:$0x3FA7];
	_ =	sdelay $0x3  }
0x34: {  	[smem:$0x3FA7] =	sst s10  }
0x35: {  	s10 =	sld [smem:$0x3FA6];
	_ =	sdelay $0x3  }
0x36: {  	p1 =	seq.s32 s10, $0x1;
	s10 =	sld [smem:$0x3FA7];
	_ =	sdelay $0x3  }
0x37: {  	[smem:$0x3FA7] =	sst s10  }
0x38: {  	s10 =	sld [smem:$0x3FA8]  }
0x39: {  	_ = 	snop;
	(pc) =	sbr.ind lr, $3  }
0x3a: {  	_ = 	snop  }
0x3b: {  	_ = 	snop  }
0x3c: {  	p2 =	seq.s32 s10, $0x1;
	s10 =	sld [smem:$0x3FA7]  }
0x3d: {  	_ =	shalt  }
0x3e: {  	_ =	shalt  }
0x3f: {  	_ =	shalt  }
0x40: {  	_ =	shalt  }
0x41: {  	_ =	shalt  }
0x42: {  	_ =	shalt  }
0x43: {  	_ =	shalt  }
0x44: {  	_ =	shalt  }
0x45: {  	_ =	shalt  }
0x46: {  	_ =	shalt  }
0x47: {  	_ =	shalt  }
0x48: {  	_ =	shalt  }
0x49: {  	_ =	shalt  }
0x4a: {  	_ =	shalt  }
0x4b: {  	_ =	shalt  }
0x4c: {  	_ =	shalt  }
0x4d: {  	_ =	shalt  }
0x4e: {  	_ =	shalt  }
0x4f: {  	_ =	shalt  }
0x50: {  	_ =	shalt  }
0x51: {  	_ =	shalt  }
0x52: {  	_ =	shalt  }
0x53: {  	_ =	shalt  }
0x54: {  	_ =	shalt  }
0x55: {  	_ =	shalt  }
0x56: {  	_ =	shalt  }
0x57: {  	_ =	shalt  }
0x58: {  	_ =	shalt  }
0x59: {  	_ =	shalt  }
0x5a: {  	_ =	shalt  }
0x5b: {  	_ =	shalt  }
0x5c: {  	_ =	shalt  }
0x5d: {  	_ =	shalt  }
0x5e: {  	_ =	shalt  }
0x5f: {  	_ =	shalt  }
0x60: {  	_ =	shalt  }
0x61: {  	_ =	shalt  }
0x62: {  	_ =	shalt  }
0x63: {  	_ =	shalt  }
0x64: {  	_ =	shalt  }
0x65: {  	_ =	shalt  }
0x66: {  	_ =	shalt  }
0x67: {  	_ =	shalt  }
0x68: {  	_ =	shalt  }
0x69: {  	_ =	shalt  }
0x6a: {  	_ =	shalt  }
0x6b: {  	_ =	shalt  }
0x6c: {  	_ =	shalt  }
0x6d: {  	_ =	shalt  }
0x6e: {  	_ =	shalt  }
0x6f: {  	_ =	shalt  }
0x70: {  	_ =	shalt  }
0x71: {  	_ =	shalt  }
0x72: {  	_ =	shalt  }
0x73: {  	_ =	shalt  }
0x74: {  	_ =	shalt  }
0x75: {  	_ =	shalt  }
0x76: {  	_ =	shalt  }
0x77: {  	_ =	shalt  }
0x78: {  	_ =	shalt  }
0x79: {  	_ =	shalt  }
0x7a: {  	_ =	shalt  }
0x7b: {  	_ =	shalt  }
0x7c: {  	_ =	shalt  }
0x7d: {  	_ =	shalt  }
0x7e: {  	_ =	shalt  }
0x7f: {  	_ =	shalt  }
0x80: {  	_ =	shalt  }
0x81: {  	_ =	shalt  }
0x82: {  	_ =	shalt  }
0x83: {  	_ =	shalt  }
0x84: {  	_ =	shalt  }
0x85: {  	_ =	shalt  }
0x86: {  	_ =	shalt  }
0x87: {  	_ =	shalt  }
.Lfunc_end0:
.L_simem_size_0:
called_computation_lowered:
.L_overlay_start_0:
0x88: {  	s2 =	sld [smem:$0x3FD9]  }
0x89: {  	s3 =	sld [smem:$0x3FFE];
	_ =	sdelay $0x1  }
0x8a: {  	s1 =	srdreg.scid  }
0x8b: {  	s0 =	sand.u32 $0x1, s1  }
0x8c: {  	s14 =	sshll.u32 s0, $0xA;
	s2 =	sadd.s32 s3, s2  }
0x8d: {  	s2 =	sadd.s32 s2, s14  }
0x8e: {  	[smem:$0x3FB3] =	sst s2  }
0x8f: {  	_ = 	snop  }
0x90: {  	s2 =	sld [smem:$0x3FD0];
	_ =	sdelay $0x2  }
0x91: {  	s15 =	simm.s32 $0xA;
	s4 =	simm.s32 $0x10  }
0x92: {  	[smem:s4], [sflag:s15] =	dma.local [hbm:s2], $0x1  }
0x93: {  	_ =	swait.eq [sflag:s15], $0x1  }
0x94: {  	[sflag:s15] =	ssyncset.done $0x0  }
0x95: {  	[sflag:s15] =	ssyncadd.s32 $0xFFFFFFFF  }
0x96: {  	s16 =	sld [smem:$0x10];
	(tm) =	ssettm $0x1  }
0x97: {  	s17 =	sld [smem:$0x3FFB];
	_ =	sdelay $0x3  }
0x98: {  	_ =	strace s17  }
0x99: {  	s3 =	sld [smem:$0x3FFC];
	_ =	sdelay $0x3  }
0x9a: {  	_ =	strace s3  }
0x9b: {  	s3 =	sld [smem:$0x3FFD];
	_ =	sdelay $0x3  }
0x9c: {  	_ =	strace s3  }
0x9d: {  	_ =	strace $0x8FFFFFFF  }
0x9e: {  	s18 =	sld [smem:$0x3FDB];
	_ =	sdelay $0x1  }
0x9f: {  	s19 =	simm.s32 $_scs_section_size  }
0xa0: {  	s5 =	simm.s32 $_size__tile_overlayer_lowered;
	s6 =	simm.s32 $_tile_overlayer_lowered  }
0xa1: {  	s22 =	simm.s32 $0x1BFF;
	s21 =	sshll.u32 s6, $0x1;
	s3 =	sadd.s32 s19, s18  }
0xa2: {  	s7 =	simm.s32 $0x0;
	s20 =	sshll.u32 s5, $0x1;
	s5 =	sadd.s32 s21, s3  }
0xa3: {  	[timem:s7], [sflag:s22] =	dma.local [hbm:s5], s20  }
0xa4: {  	_ =	swait.ge [sflag:s22], s20  }
0xa5: {  	s4 =	ssub.s32 $0x0, s20;
	[sflag:s22] =	ssyncset.done $0x0  }
0xa6: {  	[sflag:s22] =	ssyncadd.s32 s4;
	_ =	sdelay $0x1  }
0xa7: {  	s23 =	simm.s32 $0x1B8B  }
0xa8: {  	_ =	swait.ge [sflag:s23], $0x1  }
0xa9: {  	[sflag:s23] =	ssyncset.done $0x0  }
0xaa: {  	s25 =	simm.s32 $0x1B8E;
	s24 =	sld [smem:$0x3FFE];
	[sflag:s23] =	ssyncadd.s32 $0xFFFFFFFF  }
0xab: {  	s26 =	simm.s32 $execute0_lowered;
	[smem:$0x3FD2] =	sst s25  }
0xac: {  	s5 =	sshll.u32 s26, $0x1;
	_ =	strace $0x80000046;
	[dreg:$0x1] =	wrdreg $0xFFFFFFFF  }
0xad: {  	s28 =	simm.s32 $_size_execute0_lowered;
	s3 =	sadd.s32 s3, s5;
	[dreg:$0x0] =	wrdreg $0x0  }
0xae: {  	s5 =	sshll.u32 s28, $0x1;
	[dreg:$0x2] =	wrdreg s3  }
0xaf: {  	[dreg:$0x3] =	wrdreg s5  }
0xb0: {  	[dreg:$0x4] =	wrdreg $0xC0  }
0xb1: {  	_ =	task [dreg:s7], $0x5FFFF  }
0xb2: {  	[dreg:$0x1] =	wrdreg $0xFFFFFFFF  }
0xb3: {  	[dreg:$0x0] =	wrdreg $0x60  }
0xb4: {  	[dreg:$0x2] =	wrdreg s24  }
0xb5: {  	[dreg:$0x3] =	wrdreg s16  }
0xb6: {  	[dreg:$0x4] =	wrdreg $0xA5000  }
0xb7: {  	[dreg:$0x5] =	wrdreg $0x145000  }
0xb8: {  	[dreg:$0x6] =	wrdreg $0x9  }
0xb9: {  	_ =	task.clear_ibuf [dreg:s7], $0x7FFFF;
	_ =	strace $0x90000046  }
0xba: {  	s29 =	simm.s32 $0x9;
	_ =	strace $0x80000048  }
0xbb: {  	_ =	swait.ge [sflag:s29], $0x1  }
0xbc: {  	[sflag:s29] =	ssyncadd.s32 $0xFFFFFFFF  }
0xbd: {  	_ =	strace $0x90000048  }
0xbe: {  	_ =	sfence  }
0xbf: {  	s30 =	sld [smem:$0x0];
	_ =	sdelay $0x2  }
0xc0: {  	s31 =	sshll.u32 s1, $0xD;
	s1 =	sshrl.u32 s1, $0x2  }
0xc1: {  	s3 =	sand.u32 $0x4000, s31;
	s1 =	sadd.s32 s1, s30  }
0xc2: {  	s0 =	sor.u32 s3, s0;
	s1 =	sshll.u32 s1, $0x11  }
0xc3: {  	s0 =	sor.u32 s1, s0  }
0xc4: {  	s0 =	sadd.s32 $0x8F2B, s0  }
0xc5: {  	[sflag:s0] =	ssyncadd.remote.s32 $0x1  }
0xc6: {  	_ =	sfence.sel $0xFFFF  }
0xc7: {  	[dreg:$0x0] =	wrdreg $0xFFFFFFFF;
	(pc) =	sbr.abs _section_cstart, $3  }
0xc8: {  	[dreg:$0x1] =	wrdreg $0xFFFFFFFF  }
0xc9: {  	_ =	task.clear_ibuf [dreg:s7], $0x2FFFF;
	_ =	strace $0x9FFFFFFF  }
0xca: {  	(tm) =	ssettm $0x7FFFFFFF  }
0xcb: {  	_ =	shalt  }
tec
execute0_lowered:
.L_overlay_start_1:
0x0: {  	(tag) =	ssettag $0x1  }
0x1: {  	s0 =	rddreg [dreg:$0x0]  }
0x2: {  	s3 =	rddreg [dreg:$0x1]  }
0x3: {  	s1 =	rddreg [dreg:$0x2]  }
0x4: {  	s2 =	rddreg [dreg:$0x3]  }
0x5: {  	s4 =	srdreg.scid;
	s12 =	stileid.u32  }
0x6: {  	s28 =	simm.s32 $0xA300;
	s30 =	simm.s32 $0xA100;
	s31 =	simm.s32 $0xA380  }
0x7: {  	s13 =	simm.s32 $0x5;
	s14 =	simm.s32 $0x8;
	s7 =	smul.u32 $0xA000, s12  }
0x8: {  	s5 =	sand.u32 $0x1, s4;
	s4 =	simm.s32 $0x0;
	s8 =	smul.u32 $0xA00, s12  }
0x9: {  	s18 =	sshll.u32 s12, $0x6;
	s12 =	simm.s32 $0x2000;
	s6 =	smul.u32 $0x14000, s5  }
0xa: {  	[smem:$0x7FF] =	sst s4;
	s5 =	ssub.s32 $0x2, s5;
	s18 =	sor.u32 $0x1C10, s18  }
0xb: {  	_ =	strace $0x80000047;
	s9 =	sshrl.u32 s5, $0x1;
	s10 =	sshrl.u32 s7, $0x3  }
0xc: {  	s11 =	sadd.s32 s7, s1;
	s19 =	sadd.s32 s7, s2;
	s7 =	sadd.s32 s3, s8  }
0xd: {  	s3 =	simm.s32 $0x0;
	[dreg:$0x6] =	wrdreg s18;
	s6 =	sadd.s32 s6, s0  }
0xe: {  	s0 =	sadd.s32 s8, s0;
	s5 =	ssub.s32 s5, s9;
	s20 =	sshrl.u32 s11, $0x3  }
0xf: {  	s23 =	sshrl.u32 s19, $0x3;
	s24 =	sadd.s32 $0x10, s7;
	s26 =	sadd.s32 $0x20, s7  }
0x10: {  	s11 =	simm.s32 $0x7;
	s19 =	simm.s32 $0xA400;
	[dreg:$0x9] =	wrdreg s23  }
0x11: {  	s17 =	sadd.s32 s10, s6;
	s8 =	sadd.s32 $0x2AE00, s0;
	[dreg:$0xa] =	wrdreg s24  }
0x12: {  	s21 =	sadd.s32 $0x34E00, s6;
	s22 =	smax.u32 s5, $0x1;
	[dreg:$0xc] =	wrdreg s26  }
0x13: {  	s23 =	simm.s32 $0xB;
	s26 =	simm.s32 $0xC;
	s24 =	simm.s32 $0x6  }
0x14: {  	s5 =	simm.s32 $0xF;
	s6 =	simm.s32 $0x4;
	[dreg:$0x8] =	wrdreg s20  }
.Ltmp0:
0x15: {  	s9 =	sadd.s32 $0x2E00, s17;
	[dreg:$0x7] =	wrdreg s22;
	(pc) =	sbr.rel .LBB2_1-.Ltmp0, $4  }
0x16: {  	s22 =	simm.s32 $0x10;
	s25 =	sadd.s32 $0x10, s8;
	[dreg:$0x5] =	wrdreg s9  }
0x17: {  	s29 =	sadd.s32 $0x20, s8;
	s0 =	sadd.s32 s10, s21;
	[dreg:$0xb] =	wrdreg s25  }
0x18: {  	s17 =	simm.s32 $0xE;
	s21 =	simm.s32 $0x3;
	[dreg:$0xd] =	wrdreg s29  }
0x19: {  	[dreg:$0xe] =	wrdreg s0;
	s25 =	simm.s32 $0x80;
	s0 =	simm.s32 $0xD  }
.LBB2_4:
0x1a: {  	_ =	swait.ge [sflag:s13], $0x2000  }
0x1b: {  	[sflag:s13] =	ssyncset.done $0x0  }
0x1c: {  	s3 =	simm.s32 $0xA480;
	[sflag:s13] =	ssyncadd.s32 $0xFFFFE000  }
0x1d: {  	[spmem:s1] =	stream.indirect.scatter.add.f32 [tilespmem:s9], [sflag:$0xA], $0x40, s3, s25, $0xb8;
	[tilespmem:$0x1E500] =	vst v63  }
0x1e: {  	_ =	swait.ge [sflag:s14], $0x2000  }
0x1f: {  	[sflag:s14] =	ssyncset.done $0x0  }
0x20: {  	s18 =	simm.s32 $0x9;
	[sflag:s14] =	ssyncadd.s32 $0xFFFFE000  }
0x21: {  	_ =	swait.ge [sflag:s18], $0x2000  }
0x22: {  	[sflag:s18] =	ssyncset.done $0x0  }
0x23: {  	s20 =	simm.s32 $0xA;
	[sflag:s18] =	ssyncadd.s32 $0xFFFFE000  }
0x24: {  	_ =	swait.ge [sflag:s20], $0x2000  }
0x25: {  	[sflag:s20] =	ssyncset.done $0x0  }
0x26: {  	[sflag:s20] =	ssyncadd.s32 $0xFFFFE000  }
0x27: {  	[bflag:$0x0] =	sbarrier.arrive $0xFFFF  }
0x28: {  	s18 =	rddreg [dreg:$0x6]  }
0x29: {  	s20 =	rddreg [dreg:$0x8]  }
0x2a: {  	s22 =	rddreg [dreg:$0xe]  }
0x2b: {  	[hbm:s22], [sflag:s18] =	dma.local [spmem:s20], $0x1400  }
0x2c: {  	s22 =	simm.s32 $0x10  }
0x2d: {  	_ =	swait.ge [sflag:s22], $0x1400  }
0x2e: {  	s29 =	rddreg [dreg:$0xf]  }
0x2f: {  	s16 =	rddreg [dreg:$0x7];
	s3 =	sadd.s32 $0x1, s29  }
0x30: {  	p0 =	sne.s32 s3, s16  }
.Ltmp1:
0x31: {  	_ = 	snop;
	(pc) =	sbr.rel @!p0 .LBB2_5-.Ltmp1, $3  }
0x32: {  	_ =	sdelay $0x1  }
0x33: {  	s28 =	simm.s32 $0xA300;
	s30 =	simm.s32 $0xA100;
	[sflag:s22] =	ssyncset.done $0x0  }
0x34: {  	s31 =	simm.s32 $0xA380;
	s12 =	simm.s32 $0x2000;
	[sflag:s22] =	ssyncadd.s32 $0xFFFFEC00  }
.LBB2_1:
0x35: {  	[dreg:$0xf] =	wrdreg s3  }
0x36: {  	s16 =	rddreg [dreg:$0x5]  }
0x37: {  	[spmem:s20], [sflag:s18] =	dma.local [hbm:s16], $0x1400  }
0x38: {  	_ =	swait.ge [sflag:s22], $0x1400  }
0x39: {  	[sflag:s22] =	ssyncset.done $0x0  }
0x3a: {  	s15 =	rddreg [dreg:$0x9];
	[sflag:s22] =	ssyncadd.s32 $0xFFFFEC00  }
0x3b: {  	[spmem:s15], [sflag:s18] =	dma.local [hbm:s16], $0x1400  }
0x3c: {  	_ =	swait.ge [sflag:s22], $0x1400  }
0x3d: {  	[sflag:s22] =	ssyncset.done $0x0  }
0x3e: {  	[sflag:s22] =	ssyncadd.s32 $0xFFFFEC00  }
0x3f: {  	s20 =	simm.s32 $0xA000;
	[bflag:$0x0] =	sbarrier.arrive $0xFFFF  }
0x40: {  	[tilespmem:s20], [sflag:$0xB] =	stream.linear.gather [hbm4b:s7+s4], $0x80, $0x38;
	[tilespmem:$0x1E500] =	vst v63  }
0x41: {  	s22 =	simm.s32 $0xA280  }
0x42: {  	[tilespmem:s22], [sflag:$0xB] =	stream.linear.gather [hbm4b:s8+s4], $0x80, $0x38;
	[tilespmem:$0x1E500] =	vst v63  }
0x43: {  	s9 =	simm.s32 $0xA080;
	s3 =	rddreg [dreg:$0xa]  }
0x44: {  	[tilespmem:s9], [sflag:$0xC] =	stream.linear.gather [hbm4b:s3+s4], $0x80, $0x38;
	[tilespmem:$0x1E500] =	vst v63  }
0x45: {  	s10 =	rddreg [dreg:$0xb]  }
0x46: {  	[tilespmem:s28], [sflag:$0xC] =	stream.linear.gather [hbm4b:s10+s4], $0x80, $0x38;
	[tilespmem:$0x1E500] =	vst v63  }
0x47: {  	s15 =	rddreg [dreg:$0xc]  }
0x48: {  	[tilespmem:s30], [sflag:$0xD] =	stream.linear.gather [hbm4b:s15+s4], $0x80, $0x38;
	[tilespmem:$0x1E500] =	vst v63  }
0x49: {  	s22 =	rddreg [dreg:$0xd]  }
0x4a: {  	[tilespmem:s31], [sflag:$0xD] =	stream.linear.gather [hbm4b:s22+s4], $0x80, $0x38;
	[tilespmem:$0x1E500] =	vst v63  }
0x4b: {  	_ =	swait.ge [sflag:s23], $0x80  }
0x4c: {  	[sflag:s23] =	ssyncset.done $0x0  }
0x4d: {  	[sflag:s23] =	ssyncadd.s32 $0xFFFFFF80  }
0x4e: {  	_ =	swait.ge [sflag:s23], $0x80  }
0x4f: {  	[sflag:s23] =	ssyncset.done $0x0  }
0x50: {  	[sflag:s23] =	ssyncadd.s32 $0xFFFFFF80  }
0x51: {  	[tilespmem:s4], [sflag:$0x1] =	stream.indirect.gather [spmem:s2], $0x40, s20, s25, $0xb8;
	[tilespmem:$0x1E500] =	vst v63  }
0x52: {  	_ =	swait.ge [sflag:s26], $0x80  }
0x53: {  	[sflag:s26] =	ssyncset.done $0x0  }
0x54: {  	[sflag:s26] =	ssyncadd.s32 $0xFFFFFF80  }
0x55: {  	_ =	swait.ge [sflag:s26], $0x80  }
0x56: {  	[sflag:s26] =	ssyncset.done $0x0  }
0x57: {  	s29 =	simm.s32 $0x8000;
	s16 =	simm.s32 $0x0;
	[sflag:s26] =	ssyncadd.s32 $0xFFFFFF80  }
0x58: {  	[tilespmem:s12], [sflag:$0x2] =	stream.indirect.gather [spmem:s2], $0x40, s9, s25, $0xb8;
	[tilespmem:$0x1E500] =	vst v63  }
.LBB2_2:
0x59: {  	s3 =	simm.s32 $0x1  }
0x5a: {  	_ =	swait.ge [sflag:s3], $0x2000  }
0x5b: {  	p0 =	seq.s32 s16, $0x0;
	[sflag:s3] =	ssyncset.done $0x0  }
0x5c: {  	s18 =	simm.s32 $0xA280;
	s20 =	simm.s32 @!p0 $0x9;
	[sflag:s3] =	ssyncadd.s32 $0xFFFFE000  }
0x5d: {  	[spmem:s1] =	stream.indirect.scatter.add.f32 [tilespmem:s4], [sflag:$0x6], $0x40, s18, s25, $0xb8;
	[tilespmem:$0x1E500] =	vst v63  }
0x5e: {  	_ =	swait.ge @!p0 [sflag:s20], $0x2000  }
0x5f: {  	s3 =	simm.s32 $0xA180;
	s18 =	sadd.s32 s16, s7;
	[sflag:s20] =	ssyncset.done @!p0 $0x0  }
0x60: {  	s10 =	sadd.s32 $0x30, s18;
	[sflag:s20] =	ssyncadd.s32 @!p0 $0xFFFFE000;
	s20 =	sadd.s32 s16, s8  }
0x61: {  	[tilespmem:s3], [sflag:$0xE] =	stream.linear.gather [hbm4b:s10+s4], $0x80, $0x38;
	[tilespmem:$0x1E500] =	vst v63  }
0x62: {  	s22 =	sadd.s32 $0x30, s20  }
0x63: {  	[tilespmem:s19], [sflag:$0xE] =	stream.linear.gather [hbm4b:s22+s4], $0x80, $0x38;
	[tilespmem:$0x1E500] =	vst v63  }
0x64: {  	_ =	swait.ge [sflag:s0], $0x80  }
0x65: {  	[sflag:s0] =	ssyncset.done $0x0  }
0x66: {  	[sflag:s0] =	ssyncadd.s32 $0xFFFFFF80  }
0x67: {  	_ =	swait.ge [sflag:s0], $0x80  }
0x68: {  	[sflag:s0] =	ssyncset.done $0x0  }
0x69: {  	s15 =	simm.s32 $0x4000;
	s9 =	simm.s32 $0x2;
	[sflag:s0] =	ssyncadd.s32 $0xFFFFFF80  }
0x6a: {  	[tilespmem:s15], [sflag:$0x3] =	stream.indirect.gather [spmem:s2], $0x40, s30, s25, $0xb8;
	[tilespmem:$0x1E500] =	vst v63  }
0x6b: {  	_ =	swait.ge [sflag:s9], $0x2000  }
0x6c: {  	[sflag:s9] =	ssyncset.done $0x0  }
0x6d: {  	s22 =	simm.s32 @!p0 $0xA;
	[sflag:s9] =	ssyncadd.s32 $0xFFFFE000  }
0x6e: {  	[spmem:s1] =	stream.indirect.scatter.add.f32 [tilespmem:s12], [sflag:$0x7], $0x40, s28, s25, $0xb8;
	[tilespmem:$0x1E500] =	vst v63  }
0x6f: {  	_ =	swait.ge @!p0 [sflag:s22], $0x2000  }
0x70: {  	[sflag:s22] =	ssyncset.done @!p0 $0x0  }
0x71: {  	s10 =	simm.s32 $0xA200;
	s12 =	sadd.s32 $0x40, s18;
	[sflag:s22] =	ssyncadd.s32 @!p0 $0xFFFFE000  }
0x72: {  	[tilespmem:s10], [sflag:$0xF] =	stream.linear.gather [hbm4b:s12+s4], $0x80, $0x38;
	[tilespmem:$0x1E500] =	vst v63  }
0x73: {  	s30 =	simm.s32 $0xA480;
	s28 =	sadd.s32 $0x40, s20  }
0x74: {  	[tilespmem:s30], [sflag:$0xF] =	stream.linear.gather [hbm4b:s28+s4], $0x80, $0x38;
	[tilespmem:$0x1E500] =	vst v63  }
0x75: {  	_ =	swait.ge [sflag:s17], $0x80  }
0x76: {  	[sflag:s17] =	ssyncset.done $0x0  }
0x77: {  	[sflag:s17] =	ssyncadd.s32 $0xFFFFFF80  }
0x78: {  	_ =	swait.ge [sflag:s17], $0x80  }
0x79: {  	[sflag:s17] =	ssyncset.done $0x0  }
0x7a: {  	s9 =	simm.s32 $0x6000;
	[sflag:s17] =	ssyncadd.s32 $0xFFFFFF80  }
0x7b: {  	[tilespmem:s9], [sflag:$0x4] =	stream.indirect.gather [spmem:s2], $0x40, s3, s25, $0xb8;
	[tilespmem:$0x1E500] =	vst v63  }
0x7c: {  	_ =	swait.ge [sflag:s21], $0x2000  }
0x7d: {  	[sflag:s21] =	ssyncset.done $0x0  }
0x7e: {  	p0 =	seq.s32 s16, $0x9B0;
	[sflag:s21] =	ssyncadd.s32 $0xFFFFE000  }
0x7f: {  	[spmem:s1] =	stream.indirect.scatter.add.f32 [tilespmem:s15], [sflag:$0x8], $0x40, s31, s25, $0xb8;
	[tilespmem:$0x1E500] =	vst v63  }
0x80: {  	s22 =	sadd.s32 @!p0 s16, s7;
	_ =	swait.ge [sflag:s24], $0x2000  }
0x81: {  	s22 =	sadd.s32 @!p0 $0x50, s22;
	[sflag:s24] =	ssyncset.done $0x0  }
0x82: {  	s28 =	simm.s32 @!p0 $0x0;
	s30 =	simm.s32 @!p0 $0xA000;
	[sflag:s24] =	ssyncadd.s32 $0xFFFFE000  }
0x83: {  	[tilespmem:s30], [sflag:$0xB] =	stream.linear.gather @!p0 [hbm4b:s22+s28], $0x80, $0x38;
	[tilespmem:$0x1E500] =	vst v63  }
0x84: {  	s22 =	sadd.s32 @!p0 s16, s8  }
0x85: {  	s30 =	simm.s32 @!p0 $0xA280;
	s22 =	sadd.s32 @!p0 $0x50, s22  }
0x86: {  	[tilespmem:s30], [sflag:$0xB] =	stream.linear.gather @!p0 [hbm4b:s22+s28], $0x80, $0x38;
	[tilespmem:$0x1E500] =	vst v63  }
0x87: {  	_ =	swait.ge [sflag:s5], $0x80  }
0x88: {  	[sflag:s5] =	ssyncset.done $0x0  }
0x89: {  	[sflag:s5] =	ssyncadd.s32 $0xFFFFFF80  }
0x8a: {  	_ =	swait.ge [sflag:s5], $0x80  }
0x8b: {  	[sflag:s5] =	ssyncset.done $0x0  }
0x8c: {  	[sflag:s5] =	ssyncadd.s32 $0xFFFFFF80  }
0x8d: {  	[tilespmem:s29], [sflag:$0x5] =	stream.indirect.gather [spmem:s2], $0x40, s10, s25, $0xb8;
	[tilespmem:$0x1E500] =	vst v63  }
0x8e: {  	_ =	swait.ge [sflag:s6], $0x2000  }
0x8f: {  	[sflag:s6] =	ssyncset.done $0x0  }
.Ltmp2:
0x90: {  	[sflag:s6] =	ssyncadd.s32 $0xFFFFE000;
	(pc) =	sbr.rel @p0 .LBB2_4-.Ltmp2, $4  }
0x91: {  	[spmem:s1] =	stream.indirect.scatter.add.f32 [tilespmem:s9], [sflag:$0x9], $0x40, s19, s25, $0xb8;
	[tilespmem:$0x1E500] =	vst v63  }
0x92: {  	s12 =	simm.s32 $0xA380;
	_ =	swait.ge [sflag:s11], $0x2000  }
0x93: {  	s3 =	simm.s32 $0xA100;
	s15 =	simm.s32 $0x2000;
	[sflag:s11] =	ssyncset.done $0x0  }
0x94: {  	s31 =	simm.s32 $0xA300;
	s9 =	simm.s32 $0x8000;
	[sflag:s11] =	ssyncadd.s32 $0xFFFFE000  }
0x95: {  	s22 =	sadd.s32 $0x60, s18;
	s28 =	simm.s32 $0xA080  }
0x96: {  	[tilespmem:s28], [sflag:$0xC] =	stream.linear.gather [hbm4b:s22+s4], $0x80, $0x38;
	[tilespmem:$0x1E500] =	vst v63  }
0x97: {  	s10 =	sadd.s32 $0x60, s20  }
0x98: {  	[tilespmem:s31], [sflag:$0xC] =	stream.linear.gather [hbm4b:s10+s4], $0x80, $0x38;
	[tilespmem:$0x1E500] =	vst v63  }
0x99: {  	_ =	swait.ge [sflag:s23], $0x80  }
0x9a: {  	[sflag:s23] =	ssyncset.done $0x0  }
0x9b: {  	[sflag:s23] =	ssyncadd.s32 $0xFFFFFF80  }
0x9c: {  	_ =	swait.ge [sflag:s23], $0x80  }
0x9d: {  	[sflag:s23] =	ssyncset.done $0x0  }
0x9e: {  	s10 =	simm.s32 $0xA000;
	[sflag:s23] =	ssyncadd.s32 $0xFFFFFF80  }
0x9f: {  	[tilespmem:s4], [sflag:$0x1] =	stream.indirect.gather [spmem:s2], $0x40, s10, s25, $0xb8;
	[tilespmem:$0x1E500] =	vst v63  }
0xa0: {  	_ =	swait.ge [sflag:s13], $0x2000  }
0xa1: {  	[sflag:s13] =	ssyncset.done $0x0  }
0xa2: {  	s10 =	simm.s32 $0xA480;
	[sflag:s13] =	ssyncadd.s32 $0xFFFFE000  }
0xa3: {  	[spmem:s1] =	stream.indirect.scatter.add.f32 [tilespmem:s9], [sflag:$0xA], $0x40, s10, s25, $0xb8;
	[tilespmem:$0x1E500] =	vst v63  }
0xa4: {  	_ =	swait.ge [sflag:s14], $0x2000  }
0xa5: {  	[sflag:s14] =	ssyncset.done $0x0  }
0xa6: {  	s10 =	sadd.s32 $0x70, s18;
	[sflag:s14] =	ssyncadd.s32 $0xFFFFE000  }
0xa7: {  	[tilespmem:s3], [sflag:$0xD] =	stream.linear.gather [hbm4b:s10+s4], $0x80, $0x38;
	[tilespmem:$0x1E500] =	vst v63  }
0xa8: {  	s22 =	sadd.s32 $0x70, s20  }
0xa9: {  	[tilespmem:s12], [sflag:$0xD] =	stream.linear.gather [hbm4b:s22+s4], $0x80, $0x38;
	[tilespmem:$0x1E500] =	vst v63  }
0xaa: {  	_ =	swait.ge [sflag:s26], $0x80  }
0xab: {  	[sflag:s26] =	ssyncset.done $0x0  }
0xac: {  	[sflag:s26] =	ssyncadd.s32 $0xFFFFFF80  }
.Ltmp3:
0xad: {  	_ =	swait.ge [sflag:s26], $0x80;
	(pc) =	sbr.rel .LBB2_2-.Ltmp3, $4  }
0xae: {  	s16 =	sadd.s32 $0x50, s16;
	[sflag:s26] =	ssyncset.done $0x0  }
0xaf: {  	s30 =	simm.s32 $0xA100;
	s29 =	simm.s32 $0x8000;
	[sflag:s26] =	ssyncadd.s32 $0xFFFFFF80  }
0xb0: {  	[tilespmem:s15], [sflag:$0x2] =	stream.indirect.gather [spmem:s2], $0x40, s28, s25, $0xb8;
	[tilespmem:$0x1E500] =	vst v63  }
0xb1: {  	s31 =	simm.s32 $0xA380;
	s12 =	simm.s32 $0x2000;
	s28 =	simm.s32 $0xA300  }
.LBB2_5:
0xb2: {  	_ =	sfence.sel $0x180000  }
0xb3: {  	[bflag:$0x0] =	sbarrier.arrive $0xFFFF  }
0xb4: {  	_ =	strace $0x90000047  }
0xb5: {  	s0 =	stileid.u32;
	[bflag:$0x2] =	sbarrier.arrive $0xFFFF  }
0xb6: {  	p0 =	sne.s32 s0, $0x0;
	s0 =	rddreg [dreg:$0x4]  }
0xb7: {  	s0 =	sadd.s32 @!p0 $0x100000, s0  }
0xb8: {  	[sflag:s0] =	ssyncadd.tile.s32 @!p0 $0x1;
	_ =	shalt  }
.Lfunc_end2:
_tile_overlayer_lowered:
.L_overlay_start_2:
0xb9: {  	(tag) =	ssettag $0x2  }
0xba: {  	s0 =	rddreg [dreg:$0x0];
	s2 =	stileid.u32  }
0xbb: {  	s1 =	rddreg [dreg:$0x1];
	p0 =	sne.s32 s2, $0x0  }
0xbc: {  	s3 =	rddreg [dreg:$0x2];
	[bflag:$0x3] =	sbarrier.arrive $0xFFFF;
	s2 =	simm.s32 @!p0 $0x1C10  }
0xbd: {  	[timem:s3], [sflag:s2] =	dma.local @!p0 [hbm:s0], s1  }
0xbe: {  	s0 =	simm.s32 @!p0 $0x10  }
0xbf: {  	_ =	swait.ge @!p0 [sflag:s0], s1  }
0xc0: {  	s1 =	ssub.s32 @!p0 $0x0, s1;
	[sflag:s0] =	ssyncset.done @!p0 $0x0  }
0xc1: {  	[sflag:s0] =	ssyncadd.s32 @!p0 s1  }
0xc2: {  	[bflag:$0x3] =	sbarrier.arrive $0xFFFF  }
0xc3: {  	_ =	shalt  }

</sc_bundles>
